<compile_context>
chip_gen: v7x
topology: tpu7x:2x2x1
jax: 0.10.2.dev20260603
libtpu: 0.0.44.dev20260713+nightly
codegen_flags: <defaults>
</compile_context>

<pallas_src>
import functools

import jax
import jax.numpy as jnp
from jax import lax
from jax.experimental import pallas as pl
from jax.experimental.pallas import tpu as pltpu
from jax.experimental.pallas import tpu_sc as plsc

N = 10000
E = 320000
D = 128
H = 64
NP = 10112
NC = 2
NS = 16
CH = 64
NCHUNK = 5120
EP = NCHUNK * CH

def _pre_body(x_ref, w_ref, b_ref, o_ref):
    o_ref[0] = jnp.dot(x_ref[...], w_ref[0], preferred_element_type=jnp.float32) + b_ref[0]


def _dense_pre(x_pad, w2, b2):
    br = 1264
    grid = (2, NP // br)
    return pl.pallas_call(
        _pre_body,
        grid=grid,
        in_specs=[
            pl.BlockSpec((br, D), lambda c, i: (i, 0)),
            pl.BlockSpec((1, D, H), lambda c, i: (c, 0, 0)),
            pl.BlockSpec((1, 1, H), lambda c, i: (c, 0, 0)),
        ],
        out_specs=pl.BlockSpec((1, br, H), lambda c, i: (c, i, 0)),
        out_shape=jax.ShapeDtypeStruct((2, NP, H), jnp.float32),
    )(x_pad, w2, b2)


def _stats_body(dst_ref, ew_ref, ones_ref, z1_ref, deg_out, cnt_out,
                dstb0, dstb1, ewb0, ewb1, onev, deg_sh, cnt_sh, isem0, isem1):
    c = lax.axis_index("c")
    s = lax.axis_index("s")
    w = c * NS + s
    dstb = (dstb0, dstb1)
    ewb = (ewb0, ewb1)
    isem = (isem0, isem1)
    pltpu.sync_copy(ones_ref, onev)

    @pl.when(s == 0)
    def _():
        pltpu.sync_copy(z1_ref, deg_sh)
        pltpu.sync_copy(z1_ref, cnt_sh)

    plsc.subcore_barrier()

    cpw = NCHUNK // (NC * NS)

    def issue_idx(k, p):
        base = (w * cpw + k) * CH
        pltpu.async_copy(dst_ref.at[pl.ds(base, CH)], dstb[p], isem[p])
        pltpu.async_copy(ew_ref.at[pl.ds(base, CH)], ewb[p], isem[p])

    def wait_idx(k, p):
        base = (w * cpw + k) * CH
        pltpu.make_async_copy(dst_ref.at[pl.ds(base, CH)], dstb[p], isem[p]).wait()
        pltpu.make_async_copy(ew_ref.at[pl.ds(base, CH)], ewb[p], isem[p]).wait()

    issue_idx(0, 0)
    issue_idx(1, 1)

    def pair(m, _):
        for p in (0, 1):
            k = 2 * m + p
            wait_idx(k, p)
            pltpu.sync_copy(ewb[p], deg_sh.at[dstb[p]], add=True)
            pltpu.sync_copy(onev, cnt_sh.at[dstb[p]], add=True)

            @pl.when(k + 2 < cpw)
            def _():
                issue_idx(k + 2, p)
        return 0

    lax.fori_loop(0, cpw // 2, pair, 0)
    plsc.subcore_barrier()

    rpt = NP // NS
    pltpu.sync_copy(deg_sh.at[pl.ds(s * rpt, rpt)], deg_out.at[c, pl.ds(s * rpt, rpt)])
    pltpu.sync_copy(cnt_sh.at[pl.ds(s * rpt, rpt)], cnt_out.at[c, pl.ds(s * rpt, rpt)])


def _edge_stats(dst1, ew1, ones, z1):
    mesh = plsc.VectorSubcoreMesh(core_axis_name="c", subcore_axis_name="s",
                                  num_cores=NC, num_subcores=NS)
    f = pl.kernel(
        _stats_body,
        out_type=[jax.ShapeDtypeStruct((NC, NP), jnp.float32),
                  jax.ShapeDtypeStruct((NC, NP), jnp.float32)],
        mesh=mesh,
        compiler_params=pltpu.CompilerParams(
            needs_layout_passes=False, use_tc_tiling_on_sc=False),
        scratch_types=[
            pltpu.VMEM((CH,), jnp.int32),
            pltpu.VMEM((CH,), jnp.int32),
            pltpu.VMEM((CH,), jnp.float32),
            pltpu.VMEM((CH,), jnp.float32),
            pltpu.VMEM((CH,), jnp.float32),
            pltpu.VMEM_SHARED((NP,), jnp.float32),
            pltpu.VMEM_SHARED((NP,), jnp.float32),
            pltpu.SemaphoreType.DMA,
            pltpu.SemaphoreType.DMA,
        ],
    )
    return f(dst1, ew1, ones, z1)


def _prep_body(degp_ref, cntp_ref, dinv_ref, invc_ref):
    deg = degp_ref[0] + degp_ref[1]
    cnt = cntp_ref[0] + cntp_ref[1]
    dinv_ref[...] = jnp.where(deg > 0, lax.rsqrt(jnp.maximum(deg, 1e-12)), 0.0)
    invc_ref[...] = 1.0 / jnp.maximum(cnt, 1.0)


def _norm_prep(deg_p, cnt_p):
    r = NP // 128
    return pl.pallas_call(
        _prep_body,
        out_shape=[jax.ShapeDtypeStruct((r, 128), jnp.float32),
                   jax.ShapeDtypeStruct((r, 128), jnp.float32)],
    )(deg_p.reshape(2, r, 128), cnt_p.reshape(2, r, 128))


def _agg_body(xh_ref, src_ref, dst_ref, ew_ref, dinv_ref,
              out_ref,
              srcb0, srcb1, srcb2, srcb3, dstb0, dstb1, dstb2, dstb3,
              ewb0, ewb1, ewb2, ewb3, srcg0, srcg1, srcg2, srcg3,
              scix0, scix1, wsv0, wsv1, wsv2, wsv3, wnv0, wnv1, wnv2, wnv3,
              rows0, rows1, rows2, rows3, tmpm0, tmpm1, tmpp0, tmpp1,
              dinvt, accm, accp,
              isem0, isem1, isem2, isem3, gsem0, gsem1, gsem2, gsem3,
              ssem0, ssem1):
    c = lax.axis_index("c")
    s = lax.axis_index("s")
    srcb = (srcb0, srcb1, srcb2, srcb3)
    dstb = (dstb0, dstb1, dstb2, dstb3)
    ewb = (ewb0, ewb1, ewb2, ewb3)
    srcg = (srcg0, srcg1, srcg2, srcg3)
    scix = (scix0, scix1)
    wsv = (wsv0, wsv1, wsv2, wsv3)
    wnv = (wnv0, wnv1, wnv2, wnv3)
    rows = (rows0, rows1, rows2, rows3)
    tmpm = (tmpm0, tmpm1)
    tmpp = (tmpp0, tmpp1)
    isem = (isem0, isem1, isem2, isem3)
    gsem = (gsem0, gsem1, gsem2, gsem3)
    ssem = (ssem0, ssem1)

    cpt = NCHUNK // NS
    coff = c * NP

    pltpu.sync_copy(dinv_ref, dinvt)

    zvec = jnp.zeros((16,), jnp.float32)

    def zrow(r, _):
        for f in range(H // 16):
            tmpm0.at[r][pl.ds(f * 16, 16)] = zvec
        return 0

    lax.fori_loop(0, CH, zrow, 0)
    rpt = NP // NS
    nfull = rpt // CH
    for r in range(nfull):
        pltpu.sync_copy(tmpm0, accm.at[pl.ds(s * rpt + r * CH, CH)])
        pltpu.sync_copy(tmpm0, accp.at[pl.ds(s * rpt + r * CH, CH)])
    rem = rpt - nfull * CH
    if rem:
        pltpu.sync_copy(tmpm0.at[pl.ds(0, rem)], accm.at[pl.ds(s * rpt + nfull * CH, rem)])
        pltpu.sync_copy(tmpm0.at[pl.ds(0, rem)], accp.at[pl.ds(s * rpt + nfull * CH, rem)])

    plsc.subcore_barrier()

    def issue_idx(k, p):
        base = (s * cpt + k) * CH
        pltpu.async_copy(src_ref.at[pl.ds(base, CH)], srcb[p], isem[p])
        pltpu.async_copy(dst_ref.at[pl.ds(base, CH)], dstb[p], isem[p])
        pltpu.async_copy(ew_ref.at[pl.ds(base, CH)], ewb[p], isem[p])

    def wait_idx(k, p):
        base = (s * cpt + k) * CH
        pltpu.make_async_copy(src_ref.at[pl.ds(base, CH)], srcb[p], isem[p]).wait()
        pltpu.make_async_copy(dst_ref.at[pl.ds(base, CH)], dstb[p], isem[p]).wait()
        pltpu.make_async_copy(ew_ref.at[pl.ds(base, CH)], ewb[p], isem[p]).wait()

    def stage_a(p):
        for g in range(CH // 16):
            sl = pl.ds(g * 16, 16)
            si = srcb[p][sl]
            di = dstb[p][sl]
            wv = ewb[p][sl]
            dvs = plsc.load_gather(dinvt, [si])
            dvd = plsc.load_gather(dinvt, [di])
            wsv[p][sl] = wv
            wnv[p][sl] = dvs * wv * dvd
            srcg[p][sl] = si + coff

    def snap_scix(j, p):
        for g in range(CH // 16):
            sl = pl.ds(g * 16, 16)
            scix[p][sl] = dstb[j][sl]

    def issue_gather(p):
        pltpu.async_copy(xh_ref.at[srcg[p]], rows[p], gsem[p])

    def wait_gather(p):
        pltpu.make_async_copy(xh_ref.at[srcg[p]], rows[p], gsem[p]).wait()

    def issue_scatter(p):
        pltpu.async_copy(tmpm[p], accm.at[scix[p]], ssem[p], add=True)
        pltpu.async_copy(tmpp[p], accp.at[scix[p]], ssem[p], add=True)

    def wait_scatter(p):
        pltpu.make_async_copy(tmpm[p], accm.at[scix[p]], ssem[p]).wait()
        pltpu.make_async_copy(tmpp[p], accp.at[scix[p]], ssem[p]).wait()

    def stage_c(j, p):
        @plsc.parallel_loop(0, CH, 1, unroll=4)
        def _(e):
            spl = jnp.full((16,), e, jnp.int32)
            wse = plsc.load_gather(wsv[j], [spl])
            wne = plsc.load_gather(wnv[j], [spl])
            for f in range(H // 16):
                r = rows[j].at[e][pl.ds(f * 16, 16)]
                tmpm[p].at[e][pl.ds(f * 16, 16)] = r * wse
                tmpp[p].at[e][pl.ds(f * 16, 16)] = r * wne

    for kk in (0, 1):
        base0 = (s * cpt + kk) * CH
        pltpu.sync_copy(src_ref.at[pl.ds(base0, CH)], srcb[kk])
        pltpu.sync_copy(dst_ref.at[pl.ds(base0, CH)], dstb[kk])
        pltpu.sync_copy(ew_ref.at[pl.ds(base0, CH)], ewb[kk])
        stage_a(kk)
        issue_gather(kk)
    issue_idx(2, 2)
    issue_idx(3, 3)

    def quad(m, _):
        for j in (0, 1, 2, 3):
            k = 4 * m + j
            p = j % 2
            q = (j + 2) % 4

            @pl.when(k + 2 < cpt)
            def _():
                wait_idx(k + 2, q)
                stage_a(q)
                issue_gather(q)

            wait_gather(j)

            @pl.when(k >= 2)
            def _():
                wait_scatter(p)

            snap_scix(j, p)
            stage_c(j, p)
            issue_scatter(p)

            @pl.when(k + 4 < cpt)
            def _():
                issue_idx(k + 4, j)
        return 0

    lax.fori_loop(0, cpt // 4, quad, 0)
    wait_scatter(0)
    wait_scatter(1)
    plsc.subcore_barrier()

    pltpu.sync_copy(accm.at[pl.ds(s * rpt, rpt)], out_ref.at[c, 0, pl.ds(s * rpt, rpt)])
    pltpu.sync_copy(accp.at[pl.ds(s * rpt, rpt)], out_ref.at[c, 1, pl.ds(s * rpt, rpt)])


def _edge_agg(xh_cat, src1, dst2d, ew1, dinv):
    mesh = plsc.VectorSubcoreMesh(core_axis_name="c", subcore_axis_name="s",
                                  num_cores=NC, num_subcores=NS)
    cpt = NCHUNK // NS
    f = pl.kernel(
        _agg_body,
        out_type=[jax.ShapeDtypeStruct((NC, 2, NP, H), jnp.float32)],
        mesh=mesh,
        compiler_params=pltpu.CompilerParams(
            needs_layout_passes=False, use_tc_tiling_on_sc=False),
        scratch_types=(
            [pltpu.VMEM((CH,), jnp.int32)] * 4
            + [pltpu.VMEM((CH,), jnp.int32)] * 4
            + [pltpu.VMEM((CH,), jnp.float32)] * 4
            + [pltpu.VMEM((CH,), jnp.int32)] * 4
            + [pltpu.VMEM((CH,), jnp.int32)] * 2
            + [pltpu.VMEM((CH,), jnp.float32)] * 4
            + [pltpu.VMEM((CH,), jnp.float32)] * 4
            + [pltpu.VMEM((CH, H), jnp.float32)] * 4
            + [pltpu.VMEM((CH, H), jnp.float32)] * 4
            + [pltpu.VMEM((NP,), jnp.float32)]
            + [pltpu.VMEM_SHARED((NP, H), jnp.float32)] * 2
            + [pltpu.SemaphoreType.DMA] * 10
        ),
    )
    return f(xh_cat, src1, dst2d, ew1, dinv)


def _post_body(agg_ref, xh_ref, invc_ref, wl_ref, wr_ref, wa_ref, wt_ref,
               bs_ref, ba_ref, o_ref):
    dot = functools.partial(jnp.dot, preferred_element_type=jnp.float32)
    ic = invc_ref[...]
    m0 = agg_ref[0, 0] * ic
    m1 = agg_ref[1, 0] * ic
    p0 = agg_ref[0, 1]
    p1 = agg_ref[1, 1]
    sage = (dot(m0, wl_ref[0]) + dot(m1, wl_ref[1])
            + dot(xh_ref[0], wr_ref[0]) + dot(xh_ref[1], wr_ref[1]) + bs_ref[...])
    o1 = jnp.where(sage >= 0, sage, 0.01 * sage)
    pre = (dot(p0, wa_ref[0]) + dot(p1, wa_ref[1])
           + dot(xh_ref[0], wt_ref[0]) + dot(xh_ref[1], wt_ref[1]) + ba_ref[...])
    o_ref[...] = jnp.maximum(o1 + jnp.maximum(pre, 0.0), 0.0)


def _dense_post(agg, xh2, invc, wl2, wr2, wa2, wt2, bs, ba):
    br = 1264
    grid = (NP // br,)
    wspec = pl.BlockSpec((2, H, D), lambda i: (0, 0, 0))
    bspec = pl.BlockSpec((1, D), lambda i: (0, 0))
    return pl.pallas_call(
        _post_body,
        grid=grid,
        in_specs=[pl.BlockSpec((2, 2, br, H), lambda i: (0, 0, i, 0)),
                  pl.BlockSpec((2, br, H), lambda i: (0, i, 0)),
                  pl.BlockSpec((br, 1), lambda i: (i, 0)),
                  wspec, wspec, wspec, wspec, bspec, bspec],
        out_specs=pl.BlockSpec((br, D), lambda i: (i, 0)),
        out_shape=jax.ShapeDtypeStruct((NP, D), jnp.float32),
    )(agg, xh2, invc, wl2, wr2, wa2, wt2, bs, ba)


def kernel(h, x, edge_index, edge_weight, W_pre, b_pre, W_sage_l, b_sage,
           W_sage_r, W_arma_init, W_arma_root, b_arma):
    pad = EP - E
    src1 = jnp.concatenate([edge_index[0], jnp.full((pad,), N, jnp.int32)])
    dst1 = jnp.concatenate([edge_index[1], jnp.full((pad,), N, jnp.int32)])
    ew1 = jnp.concatenate([edge_weight, jnp.zeros((pad,), jnp.float32)])

    x_pad = jnp.pad(x, ((0, NP - N), (0, 0)))
    w2 = jnp.stack([W_pre[:H].T, W_pre[H:].T])
    b2 = jnp.stack([b_pre[:H], b_pre[H:]])[:, None, :]
    xh2 = _dense_pre(x_pad, w2, b2)

    ones = jnp.ones((CH,), jnp.float32)
    z1 = jnp.zeros((NP,), jnp.float32)
    deg_p, cnt_p = _edge_stats(dst1, ew1, ones, z1)

    dinv2d, invc2d = _norm_prep(deg_p, cnt_p)
    dinv = dinv2d.reshape(NP)
    invc = invc2d.reshape(NP, 1)

    xh_cat = xh2.reshape(2 * NP, H)
    agg, = _edge_agg(xh_cat, src1, dst1, ew1, dinv)

    wl2 = jnp.stack([W_sage_l[:, :H].T, W_sage_l[:, H:].T])
    wr2 = jnp.stack([W_sage_r[:, :H].T, W_sage_r[:, H:].T])
    wa2 = jnp.stack([W_arma_init[:H], W_arma_init[H:]])
    wt2 = jnp.stack([W_arma_root[:H], W_arma_root[H:]])
    o3p = _dense_post(agg, xh2, invc, wl2, wr2, wa2, wt2,
                      b_sage[None, :], b_arma[None, :])
    return (x, o3p[:N])

# --- scband reference (transcript-rebuilt; emitter-appended) ---
"""Pipeline reference for scband-nas-azcs-cell-44916767981746 (READ-ONLY COPY).

The authoritative reference and input builder live on the scoring server;
editing this copy changes nothing except your own understanding.
"""

import jax, jax.numpy as jnp
import numpy as np

N = 10000
E = 320000
CUR = 128
HID = 128
OUT = 128


def setup_inputs(seed: int = 0) -> dict:
    key = jax.random.key(seed)
    ks = jax.random.split(key, 12)
    h = jax.random.normal(ks[0], (N, CUR), dtype=jnp.float32)
    x = jax.random.normal(ks[1], (N, CUR), dtype=jnp.float32)
    edge_index = jax.random.randint(ks[2], (2, E), 0, N, dtype=jnp.int32)
    edge_weight = jax.random.uniform(ks[3], (E,), dtype=jnp.float32)
    s = 1.0 / np.sqrt(CUR)
    W_pre = jax.random.uniform(ks[4], (HID, CUR), jnp.float32, -s, s)
    b_pre = jax.random.uniform(ks[5], (HID,), jnp.float32, -s, s)
    sh = 1.0 / np.sqrt(HID)
    W_sage_l = jax.random.uniform(ks[6], (OUT, HID), jnp.float32, -sh, sh)
    b_sage = jax.random.uniform(ks[7], (OUT,), jnp.float32, -sh, sh)
    W_sage_r = jax.random.uniform(ks[8], (OUT, HID), jnp.float32, -sh, sh)
    W_arma_init = jax.random.normal(ks[9], (HID, OUT), dtype=jnp.float32) * sh
    W_arma_root = jax.random.normal(ks[10], (HID, OUT), dtype=jnp.float32) * sh
    b_arma = jnp.zeros((OUT,), jnp.float32)
    return {"h": h, "x": x, "edge_index": edge_index, "edge_weight": edge_weight,
            "W_pre": W_pre, "b_pre": b_pre, "W_sage_l": W_sage_l, "b_sage": b_sage,
            "W_sage_r": W_sage_r, "W_arma_init": W_arma_init, "W_arma_root": W_arma_root,
            "b_arma": b_arma}


def reference(h, x, edge_index, edge_weight, W_pre, b_pre, W_sage_l, b_sage,
              W_sage_r, W_arma_init, W_arma_root, b_arma):
    his = x
    xh = x @ W_pre.T + b_pre
    src = edge_index[0]
    dst = edge_index[1]
    # ---- SAGEConv (mean aggregation of edge-weighted neighbor messages) ----
    msgs = xh[src] * edge_weight[:, None]
    summ = jax.ops.segment_sum(msgs, dst, num_segments=N)
    cnt = jax.ops.segment_sum(jnp.ones((E,), jnp.float32), dst, num_segments=N)
    mean = summ / jnp.clip(cnt, 1.0, None)[:, None]
    sage = mean @ W_sage_l.T + b_sage + xh @ W_sage_r.T
    o1 = jax.nn.leaky_relu(sage, 0.01)
    # ---- ARMAConv (K=1 stack, T=1 layer, GCN norm without self-loops) ----
    deg = jax.ops.segment_sum(edge_weight, dst, num_segments=N)
    dinv = jnp.where(deg > 0, jax.lax.rsqrt(jnp.maximum(deg, 1e-12)), 0.0)
    norm = dinv[src] * edge_weight * dinv[dst]
    ht = xh @ W_arma_init
    prop = jax.ops.segment_sum(ht[src] * norm[:, None], dst, num_segments=N)
    arma = jax.nn.relu(prop + xh @ W_arma_root + b_arma)
    o2 = jax.nn.leaky_relu(arma, 0.01)
    o3 = jax.nn.relu(o1 + o2)
    return (his, o3)

if __name__ == "__main__":
    import jax
    _d = setup_inputs()
    print(jax.jit(kernel)(*tuple(_d.values())))

</pallas_src>

<mosaic_0001>
#map = affine_map<(d0, d1) -> (0)>
#map1 = affine_map<(d0, d1) -> (0, 0)>
module attributes {stable_mosaic.version = 14 : i64} {
  func.func @_stats_body(%arg0: i32, %arg1: i32, %arg2: memref<327680xi32, #tpu.memory_space<hbm>>, %arg3: memref<327680xf32, #tpu.memory_space<hbm>>, %arg4: memref<64xf32, #tpu.memory_space<hbm>>, %arg5: memref<10112xf32, #tpu.memory_space<hbm>>, %arg6: memref<2x10112xf32, #tpu.memory_space<hbm>>, %arg7: memref<2x10112xf32, #tpu.memory_space<hbm>>, %arg8: memref<64xi32, #tpu.memory_space<vmem>>, %arg9: memref<64xi32, #tpu.memory_space<vmem>>, %arg10: memref<64xf32, #tpu.memory_space<vmem>>, %arg11: memref<64xf32, #tpu.memory_space<vmem>>, %arg12: memref<64xf32, #tpu.memory_space<vmem>>, %arg13: memref<10112xf32, #tpu.memory_space<vmem_shared>>, %arg14: memref<10112xf32, #tpu.memory_space<vmem_shared>>, %arg15: memref<!tpu.dma_semaphore, #tpu.memory_space<semaphore_mem>>, %arg16: memref<!tpu.dma_semaphore, #tpu.memory_space<semaphore_mem>>) attributes {dimension_semantics = [#tpu.dimension_semantics<core_parallel>, #tpu.dimension_semantics<subcore_parallel>], iteration_bounds = array<i64: 2, 16>, scalar_prefetch = 0 : i64, scratch_operands = 9 : i64, tpu.core_type = #tpu.core_type<sc_vector_subcore>, window_params = [{transform_indices = #map}, {transform_indices = #map}, {transform_indices = #map}, {transform_indices = #map}, {transform_indices = #map1}, {transform_indices = #map1}]} {
    %mul3A = arith.constant 16 : i32
    %mul3A_0 = arith.muli %arg0, %mul3A : i32
    %add3A = arith.addi %mul3A_0, %arg1 : i32
    "tpu.region"() ({
      %run_scoped3A = tpu.sem_alloc : memref<!tpu.dma_semaphore, #tpu.memory_space<semaphore_mem>>
      tpu.enqueue_dma source(%arg4 : memref<64xf32, #tpu.memory_space<hbm>>) target(%arg12 : memref<64xf32, #tpu.memory_space<vmem>>) target_semaphore(%run_scoped3A : memref<!tpu.dma_semaphore, #tpu.memory_space<semaphore_mem>>)
      tpu.wait_dma2 semaphore(%run_scoped3A : memref<!tpu.dma_semaphore, #tpu.memory_space<semaphore_mem>>) src(%arg4 : memref<64xf32, #tpu.memory_space<hbm>>) dst(%arg12 : memref<64xf32, #tpu.memory_space<vmem>>)
      tpu.yield
    }) : () -> ()
    %eq3A = arith.constant 0 : i32
    %eq3A_1 = arith.cmpi eq, %arg1, %eq3A : i32
    %convert_element_type3A = arith.extui %eq3A_1 : i1 to i32
    %cond3A = arith.constant 0 : i32
    %cond3A_2 = arith.cmpi ne, %convert_element_type3A, %cond3A : i32
    scf.if %cond3A_2 {
      "tpu.region"() ({
        %run_scoped3A = tpu.sem_alloc : memref<!tpu.dma_semaphore, #tpu.memory_space<semaphore_mem>>
        tpu.enqueue_dma source(%arg5 : memref<10112xf32, #tpu.memory_space<hbm>>) target(%arg13 : memref<10112xf32, #tpu.memory_space<vmem_shared>>) target_semaphore(%run_scoped3A : memref<!tpu.dma_semaphore, #tpu.memory_space<semaphore_mem>>)
        tpu.wait_dma2 semaphore(%run_scoped3A : memref<!tpu.dma_semaphore, #tpu.memory_space<semaphore_mem>>) src(%arg5 : memref<10112xf32, #tpu.memory_space<hbm>>) dst(%arg13 : memref<10112xf32, #tpu.memory_space<vmem_shared>>)
        tpu.yield
      }) : () -> ()
      "tpu.region"() ({
        %run_scoped3A = tpu.sem_alloc : memref<!tpu.dma_semaphore, #tpu.memory_space<semaphore_mem>>
        tpu.enqueue_dma source(%arg5 : memref<10112xf32, #tpu.memory_space<hbm>>) target(%arg14 : memref<10112xf32, #tpu.memory_space<vmem_shared>>) target_semaphore(%run_scoped3A : memref<!tpu.dma_semaphore, #tpu.memory_space<semaphore_mem>>)
        tpu.wait_dma2 semaphore(%run_scoped3A : memref<!tpu.dma_semaphore, #tpu.memory_space<semaphore_mem>>) src(%arg5 : memref<10112xf32, #tpu.memory_space<hbm>>) dst(%arg14 : memref<10112xf32, #tpu.memory_space<vmem_shared>>)
        tpu.yield
      }) : () -> ()
    } else {
    }
    %barrier3A = arith.constant 0 : index
    tpu.barrier barrier_id(%barrier3A)
    %mul3A_3 = arith.constant 160 : i32
    %mul3A_4 = arith.muli %add3A, %mul3A_3 : i32
    %add3A_5 = arith.constant 0 : i32
    %add3A_6 = arith.addi %mul3A_4, %add3A_5 : i32
    %mul3A_7 = arith.constant 64 : i32
    %mul3A_8 = arith.muli %add3A_6, %mul3A_7 : i32
    %dma_start3A = tpu.memref_slice %arg2[%mul3A_8] : memref<327680xi32, #tpu.memory_space<hbm>> -> memref<64xi32, #tpu.memory_space<hbm>>
    %dma_start3A_9 = tpu.memref_slice %arg2[%mul3A_8] : memref<327680xi32, #tpu.memory_space<hbm>> -> memref<64xi32, #tpu.memory_space<hbm>>
    tpu.enqueue_dma source(%dma_start3A_9 : memref<64xi32, #tpu.memory_space<hbm>>) target(%arg8 : memref<64xi32, #tpu.memory_space<vmem>>) target_semaphore(%arg15 : memref<!tpu.dma_semaphore, #tpu.memory_space<semaphore_mem>>)
    %dma_start3A_10 = tpu.memref_slice %arg3[%mul3A_8] : memref<327680xf32, #tpu.memory_space<hbm>> -> memref<64xf32, #tpu.memory_space<hbm>>
    %dma_start3A_11 = tpu.memref_slice %arg3[%mul3A_8] : memref<327680xf32, #tpu.memory_space<hbm>> -> memref<64xf32, #tpu.memory_space<hbm>>
    tpu.enqueue_dma source(%dma_start3A_11 : memref<64xf32, #tpu.memory_space<hbm>>) target(%arg10 : memref<64xf32, #tpu.memory_space<vmem>>) target_semaphore(%arg15 : memref<!tpu.dma_semaphore, #tpu.memory_space<semaphore_mem>>)
    %mul3A_12 = arith.constant 160 : i32
    %mul3A_13 = arith.muli %add3A, %mul3A_12 : i32
    %add3A_14 = arith.constant 1 : i32
    %add3A_15 = arith.addi %mul3A_13, %add3A_14 : i32
    %mul3A_16 = arith.constant 64 : i32
    %mul3A_17 = arith.muli %add3A_15, %mul3A_16 : i32
    %dma_start3A_18 = tpu.memref_slice %arg2[%mul3A_17] : memref<327680xi32, #tpu.memory_space<hbm>> -> memref<64xi32, #tpu.memory_space<hbm>>
    %dma_start3A_19 = tpu.memref_slice %arg2[%mul3A_17] : memref<327680xi32, #tpu.memory_space<hbm>> -> memref<64xi32, #tpu.memory_space<hbm>>
    tpu.enqueue_dma source(%dma_start3A_19 : memref<64xi32, #tpu.memory_space<hbm>>) target(%arg9 : memref<64xi32, #tpu.memory_space<vmem>>) target_semaphore(%arg16 : memref<!tpu.dma_semaphore, #tpu.memory_space<semaphore_mem>>)
    %dma_start3A_20 = tpu.memref_slice %arg3[%mul3A_17] : memref<327680xf32, #tpu.memory_space<hbm>> -> memref<64xf32, #tpu.memory_space<hbm>>
    %dma_start3A_21 = tpu.memref_slice %arg3[%mul3A_17] : memref<327680xf32, #tpu.memory_space<hbm>> -> memref<64xf32, #tpu.memory_space<hbm>>
    tpu.enqueue_dma source(%dma_start3A_21 : memref<64xf32, #tpu.memory_space<hbm>>) target(%arg11 : memref<64xf32, #tpu.memory_space<vmem>>) target_semaphore(%arg16 : memref<!tpu.dma_semaphore, #tpu.memory_space<semaphore_mem>>)
    %scan3A = arith.constant 0 : i32
    %scan3A_22 = arith.constant 0 : i32
    %scan3A_23 = arith.constant 80 : i32
    %scan3A_24 = arith.addi %scan3A_22, %scan3A_23 : i32
    %scan3A_25 = arith.constant 1 : i32
    %scan3A_26 = scf.for %scan3A_37 = %scan3A_22 to %scan3A_24 step %scan3A_25 iter_args(%scan3A_38 = %scan3A) -> (i32)  : i32 {
      %mul3A_39 = arith.constant 2 : i32
      %mul3A_40 = arith.muli %mul3A_39, %scan3A_37 : i32
      %add3A_41 = arith.constant 0 : i32
      %add3A_42 = arith.addi %mul3A_40, %add3A_41 : i32
      %mul3A_43 = arith.constant 160 : i32
      %mul3A_44 = arith.muli %add3A, %mul3A_43 : i32
      %add3A_45 = arith.addi %mul3A_44, %add3A_42 : i32
      %mul3A_46 = arith.constant 64 : i32
      %mul3A_47 = arith.muli %add3A_45, %mul3A_46 : i32
      %dma_wait3A = tpu.memref_slice %arg2[%mul3A_47] : memref<327680xi32, #tpu.memory_space<hbm>> -> memref<64xi32, #tpu.memory_space<hbm>>
      %dma_wait3A_48 = tpu.memref_slice %arg2[%mul3A_47] : memref<327680xi32, #tpu.memory_space<hbm>> -> memref<64xi32, #tpu.memory_space<hbm>>
      tpu.wait_dma2 semaphore(%arg15 : memref<!tpu.dma_semaphore, #tpu.memory_space<semaphore_mem>>) src(%dma_wait3A_48 : memref<64xi32, #tpu.memory_space<hbm>>) dst(%arg8 : memref<64xi32, #tpu.memory_space<vmem>>)
      %dma_wait3A_49 = tpu.memref_slice %arg3[%mul3A_47] : memref<327680xf32, #tpu.memory_space<hbm>> -> memref<64xf32, #tpu.memory_space<hbm>>
      %dma_wait3A_50 = tpu.memref_slice %arg3[%mul3A_47] : memref<327680xf32, #tpu.memory_space<hbm>> -> memref<64xf32, #tpu.memory_space<hbm>>
      tpu.wait_dma2 semaphore(%arg15 : memref<!tpu.dma_semaphore, #tpu.memory_space<semaphore_mem>>) src(%dma_wait3A_50 : memref<64xf32, #tpu.memory_space<hbm>>) dst(%arg10 : memref<64xf32, #tpu.memory_space<vmem>>)
      "tpu.region"() ({
        %run_scoped3A = tpu.sem_alloc : memref<!tpu.dma_semaphore, #tpu.memory_space<semaphore_mem>>
        %dma_start3A_78 = arith.constant 0 : i32
        %dma_start3A_79 = tpu.memref_slice %arg13[%dma_start3A_78] : memref<10112xf32, #tpu.memory_space<vmem_shared>> -> memref<10112xf32, #tpu.memory_space<vmem_shared>>
        tpu.enqueue_indirect_dma source(%arg10 : memref<64xf32, #tpu.memory_space<vmem>>) target(%dma_start3A_79 : memref<10112xf32, #tpu.memory_space<vmem_shared>>) offsets(%arg8 : memref<64xi32, #tpu.memory_space<vmem>>) semaphore(%run_scoped3A : memref<!tpu.dma_semaphore, #tpu.memory_space<semaphore_mem>>) {add = true}
        %dma_wait3A_80 = arith.constant 0 : i32
        %dma_wait3A_81 = tpu.memref_slice %arg13[%dma_wait3A_80] : memref<10112xf32, #tpu.memory_space<vmem_shared>> -> memref<10112xf32, #tpu.memory_space<vmem_shared>>
        tpu.wait_indirect_dma semaphore(%run_scoped3A : memref<!tpu.dma_semaphore, #tpu.memory_space<semaphore_mem>>) src(%arg10 : memref<64xf32, #tpu.memory_space<vmem>>) dst(%dma_wait3A_81 : memref<10112xf32, #tpu.memory_space<vmem_shared>>)
        tpu.yield
      }) : () -> ()
      "tpu.region"() ({
        %run_scoped3A = tpu.sem_alloc : memref<!tpu.dma_semaphore, #tpu.memory_space<semaphore_mem>>
        %dma_start3A_78 = arith.constant 0 : i32
        %dma_start3A_79 = tpu.memref_slice %arg14[%dma_start3A_78] : memref<10112xf32, #tpu.memory_space<vmem_shared>> -> memref<10112xf32, #tpu.memory_space<vmem_shared>>
        tpu.enqueue_indirect_dma source(%arg12 : memref<64xf32, #tpu.memory_space<vmem>>) target(%dma_start3A_79 : memref<10112xf32, #tpu.memory_space<vmem_shared>>) offsets(%arg8 : memref<64xi32, #tpu.memory_space<vmem>>) semaphore(%run_scoped3A : memref<!tpu.dma_semaphore, #tpu.memory_space<semaphore_mem>>) {add = true}
        %dma_wait3A_80 = arith.constant 0 : i32
        %dma_wait3A_81 = tpu.memref_slice %arg14[%dma_wait3A_80] : memref<10112xf32, #tpu.memory_space<vmem_shared>> -> memref<10112xf32, #tpu.memory_space<vmem_shared>>
        tpu.wait_indirect_dma semaphore(%run_scoped3A : memref<!tpu.dma_semaphore, #tpu.memory_space<semaphore_mem>>) src(%arg12 : memref<64xf32, #tpu.memory_space<vmem>>) dst(%dma_wait3A_81 : memref<10112xf32, #tpu.memory_space<vmem_shared>>)
        tpu.yield
      }) : () -> ()
      %add3A_51 = arith.constant 2 : i32
      %add3A_52 = arith.addi %add3A_42, %add3A_51 : i32
      %lt3A = arith.constant 160 : i32
      %lt3A_53 = arith.cmpi slt, %add3A_52, %lt3A : i32
      %convert_element_type3A_54 = arith.extui %lt3A_53 : i1 to i32
      %cond3A_55 = arith.constant 0 : i32
      %cond3A_56 = arith.cmpi ne, %convert_element_type3A_54, %cond3A_55 : i32
      scf.if %cond3A_56 {
        %add3A_78 = arith.constant 2 : i32
        %add3A_79 = arith.addi %add3A_42, %add3A_78 : i32
        %mul3A_80 = arith.constant 160 : i32
        %mul3A_81 = arith.muli %add3A, %mul3A_80 : i32
        %add3A_82 = arith.addi %mul3A_81, %add3A_79 : i32
        %mul3A_83 = arith.constant 64 : i32
        %mul3A_84 = arith.muli %add3A_82, %mul3A_83 : i32
        %dma_start3A_85 = tpu.memref_slice %arg2[%mul3A_84] : memref<327680xi32, #tpu.memory_space<hbm>> -> memref<64xi32, #tpu.memory_space<hbm>>
        %dma_start3A_86 = tpu.memref_slice %arg2[%mul3A_84] : memref<327680xi32, #tpu.memory_space<hbm>> -> memref<64xi32, #tpu.memory_space<hbm>>
        tpu.enqueue_dma source(%dma_start3A_86 : memref<64xi32, #tpu.memory_space<hbm>>) target(%arg8 : memref<64xi32, #tpu.memory_space<vmem>>) target_semaphore(%arg15 : memref<!tpu.dma_semaphore, #tpu.memory_space<semaphore_mem>>)
        %dma_start3A_87 = tpu.memref_slice %arg3[%mul3A_84] : memref<327680xf32, #tpu.memory_space<hbm>> -> memref<64xf32, #tpu.memory_space<hbm>>
        %dma_start3A_88 = tpu.memref_slice %arg3[%mul3A_84] : memref<327680xf32, #tpu.memory_space<hbm>> -> memref<64xf32, #tpu.memory_space<hbm>>
        tpu.enqueue_dma source(%dma_start3A_88 : memref<64xf32, #tpu.memory_space<hbm>>) target(%arg10 : memref<64xf32, #tpu.memory_space<vmem>>) target_semaphore(%arg15 : memref<!tpu.dma_semaphore, #tpu.memory_space<semaphore_mem>>)
      } else {
      }
      %mul3A_57 = arith.constant 2 : i32
      %mul3A_58 = arith.muli %mul3A_57, %scan3A_37 : i32
      %add3A_59 = arith.constant 1 : i32
      %add3A_60 = arith.addi %mul3A_58, %add3A_59 : i32
      %mul3A_61 = arith.constant 160 : i32
      %mul3A_62 = arith.muli %add3A, %mul3A_61 : i32
      %add3A_63 = arith.addi %mul3A_62, %add3A_60 : i32
      %mul3A_64 = arith.constant 64 : i32
      %mul3A_65 = arith.muli %add3A_63, %mul3A_64 : i32
      %dma_wait3A_66 = tpu.memref_slice %arg2[%mul3A_65] : memref<327680xi32, #tpu.memory_space<hbm>> -> memref<64xi32, #tpu.memory_space<hbm>>
      %dma_wait3A_67 = tpu.memref_slice %arg2[%mul3A_65] : memref<327680xi32, #tpu.memory_space<hbm>> -> memref<64xi32, #tpu.memory_space<hbm>>
      tpu.wait_dma2 semaphore(%arg16 : memref<!tpu.dma_semaphore, #tpu.memory_space<semaphore_mem>>) src(%dma_wait3A_67 : memref<64xi32, #tpu.memory_space<hbm>>) dst(%arg9 : memref<64xi32, #tpu.memory_space<vmem>>)
      %dma_wait3A_68 = tpu.memref_slice %arg3[%mul3A_65] : memref<327680xf32, #tpu.memory_space<hbm>> -> memref<64xf32, #tpu.memory_space<hbm>>
      %dma_wait3A_69 = tpu.memref_slice %arg3[%mul3A_65] : memref<327680xf32, #tpu.memory_space<hbm>> -> memref<64xf32, #tpu.memory_space<hbm>>
      tpu.wait_dma2 semaphore(%arg16 : memref<!tpu.dma_semaphore, #tpu.memory_space<semaphore_mem>>) src(%dma_wait3A_69 : memref<64xf32, #tpu.memory_space<hbm>>) dst(%arg11 : memref<64xf32, #tpu.memory_space<vmem>>)
      "tpu.region"() ({
        %run_scoped3A = tpu.sem_alloc : memref<!tpu.dma_semaphore, #tpu.memory_space<semaphore_mem>>
        %dma_start3A_78 = arith.constant 0 : i32
        %dma_start3A_79 = tpu.memref_slice %arg13[%dma_start3A_78] : memref<10112xf32, #tpu.memory_space<vmem_shared>> -> memref<10112xf32, #tpu.memory_space<vmem_shared>>
        tpu.enqueue_indirect_dma source(%arg11 : memref<64xf32, #tpu.memory_space<vmem>>) target(%dma_start3A_79 : memref<10112xf32, #tpu.memory_space<vmem_shared>>) offsets(%arg9 : memref<64xi32, #tpu.memory_space<vmem>>) semaphore(%run_scoped3A : memref<!tpu.dma_semaphore, #tpu.memory_space<semaphore_mem>>) {add = true}
        %dma_wait3A_80 = arith.constant 0 : i32
        %dma_wait3A_81 = tpu.memref_slice %arg13[%dma_wait3A_80] : memref<10112xf32, #tpu.memory_space<vmem_shared>> -> memref<10112xf32, #tpu.memory_space<vmem_shared>>
        tpu.wait_indirect_dma semaphore(%run_scoped3A : memref<!tpu.dma_semaphore, #tpu.memory_space<semaphore_mem>>) src(%arg11 : memref<64xf32, #tpu.memory_space<vmem>>) dst(%dma_wait3A_81 : memref<10112xf32, #tpu.memory_space<vmem_shared>>)
        tpu.yield
      }) : () -> ()
      "tpu.region"() ({
        %run_scoped3A = tpu.sem_alloc : memref<!tpu.dma_semaphore, #tpu.memory_space<semaphore_mem>>
        %dma_start3A_78 = arith.constant 0 : i32
        %dma_start3A_79 = tpu.memref_slice %arg14[%dma_start3A_78] : memref<10112xf32, #tpu.memory_space<vmem_shared>> -> memref<10112xf32, #tpu.memory_space<vmem_shared>>
        tpu.enqueue_indirect_dma source(%arg12 : memref<64xf32, #tpu.memory_space<vmem>>) target(%dma_start3A_79 : memref<10112xf32, #tpu.memory_space<vmem_shared>>) offsets(%arg9 : memref<64xi32, #tpu.memory_space<vmem>>) semaphore(%run_scoped3A : memref<!tpu.dma_semaphore, #tpu.memory_space<semaphore_mem>>) {add = true}
        %dma_wait3A_80 = arith.constant 0 : i32
        %dma_wait3A_81 = tpu.memref_slice %arg14[%dma_wait3A_80] : memref<10112xf32, #tpu.memory_space<vmem_shared>> -> memref<10112xf32, #tpu.memory_space<vmem_shared>>
        tpu.wait_indirect_dma semaphore(%run_scoped3A : memref<!tpu.dma_semaphore, #tpu.memory_space<semaphore_mem>>) src(%arg12 : memref<64xf32, #tpu.memory_space<vmem>>) dst(%dma_wait3A_81 : memref<10112xf32, #tpu.memory_space<vmem_shared>>)
        tpu.yield
      }) : () -> ()
      %add3A_70 = arith.constant 2 : i32
      %add3A_71 = arith.addi %add3A_60, %add3A_70 : i32
      %lt3A_72 = arith.constant 160 : i32
      %lt3A_73 = arith.cmpi slt, %add3A_71, %lt3A_72 : i32
      %convert_element_type3A_74 = arith.extui %lt3A_73 : i1 to i32
      %cond3A_75 = arith.constant 0 : i32
      %cond3A_76 = arith.cmpi ne, %convert_element_type3A_74, %cond3A_75 : i32
      scf.if %cond3A_76 {
        %add3A_78 = arith.constant 2 : i32
        %add3A_79 = arith.addi %add3A_60, %add3A_78 : i32
        %mul3A_80 = arith.constant 160 : i32
        %mul3A_81 = arith.muli %add3A, %mul3A_80 : i32
        %add3A_82 = arith.addi %mul3A_81, %add3A_79 : i32
        %mul3A_83 = arith.constant 64 : i32
        %mul3A_84 = arith.muli %add3A_82, %mul3A_83 : i32
        %dma_start3A_85 = tpu.memref_slice %arg2[%mul3A_84] : memref<327680xi32, #tpu.memory_space<hbm>> -> memref<64xi32, #tpu.memory_space<hbm>>
        %dma_start3A_86 = tpu.memref_slice %arg2[%mul3A_84] : memref<327680xi32, #tpu.memory_space<hbm>> -> memref<64xi32, #tpu.memory_space<hbm>>
        tpu.enqueue_dma source(%dma_start3A_86 : memref<64xi32, #tpu.memory_space<hbm>>) target(%arg9 : memref<64xi32, #tpu.memory_space<vmem>>) target_semaphore(%arg16 : memref<!tpu.dma_semaphore, #tpu.memory_space<semaphore_mem>>)
        %dma_start3A_87 = tpu.memref_slice %arg3[%mul3A_84] : memref<327680xf32, #tpu.memory_space<hbm>> -> memref<64xf32, #tpu.memory_space<hbm>>
        %dma_start3A_88 = tpu.memref_slice %arg3[%mul3A_84] : memref<327680xf32, #tpu.memory_space<hbm>> -> memref<64xf32, #tpu.memory_space<hbm>>
        tpu.enqueue_dma source(%dma_start3A_88 : memref<64xf32, #tpu.memory_space<hbm>>) target(%arg11 : memref<64xf32, #tpu.memory_space<vmem>>) target_semaphore(%arg16 : memref<!tpu.dma_semaphore, #tpu.memory_space<semaphore_mem>>)
      } else {
      }
      %scan3A_77 = arith.constant 0 : i32
      scf.yield %scan3A_77 : i32
    }
    %scan3A_27 = arith.constant 80 : i32
    %barrier3A_28 = arith.constant 0 : index
    tpu.barrier barrier_id(%barrier3A_28)
    %mul3A_29 = arith.constant 632 : i32
    %mul3A_30 = arith.muli %arg1, %mul3A_29 : i32
    %mul3A_31 = arith.constant 632 : i32
    %mul3A_32 = arith.muli %arg1, %mul3A_31 : i32
    "tpu.region"() ({
      %run_scoped3A = tpu.sem_alloc : memref<!tpu.dma_semaphore, #tpu.memory_space<semaphore_mem>>
      %dma_start3A_37 = tpu.memref_slice %arg6[%arg0, %mul3A_32] : memref<2x10112xf32, #tpu.memory_space<hbm>> -> memref<1x632xf32, #tpu.memory_space<hbm>>
      %dma_start3A_38 = tpu.memref_squeeze %dma_start3A_37 : memref<1x632xf32, #tpu.memory_space<hbm>> -> memref<632xf32, #tpu.memory_space<hbm>>
      %dma_start3A_39 = tpu.memref_slice %arg13[%mul3A_30] : memref<10112xf32, #tpu.memory_space<vmem_shared>> -> memref<632xf32, #tpu.memory_space<vmem_shared>>
      tpu.enqueue_dma source(%dma_start3A_39 : memref<632xf32, #tpu.memory_space<vmem_shared>>) target(%dma_start3A_38 : memref<632xf32, #tpu.memory_space<hbm>>) target_semaphore(%run_scoped3A : memref<!tpu.dma_semaphore, #tpu.memory_space<semaphore_mem>>)
      %dma_wait3A = tpu.memref_slice %arg6[%arg0, %mul3A_32] : memref<2x10112xf32, #tpu.memory_space<hbm>> -> memref<1x632xf32, #tpu.memory_space<hbm>>
      %dma_wait3A_40 = tpu.memref_squeeze %dma_wait3A : memref<1x632xf32, #tpu.memory_space<hbm>> -> memref<632xf32, #tpu.memory_space<hbm>>
      %dma_wait3A_41 = tpu.memref_slice %arg13[%mul3A_30] : memref<10112xf32, #tpu.memory_space<vmem_shared>> -> memref<632xf32, #tpu.memory_space<vmem_shared>>
      tpu.wait_dma2 semaphore(%run_scoped3A : memref<!tpu.dma_semaphore, #tpu.memory_space<semaphore_mem>>) src(%dma_wait3A_41 : memref<632xf32, #tpu.memory_space<vmem_shared>>) dst(%dma_wait3A_40 : memref<632xf32, #tpu.memory_space<hbm>>)
      tpu.yield
    }) : () -> ()
    %mul3A_33 = arith.constant 632 : i32
    %mul3A_34 = arith.muli %arg1, %mul3A_33 : i32
    %mul3A_35 = arith.constant 632 : i32
    %mul3A_36 = arith.muli %arg1, %mul3A_35 : i32
    "tpu.region"() ({
      %run_scoped3A = tpu.sem_alloc : memref<!tpu.dma_semaphore, #tpu.memory_space<semaphore_mem>>
      %dma_start3A_37 = tpu.memref_slice %arg7[%arg0, %mul3A_36] : memref<2x10112xf32, #tpu.memory_space<hbm>> -> memref<1x632xf32, #tpu.memory_space<hbm>>
      %dma_start3A_38 = tpu.memref_squeeze %dma_start3A_37 : memref<1x632xf32, #tpu.memory_space<hbm>> -> memref<632xf32, #tpu.memory_space<hbm>>
      %dma_start3A_39 = tpu.memref_slice %arg14[%mul3A_34] : memref<10112xf32, #tpu.memory_space<vmem_shared>> -> memref<632xf32, #tpu.memory_space<vmem_shared>>
      tpu.enqueue_dma source(%dma_start3A_39 : memref<632xf32, #tpu.memory_space<vmem_shared>>) target(%dma_start3A_38 : memref<632xf32, #tpu.memory_space<hbm>>) target_semaphore(%run_scoped3A : memref<!tpu.dma_semaphore, #tpu.memory_space<semaphore_mem>>)
      %dma_wait3A = tpu.memref_slice %arg7[%arg0, %mul3A_36] : memref<2x10112xf32, #tpu.memory_space<hbm>> -> memref<1x632xf32, #tpu.memory_space<hbm>>
      %dma_wait3A_40 = tpu.memref_squeeze %dma_wait3A : memref<1x632xf32, #tpu.memory_space<hbm>> -> memref<632xf32, #tpu.memory_space<hbm>>
      %dma_wait3A_41 = tpu.memref_slice %arg14[%mul3A_34] : memref<10112xf32, #tpu.memory_space<vmem_shared>> -> memref<632xf32, #tpu.memory_space<vmem_shared>>
      tpu.wait_dma2 semaphore(%run_scoped3A : memref<!tpu.dma_semaphore, #tpu.memory_space<semaphore_mem>>) src(%dma_wait3A_41 : memref<632xf32, #tpu.memory_space<vmem_shared>>) dst(%dma_wait3A_40 : memref<632xf32, #tpu.memory_space<hbm>>)
      tpu.yield
    }) : () -> ()
    return
  }
}

#map = affine_map<(d0, d1) -> (0, 0)>
#map1 = affine_map<(d0, d1) -> (0)>
#map2 = affine_map<(d0, d1) -> (0, 0, 0, 0)>
module attributes {stable_mosaic.version = 14 : i64} {
  func.func @_agg_body(%arg0: i32, %arg1: i32, %arg2: memref<20224x64xf32, #tpu.memory_space<hbm>>, %arg3: memref<327680xi32, #tpu.memory_space<hbm>>, %arg4: memref<327680xi32, #tpu.memory_space<hbm>>, %arg5: memref<327680xf32, #tpu.memory_space<hbm>>, %arg6: memref<10112xf32, #tpu.memory_space<hbm>>, %arg7: memref<2x2x10112x64xf32, #tpu.memory_space<hbm>>, %arg8: memref<64xi32, #tpu.memory_space<vmem>>, %arg9: memref<64xi32, #tpu.memory_space<vmem>>, %arg10: memref<64xi32, #tpu.memory_space<vmem>>, %arg11: memref<64xi32, #tpu.memory_space<vmem>>, %arg12: memref<64xi32, #tpu.memory_space<vmem>>, %arg13: memref<64xi32, #tpu.memory_space<vmem>>, %arg14: memref<64xi32, #tpu.memory_space<vmem>>, %arg15: memref<64xi32, #tpu.memory_space<vmem>>, %arg16: memref<64xf32, #tpu.memory_space<vmem>>, %arg17: memref<64xf32, #tpu.memory_space<vmem>>, %arg18: memref<64xf32, #tpu.memory_space<vmem>>, %arg19: memref<64xf32, #tpu.memory_space<vmem>>, %arg20: memref<64xi32, #tpu.memory_space<vmem>>, %arg21: memref<64xi32, #tpu.memory_space<vmem>>, %arg22: memref<64xi32, #tpu.memory_space<vmem>>, %arg23: memref<64xi32, #tpu.memory_space<vmem>>, %arg24: memref<64xi32, #tpu.memory_space<vmem>>, %arg25: memref<64xi32, #tpu.memory_space<vmem>>, %arg26: memref<64xf32, #tpu.memory_space<vmem>>, %arg27: memref<64xf32, #tpu.memory_space<vmem>>, %arg28: memref<64xf32, #tpu.memory_space<vmem>>, %arg29: memref<64xf32, #tpu.memory_space<vmem>>, %arg30: memref<64xf32, #tpu.memory_space<vmem>>, %arg31: memref<64xf32, #tpu.memory_space<vmem>>, %arg32: memref<64xf32, #tpu.memory_space<vmem>>, %arg33: memref<64xf32, #tpu.memory_space<vmem>>, %arg34: memref<64x64xf32, #tpu.memory_space<vmem>>, %arg35: memref<64x64xf32, #tpu.memory_space<vmem>>, %arg36: memref<64x64xf32, #tpu.memory_space<vmem>>, %arg37: memref<64x64xf32, #tpu.memory_space<vmem>>, %arg38: memref<64x64xf32, #tpu.memory_space<vmem>>, %arg39: memref<64x64xf32, #tpu.memory_space<vmem>>, %arg40: memref<64x64xf32, #tpu.memory_space<vmem>>, %arg41: memref<64x64xf32, #tpu.memory_space<vmem>>, %arg42: memref<10112xf32, #tpu.memory_space<vmem>>, %arg43: memref<10112x64xf32, #tpu.memory_space<vmem_shared>>, %arg44: memref<10112x64xf32, #tpu.memory_space<vmem_shared>>, %arg45: memref<!tpu.dma_semaphore, #tpu.memory_space<semaphore_mem>>, %arg46: memref<!tpu.dma_semaphore, #tpu.memory_space<semaphore_mem>>, %arg47: memref<!tpu.dma_semaphore, #tpu.memory_space<semaphore_mem>>, %arg48: memref<!tpu.dma_semaphore, #tpu.memory_space<semaphore_mem>>, %arg49: memref<!tpu.dma_semaphore, #tpu.memory_space<semaphore_mem>>, %arg50: memref<!tpu.dma_semaphore, #tpu.memory_space<semaphore_mem>>, %arg51: memref<!tpu.dma_semaphore, #tpu.memory_space<semaphore_mem>>, %arg52: memref<!tpu.dma_semaphore, #tpu.memory_space<semaphore_mem>>, %arg53: memref<!tpu.dma_semaphore, #tpu.memory_space<semaphore_mem>>, %arg54: memref<!tpu.dma_semaphore, #tpu.memory_space<semaphore_mem>>) attributes {dimension_semantics = [#tpu.dimension_semantics<core_parallel>, #tpu.dimension_semantics<subcore_parallel>], iteration_bounds = array<i64: 2, 16>, scalar_prefetch = 0 : i64, scratch_operands = 47 : i64, tpu.core_type = #tpu.core_type<sc_vector_subcore>, window_params = [{transform_indices = #map}, {transform_indices = #map1}, {transform_indices = #map1}, {transform_indices = #map1}, {transform_indices = #map1}, {transform_indices = #map2}]} {
    %mul3A = arith.constant 10112 : i32
    %mul3A_0 = arith.muli %arg0, %mul3A : i32
    "tpu.region"() ({
      %run_scoped3A_297 = tpu.sem_alloc : memref<!tpu.dma_semaphore, #tpu.memory_space<semaphore_mem>>
      tpu.enqueue_dma source(%arg6 : memref<10112xf32, #tpu.memory_space<hbm>>) target(%arg42 : memref<10112xf32, #tpu.memory_space<vmem>>) target_semaphore(%run_scoped3A_297 : memref<!tpu.dma_semaphore, #tpu.memory_space<semaphore_mem>>)
      tpu.wait_dma2 semaphore(%run_scoped3A_297 : memref<!tpu.dma_semaphore, #tpu.memory_space<semaphore_mem>>) src(%arg6 : memref<10112xf32, #tpu.memory_space<hbm>>) dst(%arg42 : memref<10112xf32, #tpu.memory_space<vmem>>)
      tpu.yield
    }) : () -> ()
    %broadcast_in_dim3A = arith.constant 0.000000e+00 : f32
    %broadcast_in_dim3A_1 = vector.broadcast %broadcast_in_dim3A : f32 to vector<16xf32>
    %scan3A = arith.constant 0 : i32
    %scan3A_2 = arith.constant 0 : i32
    %scan3A_3 = arith.constant 64 : i32
    %scan3A_4 = arith.addi %scan3A_2, %scan3A_3 : i32
    %scan3A_5 = arith.constant 1 : i32
    %scan3A_6 = scf.for %scan3A_297 = %scan3A_2 to %scan3A_4 step %scan3A_5 iter_args(%scan3A_298 = %scan3A) -> (i32)  : i32 {
      %swap3A_299 = arith.constant 0 : i32
      %swap3A_300 = tpu.memref_slice %arg38[%scan3A_297, %swap3A_299] : memref<64x64xf32, #tpu.memory_space<vmem>> -> memref<1x64xf32, #tpu.memory_space<vmem>>
      %swap3A_301 = tpu.memref_squeeze %swap3A_300 : memref<1x64xf32, #tpu.memory_space<vmem>> -> memref<64xf32, #tpu.memory_space<vmem>>
      %swap3A_302 = arith.constant 0 : index
      %swap3A_303 = tpu.vector_load %swap3A_301[%swap3A_302] {strides = array<i32>} : memref<64xf32, #tpu.memory_space<vmem>>, vector<16xf32>,
      tpu.vector_store %swap3A_301[%swap3A_302], %broadcast_in_dim3A_1 {strides = array<i32>} : memref<64xf32, #tpu.memory_space<vmem>>, vector<16xf32>,
      %swap3A_304 = arith.constant 0 : i32
      %swap3A_305 = tpu.memref_slice %arg38[%scan3A_297, %swap3A_304] : memref<64x64xf32, #tpu.memory_space<vmem>> -> memref<1x64xf32, #tpu.memory_space<vmem>>
      %swap3A_306 = tpu.memref_squeeze %swap3A_305 : memref<1x64xf32, #tpu.memory_space<vmem>> -> memref<64xf32, #tpu.memory_space<vmem>>
      %swap3A_307 = arith.constant 16 : index
      %swap3A_308 = tpu.vector_load %swap3A_306[%swap3A_307] {strides = array<i32>} : memref<64xf32, #tpu.memory_space<vmem>>, vector<16xf32>,
      tpu.vector_store %swap3A_306[%swap3A_307], %broadcast_in_dim3A_1 {strides = array<i32>} : memref<64xf32, #tpu.memory_space<vmem>>, vector<16xf32>,
      %swap3A_309 = arith.constant 0 : i32
      %swap3A_310 = tpu.memref_slice %arg38[%scan3A_297, %swap3A_309] : memref<64x64xf32, #tpu.memory_space<vmem>> -> memref<1x64xf32, #tpu.memory_space<vmem>>
      %swap3A_311 = tpu.memref_squeeze %swap3A_310 : memref<1x64xf32, #tpu.memory_space<vmem>> -> memref<64xf32, #tpu.memory_space<vmem>>
      %swap3A_312 = arith.constant 32 : index
      %swap3A_313 = tpu.vector_load %swap3A_311[%swap3A_312] {strides = array<i32>} : memref<64xf32, #tpu.memory_space<vmem>>, vector<16xf32>,
      tpu.vector_store %swap3A_311[%swap3A_312], %broadcast_in_dim3A_1 {strides = array<i32>} : memref<64xf32, #tpu.memory_space<vmem>>, vector<16xf32>,
      %swap3A_314 = arith.constant 0 : i32
      %swap3A_315 = tpu.memref_slice %arg38[%scan3A_297, %swap3A_314] : memref<64x64xf32, #tpu.memory_space<vmem>> -> memref<1x64xf32, #tpu.memory_space<vmem>>
      %swap3A_316 = tpu.memref_squeeze %swap3A_315 : memref<1x64xf32, #tpu.memory_space<vmem>> -> memref<64xf32, #tpu.memory_space<vmem>>
      %swap3A_317 = arith.constant 48 : index
      %swap3A_318 = tpu.vector_load %swap3A_316[%swap3A_317] {strides = array<i32>} : memref<64xf32, #tpu.memory_space<vmem>>, vector<16xf32>,
      tpu.vector_store %swap3A_316[%swap3A_317], %broadcast_in_dim3A_1 {strides = array<i32>} : memref<64xf32, #tpu.memory_space<vmem>>, vector<16xf32>,
      %scan3A_319 = arith.constant 0 : i32
      scf.yield %scan3A_319 : i32
    }
    %scan3A_7 = arith.constant 64 : i32
    %mul3A_8 = arith.constant 632 : i32
    %mul3A_9 = arith.muli %arg1, %mul3A_8 : i32
    %add3A = arith.constant 0 : i32
    %add3A_10 = arith.addi %mul3A_9, %add3A : i32
    "tpu.region"() ({
      %run_scoped3A_297 = tpu.sem_alloc : memref<!tpu.dma_semaphore, #tpu.memory_space<semaphore_mem>>
      %dma_start3A_298 = arith.constant 0 : i32
      %dma_start3A_299 = tpu.memref_slice %arg43[%add3A_10, %dma_start3A_298] : memref<10112x64xf32, #tpu.memory_space<vmem_shared>> -> memref<64x64xf32, #tpu.memory_space<vmem_shared>>
      %dma_start3A_300 = arith.constant 0 : i32
      %dma_start3A_301 = tpu.memref_slice %arg43[%add3A_10, %dma_start3A_300] : memref<10112x64xf32, #tpu.memory_space<vmem_shared>> -> memref<64x64xf32, #tpu.memory_space<vmem_shared>>
      tpu.enqueue_dma source(%arg38 : memref<64x64xf32, #tpu.memory_space<vmem>>) target(%dma_start3A_301 : memref<64x64xf32, #tpu.memory_space<vmem_shared>>) target_semaphore(%run_scoped3A_297 : memref<!tpu.dma_semaphore, #tpu.memory_space<semaphore_mem>>)
      %dma_wait3A_302 = arith.constant 0 : i32
      %dma_wait3A_303 = tpu.memref_slice %arg43[%add3A_10, %dma_wait3A_302] : memref<10112x64xf32, #tpu.memory_space<vmem_shared>> -> memref<64x64xf32, #tpu.memory_space<vmem_shared>>
      %dma_wait3A_304 = arith.constant 0 : i32
      %dma_wait3A_305 = tpu.memref_slice %arg43[%add3A_10, %dma_wait3A_304] : memref<10112x64xf32, #tpu.memory_space<vmem_shared>> -> memref<64x64xf32, #tpu.memory_space<vmem_shared>>
      tpu.wait_dma2 semaphore(%run_scoped3A_297 : memref<!tpu.dma_semaphore, #tpu.memory_space<semaphore_mem>>) src(%arg38 : memref<64x64xf32, #tpu.memory_space<vmem>>) dst(%dma_wait3A_305 : memref<64x64xf32, #tpu.memory_space<vmem_shared>>)
      tpu.yield
    }) : () -> ()
    %mul3A_11 = arith.constant 632 : i32
    %mul3A_12 = arith.muli %arg1, %mul3A_11 : i32
    %add3A_13 = arith.constant 0 : i32
    %add3A_14 = arith.addi %mul3A_12, %add3A_13 : i32
    "tpu.region"() ({
      %run_scoped3A_297 = tpu.sem_alloc : memref<!tpu.dma_semaphore, #tpu.memory_space<semaphore_mem>>
      %dma_start3A_298 = arith.constant 0 : i32
      %dma_start3A_299 = tpu.memref_slice %arg44[%add3A_14, %dma_start3A_298] : memref<10112x64xf32, #tpu.memory_space<vmem_shared>> -> memref<64x64xf32, #tpu.memory_space<vmem_shared>>
      %dma_start3A_300 = arith.constant 0 : i32
      %dma_start3A_301 = tpu.memref_slice %arg44[%add3A_14, %dma_start3A_300] : memref<10112x64xf32, #tpu.memory_space<vmem_shared>> -> memref<64x64xf32, #tpu.memory_space<vmem_shared>>
      tpu.enqueue_dma source(%arg38 : memref<64x64xf32, #tpu.memory_space<vmem>>) target(%dma_start3A_301 : memref<64x64xf32, #tpu.memory_space<vmem_shared>>) target_semaphore(%run_scoped3A_297 : memref<!tpu.dma_semaphore, #tpu.memory_space<semaphore_mem>>)
      %dma_wait3A_302 = arith.constant 0 : i32
      %dma_wait3A_303 = tpu.memref_slice %arg44[%add3A_14, %dma_wait3A_302] : memref<10112x64xf32, #tpu.memory_space<vmem_shared>> -> memref<64x64xf32, #tpu.memory_space<vmem_shared>>
      %dma_wait3A_304 = arith.constant 0 : i32
      %dma_wait3A_305 = tpu.memref_slice %arg44[%add3A_14, %dma_wait3A_304] : memref<10112x64xf32, #tpu.memory_space<vmem_shared>> -> memref<64x64xf32, #tpu.memory_space<vmem_shared>>
      tpu.wait_dma2 semaphore(%run_scoped3A_297 : memref<!tpu.dma_semaphore, #tpu.memory_space<semaphore_mem>>) src(%arg38 : memref<64x64xf32, #tpu.memory_space<vmem>>) dst(%dma_wait3A_305 : memref<64x64xf32, #tpu.memory_space<vmem_shared>>)
      tpu.yield
    }) : () -> ()
    %mul3A_15 = arith.constant 632 : i32
    %mul3A_16 = arith.muli %arg1, %mul3A_15 : i32
    %add3A_17 = arith.constant 64 : i32
    %add3A_18 = arith.addi %mul3A_16, %add3A_17 : i32
    "tpu.region"() ({
      %run_scoped3A_297 = tpu.sem_alloc : memref<!tpu.dma_semaphore, #tpu.memory_space<semaphore_mem>>
      %dma_start3A_298 = arith.constant 0 : i32
      %dma_start3A_299 = tpu.memref_slice %arg43[%add3A_18, %dma_start3A_298] : memref<10112x64xf32, #tpu.memory_space<vmem_shared>> -> memref<64x64xf32, #tpu.memory_space<vmem_shared>>
      %dma_start3A_300 = arith.constant 0 : i32
      %dma_start3A_301 = tpu.memref_slice %arg43[%add3A_18, %dma_start3A_300] : memref<10112x64xf32, #tpu.memory_space<vmem_shared>> -> memref<64x64xf32, #tpu.memory_space<vmem_shared>>
      tpu.enqueue_dma source(%arg38 : memref<64x64xf32, #tpu.memory_space<vmem>>) target(%dma_start3A_301 : memref<64x64xf32, #tpu.memory_space<vmem_shared>>) target_semaphore(%run_scoped3A_297 : memref<!tpu.dma_semaphore, #tpu.memory_space<semaphore_mem>>)
      %dma_wait3A_302 = arith.constant 0 : i32
      %dma_wait3A_303 = tpu.memref_slice %arg43[%add3A_18, %dma_wait3A_302] : memref<10112x64xf32, #tpu.memory_space<vmem_shared>> -> memref<64x64xf32, #tpu.memory_space<vmem_shared>>
      %dma_wait3A_304 = arith.constant 0 : i32
      %dma_wait3A_305 = tpu.memref_slice %arg43[%add3A_18, %dma_wait3A_304] : memref<10112x64xf32, #tpu.memory_space<vmem_shared>> -> memref<64x64xf32, #tpu.memory_space<vmem_shared>>
      tpu.wait_dma2 semaphore(%run_scoped3A_297 : memref<!tpu.dma_semaphore, #tpu.memory_space<semaphore_mem>>) src(%arg38 : memref<64x64xf32, #tpu.memory_space<vmem>>) dst(%dma_wait3A_305 : memref<64x64xf32, #tpu.memory_space<vmem_shared>>)
      tpu.yield
    }) : () -> ()
    %mul3A_19 = arith.constant 632 : i32
    %mul3A_20 = arith.muli %arg1, %mul3A_19 : i32
    %add3A_21 = arith.constant 64 : i32
    %add3A_22 = arith.addi %mul3A_20, %add3A_21 : i32
    "tpu.region"() ({
      %run_scoped3A_297 = tpu.sem_alloc : memref<!tpu.dma_semaphore, #tpu.memory_space<semaphore_mem>>
      %dma_start3A_298 = arith.constant 0 : i32
      %dma_start3A_299 = tpu.memref_slice %arg44[%add3A_22, %dma_start3A_298] : memref<10112x64xf32, #tpu.memory_space<vmem_shared>> -> memref<64x64xf32, #tpu.memory_space<vmem_shared>>
      %dma_start3A_300 = arith.constant 0 : i32
      %dma_start3A_301 = tpu.memref_slice %arg44[%add3A_22, %dma_start3A_300] : memref<10112x64xf32, #tpu.memory_space<vmem_shared>> -> memref<64x64xf32, #tpu.memory_space<vmem_shared>>
      tpu.enqueue_dma source(%arg38 : memref<64x64xf32, #tpu.memory_space<vmem>>) target(%dma_start3A_301 : memref<64x64xf32, #tpu.memory_space<vmem_shared>>) target_semaphore(%run_scoped3A_297 : memref<!tpu.dma_semaphore, #tpu.memory_space<semaphore_mem>>)
      %dma_wait3A_302 = arith.constant 0 : i32
      %dma_wait3A_303 = tpu.memref_slice %arg44[%add3A_22, %dma_wait3A_302] : memref<10112x64xf32, #tpu.memory_space<vmem_shared>> -> memref<64x64xf32, #tpu.memory_space<vmem_shared>>
      %dma_wait3A_304 = arith.constant 0 : i32
      %dma_wait3A_305 = tpu.memref_slice %arg44[%add3A_22, %dma_wait3A_304] : memref<10112x64xf32, #tpu.memory_space<vmem_shared>> -> memref<64x64xf32, #tpu.memory_space<vmem_shared>>
      tpu.wait_dma2 semaphore(%run_scoped3A_297 : memref<!tpu.dma_semaphore, #tpu.memory_space<semaphore_mem>>) src(%arg38 : memref<64x64xf32, #tpu.memory_space<vmem>>) dst(%dma_wait3A_305 : memref<64x64xf32, #tpu.memory_space<vmem_shared>>)
      tpu.yield
    }) : () -> ()
    %mul3A_23 = arith.constant 632 : i32
    %mul3A_24 = arith.muli %arg1, %mul3A_23 : i32
    %add3A_25 = arith.constant 128 : i32
    %add3A_26 = arith.addi %mul3A_24, %add3A_25 : i32
    "tpu.region"() ({
      %run_scoped3A_297 = tpu.sem_alloc : memref<!tpu.dma_semaphore, #tpu.memory_space<semaphore_mem>>
      %dma_start3A_298 = arith.constant 0 : i32
      %dma_start3A_299 = tpu.memref_slice %arg43[%add3A_26, %dma_start3A_298] : memref<10112x64xf32, #tpu.memory_space<vmem_shared>> -> memref<64x64xf32, #tpu.memory_space<vmem_shared>>
      %dma_start3A_300 = arith.constant 0 : i32
      %dma_start3A_301 = tpu.memref_slice %arg43[%add3A_26, %dma_start3A_300] : memref<10112x64xf32, #tpu.memory_space<vmem_shared>> -> memref<64x64xf32, #tpu.memory_space<vmem_shared>>
      tpu.enqueue_dma source(%arg38 : memref<64x64xf32, #tpu.memory_space<vmem>>) target(%dma_start3A_301 : memref<64x64xf32, #tpu.memory_space<vmem_shared>>) target_semaphore(%run_scoped3A_297 : memref<!tpu.dma_semaphore, #tpu.memory_space<semaphore_mem>>)
      %dma_wait3A_302 = arith.constant 0 : i32
      %dma_wait3A_303 = tpu.memref_slice %arg43[%add3A_26, %dma_wait3A_302] : memref<10112x64xf32, #tpu.memory_space<vmem_shared>> -> memref<64x64xf32, #tpu.memory_space<vmem_shared>>
      %dma_wait3A_304 = arith.constant 0 : i32
      %dma_wait3A_305 = tpu.memref_slice %arg43[%add3A_26, %dma_wait3A_304] : memref<10112x64xf32, #tpu.memory_space<vmem_shared>> -> memref<64x64xf32, #tpu.memory_space<vmem_shared>>
      tpu.wait_dma2 semaphore(%run_scoped3A_297 : memref<!tpu.dma_semaphore, #tpu.memory_space<semaphore_mem>>) src(%arg38 : memref<64x64xf32, #tpu.memory_space<vmem>>) dst(%dma_wait3A_305 : memref<64x64xf32, #tpu.memory_space<vmem_shared>>)
      tpu.yield
    }) : () -> ()
    %mul3A_27 = arith.constant 632 : i32
    %mul3A_28 = arith.muli %arg1, %mul3A_27 : i32
    %add3A_29 = arith.constant 128 : i32
    %add3A_30 = arith.addi %mul3A_28, %add3A_29 : i32
    "tpu.region"() ({
      %run_scoped3A_297 = tpu.sem_alloc : memref<!tpu.dma_semaphore, #tpu.memory_space<semaphore_mem>>
      %dma_start3A_298 = arith.constant 0 : i32
      %dma_start3A_299 = tpu.memref_slice %arg44[%add3A_30, %dma_start3A_298] : memref<10112x64xf32, #tpu.memory_space<vmem_shared>> -> memref<64x64xf32, #tpu.memory_space<vmem_shared>>
      %dma_start3A_300 = arith.constant 0 : i32
      %dma_start3A_301 = tpu.memref_slice %arg44[%add3A_30, %dma_start3A_300] : memref<10112x64xf32, #tpu.memory_space<vmem_shared>> -> memref<64x64xf32, #tpu.memory_space<vmem_shared>>
      tpu.enqueue_dma source(%arg38 : memref<64x64xf32, #tpu.memory_space<vmem>>) target(%dma_start3A_301 : memref<64x64xf32, #tpu.memory_space<vmem_shared>>) target_semaphore(%run_scoped3A_297 : memref<!tpu.dma_semaphore, #tpu.memory_space<semaphore_mem>>)
      %dma_wait3A_302 = arith.constant 0 : i32
      %dma_wait3A_303 = tpu.memref_slice %arg44[%add3A_30, %dma_wait3A_302] : memref<10112x64xf32, #tpu.memory_space<vmem_shared>> -> memref<64x64xf32, #tpu.memory_space<vmem_shared>>
      %dma_wait3A_304 = arith.constant 0 : i32
      %dma_wait3A_305 = tpu.memref_slice %arg44[%add3A_30, %dma_wait3A_304] : memref<10112x64xf32, #tpu.memory_space<vmem_shared>> -> memref<64x64xf32, #tpu.memory_space<vmem_shared>>
      tpu.wait_dma2 semaphore(%run_scoped3A_297 : memref<!tpu.dma_semaphore, #tpu.memory_space<semaphore_mem>>) src(%arg38 : memref<64x64xf32, #tpu.memory_space<vmem>>) dst(%dma_wait3A_305 : memref<64x64xf32, #tpu.memory_space<vmem_shared>>)
      tpu.yield
    }) : () -> ()
    %mul3A_31 = arith.constant 632 : i32
    %mul3A_32 = arith.muli %arg1, %mul3A_31 : i32
    %add3A_33 = arith.constant 192 : i32
    %add3A_34 = arith.addi %mul3A_32, %add3A_33 : i32
    "tpu.region"() ({
      %run_scoped3A_297 = tpu.sem_alloc : memref<!tpu.dma_semaphore, #tpu.memory_space<semaphore_mem>>
      %dma_start3A_298 = arith.constant 0 : i32
      %dma_start3A_299 = tpu.memref_slice %arg43[%add3A_34, %dma_start3A_298] : memref<10112x64xf32, #tpu.memory_space<vmem_shared>> -> memref<64x64xf32, #tpu.memory_space<vmem_shared>>
      %dma_start3A_300 = arith.constant 0 : i32
      %dma_start3A_301 = tpu.memref_slice %arg43[%add3A_34, %dma_start3A_300] : memref<10112x64xf32, #tpu.memory_space<vmem_shared>> -> memref<64x64xf32, #tpu.memory_space<vmem_shared>>
      tpu.enqueue_dma source(%arg38 : memref<64x64xf32, #tpu.memory_space<vmem>>) target(%dma_start3A_301 : memref<64x64xf32, #tpu.memory_space<vmem_shared>>) target_semaphore(%run_scoped3A_297 : memref<!tpu.dma_semaphore, #tpu.memory_space<semaphore_mem>>)
      %dma_wait3A_302 = arith.constant 0 : i32
      %dma_wait3A_303 = tpu.memref_slice %arg43[%add3A_34, %dma_wait3A_302] : memref<10112x64xf32, #tpu.memory_space<vmem_shared>> -> memref<64x64xf32, #tpu.memory_space<vmem_shared>>
      %dma_wait3A_304 = arith.constant 0 : i32
      %dma_wait3A_305 = tpu.memref_slice %arg43[%add3A_34, %dma_wait3A_304] : memref<10112x64xf32, #tpu.memory_space<vmem_shared>> -> memref<64x64xf32, #tpu.memory_space<vmem_shared>>
      tpu.wait_dma2 semaphore(%run_scoped3A_297 : memref<!tpu.dma_semaphore, #tpu.memory_space<semaphore_mem>>) src(%arg38 : memref<64x64xf32, #tpu.memory_space<vmem>>) dst(%dma_wait3A_305 : memref<64x64xf32, #tpu.memory_space<vmem_shared>>)
      tpu.yield
    }) : () -> ()
    %mul3A_35 = arith.constant 632 : i32
    %mul3A_36 = arith.muli %arg1, %mul3A_35 : i32
    %add3A_37 = arith.constant 192 : i32
    %add3A_38 = arith.addi %mul3A_36, %add3A_37 : i32
    "tpu.region"() ({
      %run_scoped3A_297 = tpu.sem_alloc : memref<!tpu.dma_semaphore, #tpu.memory_space<semaphore_mem>>
      %dma_start3A_298 = arith.constant 0 : i32
      %dma_start3A_299 = tpu.memref_slice %arg44[%add3A_38, %dma_start3A_298] : memref<10112x64xf32, #tpu.memory_space<vmem_shared>> -> memref<64x64xf32, #tpu.memory_space<vmem_shared>>
      %dma_start3A_300 = arith.constant 0 : i32
      %dma_start3A_301 = tpu.memref_slice %arg44[%add3A_38, %dma_start3A_300] : memref<10112x64xf32, #tpu.memory_space<vmem_shared>> -> memref<64x64xf32, #tpu.memory_space<vmem_shared>>
      tpu.enqueue_dma source(%arg38 : memref<64x64xf32, #tpu.memory_space<vmem>>) target(%dma_start3A_301 : memref<64x64xf32, #tpu.memory_space<vmem_shared>>) target_semaphore(%run_scoped3A_297 : memref<!tpu.dma_semaphore, #tpu.memory_space<semaphore_mem>>)
      %dma_wait3A_302 = arith.constant 0 : i32
      %dma_wait3A_303 = tpu.memref_slice %arg44[%add3A_38, %dma_wait3A_302] : memref<10112x64xf32, #tpu.memory_space<vmem_shared>> -> memref<64x64xf32, #tpu.memory_space<vmem_shared>>
      %dma_wait3A_304 = arith.constant 0 : i32
      %dma_wait3A_305 = tpu.memref_slice %arg44[%add3A_38, %dma_wait3A_304] : memref<10112x64xf32, #tpu.memory_space<vmem_shared>> -> memref<64x64xf32, #tpu.memory_space<vmem_shared>>
      tpu.wait_dma2 semaphore(%run_scoped3A_297 : memref<!tpu.dma_semaphore, #tpu.memory_space<semaphore_mem>>) src(%arg38 : memref<64x64xf32, #tpu.memory_space<vmem>>) dst(%dma_wait3A_305 : memref<64x64xf32, #tpu.memory_space<vmem_shared>>)
      tpu.yield
    }) : () -> ()
    %mul3A_39 = arith.constant 632 : i32
    %mul3A_40 = arith.muli %arg1, %mul3A_39 : i32
    %add3A_41 = arith.constant 256 : i32
    %add3A_42 = arith.addi %mul3A_40, %add3A_41 : i32
    "tpu.region"() ({
      %run_scoped3A_297 = tpu.sem_alloc : memref<!tpu.dma_semaphore, #tpu.memory_space<semaphore_mem>>
      %dma_start3A_298 = arith.constant 0 : i32
      %dma_start3A_299 = tpu.memref_slice %arg43[%add3A_42, %dma_start3A_298] : memref<10112x64xf32, #tpu.memory_space<vmem_shared>> -> memref<64x64xf32, #tpu.memory_space<vmem_shared>>
      %dma_start3A_300 = arith.constant 0 : i32
      %dma_start3A_301 = tpu.memref_slice %arg43[%add3A_42, %dma_start3A_300] : memref<10112x64xf32, #tpu.memory_space<vmem_shared>> -> memref<64x64xf32, #tpu.memory_space<vmem_shared>>
      tpu.enqueue_dma source(%arg38 : memref<64x64xf32, #tpu.memory_space<vmem>>) target(%dma_start3A_301 : memref<64x64xf32, #tpu.memory_space<vmem_shared>>) target_semaphore(%run_scoped3A_297 : memref<!tpu.dma_semaphore, #tpu.memory_space<semaphore_mem>>)
      %dma_wait3A_302 = arith.constant 0 : i32
      %dma_wait3A_303 = tpu.memref_slice %arg43[%add3A_42, %dma_wait3A_302] : memref<10112x64xf32, #tpu.memory_space<vmem_shared>> -> memref<64x64xf32, #tpu.memory_space<vmem_shared>>
      %dma_wait3A_304 = arith.constant 0 : i32
      %dma_wait3A_305 = tpu.memref_slice %arg43[%add3A_42, %dma_wait3A_304] : memref<10112x64xf32, #tpu.memory_space<vmem_shared>> -> memref<64x64xf32, #tpu.memory_space<vmem_shared>>
      tpu.wait_dma2 semaphore(%run_scoped3A_297 : memref<!tpu.dma_semaphore, #tpu.memory_space<semaphore_mem>>) src(%arg38 : memref<64x64xf32, #tpu.memory_space<vmem>>) dst(%dma_wait3A_305 : memref<64x64xf32, #tpu.memory_space<vmem_shared>>)
      tpu.yield
    }) : () -> ()
    %mul3A_43 = arith.constant 632 : i32
    %mul3A_44 = arith.muli %arg1, %mul3A_43 : i32
    %add3A_45 = arith.constant 256 : i32
    %add3A_46 = arith.addi %mul3A_44, %add3A_45 : i32
    "tpu.region"() ({
      %run_scoped3A_297 = tpu.sem_alloc : memref<!tpu.dma_semaphore, #tpu.memory_space<semaphore_mem>>
      %dma_start3A_298 = arith.constant 0 : i32
      %dma_start3A_299 = tpu.memref_slice %arg44[%add3A_46, %dma_start3A_298] : memref<10112x64xf32, #tpu.memory_space<vmem_shared>> -> memref<64x64xf32, #tpu.memory_space<vmem_shared>>
      %dma_start3A_300 = arith.constant 0 : i32
      %dma_start3A_301 = tpu.memref_slice %arg44[%add3A_46, %dma_start3A_300] : memref<10112x64xf32, #tpu.memory_space<vmem_shared>> -> memref<64x64xf32, #tpu.memory_space<vmem_shared>>
      tpu.enqueue_dma source(%arg38 : memref<64x64xf32, #tpu.memory_space<vmem>>) target(%dma_start3A_301 : memref<64x64xf32, #tpu.memory_space<vmem_shared>>) target_semaphore(%run_scoped3A_297 : memref<!tpu.dma_semaphore, #tpu.memory_space<semaphore_mem>>)
      %dma_wait3A_302 = arith.constant 0 : i32
      %dma_wait3A_303 = tpu.memref_slice %arg44[%add3A_46, %dma_wait3A_302] : memref<10112x64xf32, #tpu.memory_space<vmem_shared>> -> memref<64x64xf32, #tpu.memory_space<vmem_shared>>
      %dma_wait3A_304 = arith.constant 0 : i32
      %dma_wait3A_305 = tpu.memref_slice %arg44[%add3A_46, %dma_wait3A_304] : memref<10112x64xf32, #tpu.memory_space<vmem_shared>> -> memref<64x64xf32, #tpu.memory_space<vmem_shared>>
      tpu.wait_dma2 semaphore(%run_scoped3A_297 : memref<!tpu.dma_semaphore, #tpu.memory_space<semaphore_mem>>) src(%arg38 : memref<64x64xf32, #tpu.memory_space<vmem>>) dst(%dma_wait3A_305 : memref<64x64xf32, #tpu.memory_space<vmem_shared>>)
      tpu.yield
    }) : () -> ()
    %mul3A_47 = arith.constant 632 : i32
    %mul3A_48 = arith.muli %arg1, %mul3A_47 : i32
    %add3A_49 = arith.constant 320 : i32
    %add3A_50 = arith.addi %mul3A_48, %add3A_49 : i32
    "tpu.region"() ({
      %run_scoped3A_297 = tpu.sem_alloc : memref<!tpu.dma_semaphore, #tpu.memory_space<semaphore_mem>>
      %dma_start3A_298 = arith.constant 0 : i32
      %dma_start3A_299 = tpu.memref_slice %arg43[%add3A_50, %dma_start3A_298] : memref<10112x64xf32, #tpu.memory_space<vmem_shared>> -> memref<64x64xf32, #tpu.memory_space<vmem_shared>>
      %dma_start3A_300 = arith.constant 0 : i32
      %dma_start3A_301 = tpu.memref_slice %arg43[%add3A_50, %dma_start3A_300] : memref<10112x64xf32, #tpu.memory_space<vmem_shared>> -> memref<64x64xf32, #tpu.memory_space<vmem_shared>>
      tpu.enqueue_dma source(%arg38 : memref<64x64xf32, #tpu.memory_space<vmem>>) target(%dma_start3A_301 : memref<64x64xf32, #tpu.memory_space<vmem_shared>>) target_semaphore(%run_scoped3A_297 : memref<!tpu.dma_semaphore, #tpu.memory_space<semaphore_mem>>)
      %dma_wait3A_302 = arith.constant 0 : i32
      %dma_wait3A_303 = tpu.memref_slice %arg43[%add3A_50, %dma_wait3A_302] : memref<10112x64xf32, #tpu.memory_space<vmem_shared>> -> memref<64x64xf32, #tpu.memory_space<vmem_shared>>
      %dma_wait3A_304 = arith.constant 0 : i32
      %dma_wait3A_305 = tpu.memref_slice %arg43[%add3A_50, %dma_wait3A_304] : memref<10112x64xf32, #tpu.memory_space<vmem_shared>> -> memref<64x64xf32, #tpu.memory_space<vmem_shared>>
      tpu.wait_dma2 semaphore(%run_scoped3A_297 : memref<!tpu.dma_semaphore, #tpu.memory_space<semaphore_mem>>) src(%arg38 : memref<64x64xf32, #tpu.memory_space<vmem>>) dst(%dma_wait3A_305 : memref<64x64xf32, #tpu.memory_space<vmem_shared>>)
      tpu.yield
    }) : () -> ()
    %mul3A_51 = arith.constant 632 : i32
    %mul3A_52 = arith.muli %arg1, %mul3A_51 : i32
    %add3A_53 = arith.constant 320 : i32
    %add3A_54 = arith.addi %mul3A_52, %add3A_53 : i32
    "tpu.region"() ({
      %run_scoped3A_297 = tpu.sem_alloc : memref<!tpu.dma_semaphore, #tpu.memory_space<semaphore_mem>>
      %dma_start3A_298 = arith.constant 0 : i32
      %dma_start3A_299 = tpu.memref_slice %arg44[%add3A_54, %dma_start3A_298] : memref<10112x64xf32, #tpu.memory_space<vmem_shared>> -> memref<64x64xf32, #tpu.memory_space<vmem_shared>>
      %dma_start3A_300 = arith.constant 0 : i32
      %dma_start3A_301 = tpu.memref_slice %arg44[%add3A_54, %dma_start3A_300] : memref<10112x64xf32, #tpu.memory_space<vmem_shared>> -> memref<64x64xf32, #tpu.memory_space<vmem_shared>>
      tpu.enqueue_dma source(%arg38 : memref<64x64xf32, #tpu.memory_space<vmem>>) target(%dma_start3A_301 : memref<64x64xf32, #tpu.memory_space<vmem_shared>>) target_semaphore(%run_scoped3A_297 : memref<!tpu.dma_semaphore, #tpu.memory_space<semaphore_mem>>)
      %dma_wait3A_302 = arith.constant 0 : i32
      %dma_wait3A_303 = tpu.memref_slice %arg44[%add3A_54, %dma_wait3A_302] : memref<10112x64xf32, #tpu.memory_space<vmem_shared>> -> memref<64x64xf32, #tpu.memory_space<vmem_shared>>
      %dma_wait3A_304 = arith.constant 0 : i32
      %dma_wait3A_305 = tpu.memref_slice %arg44[%add3A_54, %dma_wait3A_304] : memref<10112x64xf32, #tpu.memory_space<vmem_shared>> -> memref<64x64xf32, #tpu.memory_space<vmem_shared>>
      tpu.wait_dma2 semaphore(%run_scoped3A_297 : memref<!tpu.dma_semaphore, #tpu.memory_space<semaphore_mem>>) src(%arg38 : memref<64x64xf32, #tpu.memory_space<vmem>>) dst(%dma_wait3A_305 : memref<64x64xf32, #tpu.memory_space<vmem_shared>>)
      tpu.yield
    }) : () -> ()
    %mul3A_55 = arith.constant 632 : i32
    %mul3A_56 = arith.muli %arg1, %mul3A_55 : i32
    %add3A_57 = arith.constant 384 : i32
    %add3A_58 = arith.addi %mul3A_56, %add3A_57 : i32
    "tpu.region"() ({
      %run_scoped3A_297 = tpu.sem_alloc : memref<!tpu.dma_semaphore, #tpu.memory_space<semaphore_mem>>
      %dma_start3A_298 = arith.constant 0 : i32
      %dma_start3A_299 = tpu.memref_slice %arg43[%add3A_58, %dma_start3A_298] : memref<10112x64xf32, #tpu.memory_space<vmem_shared>> -> memref<64x64xf32, #tpu.memory_space<vmem_shared>>
      %dma_start3A_300 = arith.constant 0 : i32
      %dma_start3A_301 = tpu.memref_slice %arg43[%add3A_58, %dma_start3A_300] : memref<10112x64xf32, #tpu.memory_space<vmem_shared>> -> memref<64x64xf32, #tpu.memory_space<vmem_shared>>
      tpu.enqueue_dma source(%arg38 : memref<64x64xf32, #tpu.memory_space<vmem>>) target(%dma_start3A_301 : memref<64x64xf32, #tpu.memory_space<vmem_shared>>) target_semaphore(%run_scoped3A_297 : memref<!tpu.dma_semaphore, #tpu.memory_space<semaphore_mem>>)
      %dma_wait3A_302 = arith.constant 0 : i32
      %dma_wait3A_303 = tpu.memref_slice %arg43[%add3A_58, %dma_wait3A_302] : memref<10112x64xf32, #tpu.memory_space<vmem_shared>> -> memref<64x64xf32, #tpu.memory_space<vmem_shared>>
      %dma_wait3A_304 = arith.constant 0 : i32
      %dma_wait3A_305 = tpu.memref_slice %arg43[%add3A_58, %dma_wait3A_304] : memref<10112x64xf32, #tpu.memory_space<vmem_shared>> -> memref<64x64xf32, #tpu.memory_space<vmem_shared>>
      tpu.wait_dma2 semaphore(%run_scoped3A_297 : memref<!tpu.dma_semaphore, #tpu.memory_space<semaphore_mem>>) src(%arg38 : memref<64x64xf32, #tpu.memory_space<vmem>>) dst(%dma_wait3A_305 : memref<64x64xf32, #tpu.memory_space<vmem_shared>>)
      tpu.yield
    }) : () -> ()
    %mul3A_59 = arith.constant 632 : i32
    %mul3A_60 = arith.muli %arg1, %mul3A_59 : i32
    %add3A_61 = arith.constant 384 : i32
    %add3A_62 = arith.addi %mul3A_60, %add3A_61 : i32
    "tpu.region"() ({
      %run_scoped3A_297 = tpu.sem_alloc : memref<!tpu.dma_semaphore, #tpu.memory_space<semaphore_mem>>
      %dma_start3A_298 = arith.constant 0 : i32
      %dma_start3A_299 = tpu.memref_slice %arg44[%add3A_62, %dma_start3A_298] : memref<10112x64xf32, #tpu.memory_space<vmem_shared>> -> memref<64x64xf32, #tpu.memory_space<vmem_shared>>
      %dma_start3A_300 = arith.constant 0 : i32
      %dma_start3A_301 = tpu.memref_slice %arg44[%add3A_62, %dma_start3A_300] : memref<10112x64xf32, #tpu.memory_space<vmem_shared>> -> memref<64x64xf32, #tpu.memory_space<vmem_shared>>
      tpu.enqueue_dma source(%arg38 : memref<64x64xf32, #tpu.memory_space<vmem>>) target(%dma_start3A_301 : memref<64x64xf32, #tpu.memory_space<vmem_shared>>) target_semaphore(%run_scoped3A_297 : memref<!tpu.dma_semaphore, #tpu.memory_space<semaphore_mem>>)
      %dma_wait3A_302 = arith.constant 0 : i32
      %dma_wait3A_303 = tpu.memref_slice %arg44[%add3A_62, %dma_wait3A_302] : memref<10112x64xf32, #tpu.memory_space<vmem_shared>> -> memref<64x64xf32, #tpu.memory_space<vmem_shared>>
      %dma_wait3A_304 = arith.constant 0 : i32
      %dma_wait3A_305 = tpu.memref_slice %arg44[%add3A_62, %dma_wait3A_304] : memref<10112x64xf32, #tpu.memory_space<vmem_shared>> -> memref<64x64xf32, #tpu.memory_space<vmem_shared>>
      tpu.wait_dma2 semaphore(%run_scoped3A_297 : memref<!tpu.dma_semaphore, #tpu.memory_space<semaphore_mem>>) src(%arg38 : memref<64x64xf32, #tpu.memory_space<vmem>>) dst(%dma_wait3A_305 : memref<64x64xf32, #tpu.memory_space<vmem_shared>>)
      tpu.yield
    }) : () -> ()
    %mul3A_63 = arith.constant 632 : i32
    %mul3A_64 = arith.muli %arg1, %mul3A_63 : i32
    %add3A_65 = arith.constant 448 : i32
    %add3A_66 = arith.addi %mul3A_64, %add3A_65 : i32
    "tpu.region"() ({
      %run_scoped3A_297 = tpu.sem_alloc : memref<!tpu.dma_semaphore, #tpu.memory_space<semaphore_mem>>
      %dma_start3A_298 = arith.constant 0 : i32
      %dma_start3A_299 = tpu.memref_slice %arg43[%add3A_66, %dma_start3A_298] : memref<10112x64xf32, #tpu.memory_space<vmem_shared>> -> memref<64x64xf32, #tpu.memory_space<vmem_shared>>
      %dma_start3A_300 = arith.constant 0 : i32
      %dma_start3A_301 = tpu.memref_slice %arg43[%add3A_66, %dma_start3A_300] : memref<10112x64xf32, #tpu.memory_space<vmem_shared>> -> memref<64x64xf32, #tpu.memory_space<vmem_shared>>
      tpu.enqueue_dma source(%arg38 : memref<64x64xf32, #tpu.memory_space<vmem>>) target(%dma_start3A_301 : memref<64x64xf32, #tpu.memory_space<vmem_shared>>) target_semaphore(%run_scoped3A_297 : memref<!tpu.dma_semaphore, #tpu.memory_space<semaphore_mem>>)
      %dma_wait3A_302 = arith.constant 0 : i32
      %dma_wait3A_303 = tpu.memref_slice %arg43[%add3A_66, %dma_wait3A_302] : memref<10112x64xf32, #tpu.memory_space<vmem_shared>> -> memref<64x64xf32, #tpu.memory_space<vmem_shared>>
      %dma_wait3A_304 = arith.constant 0 : i32
      %dma_wait3A_305 = tpu.memref_slice %arg43[%add3A_66, %dma_wait3A_304] : memref<10112x64xf32, #tpu.memory_space<vmem_shared>> -> memref<64x64xf32, #tpu.memory_space<vmem_shared>>
      tpu.wait_dma2 semaphore(%run_scoped3A_297 : memref<!tpu.dma_semaphore, #tpu.memory_space<semaphore_mem>>) src(%arg38 : memref<64x64xf32, #tpu.memory_space<vmem>>) dst(%dma_wait3A_305 : memref<64x64xf32, #tpu.memory_space<vmem_shared>>)
      tpu.yield
    }) : () -> ()
    %mul3A_67 = arith.constant 632 : i32
    %mul3A_68 = arith.muli %arg1, %mul3A_67 : i32
    %add3A_69 = arith.constant 448 : i32
    %add3A_70 = arith.addi %mul3A_68, %add3A_69 : i32
    "tpu.region"() ({
      %run_scoped3A_297 = tpu.sem_alloc : memref<!tpu.dma_semaphore, #tpu.memory_space<semaphore_mem>>
      %dma_start3A_298 = arith.constant 0 : i32
      %dma_start3A_299 = tpu.memref_slice %arg44[%add3A_70, %dma_start3A_298] : memref<10112x64xf32, #tpu.memory_space<vmem_shared>> -> memref<64x64xf32, #tpu.memory_space<vmem_shared>>
      %dma_start3A_300 = arith.constant 0 : i32
      %dma_start3A_301 = tpu.memref_slice %arg44[%add3A_70, %dma_start3A_300] : memref<10112x64xf32, #tpu.memory_space<vmem_shared>> -> memref<64x64xf32, #tpu.memory_space<vmem_shared>>
      tpu.enqueue_dma source(%arg38 : memref<64x64xf32, #tpu.memory_space<vmem>>) target(%dma_start3A_301 : memref<64x64xf32, #tpu.memory_space<vmem_shared>>) target_semaphore(%run_scoped3A_297 : memref<!tpu.dma_semaphore, #tpu.memory_space<semaphore_mem>>)
      %dma_wait3A_302 = arith.constant 0 : i32
      %dma_wait3A_303 = tpu.memref_slice %arg44[%add3A_70, %dma_wait3A_302] : memref<10112x64xf32, #tpu.memory_space<vmem_shared>> -> memref<64x64xf32, #tpu.memory_space<vmem_shared>>
      %dma_wait3A_304 = arith.constant 0 : i32
      %dma_wait3A_305 = tpu.memref_slice %arg44[%add3A_70, %dma_wait3A_304] : memref<10112x64xf32, #tpu.memory_space<vmem_shared>> -> memref<64x64xf32, #tpu.memory_space<vmem_shared>>
      tpu.wait_dma2 semaphore(%run_scoped3A_297 : memref<!tpu.dma_semaphore, #tpu.memory_space<semaphore_mem>>) src(%arg38 : memref<64x64xf32, #tpu.memory_space<vmem>>) dst(%dma_wait3A_305 : memref<64x64xf32, #tpu.memory_space<vmem_shared>>)
      tpu.yield
    }) : () -> ()
    %mul3A_71 = arith.constant 632 : i32
    %mul3A_72 = arith.muli %arg1, %mul3A_71 : i32
    %add3A_73 = arith.constant 512 : i32
    %add3A_74 = arith.addi %mul3A_72, %add3A_73 : i32
    "tpu.region"() ({
      %run_scoped3A_297 = tpu.sem_alloc : memref<!tpu.dma_semaphore, #tpu.memory_space<semaphore_mem>>
      %dma_start3A_298 = arith.constant 0 : i32
      %dma_start3A_299 = tpu.memref_slice %arg43[%add3A_74, %dma_start3A_298] : memref<10112x64xf32, #tpu.memory_space<vmem_shared>> -> memref<64x64xf32, #tpu.memory_space<vmem_shared>>
      %dma_start3A_300 = arith.constant 0 : i32
      %dma_start3A_301 = tpu.memref_slice %arg43[%add3A_74, %dma_start3A_300] : memref<10112x64xf32, #tpu.memory_space<vmem_shared>> -> memref<64x64xf32, #tpu.memory_space<vmem_shared>>
      tpu.enqueue_dma source(%arg38 : memref<64x64xf32, #tpu.memory_space<vmem>>) target(%dma_start3A_301 : memref<64x64xf32, #tpu.memory_space<vmem_shared>>) target_semaphore(%run_scoped3A_297 : memref<!tpu.dma_semaphore, #tpu.memory_space<semaphore_mem>>)
      %dma_wait3A_302 = arith.constant 0 : i32
      %dma_wait3A_303 = tpu.memref_slice %arg43[%add3A_74, %dma_wait3A_302] : memref<10112x64xf32, #tpu.memory_space<vmem_shared>> -> memref<64x64xf32, #tpu.memory_space<vmem_shared>>
      %dma_wait3A_304 = arith.constant 0 : i32
      %dma_wait3A_305 = tpu.memref_slice %arg43[%add3A_74, %dma_wait3A_304] : memref<10112x64xf32, #tpu.memory_space<vmem_shared>> -> memref<64x64xf32, #tpu.memory_space<vmem_shared>>
      tpu.wait_dma2 semaphore(%run_scoped3A_297 : memref<!tpu.dma_semaphore, #tpu.memory_space<semaphore_mem>>) src(%arg38 : memref<64x64xf32, #tpu.memory_space<vmem>>) dst(%dma_wait3A_305 : memref<64x64xf32, #tpu.memory_space<vmem_shared>>)
      tpu.yield
    }) : () -> ()
    %mul3A_75 = arith.constant 632 : i32
    %mul3A_76 = arith.muli %arg1, %mul3A_75 : i32
    %add3A_77 = arith.constant 512 : i32
    %add3A_78 = arith.addi %mul3A_76, %add3A_77 : i32
    "tpu.region"() ({
      %run_scoped3A_297 = tpu.sem_alloc : memref<!tpu.dma_semaphore, #tpu.memory_space<semaphore_mem>>
      %dma_start3A_298 = arith.constant 0 : i32
      %dma_start3A_299 = tpu.memref_slice %arg44[%add3A_78, %dma_start3A_298] : memref<10112x64xf32, #tpu.memory_space<vmem_shared>> -> memref<64x64xf32, #tpu.memory_space<vmem_shared>>
      %dma_start3A_300 = arith.constant 0 : i32
      %dma_start3A_301 = tpu.memref_slice %arg44[%add3A_78, %dma_start3A_300] : memref<10112x64xf32, #tpu.memory_space<vmem_shared>> -> memref<64x64xf32, #tpu.memory_space<vmem_shared>>
      tpu.enqueue_dma source(%arg38 : memref<64x64xf32, #tpu.memory_space<vmem>>) target(%dma_start3A_301 : memref<64x64xf32, #tpu.memory_space<vmem_shared>>) target_semaphore(%run_scoped3A_297 : memref<!tpu.dma_semaphore, #tpu.memory_space<semaphore_mem>>)
      %dma_wait3A_302 = arith.constant 0 : i32
      %dma_wait3A_303 = tpu.memref_slice %arg44[%add3A_78, %dma_wait3A_302] : memref<10112x64xf32, #tpu.memory_space<vmem_shared>> -> memref<64x64xf32, #tpu.memory_space<vmem_shared>>
      %dma_wait3A_304 = arith.constant 0 : i32
      %dma_wait3A_305 = tpu.memref_slice %arg44[%add3A_78, %dma_wait3A_304] : memref<10112x64xf32, #tpu.memory_space<vmem_shared>> -> memref<64x64xf32, #tpu.memory_space<vmem_shared>>
      tpu.wait_dma2 semaphore(%run_scoped3A_297 : memref<!tpu.dma_semaphore, #tpu.memory_space<semaphore_mem>>) src(%arg38 : memref<64x64xf32, #tpu.memory_space<vmem>>) dst(%dma_wait3A_305 : memref<64x64xf32, #tpu.memory_space<vmem_shared>>)
      tpu.yield
    }) : () -> ()
    %mul3A_79 = arith.constant 632 : i32
    %mul3A_80 = arith.muli %arg1, %mul3A_79 : i32
    %add3A_81 = arith.constant 576 : i32
    %add3A_82 = arith.addi %mul3A_80, %add3A_81 : i32
    "tpu.region"() ({
      %run_scoped3A_297 = tpu.sem_alloc : memref<!tpu.dma_semaphore, #tpu.memory_space<semaphore_mem>>
      %dma_start3A_298 = arith.constant 0 : i32
      %dma_start3A_299 = arith.constant 0 : i32
      %dma_start3A_300 = tpu.memref_slice %arg38[%dma_start3A_298, %dma_start3A_299] : memref<64x64xf32, #tpu.memory_space<vmem>> -> memref<56x64xf32, #tpu.memory_space<vmem>>
      %dma_start3A_301 = arith.constant 0 : i32
      %dma_start3A_302 = tpu.memref_slice %arg43[%add3A_82, %dma_start3A_301] : memref<10112x64xf32, #tpu.memory_space<vmem_shared>> -> memref<56x64xf32, #tpu.memory_space<vmem_shared>>
      %dma_start3A_303 = arith.constant 0 : i32
      %dma_start3A_304 = tpu.memref_slice %arg43[%add3A_82, %dma_start3A_303] : memref<10112x64xf32, #tpu.memory_space<vmem_shared>> -> memref<56x64xf32, #tpu.memory_space<vmem_shared>>
      %dma_start3A_305 = arith.constant 0 : i32
      %dma_start3A_306 = arith.constant 0 : i32
      %dma_start3A_307 = tpu.memref_slice %arg38[%dma_start3A_305, %dma_start3A_306] : memref<64x64xf32, #tpu.memory_space<vmem>> -> memref<56x64xf32, #tpu.memory_space<vmem>>
      tpu.enqueue_dma source(%dma_start3A_307 : memref<56x64xf32, #tpu.memory_space<vmem>>) target(%dma_start3A_304 : memref<56x64xf32, #tpu.memory_space<vmem_shared>>) target_semaphore(%run_scoped3A_297 : memref<!tpu.dma_semaphore, #tpu.memory_space<semaphore_mem>>)
      %dma_wait3A_308 = arith.constant 0 : i32
      %dma_wait3A_309 = arith.constant 0 : i32
      %dma_wait3A_310 = tpu.memref_slice %arg38[%dma_wait3A_308, %dma_wait3A_309] : memref<64x64xf32, #tpu.memory_space<vmem>> -> memref<56x64xf32, #tpu.memory_space<vmem>>
      %dma_wait3A_311 = arith.constant 0 : i32
      %dma_wait3A_312 = tpu.memref_slice %arg43[%add3A_82, %dma_wait3A_311] : memref<10112x64xf32, #tpu.memory_space<vmem_shared>> -> memref<56x64xf32, #tpu.memory_space<vmem_shared>>
      %dma_wait3A_313 = arith.constant 0 : i32
      %dma_wait3A_314 = tpu.memref_slice %arg43[%add3A_82, %dma_wait3A_313] : memref<10112x64xf32, #tpu.memory_space<vmem_shared>> -> memref<56x64xf32, #tpu.memory_space<vmem_shared>>
      %dma_wait3A_315 = arith.constant 0 : i32
      %dma_wait3A_316 = arith.constant 0 : i32
      %dma_wait3A_317 = tpu.memref_slice %arg38[%dma_wait3A_315, %dma_wait3A_316] : memref<64x64xf32, #tpu.memory_space<vmem>> -> memref<56x64xf32, #tpu.memory_space<vmem>>
      tpu.wait_dma2 semaphore(%run_scoped3A_297 : memref<!tpu.dma_semaphore, #tpu.memory_space<semaphore_mem>>) src(%dma_wait3A_317 : memref<56x64xf32, #tpu.memory_space<vmem>>) dst(%dma_wait3A_314 : memref<56x64xf32, #tpu.memory_space<vmem_shared>>)
      tpu.yield
    }) : () -> ()
    %mul3A_83 = arith.constant 632 : i32
    %mul3A_84 = arith.muli %arg1, %mul3A_83 : i32
    %add3A_85 = arith.constant 576 : i32
    %add3A_86 = arith.addi %mul3A_84, %add3A_85 : i32
    "tpu.region"() ({
      %run_scoped3A_297 = tpu.sem_alloc : memref<!tpu.dma_semaphore, #tpu.memory_space<semaphore_mem>>
      %dma_start3A_298 = arith.constant 0 : i32
      %dma_start3A_299 = arith.constant 0 : i32
      %dma_start3A_300 = tpu.memref_slice %arg38[%dma_start3A_298, %dma_start3A_299] : memref<64x64xf32, #tpu.memory_space<vmem>> -> memref<56x64xf32, #tpu.memory_space<vmem>>
      %dma_start3A_301 = arith.constant 0 : i32
      %dma_start3A_302 = tpu.memref_slice %arg44[%add3A_86, %dma_start3A_301] : memref<10112x64xf32, #tpu.memory_space<vmem_shared>> -> memref<56x64xf32, #tpu.memory_space<vmem_shared>>
      %dma_start3A_303 = arith.constant 0 : i32
      %dma_start3A_304 = tpu.memref_slice %arg44[%add3A_86, %dma_start3A_303] : memref<10112x64xf32, #tpu.memory_space<vmem_shared>> -> memref<56x64xf32, #tpu.memory_space<vmem_shared>>
      %dma_start3A_305 = arith.constant 0 : i32
      %dma_start3A_306 = arith.constant 0 : i32
      %dma_start3A_307 = tpu.memref_slice %arg38[%dma_start3A_305, %dma_start3A_306] : memref<64x64xf32, #tpu.memory_space<vmem>> -> memref<56x64xf32, #tpu.memory_space<vmem>>
      tpu.enqueue_dma source(%dma_start3A_307 : memref<56x64xf32, #tpu.memory_space<vmem>>) target(%dma_start3A_304 : memref<56x64xf32, #tpu.memory_space<vmem_shared>>) target_semaphore(%run_scoped3A_297 : memref<!tpu.dma_semaphore, #tpu.memory_space<semaphore_mem>>)
      %dma_wait3A_308 = arith.constant 0 : i32
      %dma_wait3A_309 = arith.constant 0 : i32
      %dma_wait3A_310 = tpu.memref_slice %arg38[%dma_wait3A_308, %dma_wait3A_309] : memref<64x64xf32, #tpu.memory_space<vmem>> -> memref<56x64xf32, #tpu.memory_space<vmem>>
      %dma_wait3A_311 = arith.constant 0 : i32
      %dma_wait3A_312 = tpu.memref_slice %arg44[%add3A_86, %dma_wait3A_311] : memref<10112x64xf32, #tpu.memory_space<vmem_shared>> -> memref<56x64xf32, #tpu.memory_space<vmem_shared>>
      %dma_wait3A_313 = arith.constant 0 : i32
      %dma_wait3A_314 = tpu.memref_slice %arg44[%add3A_86, %dma_wait3A_313] : memref<10112x64xf32, #tpu.memory_space<vmem_shared>> -> memref<56x64xf32, #tpu.memory_space<vmem_shared>>
      %dma_wait3A_315 = arith.constant 0 : i32
      %dma_wait3A_316 = arith.constant 0 : i32
      %dma_wait3A_317 = tpu.memref_slice %arg38[%dma_wait3A_315, %dma_wait3A_316] : memref<64x64xf32, #tpu.memory_space<vmem>> -> memref<56x64xf32, #tpu.memory_space<vmem>>
      tpu.wait_dma2 semaphore(%run_scoped3A_297 : memref<!tpu.dma_semaphore, #tpu.memory_space<semaphore_mem>>) src(%dma_wait3A_317 : memref<56x64xf32, #tpu.memory_space<vmem>>) dst(%dma_wait3A_314 : memref<56x64xf32, #tpu.memory_space<vmem_shared>>)
      tpu.yield
    }) : () -> ()
    %barrier3A = arith.constant 0 : index
    tpu.barrier barrier_id(%barrier3A)
    %mul3A_87 = arith.constant 320 : i32
    %mul3A_88 = arith.muli %arg1, %mul3A_87 : i32
    %add3A_89 = arith.constant 0 : i32
    %add3A_90 = arith.addi %mul3A_88, %add3A_89 : i32
    %mul3A_91 = arith.constant 64 : i32
    %mul3A_92 = arith.muli %add3A_90, %mul3A_91 : i32
    "tpu.region"() ({
      %run_scoped3A_297 = tpu.sem_alloc : memref<!tpu.dma_semaphore, #tpu.memory_space<semaphore_mem>>
      %dma_start3A_298 = tpu.memref_slice %arg3[%mul3A_92] : memref<327680xi32, #tpu.memory_space<hbm>> -> memref<64xi32, #tpu.memory_space<hbm>>
      %dma_start3A_299 = tpu.memref_slice %arg3[%mul3A_92] : memref<327680xi32, #tpu.memory_space<hbm>> -> memref<64xi32, #tpu.memory_space<hbm>>
      tpu.enqueue_dma source(%dma_start3A_299 : memref<64xi32, #tpu.memory_space<hbm>>) target(%arg8 : memref<64xi32, #tpu.memory_space<vmem>>) target_semaphore(%run_scoped3A_297 : memref<!tpu.dma_semaphore, #tpu.memory_space<semaphore_mem>>)
      %dma_wait3A_300 = tpu.memref_slice %arg3[%mul3A_92] : memref<327680xi32, #tpu.memory_space<hbm>> -> memref<64xi32, #tpu.memory_space<hbm>>
      %dma_wait3A_301 = tpu.memref_slice %arg3[%mul3A_92] : memref<327680xi32, #tpu.memory_space<hbm>> -> memref<64xi32, #tpu.memory_space<hbm>>
      tpu.wait_dma2 semaphore(%run_scoped3A_297 : memref<!tpu.dma_semaphore, #tpu.memory_space<semaphore_mem>>) src(%dma_wait3A_301 : memref<64xi32, #tpu.memory_space<hbm>>) dst(%arg8 : memref<64xi32, #tpu.memory_space<vmem>>)
      tpu.yield
    }) : () -> ()
    "tpu.region"() ({
      %run_scoped3A_297 = tpu.sem_alloc : memref<!tpu.dma_semaphore, #tpu.memory_space<semaphore_mem>>
      %dma_start3A_298 = tpu.memref_slice %arg4[%mul3A_92] : memref<327680xi32, #tpu.memory_space<hbm>> -> memref<64xi32, #tpu.memory_space<hbm>>
      %dma_start3A_299 = tpu.memref_slice %arg4[%mul3A_92] : memref<327680xi32, #tpu.memory_space<hbm>> -> memref<64xi32, #tpu.memory_space<hbm>>
      tpu.enqueue_dma source(%dma_start3A_299 : memref<64xi32, #tpu.memory_space<hbm>>) target(%arg12 : memref<64xi32, #tpu.memory_space<vmem>>) target_semaphore(%run_scoped3A_297 : memref<!tpu.dma_semaphore, #tpu.memory_space<semaphore_mem>>)
      %dma_wait3A_300 = tpu.memref_slice %arg4[%mul3A_92] : memref<327680xi32, #tpu.memory_space<hbm>> -> memref<64xi32, #tpu.memory_space<hbm>>
      %dma_wait3A_301 = tpu.memref_slice %arg4[%mul3A_92] : memref<327680xi32, #tpu.memory_space<hbm>> -> memref<64xi32, #tpu.memory_space<hbm>>
      tpu.wait_dma2 semaphore(%run_scoped3A_297 : memref<!tpu.dma_semaphore, #tpu.memory_space<semaphore_mem>>) src(%dma_wait3A_301 : memref<64xi32, #tpu.memory_space<hbm>>) dst(%arg12 : memref<64xi32, #tpu.memory_space<vmem>>)
      tpu.yield
    }) : () -> ()
    "tpu.region"() ({
      %run_scoped3A_297 = tpu.sem_alloc : memref<!tpu.dma_semaphore, #tpu.memory_space<semaphore_mem>>
      %dma_start3A_298 = tpu.memref_slice %arg5[%mul3A_92] : memref<327680xf32, #tpu.memory_space<hbm>> -> memref<64xf32, #tpu.memory_space<hbm>>
      %dma_start3A_299 = tpu.memref_slice %arg5[%mul3A_92] : memref<327680xf32, #tpu.memory_space<hbm>> -> memref<64xf32, #tpu.memory_space<hbm>>
      tpu.enqueue_dma source(%dma_start3A_299 : memref<64xf32, #tpu.memory_space<hbm>>) target(%arg16 : memref<64xf32, #tpu.memory_space<vmem>>) target_semaphore(%run_scoped3A_297 : memref<!tpu.dma_semaphore, #tpu.memory_space<semaphore_mem>>)
      %dma_wait3A_300 = tpu.memref_slice %arg5[%mul3A_92] : memref<327680xf32, #tpu.memory_space<hbm>> -> memref<64xf32, #tpu.memory_space<hbm>>
      %dma_wait3A_301 = tpu.memref_slice %arg5[%mul3A_92] : memref<327680xf32, #tpu.memory_space<hbm>> -> memref<64xf32, #tpu.memory_space<hbm>>
      tpu.wait_dma2 semaphore(%run_scoped3A_297 : memref<!tpu.dma_semaphore, #tpu.memory_space<semaphore_mem>>) src(%dma_wait3A_301 : memref<64xf32, #tpu.memory_space<hbm>>) dst(%arg16 : memref<64xf32, #tpu.memory_space<vmem>>)
      tpu.yield
    }) : () -> ()
    %get3A = arith.constant 0 : index
    %get3A_93 = tpu.vector_load %arg8[%get3A] {strides = array<i32>} : memref<64xi32, #tpu.memory_space<vmem>>, vector<16xi32>,
    %get3A_94 = arith.constant 0 : index
    %get3A_95 = tpu.vector_load %arg12[%get3A_94] {strides = array<i32>} : memref<64xi32, #tpu.memory_space<vmem>>, vector<16xi32>,
    %get3A_96 = arith.constant 0 : index
    %get3A_97 = tpu.vector_load %arg16[%get3A_96] {strides = array<i32>} : memref<64xf32, #tpu.memory_space<vmem>>, vector<16xf32>,
    %gather3A = tpu.vector_load_idx %arg42[%get3A_93] : memref<10112xf32, #tpu.memory_space<vmem>>[vector<16xi32>], vector<16xf32>,
    %gather3A_98 = tpu.vector_load_idx %arg42[%get3A_95] : memref<10112xf32, #tpu.memory_space<vmem>>[vector<16xi32>], vector<16xf32>,
    %swap3A = arith.constant 0 : index
    %swap3A_99 = tpu.vector_load %arg26[%swap3A] {strides = array<i32>} : memref<64xf32, #tpu.memory_space<vmem>>, vector<16xf32>,
    tpu.vector_store %arg26[%swap3A], %get3A_97 {strides = array<i32>} : memref<64xf32, #tpu.memory_space<vmem>>, vector<16xf32>,
    %mul3A_100 = arith.mulf %gather3A, %get3A_97 : vector<16xf32>
    %mul3A_101 = arith.mulf %mul3A_100, %gather3A_98 : vector<16xf32>
    %swap3A_102 = arith.constant 0 : index
    %swap3A_103 = tpu.vector_load %arg30[%swap3A_102] {strides = array<i32>} : memref<64xf32, #tpu.memory_space<vmem>>, vector<16xf32>,
    tpu.vector_store %arg30[%swap3A_102], %mul3A_101 {strides = array<i32>} : memref<64xf32, #tpu.memory_space<vmem>>, vector<16xf32>,
    %add3A_104 = vector.broadcast %mul3A_0 : i32 to vector<16xi32>
    %add3A_105 = arith.addi %get3A_93, %add3A_104 : vector<16xi32>
    %swap3A_106 = arith.constant 0 : index
    %swap3A_107 = tpu.vector_load %arg20[%swap3A_106] {strides = array<i32>} : memref<64xi32, #tpu.memory_space<vmem>>, vector<16xi32>,
    tpu.vector_store %arg20[%swap3A_106], %add3A_105 {strides = array<i32>} : memref<64xi32, #tpu.memory_space<vmem>>, vector<16xi32>,
    %get3A_108 = arith.constant 16 : index
    %get3A_109 = tpu.vector_load %arg8[%get3A_108] {strides = array<i32>} : memref<64xi32, #tpu.memory_space<vmem>>, vector<16xi32>,
    %get3A_110 = arith.constant 16 : index
    %get3A_111 = tpu.vector_load %arg12[%get3A_110] {strides = array<i32>} : memref<64xi32, #tpu.memory_space<vmem>>, vector<16xi32>,
    %get3A_112 = arith.constant 16 : index
    %get3A_113 = tpu.vector_load %arg16[%get3A_112] {strides = array<i32>} : memref<64xf32, #tpu.memory_space<vmem>>, vector<16xf32>,
    %gather3A_114 = tpu.vector_load_idx %arg42[%get3A_109] : memref<10112xf32, #tpu.memory_space<vmem>>[vector<16xi32>], vector<16xf32>,
    %gather3A_115 = tpu.vector_load_idx %arg42[%get3A_111] : memref<10112xf32, #tpu.memory_space<vmem>>[vector<16xi32>], vector<16xf32>,
    %swap3A_116 = arith.constant 16 : index
    %swap3A_117 = tpu.vector_load %arg26[%swap3A_116] {strides = array<i32>} : memref<64xf32, #tpu.memory_space<vmem>>, vector<16xf32>,
    tpu.vector_store %arg26[%swap3A_116], %get3A_113 {strides = array<i32>} : memref<64xf32, #tpu.memory_space<vmem>>, vector<16xf32>,
    %mul3A_118 = arith.mulf %gather3A_114, %get3A_113 : vector<16xf32>
    %mul3A_119 = arith.mulf %mul3A_118, %gather3A_115 : vector<16xf32>
    %swap3A_120 = arith.constant 16 : index
    %swap3A_121 = tpu.vector_load %arg30[%swap3A_120] {strides = array<i32>} : memref<64xf32, #tpu.memory_space<vmem>>, vector<16xf32>,
    tpu.vector_store %arg30[%swap3A_120], %mul3A_119 {strides = array<i32>} : memref<64xf32, #tpu.memory_space<vmem>>, vector<16xf32>,
    %add3A_122 = vector.broadcast %mul3A_0 : i32 to vector<16xi32>
    %add3A_123 = arith.addi %get3A_109, %add3A_122 : vector<16xi32>
    %swap3A_124 = arith.constant 16 : index
    %swap3A_125 = tpu.vector_load %arg20[%swap3A_124] {strides = array<i32>} : memref<64xi32, #tpu.memory_space<vmem>>, vector<16xi32>,
    tpu.vector_store %arg20[%swap3A_124], %add3A_123 {strides = array<i32>} : memref<64xi32, #tpu.memory_space<vmem>>, vector<16xi32>,
    %get3A_126 = arith.constant 32 : index
    %get3A_127 = tpu.vector_load %arg8[%get3A_126] {strides = array<i32>} : memref<64xi32, #tpu.memory_space<vmem>>, vector<16xi32>,
    %get3A_128 = arith.constant 32 : index
    %get3A_129 = tpu.vector_load %arg12[%get3A_128] {strides = array<i32>} : memref<64xi32, #tpu.memory_space<vmem>>, vector<16xi32>,
    %get3A_130 = arith.constant 32 : index
    %get3A_131 = tpu.vector_load %arg16[%get3A_130] {strides = array<i32>} : memref<64xf32, #tpu.memory_space<vmem>>, vector<16xf32>,
    %gather3A_132 = tpu.vector_load_idx %arg42[%get3A_127] : memref<10112xf32, #tpu.memory_space<vmem>>[vector<16xi32>], vector<16xf32>,
    %gather3A_133 = tpu.vector_load_idx %arg42[%get3A_129] : memref<10112xf32, #tpu.memory_space<vmem>>[vector<16xi32>], vector<16xf32>,
    %swap3A_134 = arith.constant 32 : index
    %swap3A_135 = tpu.vector_load %arg26[%swap3A_134] {strides = array<i32>} : memref<64xf32, #tpu.memory_space<vmem>>, vector<16xf32>,
    tpu.vector_store %arg26[%swap3A_134], %get3A_131 {strides = array<i32>} : memref<64xf32, #tpu.memory_space<vmem>>, vector<16xf32>,
    %mul3A_136 = arith.mulf %gather3A_132, %get3A_131 : vector<16xf32>
    %mul3A_137 = arith.mulf %mul3A_136, %gather3A_133 : vector<16xf32>
    %swap3A_138 = arith.constant 32 : index
    %swap3A_139 = tpu.vector_load %arg30[%swap3A_138] {strides = array<i32>} : memref<64xf32, #tpu.memory_space<vmem>>, vector<16xf32>,
    tpu.vector_store %arg30[%swap3A_138], %mul3A_137 {strides = array<i32>} : memref<64xf32, #tpu.memory_space<vmem>>, vector<16xf32>,
    %add3A_140 = vector.broadcast %mul3A_0 : i32 to vector<16xi32>
    %add3A_141 = arith.addi %get3A_127, %add3A_140 : vector<16xi32>
    %swap3A_142 = arith.constant 32 : index
    %swap3A_143 = tpu.vector_load %arg20[%swap3A_142] {strides = array<i32>} : memref<64xi32, #tpu.memory_space<vmem>>, vector<16xi32>,
    tpu.vector_store %arg20[%swap3A_142], %add3A_141 {strides = array<i32>} : memref<64xi32, #tpu.memory_space<vmem>>, vector<16xi32>,
    %get3A_144 = arith.constant 48 : index
    %get3A_145 = tpu.vector_load %arg8[%get3A_144] {strides = array<i32>} : memref<64xi32, #tpu.memory_space<vmem>>, vector<16xi32>,
    %get3A_146 = arith.constant 48 : index
    %get3A_147 = tpu.vector_load %arg12[%get3A_146] {strides = array<i32>} : memref<64xi32, #tpu.memory_space<vmem>>, vector<16xi32>,
    %get3A_148 = arith.constant 48 : index
    %get3A_149 = tpu.vector_load %arg16[%get3A_148] {strides = array<i32>} : memref<64xf32, #tpu.memory_space<vmem>>, vector<16xf32>,
    %gather3A_150 = tpu.vector_load_idx %arg42[%get3A_145] : memref<10112xf32, #tpu.memory_space<vmem>>[vector<16xi32>], vector<16xf32>,
    %gather3A_151 = tpu.vector_load_idx %arg42[%get3A_147] : memref<10112xf32, #tpu.memory_space<vmem>>[vector<16xi32>], vector<16xf32>,
    %swap3A_152 = arith.constant 48 : index
    %swap3A_153 = tpu.vector_load %arg26[%swap3A_152] {strides = array<i32>} : memref<64xf32, #tpu.memory_space<vmem>>, vector<16xf32>,
    tpu.vector_store %arg26[%swap3A_152], %get3A_149 {strides = array<i32>} : memref<64xf32, #tpu.memory_space<vmem>>, vector<16xf32>,
    %mul3A_154 = arith.mulf %gather3A_150, %get3A_149 : vector<16xf32>
    %mul3A_155 = arith.mulf %mul3A_154, %gather3A_151 : vector<16xf32>
    %swap3A_156 = arith.constant 48 : index
    %swap3A_157 = tpu.vector_load %arg30[%swap3A_156] {strides = array<i32>} : memref<64xf32, #tpu.memory_space<vmem>>, vector<16xf32>,
    tpu.vector_store %arg30[%swap3A_156], %mul3A_155 {strides = array<i32>} : memref<64xf32, #tpu.memory_space<vmem>>, vector<16xf32>,
    %add3A_158 = vector.broadcast %mul3A_0 : i32 to vector<16xi32>
    %add3A_159 = arith.addi %get3A_145, %add3A_158 : vector<16xi32>
    %swap3A_160 = arith.constant 48 : index
    %swap3A_161 = tpu.vector_load %arg20[%swap3A_160] {strides = array<i32>} : memref<64xi32, #tpu.memory_space<vmem>>, vector<16xi32>,
    tpu.vector_store %arg20[%swap3A_160], %add3A_159 {strides = array<i32>} : memref<64xi32, #tpu.memory_space<vmem>>, vector<16xi32>,
    %dma_start3A = arith.constant 0 : i32
    %dma_start3A_162 = arith.constant 0 : i32
    %dma_start3A_163 = tpu.memref_slice %arg2[%dma_start3A, %dma_start3A_162] : memref<20224x64xf32, #tpu.memory_space<hbm>> -> memref<20224x64xf32, #tpu.memory_space<hbm>>
    tpu.enqueue_indirect_dma source(%dma_start3A_163 : memref<20224x64xf32, #tpu.memory_space<hbm>>) target(%arg34 : memref<64x64xf32, #tpu.memory_space<vmem>>) offsets(%arg20 : memref<64xi32, #tpu.memory_space<vmem>>) semaphore(%arg49 : memref<!tpu.dma_semaphore, #tpu.memory_space<semaphore_mem>>)
    %mul3A_164 = arith.constant 320 : i32
    %mul3A_165 = arith.muli %arg1, %mul3A_164 : i32
    %add3A_166 = arith.constant 1 : i32
    %add3A_167 = arith.addi %mul3A_165, %add3A_166 : i32
    %mul3A_168 = arith.constant 64 : i32
    %mul3A_169 = arith.muli %add3A_167, %mul3A_168 : i32
    "tpu.region"() ({
      %run_scoped3A_297 = tpu.sem_alloc : memref<!tpu.dma_semaphore, #tpu.memory_space<semaphore_mem>>
      %dma_start3A_298 = tpu.memref_slice %arg3[%mul3A_169] : memref<327680xi32, #tpu.memory_space<hbm>> -> memref<64xi32, #tpu.memory_space<hbm>>
      %dma_start3A_299 = tpu.memref_slice %arg3[%mul3A_169] : memref<327680xi32, #tpu.memory_space<hbm>> -> memref<64xi32, #tpu.memory_space<hbm>>
      tpu.enqueue_dma source(%dma_start3A_299 : memref<64xi32, #tpu.memory_space<hbm>>) target(%arg9 : memref<64xi32, #tpu.memory_space<vmem>>) target_semaphore(%run_scoped3A_297 : memref<!tpu.dma_semaphore, #tpu.memory_space<semaphore_mem>>)
      %dma_wait3A_300 = tpu.memref_slice %arg3[%mul3A_169] : memref<327680xi32, #tpu.memory_space<hbm>> -> memref<64xi32, #tpu.memory_space<hbm>>
      %dma_wait3A_301 = tpu.memref_slice %arg3[%mul3A_169] : memref<327680xi32, #tpu.memory_space<hbm>> -> memref<64xi32, #tpu.memory_space<hbm>>
      tpu.wait_dma2 semaphore(%run_scoped3A_297 : memref<!tpu.dma_semaphore, #tpu.memory_space<semaphore_mem>>) src(%dma_wait3A_301 : memref<64xi32, #tpu.memory_space<hbm>>) dst(%arg9 : memref<64xi32, #tpu.memory_space<vmem>>)
      tpu.yield
    }) : () -> ()
    "tpu.region"() ({
      %run_scoped3A_297 = tpu.sem_alloc : memref<!tpu.dma_semaphore, #tpu.memory_space<semaphore_mem>>
      %dma_start3A_298 = tpu.memref_slice %arg4[%mul3A_169] : memref<327680xi32, #tpu.memory_space<hbm>> -> memref<64xi32, #tpu.memory_space<hbm>>
      %dma_start3A_299 = tpu.memref_slice %arg4[%mul3A_169] : memref<327680xi32, #tpu.memory_space<hbm>> -> memref<64xi32, #tpu.memory_space<hbm>>
      tpu.enqueue_dma source(%dma_start3A_299 : memref<64xi32, #tpu.memory_space<hbm>>) target(%arg13 : memref<64xi32, #tpu.memory_space<vmem>>) target_semaphore(%run_scoped3A_297 : memref<!tpu.dma_semaphore, #tpu.memory_space<semaphore_mem>>)
      %dma_wait3A_300 = tpu.memref_slice %arg4[%mul3A_169] : memref<327680xi32, #tpu.memory_space<hbm>> -> memref<64xi32, #tpu.memory_space<hbm>>
      %dma_wait3A_301 = tpu.memref_slice %arg4[%mul3A_169] : memref<327680xi32, #tpu.memory_space<hbm>> -> memref<64xi32, #tpu.memory_space<hbm>>
      tpu.wait_dma2 semaphore(%run_scoped3A_297 : memref<!tpu.dma_semaphore, #tpu.memory_space<semaphore_mem>>) src(%dma_wait3A_301 : memref<64xi32, #tpu.memory_space<hbm>>) dst(%arg13 : memref<64xi32, #tpu.memory_space<vmem>>)
      tpu.yield
    }) : () -> ()
    "tpu.region"() ({
      %run_scoped3A_297 = tpu.sem_alloc : memref<!tpu.dma_semaphore, #tpu.memory_space<semaphore_mem>>
      %dma_start3A_298 = tpu.memref_slice %arg5[%mul3A_169] : memref<327680xf32, #tpu.memory_space<hbm>> -> memref<64xf32, #tpu.memory_space<hbm>>
      %dma_start3A_299 = tpu.memref_slice %arg5[%mul3A_169] : memref<327680xf32, #tpu.memory_space<hbm>> -> memref<64xf32, #tpu.memory_space<hbm>>
      tpu.enqueue_dma source(%dma_start3A_299 : memref<64xf32, #tpu.memory_space<hbm>>) target(%arg17 : memref<64xf32, #tpu.memory_space<vmem>>) target_semaphore(%run_scoped3A_297 : memref<!tpu.dma_semaphore, #tpu.memory_space<semaphore_mem>>)
      %dma_wait3A_300 = tpu.memref_slice %arg5[%mul3A_169] : memref<327680xf32, #tpu.memory_space<hbm>> -> memref<64xf32, #tpu.memory_space<hbm>>
      %dma_wait3A_301 = tpu.memref_slice %arg5[%mul3A_169] : memref<327680xf32, #tpu.memory_space<hbm>> -> memref<64xf32, #tpu.memory_space<hbm>>
      tpu.wait_dma2 semaphore(%run_scoped3A_297 : memref<!tpu.dma_semaphore, #tpu.memory_space<semaphore_mem>>) src(%dma_wait3A_301 : memref<64xf32, #tpu.memory_space<hbm>>) dst(%arg17 : memref<64xf32, #tpu.memory_space<vmem>>)
      tpu.yield
    }) : () -> ()
    %get3A_170 = arith.constant 0 : index
    %get3A_171 = tpu.vector_load %arg9[%get3A_170] {strides = array<i32>} : memref<64xi32, #tpu.memory_space<vmem>>, vector<16xi32>,
    %get3A_172 = arith.constant 0 : index
    %get3A_173 = tpu.vector_load %arg13[%get3A_172] {strides = array<i32>} : memref<64xi32, #tpu.memory_space<vmem>>, vector<16xi32>,
    %get3A_174 = arith.constant 0 : index
    %get3A_175 = tpu.vector_load %arg17[%get3A_174] {strides = array<i32>} : memref<64xf32, #tpu.memory_space<vmem>>, vector<16xf32>,
    %gather3A_176 = tpu.vector_load_idx %arg42[%get3A_171] : memref<10112xf32, #tpu.memory_space<vmem>>[vector<16xi32>], vector<16xf32>,
    %gather3A_177 = tpu.vector_load_idx %arg42[%get3A_173] : memref<10112xf32, #tpu.memory_space<vmem>>[vector<16xi32>], vector<16xf32>,
    %swap3A_178 = arith.constant 0 : index
    %swap3A_179 = tpu.vector_load %arg27[%swap3A_178] {strides = array<i32>} : memref<64xf32, #tpu.memory_space<vmem>>, vector<16xf32>,
    tpu.vector_store %arg27[%swap3A_178], %get3A_175 {strides = array<i32>} : memref<64xf32, #tpu.memory_space<vmem>>, vector<16xf32>,
    %mul3A_180 = arith.mulf %gather3A_176, %get3A_175 : vector<16xf32>
    %mul3A_181 = arith.mulf %mul3A_180, %gather3A_177 : vector<16xf32>
    %swap3A_182 = arith.constant 0 : index
    %swap3A_183 = tpu.vector_load %arg31[%swap3A_182] {strides = array<i32>} : memref<64xf32, #tpu.memory_space<vmem>>, vector<16xf32>,
    tpu.vector_store %arg31[%swap3A_182], %mul3A_181 {strides = array<i32>} : memref<64xf32, #tpu.memory_space<vmem>>, vector<16xf32>,
    %add3A_184 = vector.broadcast %mul3A_0 : i32 to vector<16xi32>
    %add3A_185 = arith.addi %get3A_171, %add3A_184 : vector<16xi32>
    %swap3A_186 = arith.constant 0 : index
    %swap3A_187 = tpu.vector_load %arg21[%swap3A_186] {strides = array<i32>} : memref<64xi32, #tpu.memory_space<vmem>>, vector<16xi32>,
    tpu.vector_store %arg21[%swap3A_186], %add3A_185 {strides = array<i32>} : memref<64xi32, #tpu.memory_space<vmem>>, vector<16xi32>,
    %get3A_188 = arith.constant 16 : index
    %get3A_189 = tpu.vector_load %arg9[%get3A_188] {strides = array<i32>} : memref<64xi32, #tpu.memory_space<vmem>>, vector<16xi32>,
    %get3A_190 = arith.constant 16 : index
    %get3A_191 = tpu.vector_load %arg13[%get3A_190] {strides = array<i32>} : memref<64xi32, #tpu.memory_space<vmem>>, vector<16xi32>,
    %get3A_192 = arith.constant 16 : index
    %get3A_193 = tpu.vector_load %arg17[%get3A_192] {strides = array<i32>} : memref<64xf32, #tpu.memory_space<vmem>>, vector<16xf32>,
    %gather3A_194 = tpu.vector_load_idx %arg42[%get3A_189] : memref<10112xf32, #tpu.memory_space<vmem>>[vector<16xi32>], vector<16xf32>,
    %gather3A_195 = tpu.vector_load_idx %arg42[%get3A_191] : memref<10112xf32, #tpu.memory_space<vmem>>[vector<16xi32>], vector<16xf32>,
    %swap3A_196 = arith.constant 16 : index
    %swap3A_197 = tpu.vector_load %arg27[%swap3A_196] {strides = array<i32>} : memref<64xf32, #tpu.memory_space<vmem>>, vector<16xf32>,
    tpu.vector_store %arg27[%swap3A_196], %get3A_193 {strides = array<i32>} : memref<64xf32, #tpu.memory_space<vmem>>, vector<16xf32>,
    %mul3A_198 = arith.mulf %gather3A_194, %get3A_193 : vector<16xf32>
    %mul3A_199 = arith.mulf %mul3A_198, %gather3A_195 : vector<16xf32>
    %swap3A_200 = arith.constant 16 : index
    %swap3A_201 = tpu.vector_load %arg31[%swap3A_200] {strides = array<i32>} : memref<64xf32, #tpu.memory_space<vmem>>, vector<16xf32>,
    tpu.vector_store %arg31[%swap3A_200], %mul3A_199 {strides = array<i32>} : memref<64xf32, #tpu.memory_space<vmem>>, vector<16xf32>,
    %add3A_202 = vector.broadcast %mul3A_0 : i32 to vector<16xi32>
    %add3A_203 = arith.addi %get3A_189, %add3A_202 : vector<16xi32>
    %swap3A_204 = arith.constant 16 : index
    %swap3A_205 = tpu.vector_load %arg21[%swap3A_204] {strides = array<i32>} : memref<64xi32, #tpu.memory_space<vmem>>, vector<16xi32>,
    tpu.vector_store %arg21[%swap3A_204], %add3A_203 {strides = array<i32>} : memref<64xi32, #tpu.memory_space<vmem>>, vector<16xi32>,
    %get3A_206 = arith.constant 32 : index
    %get3A_207 = tpu.vector_load %arg9[%get3A_206] {strides = array<i32>} : memref<64xi32, #tpu.memory_space<vmem>>, vector<16xi32>,
    %get3A_208 = arith.constant 32 : index
    %get3A_209 = tpu.vector_load %arg13[%get3A_208] {strides = array<i32>} : memref<64xi32, #tpu.memory_space<vmem>>, vector<16xi32>,
    %get3A_210 = arith.constant 32 : index
    %get3A_211 = tpu.vector_load %arg17[%get3A_210] {strides = array<i32>} : memref<64xf32, #tpu.memory_space<vmem>>, vector<16xf32>,
    %gather3A_212 = tpu.vector_load_idx %arg42[%get3A_207] : memref<10112xf32, #tpu.memory_space<vmem>>[vector<16xi32>], vector<16xf32>,
    %gather3A_213 = tpu.vector_load_idx %arg42[%get3A_209] : memref<10112xf32, #tpu.memory_space<vmem>>[vector<16xi32>], vector<16xf32>,
    %swap3A_214 = arith.constant 32 : index
    %swap3A_215 = tpu.vector_load %arg27[%swap3A_214] {strides = array<i32>} : memref<64xf32, #tpu.memory_space<vmem>>, vector<16xf32>,
    tpu.vector_store %arg27[%swap3A_214], %get3A_211 {strides = array<i32>} : memref<64xf32, #tpu.memory_space<vmem>>, vector<16xf32>,
    %mul3A_216 = arith.mulf %gather3A_212, %get3A_211 : vector<16xf32>
    %mul3A_217 = arith.mulf %mul3A_216, %gather3A_213 : vector<16xf32>
    %swap3A_218 = arith.constant 32 : index
    %swap3A_219 = tpu.vector_load %arg31[%swap3A_218] {strides = array<i32>} : memref<64xf32, #tpu.memory_space<vmem>>, vector<16xf32>,
    tpu.vector_store %arg31[%swap3A_218], %mul3A_217 {strides = array<i32>} : memref<64xf32, #tpu.memory_space<vmem>>, vector<16xf32>,
    %add3A_220 = vector.broadcast %mul3A_0 : i32 to vector<16xi32>
    %add3A_221 = arith.addi %get3A_207, %add3A_220 : vector<16xi32>
    %swap3A_222 = arith.constant 32 : index
    %swap3A_223 = tpu.vector_load %arg21[%swap3A_222] {strides = array<i32>} : memref<64xi32, #tpu.memory_space<vmem>>, vector<16xi32>,
    tpu.vector_store %arg21[%swap3A_222], %add3A_221 {strides = array<i32>} : memref<64xi32, #tpu.memory_space<vmem>>, vector<16xi32>,
    %get3A_224 = arith.constant 48 : index
    %get3A_225 = tpu.vector_load %arg9[%get3A_224] {strides = array<i32>} : memref<64xi32, #tpu.memory_space<vmem>>, vector<16xi32>,
    %get3A_226 = arith.constant 48 : index
    %get3A_227 = tpu.vector_load %arg13[%get3A_226] {strides = array<i32>} : memref<64xi32, #tpu.memory_space<vmem>>, vector<16xi32>,
    %get3A_228 = arith.constant 48 : index
    %get3A_229 = tpu.vector_load %arg17[%get3A_228] {strides = array<i32>} : memref<64xf32, #tpu.memory_space<vmem>>, vector<16xf32>,
    %gather3A_230 = tpu.vector_load_idx %arg42[%get3A_225] : memref<10112xf32, #tpu.memory_space<vmem>>[vector<16xi32>], vector<16xf32>,
    %gather3A_231 = tpu.vector_load_idx %arg42[%get3A_227] : memref<10112xf32, #tpu.memory_space<vmem>>[vector<16xi32>], vector<16xf32>,
    %swap3A_232 = arith.constant 48 : index
    %swap3A_233 = tpu.vector_load %arg27[%swap3A_232] {strides = array<i32>} : memref<64xf32, #tpu.memory_space<vmem>>, vector<16xf32>,
    tpu.vector_store %arg27[%swap3A_232], %get3A_229 {strides = array<i32>} : memref<64xf32, #tpu.memory_space<vmem>>, vector<16xf32>,
    %mul3A_234 = arith.mulf %gather3A_230, %get3A_229 : vector<16xf32>
    %mul3A_235 = arith.mulf %mul3A_234, %gather3A_231 : vector<16xf32>
    %swap3A_236 = arith.constant 48 : index
    %swap3A_237 = tpu.vector_load %arg31[%swap3A_236] {strides = array<i32>} : memref<64xf32, #tpu.memory_space<vmem>>, vector<16xf32>,
    tpu.vector_store %arg31[%swap3A_236], %mul3A_235 {strides = array<i32>} : memref<64xf32, #tpu.memory_space<vmem>>, vector<16xf32>,
    %add3A_238 = vector.broadcast %mul3A_0 : i32 to vector<16xi32>
    %add3A_239 = arith.addi %get3A_225, %add3A_238 : vector<16xi32>
    %swap3A_240 = arith.constant 48 : index
    %swap3A_241 = tpu.vector_load %arg21[%swap3A_240] {strides = array<i32>} : memref<64xi32, #tpu.memory_space<vmem>>, vector<16xi32>,
    tpu.vector_store %arg21[%swap3A_240], %add3A_239 {strides = array<i32>} : memref<64xi32, #tpu.memory_space<vmem>>, vector<16xi32>,
    %dma_start3A_242 = arith.constant 0 : i32
    %dma_start3A_243 = arith.constant 0 : i32
    %dma_start3A_244 = tpu.memref_slice %arg2[%dma_start3A_242, %dma_start3A_243] : memref<20224x64xf32, #tpu.memory_space<hbm>> -> memref<20224x64xf32, #tpu.memory_space<hbm>>
    tpu.enqueue_indirect_dma source(%dma_start3A_244 : memref<20224x64xf32, #tpu.memory_space<hbm>>) target(%arg35 : memref<64x64xf32, #tpu.memory_space<vmem>>) offsets(%arg21 : memref<64xi32, #tpu.memory_space<vmem>>) semaphore(%arg50 : memref<!tpu.dma_semaphore, #tpu.memory_space<semaphore_mem>>)
    %mul3A_245 = arith.constant 320 : i32
    %mul3A_246 = arith.muli %arg1, %mul3A_245 : i32
    %add3A_247 = arith.constant 2 : i32
    %add3A_248 = arith.addi %mul3A_246, %add3A_247 : i32
    %mul3A_249 = arith.constant 64 : i32
    %mul3A_250 = arith.muli %add3A_248, %mul3A_249 : i32
    %dma_start3A_251 = tpu.memref_slice %arg3[%mul3A_250] : memref<327680xi32, #tpu.memory_space<hbm>> -> memref<64xi32, #tpu.memory_space<hbm>>
    %dma_start3A_252 = tpu.memref_slice %arg3[%mul3A_250] : memref<327680xi32, #tpu.memory_space<hbm>> -> memref<64xi32, #tpu.memory_space<hbm>>
    tpu.enqueue_dma source(%dma_start3A_252 : memref<64xi32, #tpu.memory_space<hbm>>) target(%arg10 : memref<64xi32, #tpu.memory_space<vmem>>) target_semaphore(%arg47 : memref<!tpu.dma_semaphore, #tpu.memory_space<semaphore_mem>>)
    %dma_start3A_253 = tpu.memref_slice %arg4[%mul3A_250] : memref<327680xi32, #tpu.memory_space<hbm>> -> memref<64xi32, #tpu.memory_space<hbm>>
    %dma_start3A_254 = tpu.memref_slice %arg4[%mul3A_250] : memref<327680xi32, #tpu.memory_space<hbm>> -> memref<64xi32, #tpu.memory_space<hbm>>
    tpu.enqueue_dma source(%dma_start3A_254 : memref<64xi32, #tpu.memory_space<hbm>>) target(%arg14 : memref<64xi32, #tpu.memory_space<vmem>>) target_semaphore(%arg47 : memref<!tpu.dma_semaphore, #tpu.memory_space<semaphore_mem>>)
    %dma_start3A_255 = tpu.memref_slice %arg5[%mul3A_250] : memref<327680xf32, #tpu.memory_space<hbm>> -> memref<64xf32, #tpu.memory_space<hbm>>
    %dma_start3A_256 = tpu.memref_slice %arg5[%mul3A_250] : memref<327680xf32, #tpu.memory_space<hbm>> -> memref<64xf32, #tpu.memory_space<hbm>>
    tpu.enqueue_dma source(%dma_start3A_256 : memref<64xf32, #tpu.memory_space<hbm>>) target(%arg18 : memref<64xf32, #tpu.memory_space<vmem>>) target_semaphore(%arg47 : memref<!tpu.dma_semaphore, #tpu.memory_space<semaphore_mem>>)
    %mul3A_257 = arith.constant 320 : i32
    %mul3A_258 = arith.muli %arg1, %mul3A_257 : i32
    %add3A_259 = arith.constant 3 : i32
    %add3A_260 = arith.addi %mul3A_258, %add3A_259 : i32
    %mul3A_261 = arith.constant 64 : i32
    %mul3A_262 = arith.muli %add3A_260, %mul3A_261 : i32
    %dma_start3A_263 = tpu.memref_slice %arg3[%mul3A_262] : memref<327680xi32, #tpu.memory_space<hbm>> -> memref<64xi32, #tpu.memory_space<hbm>>
    %dma_start3A_264 = tpu.memref_slice %arg3[%mul3A_262] : memref<327680xi32, #tpu.memory_space<hbm>> -> memref<64xi32, #tpu.memory_space<hbm>>
    tpu.enqueue_dma source(%dma_start3A_264 : memref<64xi32, #tpu.memory_space<hbm>>) target(%arg11 : memref<64xi32, #tpu.memory_space<vmem>>) target_semaphore(%arg48 : memref<!tpu.dma_semaphore, #tpu.memory_space<semaphore_mem>>)
    %dma_start3A_265 = tpu.memref_slice %arg4[%mul3A_262] : memref<327680xi32, #tpu.memory_space<hbm>> -> memref<64xi32, #tpu.memory_space<hbm>>
    %dma_start3A_266 = tpu.memref_slice %arg4[%mul3A_262] : memref<327680xi32, #tpu.memory_space<hbm>> -> memref<64xi32, #tpu.memory_space<hbm>>
    tpu.enqueue_dma source(%dma_start3A_266 : memref<64xi32, #tpu.memory_space<hbm>>) target(%arg15 : memref<64xi32, #tpu.memory_space<vmem>>) target_semaphore(%arg48 : memref<!tpu.dma_semaphore, #tpu.memory_space<semaphore_mem>>)
    %dma_start3A_267 = tpu.memref_slice %arg5[%mul3A_262] : memref<327680xf32, #tpu.memory_space<hbm>> -> memref<64xf32, #tpu.memory_space<hbm>>
    %dma_start3A_268 = tpu.memref_slice %arg5[%mul3A_262] : memref<327680xf32, #tpu.memory_space<hbm>> -> memref<64xf32, #tpu.memory_space<hbm>>
    tpu.enqueue_dma source(%dma_start3A_268 : memref<64xf32, #tpu.memory_space<hbm>>) target(%arg19 : memref<64xf32, #tpu.memory_space<vmem>>) target_semaphore(%arg48 : memref<!tpu.dma_semaphore, #tpu.memory_space<semaphore_mem>>)
    %scan3A_269 = arith.constant 0 : i32
    %scan3A_270 = arith.constant 0 : i32
    %scan3A_271 = arith.constant 80 : i32
    %scan3A_272 = arith.addi %scan3A_270, %scan3A_271 : i32
    %scan3A_273 = arith.constant 1 : i32
    %scan3A_274 = scf.for %scan3A_297 = %scan3A_270 to %scan3A_272 step %scan3A_273 iter_args(%scan3A_298 = %scan3A_269) -> (i32)  : i32 {
      %mul3A_299 = arith.constant 4 : i32
      %mul3A_300 = arith.muli %mul3A_299, %scan3A_297 : i32
      %add3A_301 = arith.constant 0 : i32
      %add3A_302 = arith.addi %mul3A_300, %add3A_301 : i32
      %add3A_303 = arith.constant 2 : i32
      %add3A_304 = arith.addi %add3A_302, %add3A_303 : i32
      %lt3A = arith.constant 320 : i32
      %lt3A_305 = arith.cmpi slt, %add3A_304, %lt3A : i32
      %convert_element_type3A = arith.extui %lt3A_305 : i1 to i32
      %cond3A = arith.constant 0 : i32
      %cond3A_306 = arith.cmpi ne, %convert_element_type3A, %cond3A : i32
      scf.if %cond3A_306 {
        %add3A_499 = arith.constant 2 : i32
        %add3A_500 = arith.addi %add3A_302, %add3A_499 : i32
        %mul3A_501 = arith.constant 320 : i32
        %mul3A_502 = arith.muli %arg1, %mul3A_501 : i32
        %add3A_503 = arith.addi %mul3A_502, %add3A_500 : i32
        %mul3A_504 = arith.constant 64 : i32
        %mul3A_505 = arith.muli %add3A_503, %mul3A_504 : i32
        %dma_wait3A_506 = tpu.memref_slice %arg3[%mul3A_505] : memref<327680xi32, #tpu.memory_space<hbm>> -> memref<64xi32, #tpu.memory_space<hbm>>
        %dma_wait3A_507 = tpu.memref_slice %arg3[%mul3A_505] : memref<327680xi32, #tpu.memory_space<hbm>> -> memref<64xi32, #tpu.memory_space<hbm>>
        tpu.wait_dma2 semaphore(%arg47 : memref<!tpu.dma_semaphore, #tpu.memory_space<semaphore_mem>>) src(%dma_wait3A_507 : memref<64xi32, #tpu.memory_space<hbm>>) dst(%arg10 : memref<64xi32, #tpu.memory_space<vmem>>)
        %dma_wait3A_508 = tpu.memref_slice %arg4[%mul3A_505] : memref<327680xi32, #tpu.memory_space<hbm>> -> memref<64xi32, #tpu.memory_space<hbm>>
        %dma_wait3A_509 = tpu.memref_slice %arg4[%mul3A_505] : memref<327680xi32, #tpu.memory_space<hbm>> -> memref<64xi32, #tpu.memory_space<hbm>>
        tpu.wait_dma2 semaphore(%arg47 : memref<!tpu.dma_semaphore, #tpu.memory_space<semaphore_mem>>) src(%dma_wait3A_509 : memref<64xi32, #tpu.memory_space<hbm>>) dst(%arg14 : memref<64xi32, #tpu.memory_space<vmem>>)
        %dma_wait3A_510 = tpu.memref_slice %arg5[%mul3A_505] : memref<327680xf32, #tpu.memory_space<hbm>> -> memref<64xf32, #tpu.memory_space<hbm>>
        %dma_wait3A_511 = tpu.memref_slice %arg5[%mul3A_505] : memref<327680xf32, #tpu.memory_space<hbm>> -> memref<64xf32, #tpu.memory_space<hbm>>
        tpu.wait_dma2 semaphore(%arg47 : memref<!tpu.dma_semaphore, #tpu.memory_space<semaphore_mem>>) src(%dma_wait3A_511 : memref<64xf32, #tpu.memory_space<hbm>>) dst(%arg18 : memref<64xf32, #tpu.memory_space<vmem>>)
        %get3A_512 = arith.constant 0 : index
        %get3A_513 = tpu.vector_load %arg10[%get3A_512] {strides = array<i32>} : memref<64xi32, #tpu.memory_space<vmem>>, vector<16xi32>,
        %get3A_514 = arith.constant 0 : index
        %get3A_515 = tpu.vector_load %arg14[%get3A_514] {strides = array<i32>} : memref<64xi32, #tpu.memory_space<vmem>>, vector<16xi32>,
        %get3A_516 = arith.constant 0 : index
        %get3A_517 = tpu.vector_load %arg18[%get3A_516] {strides = array<i32>} : memref<64xf32, #tpu.memory_space<vmem>>, vector<16xf32>,
        %gather3A_518 = tpu.vector_load_idx %arg42[%get3A_513] : memref<10112xf32, #tpu.memory_space<vmem>>[vector<16xi32>], vector<16xf32>,
        %gather3A_519 = tpu.vector_load_idx %arg42[%get3A_515] : memref<10112xf32, #tpu.memory_space<vmem>>[vector<16xi32>], vector<16xf32>,
        %swap3A_520 = arith.constant 0 : index
        %swap3A_521 = tpu.vector_load %arg28[%swap3A_520] {strides = array<i32>} : memref<64xf32, #tpu.memory_space<vmem>>, vector<16xf32>,
        tpu.vector_store %arg28[%swap3A_520], %get3A_517 {strides = array<i32>} : memref<64xf32, #tpu.memory_space<vmem>>, vector<16xf32>,
        %mul3A_522 = arith.mulf %gather3A_518, %get3A_517 : vector<16xf32>
        %mul3A_523 = arith.mulf %mul3A_522, %gather3A_519 : vector<16xf32>
        %swap3A_524 = arith.constant 0 : index
        %swap3A_525 = tpu.vector_load %arg32[%swap3A_524] {strides = array<i32>} : memref<64xf32, #tpu.memory_space<vmem>>, vector<16xf32>,
        tpu.vector_store %arg32[%swap3A_524], %mul3A_523 {strides = array<i32>} : memref<64xf32, #tpu.memory_space<vmem>>, vector<16xf32>,
        %add3A_526 = vector.broadcast %mul3A_0 : i32 to vector<16xi32>
        %add3A_527 = arith.addi %get3A_513, %add3A_526 : vector<16xi32>
        %swap3A_528 = arith.constant 0 : index
        %swap3A_529 = tpu.vector_load %arg22[%swap3A_528] {strides = array<i32>} : memref<64xi32, #tpu.memory_space<vmem>>, vector<16xi32>,
        tpu.vector_store %arg22[%swap3A_528], %add3A_527 {strides = array<i32>} : memref<64xi32, #tpu.memory_space<vmem>>, vector<16xi32>,
        %get3A_530 = arith.constant 16 : index
        %get3A_531 = tpu.vector_load %arg10[%get3A_530] {strides = array<i32>} : memref<64xi32, #tpu.memory_space<vmem>>, vector<16xi32>,
        %get3A_532 = arith.constant 16 : index
        %get3A_533 = tpu.vector_load %arg14[%get3A_532] {strides = array<i32>} : memref<64xi32, #tpu.memory_space<vmem>>, vector<16xi32>,
        %get3A_534 = arith.constant 16 : index
        %get3A_535 = tpu.vector_load %arg18[%get3A_534] {strides = array<i32>} : memref<64xf32, #tpu.memory_space<vmem>>, vector<16xf32>,
        %gather3A_536 = tpu.vector_load_idx %arg42[%get3A_531] : memref<10112xf32, #tpu.memory_space<vmem>>[vector<16xi32>], vector<16xf32>,
        %gather3A_537 = tpu.vector_load_idx %arg42[%get3A_533] : memref<10112xf32, #tpu.memory_space<vmem>>[vector<16xi32>], vector<16xf32>,
        %swap3A_538 = arith.constant 16 : index
        %swap3A_539 = tpu.vector_load %arg28[%swap3A_538] {strides = array<i32>} : memref<64xf32, #tpu.memory_space<vmem>>, vector<16xf32>,
        tpu.vector_store %arg28[%swap3A_538], %get3A_535 {strides = array<i32>} : memref<64xf32, #tpu.memory_space<vmem>>, vector<16xf32>,
        %mul3A_540 = arith.mulf %gather3A_536, %get3A_535 : vector<16xf32>
        %mul3A_541 = arith.mulf %mul3A_540, %gather3A_537 : vector<16xf32>
        %swap3A_542 = arith.constant 16 : index
        %swap3A_543 = tpu.vector_load %arg32[%swap3A_542] {strides = array<i32>} : memref<64xf32, #tpu.memory_space<vmem>>, vector<16xf32>,
        tpu.vector_store %arg32[%swap3A_542], %mul3A_541 {strides = array<i32>} : memref<64xf32, #tpu.memory_space<vmem>>, vector<16xf32>,
        %add3A_544 = vector.broadcast %mul3A_0 : i32 to vector<16xi32>
        %add3A_545 = arith.addi %get3A_531, %add3A_544 : vector<16xi32>
        %swap3A_546 = arith.constant 16 : index
        %swap3A_547 = tpu.vector_load %arg22[%swap3A_546] {strides = array<i32>} : memref<64xi32, #tpu.memory_space<vmem>>, vector<16xi32>,
        tpu.vector_store %arg22[%swap3A_546], %add3A_545 {strides = array<i32>} : memref<64xi32, #tpu.memory_space<vmem>>, vector<16xi32>,
        %get3A_548 = arith.constant 32 : index
        %get3A_549 = tpu.vector_load %arg10[%get3A_548] {strides = array<i32>} : memref<64xi32, #tpu.memory_space<vmem>>, vector<16xi32>,
        %get3A_550 = arith.constant 32 : index
        %get3A_551 = tpu.vector_load %arg14[%get3A_550] {strides = array<i32>} : memref<64xi32, #tpu.memory_space<vmem>>, vector<16xi32>,
        %get3A_552 = arith.constant 32 : index
        %get3A_553 = tpu.vector_load %arg18[%get3A_552] {strides = array<i32>} : memref<64xf32, #tpu.memory_space<vmem>>, vector<16xf32>,
        %gather3A_554 = tpu.vector_load_idx %arg42[%get3A_549] : memref<10112xf32, #tpu.memory_space<vmem>>[vector<16xi32>], vector<16xf32>,
        %gather3A_555 = tpu.vector_load_idx %arg42[%get3A_551] : memref<10112xf32, #tpu.memory_space<vmem>>[vector<16xi32>], vector<16xf32>,
        %swap3A_556 = arith.constant 32 : index
        %swap3A_557 = tpu.vector_load %arg28[%swap3A_556] {strides = array<i32>} : memref<64xf32, #tpu.memory_space<vmem>>, vector<16xf32>,
        tpu.vector_store %arg28[%swap3A_556], %get3A_553 {strides = array<i32>} : memref<64xf32, #tpu.memory_space<vmem>>, vector<16xf32>,
        %mul3A_558 = arith.mulf %gather3A_554, %get3A_553 : vector<16xf32>
        %mul3A_559 = arith.mulf %mul3A_558, %gather3A_555 : vector<16xf32>
        %swap3A_560 = arith.constant 32 : index
        %swap3A_561 = tpu.vector_load %arg32[%swap3A_560] {strides = array<i32>} : memref<64xf32, #tpu.memory_space<vmem>>, vector<16xf32>,
        tpu.vector_store %arg32[%swap3A_560], %mul3A_559 {strides = array<i32>} : memref<64xf32, #tpu.memory_space<vmem>>, vector<16xf32>,
        %add3A_562 = vector.broadcast %mul3A_0 : i32 to vector<16xi32>
        %add3A_563 = arith.addi %get3A_549, %add3A_562 : vector<16xi32>
        %swap3A_564 = arith.constant 32 : index
        %swap3A_565 = tpu.vector_load %arg22[%swap3A_564] {strides = array<i32>} : memref<64xi32, #tpu.memory_space<vmem>>, vector<16xi32>,
        tpu.vector_store %arg22[%swap3A_564], %add3A_563 {strides = array<i32>} : memref<64xi32, #tpu.memory_space<vmem>>, vector<16xi32>,
        %get3A_566 = arith.constant 48 : index
        %get3A_567 = tpu.vector_load %arg10[%get3A_566] {strides = array<i32>} : memref<64xi32, #tpu.memory_space<vmem>>, vector<16xi32>,
        %get3A_568 = arith.constant 48 : index
        %get3A_569 = tpu.vector_load %arg14[%get3A_568] {strides = array<i32>} : memref<64xi32, #tpu.memory_space<vmem>>, vector<16xi32>,
        %get3A_570 = arith.constant 48 : index
        %get3A_571 = tpu.vector_load %arg18[%get3A_570] {strides = array<i32>} : memref<64xf32, #tpu.memory_space<vmem>>, vector<16xf32>,
        %gather3A_572 = tpu.vector_load_idx %arg42[%get3A_567] : memref<10112xf32, #tpu.memory_space<vmem>>[vector<16xi32>], vector<16xf32>,
        %gather3A_573 = tpu.vector_load_idx %arg42[%get3A_569] : memref<10112xf32, #tpu.memory_space<vmem>>[vector<16xi32>], vector<16xf32>,
        %swap3A_574 = arith.constant 48 : index
        %swap3A_575 = tpu.vector_load %arg28[%swap3A_574] {strides = array<i32>} : memref<64xf32, #tpu.memory_space<vmem>>, vector<16xf32>,
        tpu.vector_store %arg28[%swap3A_574], %get3A_571 {strides = array<i32>} : memref<64xf32, #tpu.memory_space<vmem>>, vector<16xf32>,
        %mul3A_576 = arith.mulf %gather3A_572, %get3A_571 : vector<16xf32>
        %mul3A_577 = arith.mulf %mul3A_576, %gather3A_573 : vector<16xf32>
        %swap3A_578 = arith.constant 48 : index
        %swap3A_579 = tpu.vector_load %arg32[%swap3A_578] {strides = array<i32>} : memref<64xf32, #tpu.memory_space<vmem>>, vector<16xf32>,
        tpu.vector_store %arg32[%swap3A_578], %mul3A_577 {strides = array<i32>} : memref<64xf32, #tpu.memory_space<vmem>>, vector<16xf32>,
        %add3A_580 = vector.broadcast %mul3A_0 : i32 to vector<16xi32>
        %add3A_581 = arith.addi %get3A_567, %add3A_580 : vector<16xi32>
        %swap3A_582 = arith.constant 48 : index
        %swap3A_583 = tpu.vector_load %arg22[%swap3A_582] {strides = array<i32>} : memref<64xi32, #tpu.memory_space<vmem>>, vector<16xi32>,
        tpu.vector_store %arg22[%swap3A_582], %add3A_581 {strides = array<i32>} : memref<64xi32, #tpu.memory_space<vmem>>, vector<16xi32>,
        %dma_start3A_584 = arith.constant 0 : i32
        %dma_start3A_585 = arith.constant 0 : i32
        %dma_start3A_586 = tpu.memref_slice %arg2[%dma_start3A_584, %dma_start3A_585] : memref<20224x64xf32, #tpu.memory_space<hbm>> -> memref<20224x64xf32, #tpu.memory_space<hbm>>
        tpu.enqueue_indirect_dma source(%dma_start3A_586 : memref<20224x64xf32, #tpu.memory_space<hbm>>) target(%arg36 : memref<64x64xf32, #tpu.memory_space<vmem>>) offsets(%arg22 : memref<64xi32, #tpu.memory_space<vmem>>) semaphore(%arg51 : memref<!tpu.dma_semaphore, #tpu.memory_space<semaphore_mem>>)
      } else {
      }
      %dma_wait3A_307 = arith.constant 0 : i32
      %dma_wait3A_308 = arith.constant 0 : i32
      %dma_wait3A_309 = tpu.memref_slice %arg2[%dma_wait3A_307, %dma_wait3A_308] : memref<20224x64xf32, #tpu.memory_space<hbm>> -> memref<20224x64xf32, #tpu.memory_space<hbm>>
      tpu.wait_indirect_dma semaphore(%arg49 : memref<!tpu.dma_semaphore, #tpu.memory_space<semaphore_mem>>) src(%dma_wait3A_309 : memref<20224x64xf32, #tpu.memory_space<hbm>>) dst(%arg34 : memref<64x64xf32, #tpu.memory_space<vmem>>)
      %ge3A = arith.constant 2 : i32
      %ge3A_310 = arith.cmpi sge, %add3A_302, %ge3A : i32
      %convert_element_type3A_311 = arith.extui %ge3A_310 : i1 to i32
      %cond3A_312 = arith.constant 0 : i32
      %cond3A_313 = arith.cmpi ne, %convert_element_type3A_311, %cond3A_312 : i32
      scf.if %cond3A_313 {
        %dma_wait3A_499 = arith.constant 0 : i32
        %dma_wait3A_500 = arith.constant 0 : i32
        %dma_wait3A_501 = tpu.memref_slice %arg43[%dma_wait3A_499, %dma_wait3A_500] : memref<10112x64xf32, #tpu.memory_space<vmem_shared>> -> memref<10112x64xf32, #tpu.memory_space<vmem_shared>>
        tpu.wait_indirect_dma semaphore(%arg53 : memref<!tpu.dma_semaphore, #tpu.memory_space<semaphore_mem>>) src(%arg38 : memref<64x64xf32, #tpu.memory_space<vmem>>) dst(%dma_wait3A_501 : memref<10112x64xf32, #tpu.memory_space<vmem_shared>>)
        %dma_wait3A_502 = arith.constant 0 : i32
        %dma_wait3A_503 = arith.constant 0 : i32
        %dma_wait3A_504 = tpu.memref_slice %arg44[%dma_wait3A_502, %dma_wait3A_503] : memref<10112x64xf32, #tpu.memory_space<vmem_shared>> -> memref<10112x64xf32, #tpu.memory_space<vmem_shared>>
        tpu.wait_indirect_dma semaphore(%arg53 : memref<!tpu.dma_semaphore, #tpu.memory_space<semaphore_mem>>) src(%arg40 : memref<64x64xf32, #tpu.memory_space<vmem>>) dst(%dma_wait3A_504 : memref<10112x64xf32, #tpu.memory_space<vmem_shared>>)
      } else {
      }
      %get3A_314 = arith.constant 0 : index
      %get3A_315 = tpu.vector_load %arg12[%get3A_314] {strides = array<i32>} : memref<64xi32, #tpu.memory_space<vmem>>, vector<16xi32>,
      %swap3A_316 = arith.constant 0 : index
      %swap3A_317 = tpu.vector_load %arg24[%swap3A_316] {strides = array<i32>} : memref<64xi32, #tpu.memory_space<vmem>>, vector<16xi32>,
      tpu.vector_store %arg24[%swap3A_316], %get3A_315 {strides = array<i32>} : memref<64xi32, #tpu.memory_space<vmem>>, vector<16xi32>,
      %get3A_318 = arith.constant 16 : index
      %get3A_319 = tpu.vector_load %arg12[%get3A_318] {strides = array<i32>} : memref<64xi32, #tpu.memory_space<vmem>>, vector<16xi32>,
      %swap3A_320 = arith.constant 16 : index
      %swap3A_321 = tpu.vector_load %arg24[%swap3A_320] {strides = array<i32>} : memref<64xi32, #tpu.memory_space<vmem>>, vector<16xi32>,
      tpu.vector_store %arg24[%swap3A_320], %get3A_319 {strides = array<i32>} : memref<64xi32, #tpu.memory_space<vmem>>, vector<16xi32>,
      %get3A_322 = arith.constant 32 : index
      %get3A_323 = tpu.vector_load %arg12[%get3A_322] {strides = array<i32>} : memref<64xi32, #tpu.memory_space<vmem>>, vector<16xi32>,
      %swap3A_324 = arith.constant 32 : index
      %swap3A_325 = tpu.vector_load %arg24[%swap3A_324] {strides = array<i32>} : memref<64xi32, #tpu.memory_space<vmem>>, vector<16xi32>,
      tpu.vector_store %arg24[%swap3A_324], %get3A_323 {strides = array<i32>} : memref<64xi32, #tpu.memory_space<vmem>>, vector<16xi32>,
      %get3A_326 = arith.constant 48 : index
      %get3A_327 = tpu.vector_load %arg12[%get3A_326] {strides = array<i32>} : memref<64xi32, #tpu.memory_space<vmem>>, vector<16xi32>,
      %swap3A_328 = arith.constant 48 : index
      %swap3A_329 = tpu.vector_load %arg24[%swap3A_328] {strides = array<i32>} : memref<64xi32, #tpu.memory_space<vmem>>, vector<16xi32>,
      tpu.vector_store %arg24[%swap3A_328], %get3A_327 {strides = array<i32>} : memref<64xi32, #tpu.memory_space<vmem>>, vector<16xi32>,
      %parallel_loop3A = arith.constant 0 : i32
      %parallel_loop3A_330 = arith.constant 64 : i32
      %parallel_loop3A_331 = arith.constant 1 : i32
      scf.for %parallel_loop3A_499 = %parallel_loop3A to %parallel_loop3A_330 step %parallel_loop3A_331  : i32 {
        %parallel_loop3A_500 = vector.broadcast %parallel_loop3A_499 : i32 to vector<16xi32>
        %parallel_loop3A_501 = tpu.vector_load_idx %arg26[%parallel_loop3A_500] : memref<64xf32, #tpu.memory_space<vmem>>[vector<16xi32>], vector<16xf32>,
        %parallel_loop3A_502 = tpu.vector_load_idx %arg30[%parallel_loop3A_500] : memref<64xf32, #tpu.memory_space<vmem>>[vector<16xi32>], vector<16xf32>,
        %parallel_loop3A_503 = arith.constant 0 : i32
        %parallel_loop3A_504 = tpu.memref_slice %arg34[%parallel_loop3A_499, %parallel_loop3A_503] : memref<64x64xf32, #tpu.memory_space<vmem>> -> memref<1x64xf32, #tpu.memory_space<vmem>>
        %parallel_loop3A_505 = tpu.memref_squeeze %parallel_loop3A_504 : memref<1x64xf32, #tpu.memory_space<vmem>> -> memref<64xf32, #tpu.memory_space<vmem>>
        %parallel_loop3A_506 = arith.constant 0 : index
        %parallel_loop3A_507 = tpu.vector_load %parallel_loop3A_505[%parallel_loop3A_506] {strides = array<i32>} : memref<64xf32, #tpu.memory_space<vmem>>, vector<16xf32>,
        %parallel_loop3A_508 = arith.mulf %parallel_loop3A_507, %parallel_loop3A_501 : vector<16xf32>
        %parallel_loop3A_509 = arith.constant 0 : i32
        %parallel_loop3A_510 = tpu.memref_slice %arg38[%parallel_loop3A_499, %parallel_loop3A_509] : memref<64x64xf32, #tpu.memory_space<vmem>> -> memref<1x64xf32, #tpu.memory_space<vmem>>
        %parallel_loop3A_511 = tpu.memref_squeeze %parallel_loop3A_510 : memref<1x64xf32, #tpu.memory_space<vmem>> -> memref<64xf32, #tpu.memory_space<vmem>>
        %parallel_loop3A_512 = arith.constant 0 : index
        %parallel_loop3A_513 = tpu.vector_load %parallel_loop3A_511[%parallel_loop3A_512] {strides = array<i32>} : memref<64xf32, #tpu.memory_space<vmem>>, vector<16xf32>,
        tpu.vector_store %parallel_loop3A_511[%parallel_loop3A_512], %parallel_loop3A_508 {strides = array<i32>} : memref<64xf32, #tpu.memory_space<vmem>>, vector<16xf32>,
        %parallel_loop3A_514 = arith.mulf %parallel_loop3A_507, %parallel_loop3A_502 : vector<16xf32>
        %parallel_loop3A_515 = arith.constant 0 : i32
        %parallel_loop3A_516 = tpu.memref_slice %arg40[%parallel_loop3A_499, %parallel_loop3A_515] : memref<64x64xf32, #tpu.memory_space<vmem>> -> memref<1x64xf32, #tpu.memory_space<vmem>>
        %parallel_loop3A_517 = tpu.memref_squeeze %parallel_loop3A_516 : memref<1x64xf32, #tpu.memory_space<vmem>> -> memref<64xf32, #tpu.memory_space<vmem>>
        %parallel_loop3A_518 = arith.constant 0 : index
        %parallel_loop3A_519 = tpu.vector_load %parallel_loop3A_517[%parallel_loop3A_518] {strides = array<i32>} : memref<64xf32, #tpu.memory_space<vmem>>, vector<16xf32>,
        tpu.vector_store %parallel_loop3A_517[%parallel_loop3A_518], %parallel_loop3A_514 {strides = array<i32>} : memref<64xf32, #tpu.memory_space<vmem>>, vector<16xf32>,
        %parallel_loop3A_520 = arith.constant 0 : i32
        %parallel_loop3A_521 = tpu.memref_slice %arg34[%parallel_loop3A_499, %parallel_loop3A_520] : memref<64x64xf32, #tpu.memory_space<vmem>> -> memref<1x64xf32, #tpu.memory_space<vmem>>
        %parallel_loop3A_522 = tpu.memref_squeeze %parallel_loop3A_521 : memref<1x64xf32, #tpu.memory_space<vmem>> -> memref<64xf32, #tpu.memory_space<vmem>>
        %parallel_loop3A_523 = arith.constant 16 : index
        %parallel_loop3A_524 = tpu.vector_load %parallel_loop3A_522[%parallel_loop3A_523] {strides = array<i32>} : memref<64xf32, #tpu.memory_space<vmem>>, vector<16xf32>,
        %parallel_loop3A_525 = arith.mulf %parallel_loop3A_524, %parallel_loop3A_501 : vector<16xf32>
        %parallel_loop3A_526 = arith.constant 0 : i32
        %parallel_loop3A_527 = tpu.memref_slice %arg38[%parallel_loop3A_499, %parallel_loop3A_526] : memref<64x64xf32, #tpu.memory_space<vmem>> -> memref<1x64xf32, #tpu.memory_space<vmem>>
        %parallel_loop3A_528 = tpu.memref_squeeze %parallel_loop3A_527 : memref<1x64xf32, #tpu.memory_space<vmem>> -> memref<64xf32, #tpu.memory_space<vmem>>
        %parallel_loop3A_529 = arith.constant 16 : index
        %parallel_loop3A_530 = tpu.vector_load %parallel_loop3A_528[%parallel_loop3A_529] {strides = array<i32>} : memref<64xf32, #tpu.memory_space<vmem>>, vector<16xf32>,
        tpu.vector_store %parallel_loop3A_528[%parallel_loop3A_529], %parallel_loop3A_525 {strides = array<i32>} : memref<64xf32, #tpu.memory_space<vmem>>, vector<16xf32>,
        %parallel_loop3A_531 = arith.mulf %parallel_loop3A_524, %parallel_loop3A_502 : vector<16xf32>
        %parallel_loop3A_532 = arith.constant 0 : i32
        %parallel_loop3A_533 = tpu.memref_slice %arg40[%parallel_loop3A_499, %parallel_loop3A_532] : memref<64x64xf32, #tpu.memory_space<vmem>> -> memref<1x64xf32, #tpu.memory_space<vmem>>
        %parallel_loop3A_534 = tpu.memref_squeeze %parallel_loop3A_533 : memref<1x64xf32, #tpu.memory_space<vmem>> -> memref<64xf32, #tpu.memory_space<vmem>>
        %parallel_loop3A_535 = arith.constant 16 : index
        %parallel_loop3A_536 = tpu.vector_load %parallel_loop3A_534[%parallel_loop3A_535] {strides = array<i32>} : memref<64xf32, #tpu.memory_space<vmem>>, vector<16xf32>,
        tpu.vector_store %parallel_loop3A_534[%parallel_loop3A_535], %parallel_loop3A_531 {strides = array<i32>} : memref<64xf32, #tpu.memory_space<vmem>>, vector<16xf32>,
        %parallel_loop3A_537 = arith.constant 0 : i32
        %parallel_loop3A_538 = tpu.memref_slice %arg34[%parallel_loop3A_499, %parallel_loop3A_537] : memref<64x64xf32, #tpu.memory_space<vmem>> -> memref<1x64xf32, #tpu.memory_space<vmem>>
        %parallel_loop3A_539 = tpu.memref_squeeze %parallel_loop3A_538 : memref<1x64xf32, #tpu.memory_space<vmem>> -> memref<64xf32, #tpu.memory_space<vmem>>
        %parallel_loop3A_540 = arith.constant 32 : index
        %parallel_loop3A_541 = tpu.vector_load %parallel_loop3A_539[%parallel_loop3A_540] {strides = array<i32>} : memref<64xf32, #tpu.memory_space<vmem>>, vector<16xf32>,
        %parallel_loop3A_542 = arith.mulf %parallel_loop3A_541, %parallel_loop3A_501 : vector<16xf32>
        %parallel_loop3A_543 = arith.constant 0 : i32
        %parallel_loop3A_544 = tpu.memref_slice %arg38[%parallel_loop3A_499, %parallel_loop3A_543] : memref<64x64xf32, #tpu.memory_space<vmem>> -> memref<1x64xf32, #tpu.memory_space<vmem>>
        %parallel_loop3A_545 = tpu.memref_squeeze %parallel_loop3A_544 : memref<1x64xf32, #tpu.memory_space<vmem>> -> memref<64xf32, #tpu.memory_space<vmem>>
        %parallel_loop3A_546 = arith.constant 32 : index
        %parallel_loop3A_547 = tpu.vector_load %parallel_loop3A_545[%parallel_loop3A_546] {strides = array<i32>} : memref<64xf32, #tpu.memory_space<vmem>>, vector<16xf32>,
        tpu.vector_store %parallel_loop3A_545[%parallel_loop3A_546], %parallel_loop3A_542 {strides = array<i32>} : memref<64xf32, #tpu.memory_space<vmem>>, vector<16xf32>,
        %parallel_loop3A_548 = arith.mulf %parallel_loop3A_541, %parallel_loop3A_502 : vector<16xf32>
        %parallel_loop3A_549 = arith.constant 0 : i32
        %parallel_loop3A_550 = tpu.memref_slice %arg40[%parallel_loop3A_499, %parallel_loop3A_549] : memref<64x64xf32, #tpu.memory_space<vmem>> -> memref<1x64xf32, #tpu.memory_space<vmem>>
        %parallel_loop3A_551 = tpu.memref_squeeze %parallel_loop3A_550 : memref<1x64xf32, #tpu.memory_space<vmem>> -> memref<64xf32, #tpu.memory_space<vmem>>
        %parallel_loop3A_552 = arith.constant 32 : index
        %parallel_loop3A_553 = tpu.vector_load %parallel_loop3A_551[%parallel_loop3A_552] {strides = array<i32>} : memref<64xf32, #tpu.memory_space<vmem>>, vector<16xf32>,
        tpu.vector_store %parallel_loop3A_551[%parallel_loop3A_552], %parallel_loop3A_548 {strides = array<i32>} : memref<64xf32, #tpu.memory_space<vmem>>, vector<16xf32>,
        %parallel_loop3A_554 = arith.constant 0 : i32
        %parallel_loop3A_555 = tpu.memref_slice %arg34[%parallel_loop3A_499, %parallel_loop3A_554] : memref<64x64xf32, #tpu.memory_space<vmem>> -> memref<1x64xf32, #tpu.memory_space<vmem>>
        %parallel_loop3A_556 = tpu.memref_squeeze %parallel_loop3A_555 : memref<1x64xf32, #tpu.memory_space<vmem>> -> memref<64xf32, #tpu.memory_space<vmem>>
        %parallel_loop3A_557 = arith.constant 48 : index
        %parallel_loop3A_558 = tpu.vector_load %parallel_loop3A_556[%parallel_loop3A_557] {strides = array<i32>} : memref<64xf32, #tpu.memory_space<vmem>>, vector<16xf32>,
        %parallel_loop3A_559 = arith.mulf %parallel_loop3A_558, %parallel_loop3A_501 : vector<16xf32>
        %parallel_loop3A_560 = arith.constant 0 : i32
        %parallel_loop3A_561 = tpu.memref_slice %arg38[%parallel_loop3A_499, %parallel_loop3A_560] : memref<64x64xf32, #tpu.memory_space<vmem>> -> memref<1x64xf32, #tpu.memory_space<vmem>>
        %parallel_loop3A_562 = tpu.memref_squeeze %parallel_loop3A_561 : memref<1x64xf32, #tpu.memory_space<vmem>> -> memref<64xf32, #tpu.memory_space<vmem>>
        %parallel_loop3A_563 = arith.constant 48 : index
        %parallel_loop3A_564 = tpu.vector_load %parallel_loop3A_562[%parallel_loop3A_563] {strides = array<i32>} : memref<64xf32, #tpu.memory_space<vmem>>, vector<16xf32>,
        tpu.vector_store %parallel_loop3A_562[%parallel_loop3A_563], %parallel_loop3A_559 {strides = array<i32>} : memref<64xf32, #tpu.memory_space<vmem>>, vector<16xf32>,
        %parallel_loop3A_565 = arith.mulf %parallel_loop3A_558, %parallel_loop3A_502 : vector<16xf32>
        %parallel_loop3A_566 = arith.constant 0 : i32
        %parallel_loop3A_567 = tpu.memref_slice %arg40[%parallel_loop3A_499, %parallel_loop3A_566] : memref<64x64xf32, #tpu.memory_space<vmem>> -> memref<1x64xf32, #tpu.memory_space<vmem>>
        %parallel_loop3A_568 = tpu.memref_squeeze %parallel_loop3A_567 : memref<1x64xf32, #tpu.memory_space<vmem>> -> memref<64xf32, #tpu.memory_space<vmem>>
        %parallel_loop3A_569 = arith.constant 48 : index
        %parallel_loop3A_570 = tpu.vector_load %parallel_loop3A_568[%parallel_loop3A_569] {strides = array<i32>} : memref<64xf32, #tpu.memory_space<vmem>>, vector<16xf32>,
        tpu.vector_store %parallel_loop3A_568[%parallel_loop3A_569], %parallel_loop3A_565 {strides = array<i32>} : memref<64xf32, #tpu.memory_space<vmem>>, vector<16xf32>,
      } {sc.loop_unroll_factor = 4 : i64, sc.parallel_access}
      %dma_start3A_332 = arith.constant 0 : i32
      %dma_start3A_333 = arith.constant 0 : i32
      %dma_start3A_334 = tpu.memref_slice %arg43[%dma_start3A_332, %dma_start3A_333] : memref<10112x64xf32, #tpu.memory_space<vmem_shared>> -> memref<10112x64xf32, #tpu.memory_space<vmem_shared>>
      tpu.enqueue_indirect_dma source(%arg38 : memref<64x64xf32, #tpu.memory_space<vmem>>) target(%dma_start3A_334 : memref<10112x64xf32, #tpu.memory_space<vmem_shared>>) offsets(%arg24 : memref<64xi32, #tpu.memory_space<vmem>>) semaphore(%arg53 : memref<!tpu.dma_semaphore, #tpu.memory_space<semaphore_mem>>) {add = true}
      %dma_start3A_335 = arith.constant 0 : i32
      %dma_start3A_336 = arith.constant 0 : i32
      %dma_start3A_337 = tpu.memref_slice %arg44[%dma_start3A_335, %dma_start3A_336] : memref<10112x64xf32, #tpu.memory_space<vmem_shared>> -> memref<10112x64xf32, #tpu.memory_space<vmem_shared>>
      tpu.enqueue_indirect_dma source(%arg40 : memref<64x64xf32, #tpu.memory_space<vmem>>) target(%dma_start3A_337 : memref<10112x64xf32, #tpu.memory_space<vmem_shared>>) offsets(%arg24 : memref<64xi32, #tpu.memory_space<vmem>>) semaphore(%arg53 : memref<!tpu.dma_semaphore, #tpu.memory_space<semaphore_mem>>) {add = true}
      %add3A_338 = arith.constant 4 : i32
      %add3A_339 = arith.addi %add3A_302, %add3A_338 : i32
      %lt3A_340 = arith.constant 320 : i32
      %lt3A_341 = arith.cmpi slt, %add3A_339, %lt3A_340 : i32
      %convert_element_type3A_342 = arith.extui %lt3A_341 : i1 to i32
      %cond3A_343 = arith.constant 0 : i32
      %cond3A_344 = arith.cmpi ne, %convert_element_type3A_342, %cond3A_343 : i32
      scf.if %cond3A_344 {
        %add3A_499 = arith.constant 4 : i32
        %add3A_500 = arith.addi %add3A_302, %add3A_499 : i32
        %mul3A_501 = arith.constant 320 : i32
        %mul3A_502 = arith.muli %arg1, %mul3A_501 : i32
        %add3A_503 = arith.addi %mul3A_502, %add3A_500 : i32
        %mul3A_504 = arith.constant 64 : i32
        %mul3A_505 = arith.muli %add3A_503, %mul3A_504 : i32
        %dma_start3A_506 = tpu.memref_slice %arg3[%mul3A_505] : memref<327680xi32, #tpu.memory_space<hbm>> -> memref<64xi32, #tpu.memory_space<hbm>>
        %dma_start3A_507 = tpu.memref_slice %arg3[%mul3A_505] : memref<327680xi32, #tpu.memory_space<hbm>> -> memref<64xi32, #tpu.memory_space<hbm>>
        tpu.enqueue_dma source(%dma_start3A_507 : memref<64xi32, #tpu.memory_space<hbm>>) target(%arg8 : memref<64xi32, #tpu.memory_space<vmem>>) target_semaphore(%arg45 : memref<!tpu.dma_semaphore, #tpu.memory_space<semaphore_mem>>)
        %dma_start3A_508 = tpu.memref_slice %arg4[%mul3A_505] : memref<327680xi32, #tpu.memory_space<hbm>> -> memref<64xi32, #tpu.memory_space<hbm>>
        %dma_start3A_509 = tpu.memref_slice %arg4[%mul3A_505] : memref<327680xi32, #tpu.memory_space<hbm>> -> memref<64xi32, #tpu.memory_space<hbm>>
        tpu.enqueue_dma source(%dma_start3A_509 : memref<64xi32, #tpu.memory_space<hbm>>) target(%arg12 : memref<64xi32, #tpu.memory_space<vmem>>) target_semaphore(%arg45 : memref<!tpu.dma_semaphore, #tpu.memory_space<semaphore_mem>>)
        %dma_start3A_510 = tpu.memref_slice %arg5[%mul3A_505] : memref<327680xf32, #tpu.memory_space<hbm>> -> memref<64xf32, #tpu.memory_space<hbm>>
        %dma_start3A_511 = tpu.memref_slice %arg5[%mul3A_505] : memref<327680xf32, #tpu.memory_space<hbm>> -> memref<64xf32, #tpu.memory_space<hbm>>
        tpu.enqueue_dma source(%dma_start3A_511 : memref<64xf32, #tpu.memory_space<hbm>>) target(%arg16 : memref<64xf32, #tpu.memory_space<vmem>>) target_semaphore(%arg45 : memref<!tpu.dma_semaphore, #tpu.memory_space<semaphore_mem>>)
      } else {
      }
      %mul3A_345 = arith.constant 4 : i32
      %mul3A_346 = arith.muli %mul3A_345, %scan3A_297 : i32
      %add3A_347 = arith.constant 1 : i32
      %add3A_348 = arith.addi %mul3A_346, %add3A_347 : i32
      %add3A_349 = arith.constant 2 : i32
      %add3A_350 = arith.addi %add3A_348, %add3A_349 : i32
      %lt3A_351 = arith.constant 320 : i32
      %lt3A_352 = arith.cmpi slt, %add3A_350, %lt3A_351 : i32
      %convert_element_type3A_353 = arith.extui %lt3A_352 : i1 to i32
      %cond3A_354 = arith.constant 0 : i32
      %cond3A_355 = arith.cmpi ne, %convert_element_type3A_353, %cond3A_354 : i32
      scf.if %cond3A_355 {
        %add3A_499 = arith.constant 2 : i32
        %add3A_500 = arith.addi %add3A_348, %add3A_499 : i32
        %mul3A_501 = arith.constant 320 : i32
        %mul3A_502 = arith.muli %arg1, %mul3A_501 : i32
        %add3A_503 = arith.addi %mul3A_502, %add3A_500 : i32
        %mul3A_504 = arith.constant 64 : i32
        %mul3A_505 = arith.muli %add3A_503, %mul3A_504 : i32
        %dma_wait3A_506 = tpu.memref_slice %arg3[%mul3A_505] : memref<327680xi32, #tpu.memory_space<hbm>> -> memref<64xi32, #tpu.memory_space<hbm>>
        %dma_wait3A_507 = tpu.memref_slice %arg3[%mul3A_505] : memref<327680xi32, #tpu.memory_space<hbm>> -> memref<64xi32, #tpu.memory_space<hbm>>
        tpu.wait_dma2 semaphore(%arg48 : memref<!tpu.dma_semaphore, #tpu.memory_space<semaphore_mem>>) src(%dma_wait3A_507 : memref<64xi32, #tpu.memory_space<hbm>>) dst(%arg11 : memref<64xi32, #tpu.memory_space<vmem>>)
        %dma_wait3A_508 = tpu.memref_slice %arg4[%mul3A_505] : memref<327680xi32, #tpu.memory_space<hbm>> -> memref<64xi32, #tpu.memory_space<hbm>>
        %dma_wait3A_509 = tpu.memref_slice %arg4[%mul3A_505] : memref<327680xi32, #tpu.memory_space<hbm>> -> memref<64xi32, #tpu.memory_space<hbm>>
        tpu.wait_dma2 semaphore(%arg48 : memref<!tpu.dma_semaphore, #tpu.memory_space<semaphore_mem>>) src(%dma_wait3A_509 : memref<64xi32, #tpu.memory_space<hbm>>) dst(%arg15 : memref<64xi32, #tpu.memory_space<vmem>>)
        %dma_wait3A_510 = tpu.memref_slice %arg5[%mul3A_505] : memref<327680xf32, #tpu.memory_space<hbm>> -> memref<64xf32, #tpu.memory_space<hbm>>
        %dma_wait3A_511 = tpu.memref_slice %arg5[%mul3A_505] : memref<327680xf32, #tpu.memory_space<hbm>> -> memref<64xf32, #tpu.memory_space<hbm>>
        tpu.wait_dma2 semaphore(%arg48 : memref<!tpu.dma_semaphore, #tpu.memory_space<semaphore_mem>>) src(%dma_wait3A_511 : memref<64xf32, #tpu.memory_space<hbm>>) dst(%arg19 : memref<64xf32, #tpu.memory_space<vmem>>)
        %get3A_512 = arith.constant 0 : index
        %get3A_513 = tpu.vector_load %arg11[%get3A_512] {strides = array<i32>} : memref<64xi32, #tpu.memory_space<vmem>>, vector<16xi32>,
        %get3A_514 = arith.constant 0 : index
        %get3A_515 = tpu.vector_load %arg15[%get3A_514] {strides = array<i32>} : memref<64xi32, #tpu.memory_space<vmem>>, vector<16xi32>,
        %get3A_516 = arith.constant 0 : index
        %get3A_517 = tpu.vector_load %arg19[%get3A_516] {strides = array<i32>} : memref<64xf32, #tpu.memory_space<vmem>>, vector<16xf32>,
        %gather3A_518 = tpu.vector_load_idx %arg42[%get3A_513] : memref<10112xf32, #tpu.memory_space<vmem>>[vector<16xi32>], vector<16xf32>,
        %gather3A_519 = tpu.vector_load_idx %arg42[%get3A_515] : memref<10112xf32, #tpu.memory_space<vmem>>[vector<16xi32>], vector<16xf32>,
        %swap3A_520 = arith.constant 0 : index
        %swap3A_521 = tpu.vector_load %arg29[%swap3A_520] {strides = array<i32>} : memref<64xf32, #tpu.memory_space<vmem>>, vector<16xf32>,
        tpu.vector_store %arg29[%swap3A_520], %get3A_517 {strides = array<i32>} : memref<64xf32, #tpu.memory_space<vmem>>, vector<16xf32>,
        %mul3A_522 = arith.mulf %gather3A_518, %get3A_517 : vector<16xf32>
        %mul3A_523 = arith.mulf %mul3A_522, %gather3A_519 : vector<16xf32>
        %swap3A_524 = arith.constant 0 : index
        %swap3A_525 = tpu.vector_load %arg33[%swap3A_524] {strides = array<i32>} : memref<64xf32, #tpu.memory_space<vmem>>, vector<16xf32>,
        tpu.vector_store %arg33[%swap3A_524], %mul3A_523 {strides = array<i32>} : memref<64xf32, #tpu.memory_space<vmem>>, vector<16xf32>,
        %add3A_526 = vector.broadcast %mul3A_0 : i32 to vector<16xi32>
        %add3A_527 = arith.addi %get3A_513, %add3A_526 : vector<16xi32>
        %swap3A_528 = arith.constant 0 : index
        %swap3A_529 = tpu.vector_load %arg23[%swap3A_528] {strides = array<i32>} : memref<64xi32, #tpu.memory_space<vmem>>, vector<16xi32>,
        tpu.vector_store %arg23[%swap3A_528], %add3A_527 {strides = array<i32>} : memref<64xi32, #tpu.memory_space<vmem>>, vector<16xi32>,
        %get3A_530 = arith.constant 16 : index
        %get3A_531 = tpu.vector_load %arg11[%get3A_530] {strides = array<i32>} : memref<64xi32, #tpu.memory_space<vmem>>, vector<16xi32>,
        %get3A_532 = arith.constant 16 : index
        %get3A_533 = tpu.vector_load %arg15[%get3A_532] {strides = array<i32>} : memref<64xi32, #tpu.memory_space<vmem>>, vector<16xi32>,
        %get3A_534 = arith.constant 16 : index
        %get3A_535 = tpu.vector_load %arg19[%get3A_534] {strides = array<i32>} : memref<64xf32, #tpu.memory_space<vmem>>, vector<16xf32>,
        %gather3A_536 = tpu.vector_load_idx %arg42[%get3A_531] : memref<10112xf32, #tpu.memory_space<vmem>>[vector<16xi32>], vector<16xf32>,
        %gather3A_537 = tpu.vector_load_idx %arg42[%get3A_533] : memref<10112xf32, #tpu.memory_space<vmem>>[vector<16xi32>], vector<16xf32>,
        %swap3A_538 = arith.constant 16 : index
        %swap3A_539 = tpu.vector_load %arg29[%swap3A_538] {strides = array<i32>} : memref<64xf32, #tpu.memory_space<vmem>>, vector<16xf32>,
        tpu.vector_store %arg29[%swap3A_538], %get3A_535 {strides = array<i32>} : memref<64xf32, #tpu.memory_space<vmem>>, vector<16xf32>,
        %mul3A_540 = arith.mulf %gather3A_536, %get3A_535 : vector<16xf32>
        %mul3A_541 = arith.mulf %mul3A_540, %gather3A_537 : vector<16xf32>
        %swap3A_542 = arith.constant 16 : index
        %swap3A_543 = tpu.vector_load %arg33[%swap3A_542] {strides = array<i32>} : memref<64xf32, #tpu.memory_space<vmem>>, vector<16xf32>,
        tpu.vector_store %arg33[%swap3A_542], %mul3A_541 {strides = array<i32>} : memref<64xf32, #tpu.memory_space<vmem>>, vector<16xf32>,
        %add3A_544 = vector.broadcast %mul3A_0 : i32 to vector<16xi32>
        %add3A_545 = arith.addi %get3A_531, %add3A_544 : vector<16xi32>
        %swap3A_546 = arith.constant 16 : index
        %swap3A_547 = tpu.vector_load %arg23[%swap3A_546] {strides = array<i32>} : memref<64xi32, #tpu.memory_space<vmem>>, vector<16xi32>,
        tpu.vector_store %arg23[%swap3A_546], %add3A_545 {strides = array<i32>} : memref<64xi32, #tpu.memory_space<vmem>>, vector<16xi32>,
        %get3A_548 = arith.constant 32 : index
        %get3A_549 = tpu.vector_load %arg11[%get3A_548] {strides = array<i32>} : memref<64xi32, #tpu.memory_space<vmem>>, vector<16xi32>,
        %get3A_550 = arith.constant 32 : index
        %get3A_551 = tpu.vector_load %arg15[%get3A_550] {strides = array<i32>} : memref<64xi32, #tpu.memory_space<vmem>>, vector<16xi32>,
        %get3A_552 = arith.constant 32 : index
        %get3A_553 = tpu.vector_load %arg19[%get3A_552] {strides = array<i32>} : memref<64xf32, #tpu.memory_space<vmem>>, vector<16xf32>,
        %gather3A_554 = tpu.vector_load_idx %arg42[%get3A_549] : memref<10112xf32, #tpu.memory_space<vmem>>[vector<16xi32>], vector<16xf32>,
        %gather3A_555 = tpu.vector_load_idx %arg42[%get3A_551] : memref<10112xf32, #tpu.memory_space<vmem>>[vector<16xi32>], vector<16xf32>,
        %swap3A_556 = arith.constant 32 : index
        %swap3A_557 = tpu.vector_load %arg29[%swap3A_556] {strides = array<i32>} : memref<64xf32, #tpu.memory_space<vmem>>, vector<16xf32>,
        tpu.vector_store %arg29[%swap3A_556], %get3A_553 {strides = array<i32>} : memref<64xf32, #tpu.memory_space<vmem>>, vector<16xf32>,
        %mul3A_558 = arith.mulf %gather3A_554, %get3A_553 : vector<16xf32>
        %mul3A_559 = arith.mulf %mul3A_558, %gather3A_555 : vector<16xf32>
        %swap3A_560 = arith.constant 32 : index
        %swap3A_561 = tpu.vector_load %arg33[%swap3A_560] {strides = array<i32>} : memref<64xf32, #tpu.memory_space<vmem>>, vector<16xf32>,
        tpu.vector_store %arg33[%swap3A_560], %mul3A_559 {strides = array<i32>} : memref<64xf32, #tpu.memory_space<vmem>>, vector<16xf32>,
        %add3A_562 = vector.broadcast %mul3A_0 : i32 to vector<16xi32>
        %add3A_563 = arith.addi %get3A_549, %add3A_562 : vector<16xi32>
        %swap3A_564 = arith.constant 32 : index
        %swap3A_565 = tpu.vector_load %arg23[%swap3A_564] {strides = array<i32>} : memref<64xi32, #tpu.memory_space<vmem>>, vector<16xi32>,
        tpu.vector_store %arg23[%swap3A_564], %add3A_563 {strides = array<i32>} : memref<64xi32, #tpu.memory_space<vmem>>, vector<16xi32>,
        %get3A_566 = arith.constant 48 : index
        %get3A_567 = tpu.vector_load %arg11[%get3A_566] {strides = array<i32>} : memref<64xi32, #tpu.memory_space<vmem>>, vector<16xi32>,
        %get3A_568 = arith.constant 48 : index
        %get3A_569 = tpu.vector_load %arg15[%get3A_568] {strides = array<i32>} : memref<64xi32, #tpu.memory_space<vmem>>, vector<16xi32>,
        %get3A_570 = arith.constant 48 : index
        %get3A_571 = tpu.vector_load %arg19[%get3A_570] {strides = array<i32>} : memref<64xf32, #tpu.memory_space<vmem>>, vector<16xf32>,
        %gather3A_572 = tpu.vector_load_idx %arg42[%get3A_567] : memref<10112xf32, #tpu.memory_space<vmem>>[vector<16xi32>], vector<16xf32>,
        %gather3A_573 = tpu.vector_load_idx %arg42[%get3A_569] : memref<10112xf32, #tpu.memory_space<vmem>>[vector<16xi32>], vector<16xf32>,
        %swap3A_574 = arith.constant 48 : index
        %swap3A_575 = tpu.vector_load %arg29[%swap3A_574] {strides = array<i32>} : memref<64xf32, #tpu.memory_space<vmem>>, vector<16xf32>,
        tpu.vector_store %arg29[%swap3A_574], %get3A_571 {strides = array<i32>} : memref<64xf32, #tpu.memory_space<vmem>>, vector<16xf32>,
        %mul3A_576 = arith.mulf %gather3A_572, %get3A_571 : vector<16xf32>
        %mul3A_577 = arith.mulf %mul3A_576, %gather3A_573 : vector<16xf32>
        %swap3A_578 = arith.constant 48 : index
        %swap3A_579 = tpu.vector_load %arg33[%swap3A_578] {strides = array<i32>} : memref<64xf32, #tpu.memory_space<vmem>>, vector<16xf32>,
        tpu.vector_store %arg33[%swap3A_578], %mul3A_577 {strides = array<i32>} : memref<64xf32, #tpu.memory_space<vmem>>, vector<16xf32>,
        %add3A_580 = vector.broadcast %mul3A_0 : i32 to vector<16xi32>
        %add3A_581 = arith.addi %get3A_567, %add3A_580 : vector<16xi32>
        %swap3A_582 = arith.constant 48 : index
        %swap3A_583 = tpu.vector_load %arg23[%swap3A_582] {strides = array<i32>} : memref<64xi32, #tpu.memory_space<vmem>>, vector<16xi32>,
        tpu.vector_store %arg23[%swap3A_582], %add3A_581 {strides = array<i32>} : memref<64xi32, #tpu.memory_space<vmem>>, vector<16xi32>,
        %dma_start3A_584 = arith.constant 0 : i32
        %dma_start3A_585 = arith.constant 0 : i32
        %dma_start3A_586 = tpu.memref_slice %arg2[%dma_start3A_584, %dma_start3A_585] : memref<20224x64xf32, #tpu.memory_space<hbm>> -> memref<20224x64xf32, #tpu.memory_space<hbm>>
        tpu.enqueue_indirect_dma source(%dma_start3A_586 : memref<20224x64xf32, #tpu.memory_space<hbm>>) target(%arg37 : memref<64x64xf32, #tpu.memory_space<vmem>>) offsets(%arg23 : memref<64xi32, #tpu.memory_space<vmem>>) semaphore(%arg52 : memref<!tpu.dma_semaphore, #tpu.memory_space<semaphore_mem>>)
      } else {
      }
      %dma_wait3A_356 = arith.constant 0 : i32
      %dma_wait3A_357 = arith.constant 0 : i32
      %dma_wait3A_358 = tpu.memref_slice %arg2[%dma_wait3A_356, %dma_wait3A_357] : memref<20224x64xf32, #tpu.memory_space<hbm>> -> memref<20224x64xf32, #tpu.memory_space<hbm>>
      tpu.wait_indirect_dma semaphore(%arg50 : memref<!tpu.dma_semaphore, #tpu.memory_space<semaphore_mem>>) src(%dma_wait3A_358 : memref<20224x64xf32, #tpu.memory_space<hbm>>) dst(%arg35 : memref<64x64xf32, #tpu.memory_space<vmem>>)
      %ge3A_359 = arith.constant 2 : i32
      %ge3A_360 = arith.cmpi sge, %add3A_348, %ge3A_359 : i32
      %convert_element_type3A_361 = arith.extui %ge3A_360 : i1 to i32
      %cond3A_362 = arith.constant 0 : i32
      %cond3A_363 = arith.cmpi ne, %convert_element_type3A_361, %cond3A_362 : i32
      scf.if %cond3A_363 {
        %dma_wait3A_499 = arith.constant 0 : i32
        %dma_wait3A_500 = arith.constant 0 : i32
        %dma_wait3A_501 = tpu.memref_slice %arg43[%dma_wait3A_499, %dma_wait3A_500] : memref<10112x64xf32, #tpu.memory_space<vmem_shared>> -> memref<10112x64xf32, #tpu.memory_space<vmem_shared>>
        tpu.wait_indirect_dma semaphore(%arg54 : memref<!tpu.dma_semaphore, #tpu.memory_space<semaphore_mem>>) src(%arg39 : memref<64x64xf32, #tpu.memory_space<vmem>>) dst(%dma_wait3A_501 : memref<10112x64xf32, #tpu.memory_space<vmem_shared>>)
        %dma_wait3A_502 = arith.constant 0 : i32
        %dma_wait3A_503 = arith.constant 0 : i32
        %dma_wait3A_504 = tpu.memref_slice %arg44[%dma_wait3A_502, %dma_wait3A_503] : memref<10112x64xf32, #tpu.memory_space<vmem_shared>> -> memref<10112x64xf32, #tpu.memory_space<vmem_shared>>
        tpu.wait_indirect_dma semaphore(%arg54 : memref<!tpu.dma_semaphore, #tpu.memory_space<semaphore_mem>>) src(%arg41 : memref<64x64xf32, #tpu.memory_space<vmem>>) dst(%dma_wait3A_504 : memref<10112x64xf32, #tpu.memory_space<vmem_shared>>)
      } else {
      }
      %get3A_364 = arith.constant 0 : index
      %get3A_365 = tpu.vector_load %arg13[%get3A_364] {strides = array<i32>} : memref<64xi32, #tpu.memory_space<vmem>>, vector<16xi32>,
      %swap3A_366 = arith.constant 0 : index
      %swap3A_367 = tpu.vector_load %arg25[%swap3A_366] {strides = array<i32>} : memref<64xi32, #tpu.memory_space<vmem>>, vector<16xi32>,
      tpu.vector_store %arg25[%swap3A_366], %get3A_365 {strides = array<i32>} : memref<64xi32, #tpu.memory_space<vmem>>, vector<16xi32>,
      %get3A_368 = arith.constant 16 : index
      %get3A_369 = tpu.vector_load %arg13[%get3A_368] {strides = array<i32>} : memref<64xi32, #tpu.memory_space<vmem>>, vector<16xi32>,
      %swap3A_370 = arith.constant 16 : index
      %swap3A_371 = tpu.vector_load %arg25[%swap3A_370] {strides = array<i32>} : memref<64xi32, #tpu.memory_space<vmem>>, vector<16xi32>,
      tpu.vector_store %arg25[%swap3A_370], %get3A_369 {strides = array<i32>} : memref<64xi32, #tpu.memory_space<vmem>>, vector<16xi32>,
      %get3A_372 = arith.constant 32 : index
      %get3A_373 = tpu.vector_load %arg13[%get3A_372] {strides = array<i32>} : memref<64xi32, #tpu.memory_space<vmem>>, vector<16xi32>,
      %swap3A_374 = arith.constant 32 : index
      %swap3A_375 = tpu.vector_load %arg25[%swap3A_374] {strides = array<i32>} : memref<64xi32, #tpu.memory_space<vmem>>, vector<16xi32>,
      tpu.vector_store %arg25[%swap3A_374], %get3A_373 {strides = array<i32>} : memref<64xi32, #tpu.memory_space<vmem>>, vector<16xi32>,
      %get3A_376 = arith.constant 48 : index
      %get3A_377 = tpu.vector_load %arg13[%get3A_376] {strides = array<i32>} : memref<64xi32, #tpu.memory_space<vmem>>, vector<16xi32>,
      %swap3A_378 = arith.constant 48 : index
      %swap3A_379 = tpu.vector_load %arg25[%swap3A_378] {strides = array<i32>} : memref<64xi32, #tpu.memory_space<vmem>>, vector<16xi32>,
      tpu.vector_store %arg25[%swap3A_378], %get3A_377 {strides = array<i32>} : memref<64xi32, #tpu.memory_space<vmem>>, vector<16xi32>,
      %parallel_loop3A_380 = arith.constant 0 : i32
      %parallel_loop3A_381 = arith.constant 64 : i32
      %parallel_loop3A_382 = arith.constant 1 : i32
      scf.for %parallel_loop3A_499 = %parallel_loop3A_380 to %parallel_loop3A_381 step %parallel_loop3A_382  : i32 {
        %parallel_loop3A_500 = vector.broadcast %parallel_loop3A_499 : i32 to vector<16xi32>
        %parallel_loop3A_501 = tpu.vector_load_idx %arg27[%parallel_loop3A_500] : memref<64xf32, #tpu.memory_space<vmem>>[vector<16xi32>], vector<16xf32>,
        %parallel_loop3A_502 = tpu.vector_load_idx %arg31[%parallel_loop3A_500] : memref<64xf32, #tpu.memory_space<vmem>>[vector<16xi32>], vector<16xf32>,
        %parallel_loop3A_503 = arith.constant 0 : i32
        %parallel_loop3A_504 = tpu.memref_slice %arg35[%parallel_loop3A_499, %parallel_loop3A_503] : memref<64x64xf32, #tpu.memory_space<vmem>> -> memref<1x64xf32, #tpu.memory_space<vmem>>
        %parallel_loop3A_505 = tpu.memref_squeeze %parallel_loop3A_504 : memref<1x64xf32, #tpu.memory_space<vmem>> -> memref<64xf32, #tpu.memory_space<vmem>>
        %parallel_loop3A_506 = arith.constant 0 : index
        %parallel_loop3A_507 = tpu.vector_load %parallel_loop3A_505[%parallel_loop3A_506] {strides = array<i32>} : memref<64xf32, #tpu.memory_space<vmem>>, vector<16xf32>,
        %parallel_loop3A_508 = arith.mulf %parallel_loop3A_507, %parallel_loop3A_501 : vector<16xf32>
        %parallel_loop3A_509 = arith.constant 0 : i32
        %parallel_loop3A_510 = tpu.memref_slice %arg39[%parallel_loop3A_499, %parallel_loop3A_509] : memref<64x64xf32, #tpu.memory_space<vmem>> -> memref<1x64xf32, #tpu.memory_space<vmem>>
        %parallel_loop3A_511 = tpu.memref_squeeze %parallel_loop3A_510 : memref<1x64xf32, #tpu.memory_space<vmem>> -> memref<64xf32, #tpu.memory_space<vmem>>
        %parallel_loop3A_512 = arith.constant 0 : index
        %parallel_loop3A_513 = tpu.vector_load %parallel_loop3A_511[%parallel_loop3A_512] {strides = array<i32>} : memref<64xf32, #tpu.memory_space<vmem>>, vector<16xf32>,
        tpu.vector_store %parallel_loop3A_511[%parallel_loop3A_512], %parallel_loop3A_508 {strides = array<i32>} : memref<64xf32, #tpu.memory_space<vmem>>, vector<16xf32>,
        %parallel_loop3A_514 = arith.mulf %parallel_loop3A_507, %parallel_loop3A_502 : vector<16xf32>
        %parallel_loop3A_515 = arith.constant 0 : i32
        %parallel_loop3A_516 = tpu.memref_slice %arg41[%parallel_loop3A_499, %parallel_loop3A_515] : memref<64x64xf32, #tpu.memory_space<vmem>> -> memref<1x64xf32, #tpu.memory_space<vmem>>
        %parallel_loop3A_517 = tpu.memref_squeeze %parallel_loop3A_516 : memref<1x64xf32, #tpu.memory_space<vmem>> -> memref<64xf32, #tpu.memory_space<vmem>>
        %parallel_loop3A_518 = arith.constant 0 : index
        %parallel_loop3A_519 = tpu.vector_load %parallel_loop3A_517[%parallel_loop3A_518] {strides = array<i32>} : memref<64xf32, #tpu.memory_space<vmem>>, vector<16xf32>,
        tpu.vector_store %parallel_loop3A_517[%parallel_loop3A_518], %parallel_loop3A_514 {strides = array<i32>} : memref<64xf32, #tpu.memory_space<vmem>>, vector<16xf32>,
        %parallel_loop3A_520 = arith.constant 0 : i32
        %parallel_loop3A_521 = tpu.memref_slice %arg35[%parallel_loop3A_499, %parallel_loop3A_520] : memref<64x64xf32, #tpu.memory_space<vmem>> -> memref<1x64xf32, #tpu.memory_space<vmem>>
        %parallel_loop3A_522 = tpu.memref_squeeze %parallel_loop3A_521 : memref<1x64xf32, #tpu.memory_space<vmem>> -> memref<64xf32, #tpu.memory_space<vmem>>
        %parallel_loop3A_523 = arith.constant 16 : index
        %parallel_loop3A_524 = tpu.vector_load %parallel_loop3A_522[%parallel_loop3A_523] {strides = array<i32>} : memref<64xf32, #tpu.memory_space<vmem>>, vector<16xf32>,
        %parallel_loop3A_525 = arith.mulf %parallel_loop3A_524, %parallel_loop3A_501 : vector<16xf32>
        %parallel_loop3A_526 = arith.constant 0 : i32
        %parallel_loop3A_527 = tpu.memref_slice %arg39[%parallel_loop3A_499, %parallel_loop3A_526] : memref<64x64xf32, #tpu.memory_space<vmem>> -> memref<1x64xf32, #tpu.memory_space<vmem>>
        %parallel_loop3A_528 = tpu.memref_squeeze %parallel_loop3A_527 : memref<1x64xf32, #tpu.memory_space<vmem>> -> memref<64xf32, #tpu.memory_space<vmem>>
        %parallel_loop3A_529 = arith.constant 16 : index
        %parallel_loop3A_530 = tpu.vector_load %parallel_loop3A_528[%parallel_loop3A_529] {strides = array<i32>} : memref<64xf32, #tpu.memory_space<vmem>>, vector<16xf32>,
        tpu.vector_store %parallel_loop3A_528[%parallel_loop3A_529], %parallel_loop3A_525 {strides = array<i32>} : memref<64xf32, #tpu.memory_space<vmem>>, vector<16xf32>,
        %parallel_loop3A_531 = arith.mulf %parallel_loop3A_524, %parallel_loop3A_502 : vector<16xf32>
        %parallel_loop3A_532 = arith.constant 0 : i32
        %parallel_loop3A_533 = tpu.memref_slice %arg41[%parallel_loop3A_499, %parallel_loop3A_532] : memref<64x64xf32, #tpu.memory_space<vmem>> -> memref<1x64xf32, #tpu.memory_space<vmem>>
        %parallel_loop3A_534 = tpu.memref_squeeze %parallel_loop3A_533 : memref<1x64xf32, #tpu.memory_space<vmem>> -> memref<64xf32, #tpu.memory_space<vmem>>
        %parallel_loop3A_535 = arith.constant 16 : index
        %parallel_loop3A_536 = tpu.vector_load %parallel_loop3A_534[%parallel_loop3A_535] {strides = array<i32>} : memref<64xf32, #tpu.memory_space<vmem>>, vector<16xf32>,
        tpu.vector_store %parallel_loop3A_534[%parallel_loop3A_535], %parallel_loop3A_531 {strides = array<i32>} : memref<64xf32, #tpu.memory_space<vmem>>, vector<16xf32>,
        %parallel_loop3A_537 = arith.constant 0 : i32
        %parallel_loop3A_538 = tpu.memref_slice %arg35[%parallel_loop3A_499, %parallel_loop3A_537] : memref<64x64xf32, #tpu.memory_space<vmem>> -> memref<1x64xf32, #tpu.memory_space<vmem>>
        %parallel_loop3A_539 = tpu.memref_squeeze %parallel_loop3A_538 : memref<1x64xf32, #tpu.memory_space<vmem>> -> memref<64xf32, #tpu.memory_space<vmem>>
        %parallel_loop3A_540 = arith.constant 32 : index
        %parallel_loop3A_541 = tpu.vector_load %parallel_loop3A_539[%parallel_loop3A_540] {strides = array<i32>} : memref<64xf32, #tpu.memory_space<vmem>>, vector<16xf32>,
        %parallel_loop3A_542 = arith.mulf %parallel_loop3A_541, %parallel_loop3A_501 : vector<16xf32>
        %parallel_loop3A_543 = arith.constant 0 : i32
        %parallel_loop3A_544 = tpu.memref_slice %arg39[%parallel_loop3A_499, %parallel_loop3A_543] : memref<64x64xf32, #tpu.memory_space<vmem>> -> memref<1x64xf32, #tpu.memory_space<vmem>>
        %parallel_loop3A_545 = tpu.memref_squeeze %parallel_loop3A_544 : memref<1x64xf32, #tpu.memory_space<vmem>> -> memref<64xf32, #tpu.memory_space<vmem>>
        %parallel_loop3A_546 = arith.constant 32 : index
        %parallel_loop3A_547 = tpu.vector_load %parallel_loop3A_545[%parallel_loop3A_546] {strides = array<i32>} : memref<64xf32, #tpu.memory_space<vmem>>, vector<16xf32>,
        tpu.vector_store %parallel_loop3A_545[%parallel_loop3A_546], %parallel_loop3A_542 {strides = array<i32>} : memref<64xf32, #tpu.memory_space<vmem>>, vector<16xf32>,
        %parallel_loop3A_548 = arith.mulf %parallel_loop3A_541, %parallel_loop3A_502 : vector<16xf32>
        %parallel_loop3A_549 = arith.constant 0 : i32
        %parallel_loop3A_550 = tpu.memref_slice %arg41[%parallel_loop3A_499, %parallel_loop3A_549] : memref<64x64xf32, #tpu.memory_space<vmem>> -> memref<1x64xf32, #tpu.memory_space<vmem>>
        %parallel_loop3A_551 = tpu.memref_squeeze %parallel_loop3A_550 : memref<1x64xf32, #tpu.memory_space<vmem>> -> memref<64xf32, #tpu.memory_space<vmem>>
        %parallel_loop3A_552 = arith.constant 32 : index
        %parallel_loop3A_553 = tpu.vector_load %parallel_loop3A_551[%parallel_loop3A_552] {strides = array<i32>} : memref<64xf32, #tpu.memory_space<vmem>>, vector<16xf32>,
        tpu.vector_store %parallel_loop3A_551[%parallel_loop3A_552], %parallel_loop3A_548 {strides = array<i32>} : memref<64xf32, #tpu.memory_space<vmem>>, vector<16xf32>,
        %parallel_loop3A_554 = arith.constant 0 : i32
        %parallel_loop3A_555 = tpu.memref_slice %arg35[%parallel_loop3A_499, %parallel_loop3A_554] : memref<64x64xf32, #tpu.memory_space<vmem>> -> memref<1x64xf32, #tpu.memory_space<vmem>>
        %parallel_loop3A_556 = tpu.memref_squeeze %parallel_loop3A_555 : memref<1x64xf32, #tpu.memory_space<vmem>> -> memref<64xf32, #tpu.memory_space<vmem>>
        %parallel_loop3A_557 = arith.constant 48 : index
        %parallel_loop3A_558 = tpu.vector_load %parallel_loop3A_556[%parallel_loop3A_557] {strides = array<i32>} : memref<64xf32, #tpu.memory_space<vmem>>, vector<16xf32>,
        %parallel_loop3A_559 = arith.mulf %parallel_loop3A_558, %parallel_loop3A_501 : vector<16xf32>
        %parallel_loop3A_560 = arith.constant 0 : i32
        %parallel_loop3A_561 = tpu.memref_slice %arg39[%parallel_loop3A_499, %parallel_loop3A_560] : memref<64x64xf32, #tpu.memory_space<vmem>> -> memref<1x64xf32, #tpu.memory_space<vmem>>
        %parallel_loop3A_562 = tpu.memref_squeeze %parallel_loop3A_561 : memref<1x64xf32, #tpu.memory_space<vmem>> -> memref<64xf32, #tpu.memory_space<vmem>>
        %parallel_loop3A_563 = arith.constant 48 : index
        %parallel_loop3A_564 = tpu.vector_load %parallel_loop3A_562[%parallel_loop3A_563] {strides = array<i32>} : memref<64xf32, #tpu.memory_space<vmem>>, vector<16xf32>,
        tpu.vector_store %parallel_loop3A_562[%parallel_loop3A_563], %parallel_loop3A_559 {strides = array<i32>} : memref<64xf32, #tpu.memory_space<vmem>>, vector<16xf32>,
        %parallel_loop3A_565 = arith.mulf %parallel_loop3A_558, %parallel_loop3A_502 : vector<16xf32>
        %parallel_loop3A_566 = arith.constant 0 : i32
        %parallel_loop3A_567 = tpu.memref_slice %arg41[%parallel_loop3A_499, %parallel_loop3A_566] : memref<64x64xf32, #tpu.memory_space<vmem>> -> memref<1x64xf32, #tpu.memory_space<vmem>>
        %parallel_loop3A_568 = tpu.memref_squeeze %parallel_loop3A_567 : memref<1x64xf32, #tpu.memory_space<vmem>> -> memref<64xf32, #tpu.memory_space<vmem>>
        %parallel_loop3A_569 = arith.constant 48 : index
        %parallel_loop3A_570 = tpu.vector_load %parallel_loop3A_568[%parallel_loop3A_569] {strides = array<i32>} : memref<64xf32, #tpu.memory_space<vmem>>, vector<16xf32>,
        tpu.vector_store %parallel_loop3A_568[%parallel_loop3A_569], %parallel_loop3A_565 {strides = array<i32>} : memref<64xf32, #tpu.memory_space<vmem>>, vector<16xf32>,
      } {sc.loop_unroll_factor = 4 : i64, sc.parallel_access}
      %dma_start3A_383 = arith.constant 0 : i32
      %dma_start3A_384 = arith.constant 0 : i32
      %dma_start3A_385 = tpu.memref_slice %arg43[%dma_start3A_383, %dma_start3A_384] : memref<10112x64xf32, #tpu.memory_space<vmem_shared>> -> memref<10112x64xf32, #tpu.memory_space<vmem_shared>>
      tpu.enqueue_indirect_dma source(%arg39 : memref<64x64xf32, #tpu.memory_space<vmem>>) target(%dma_start3A_385 : memref<10112x64xf32, #tpu.memory_space<vmem_shared>>) offsets(%arg25 : memref<64xi32, #tpu.memory_space<vmem>>) semaphore(%arg54 : memref<!tpu.dma_semaphore, #tpu.memory_space<semaphore_mem>>) {add = true}
      %dma_start3A_386 = arith.constant 0 : i32
      %dma_start3A_387 = arith.constant 0 : i32
      %dma_start3A_388 = tpu.memref_slice %arg44[%dma_start3A_386, %dma_start3A_387] : memref<10112x64xf32, #tpu.memory_space<vmem_shared>> -> memref<10112x64xf32, #tpu.memory_space<vmem_shared>>
      tpu.enqueue_indirect_dma source(%arg41 : memref<64x64xf32, #tpu.memory_space<vmem>>) target(%dma_start3A_388 : memref<10112x64xf32, #tpu.memory_space<vmem_shared>>) offsets(%arg25 : memref<64xi32, #tpu.memory_space<vmem>>) semaphore(%arg54 : memref<!tpu.dma_semaphore, #tpu.memory_space<semaphore_mem>>) {add = true}
      %add3A_389 = arith.constant 4 : i32
      %add3A_390 = arith.addi %add3A_348, %add3A_389 : i32
      %lt3A_391 = arith.constant 320 : i32
      %lt3A_392 = arith.cmpi slt, %add3A_390, %lt3A_391 : i32
      %convert_element_type3A_393 = arith.extui %lt3A_392 : i1 to i32
      %cond3A_394 = arith.constant 0 : i32
      %cond3A_395 = arith.cmpi ne, %convert_element_type3A_393, %cond3A_394 : i32
      scf.if %cond3A_395 {
        %add3A_499 = arith.constant 4 : i32
        %add3A_500 = arith.addi %add3A_348, %add3A_499 : i32
        %mul3A_501 = arith.constant 320 : i32
        %mul3A_502 = arith.muli %arg1, %mul3A_501 : i32
        %add3A_503 = arith.addi %mul3A_502, %add3A_500 : i32
        %mul3A_504 = arith.constant 64 : i32
        %mul3A_505 = arith.muli %add3A_503, %mul3A_504 : i32
        %dma_start3A_506 = tpu.memref_slice %arg3[%mul3A_505] : memref<327680xi32, #tpu.memory_space<hbm>> -> memref<64xi32, #tpu.memory_space<hbm>>
        %dma_start3A_507 = tpu.memref_slice %arg3[%mul3A_505] : memref<327680xi32, #tpu.memory_space<hbm>> -> memref<64xi32, #tpu.memory_space<hbm>>
        tpu.enqueue_dma source(%dma_start3A_507 : memref<64xi32, #tpu.memory_space<hbm>>) target(%arg9 : memref<64xi32, #tpu.memory_space<vmem>>) target_semaphore(%arg46 : memref<!tpu.dma_semaphore, #tpu.memory_space<semaphore_mem>>)
        %dma_start3A_508 = tpu.memref_slice %arg4[%mul3A_505] : memref<327680xi32, #tpu.memory_space<hbm>> -> memref<64xi32, #tpu.memory_space<hbm>>
        %dma_start3A_509 = tpu.memref_slice %arg4[%mul3A_505] : memref<327680xi32, #tpu.memory_space<hbm>> -> memref<64xi32, #tpu.memory_space<hbm>>
        tpu.enqueue_dma source(%dma_start3A_509 : memref<64xi32, #tpu.memory_space<hbm>>) target(%arg13 : memref<64xi32, #tpu.memory_space<vmem>>) target_semaphore(%arg46 : memref<!tpu.dma_semaphore, #tpu.memory_space<semaphore_mem>>)
        %dma_start3A_510 = tpu.memref_slice %arg5[%mul3A_505] : memref<327680xf32, #tpu.memory_space<hbm>> -> memref<64xf32, #tpu.memory_space<hbm>>
        %dma_start3A_511 = tpu.memref_slice %arg5[%mul3A_505] : memref<327680xf32, #tpu.memory_space<hbm>> -> memref<64xf32, #tpu.memory_space<hbm>>
        tpu.enqueue_dma source(%dma_start3A_511 : memref<64xf32, #tpu.memory_space<hbm>>) target(%arg17 : memref<64xf32, #tpu.memory_space<vmem>>) target_semaphore(%arg46 : memref<!tpu.dma_semaphore, #tpu.memory_space<semaphore_mem>>)
      } else {
      }
      %mul3A_396 = arith.constant 4 : i32
      %mul3A_397 = arith.muli %mul3A_396, %scan3A_297 : i32
      %add3A_398 = arith.constant 2 : i32
      %add3A_399 = arith.addi %mul3A_397, %add3A_398 : i32
      %add3A_400 = arith.constant 2 : i32
      %add3A_401 = arith.addi %add3A_399, %add3A_400 : i32
      %lt3A_402 = arith.constant 320 : i32
      %lt3A_403 = arith.cmpi slt, %add3A_401, %lt3A_402 : i32
      %convert_element_type3A_404 = arith.extui %lt3A_403 : i1 to i32
      %cond3A_405 = arith.constant 0 : i32
      %cond3A_406 = arith.cmpi ne, %convert_element_type3A_404, %cond3A_405 : i32
      scf.if %cond3A_406 {
        %add3A_499 = arith.constant 2 : i32
        %add3A_500 = arith.addi %add3A_399, %add3A_499 : i32
        %mul3A_501 = arith.constant 320 : i32
        %mul3A_502 = arith.muli %arg1, %mul3A_501 : i32
        %add3A_503 = arith.addi %mul3A_502, %add3A_500 : i32
        %mul3A_504 = arith.constant 64 : i32
        %mul3A_505 = arith.muli %add3A_503, %mul3A_504 : i32
        %dma_wait3A_506 = tpu.memref_slice %arg3[%mul3A_505] : memref<327680xi32, #tpu.memory_space<hbm>> -> memref<64xi32, #tpu.memory_space<hbm>>
        %dma_wait3A_507 = tpu.memref_slice %arg3[%mul3A_505] : memref<327680xi32, #tpu.memory_space<hbm>> -> memref<64xi32, #tpu.memory_space<hbm>>
        tpu.wait_dma2 semaphore(%arg45 : memref<!tpu.dma_semaphore, #tpu.memory_space<semaphore_mem>>) src(%dma_wait3A_507 : memref<64xi32, #tpu.memory_space<hbm>>) dst(%arg8 : memref<64xi32, #tpu.memory_space<vmem>>)
        %dma_wait3A_508 = tpu.memref_slice %arg4[%mul3A_505] : memref<327680xi32, #tpu.memory_space<hbm>> -> memref<64xi32, #tpu.memory_space<hbm>>
        %dma_wait3A_509 = tpu.memref_slice %arg4[%mul3A_505] : memref<327680xi32, #tpu.memory_space<hbm>> -> memref<64xi32, #tpu.memory_space<hbm>>
        tpu.wait_dma2 semaphore(%arg45 : memref<!tpu.dma_semaphore, #tpu.memory_space<semaphore_mem>>) src(%dma_wait3A_509 : memref<64xi32, #tpu.memory_space<hbm>>) dst(%arg12 : memref<64xi32, #tpu.memory_space<vmem>>)
        %dma_wait3A_510 = tpu.memref_slice %arg5[%mul3A_505] : memref<327680xf32, #tpu.memory_space<hbm>> -> memref<64xf32, #tpu.memory_space<hbm>>
        %dma_wait3A_511 = tpu.memref_slice %arg5[%mul3A_505] : memref<327680xf32, #tpu.memory_space<hbm>> -> memref<64xf32, #tpu.memory_space<hbm>>
        tpu.wait_dma2 semaphore(%arg45 : memref<!tpu.dma_semaphore, #tpu.memory_space<semaphore_mem>>) src(%dma_wait3A_511 : memref<64xf32, #tpu.memory_space<hbm>>) dst(%arg16 : memref<64xf32, #tpu.memory_space<vmem>>)
        %get3A_512 = arith.constant 0 : index
        %get3A_513 = tpu.vector_load %arg8[%get3A_512] {strides = array<i32>} : memref<64xi32, #tpu.memory_space<vmem>>, vector<16xi32>,
        %get3A_514 = arith.constant 0 : index
        %get3A_515 = tpu.vector_load %arg12[%get3A_514] {strides = array<i32>} : memref<64xi32, #tpu.memory_space<vmem>>, vector<16xi32>,
        %get3A_516 = arith.constant 0 : index
        %get3A_517 = tpu.vector_load %arg16[%get3A_516] {strides = array<i32>} : memref<64xf32, #tpu.memory_space<vmem>>, vector<16xf32>,
        %gather3A_518 = tpu.vector_load_idx %arg42[%get3A_513] : memref<10112xf32, #tpu.memory_space<vmem>>[vector<16xi32>], vector<16xf32>,
        %gather3A_519 = tpu.vector_load_idx %arg42[%get3A_515] : memref<10112xf32, #tpu.memory_space<vmem>>[vector<16xi32>], vector<16xf32>,
        %swap3A_520 = arith.constant 0 : index
        %swap3A_521 = tpu.vector_load %arg26[%swap3A_520] {strides = array<i32>} : memref<64xf32, #tpu.memory_space<vmem>>, vector<16xf32>,
        tpu.vector_store %arg26[%swap3A_520], %get3A_517 {strides = array<i32>} : memref<64xf32, #tpu.memory_space<vmem>>, vector<16xf32>,
        %mul3A_522 = arith.mulf %gather3A_518, %get3A_517 : vector<16xf32>
        %mul3A_523 = arith.mulf %mul3A_522, %gather3A_519 : vector<16xf32>
        %swap3A_524 = arith.constant 0 : index
        %swap3A_525 = tpu.vector_load %arg30[%swap3A_524] {strides = array<i32>} : memref<64xf32, #tpu.memory_space<vmem>>, vector<16xf32>,
        tpu.vector_store %arg30[%swap3A_524], %mul3A_523 {strides = array<i32>} : memref<64xf32, #tpu.memory_space<vmem>>, vector<16xf32>,
        %add3A_526 = vector.broadcast %mul3A_0 : i32 to vector<16xi32>
        %add3A_527 = arith.addi %get3A_513, %add3A_526 : vector<16xi32>
        %swap3A_528 = arith.constant 0 : index
        %swap3A_529 = tpu.vector_load %arg20[%swap3A_528] {strides = array<i32>} : memref<64xi32, #tpu.memory_space<vmem>>, vector<16xi32>,
        tpu.vector_store %arg20[%swap3A_528], %add3A_527 {strides = array<i32>} : memref<64xi32, #tpu.memory_space<vmem>>, vector<16xi32>,
        %get3A_530 = arith.constant 16 : index
        %get3A_531 = tpu.vector_load %arg8[%get3A_530] {strides = array<i32>} : memref<64xi32, #tpu.memory_space<vmem>>, vector<16xi32>,
        %get3A_532 = arith.constant 16 : index
        %get3A_533 = tpu.vector_load %arg12[%get3A_532] {strides = array<i32>} : memref<64xi32, #tpu.memory_space<vmem>>, vector<16xi32>,
        %get3A_534 = arith.constant 16 : index
        %get3A_535 = tpu.vector_load %arg16[%get3A_534] {strides = array<i32>} : memref<64xf32, #tpu.memory_space<vmem>>, vector<16xf32>,
        %gather3A_536 = tpu.vector_load_idx %arg42[%get3A_531] : memref<10112xf32, #tpu.memory_space<vmem>>[vector<16xi32>], vector<16xf32>,
        %gather3A_537 = tpu.vector_load_idx %arg42[%get3A_533] : memref<10112xf32, #tpu.memory_space<vmem>>[vector<16xi32>], vector<16xf32>,
        %swap3A_538 = arith.constant 16 : index
        %swap3A_539 = tpu.vector_load %arg26[%swap3A_538] {strides = array<i32>} : memref<64xf32, #tpu.memory_space<vmem>>, vector<16xf32>,
        tpu.vector_store %arg26[%swap3A_538], %get3A_535 {strides = array<i32>} : memref<64xf32, #tpu.memory_space<vmem>>, vector<16xf32>,
        %mul3A_540 = arith.mulf %gather3A_536, %get3A_535 : vector<16xf32>
        %mul3A_541 = arith.mulf %mul3A_540, %gather3A_537 : vector<16xf32>
        %swap3A_542 = arith.constant 16 : index
        %swap3A_543 = tpu.vector_load %arg30[%swap3A_542] {strides = array<i32>} : memref<64xf32, #tpu.memory_space<vmem>>, vector<16xf32>,
        tpu.vector_store %arg30[%swap3A_542], %mul3A_541 {strides = array<i32>} : memref<64xf32, #tpu.memory_space<vmem>>, vector<16xf32>,
        %add3A_544 = vector.broadcast %mul3A_0 : i32 to vector<16xi32>
        %add3A_545 = arith.addi %get3A_531, %add3A_544 : vector<16xi32>
        %swap3A_546 = arith.constant 16 : index
        %swap3A_547 = tpu.vector_load %arg20[%swap3A_546] {strides = array<i32>} : memref<64xi32, #tpu.memory_space<vmem>>, vector<16xi32>,
        tpu.vector_store %arg20[%swap3A_546], %add3A_545 {strides = array<i32>} : memref<64xi32, #tpu.memory_space<vmem>>, vector<16xi32>,
        %get3A_548 = arith.constant 32 : index
        %get3A_549 = tpu.vector_load %arg8[%get3A_548] {strides = array<i32>} : memref<64xi32, #tpu.memory_space<vmem>>, vector<16xi32>,
        %get3A_550 = arith.constant 32 : index
        %get3A_551 = tpu.vector_load %arg12[%get3A_550] {strides = array<i32>} : memref<64xi32, #tpu.memory_space<vmem>>, vector<16xi32>,
        %get3A_552 = arith.constant 32 : index
        %get3A_553 = tpu.vector_load %arg16[%get3A_552] {strides = array<i32>} : memref<64xf32, #tpu.memory_space<vmem>>, vector<16xf32>,
        %gather3A_554 = tpu.vector_load_idx %arg42[%get3A_549] : memref<10112xf32, #tpu.memory_space<vmem>>[vector<16xi32>], vector<16xf32>,
        %gather3A_555 = tpu.vector_load_idx %arg42[%get3A_551] : memref<10112xf32, #tpu.memory_space<vmem>>[vector<16xi32>], vector<16xf32>,
        %swap3A_556 = arith.constant 32 : index
        %swap3A_557 = tpu.vector_load %arg26[%swap3A_556] {strides = array<i32>} : memref<64xf32, #tpu.memory_space<vmem>>, vector<16xf32>,
        tpu.vector_store %arg26[%swap3A_556], %get3A_553 {strides = array<i32>} : memref<64xf32, #tpu.memory_space<vmem>>, vector<16xf32>,
        %mul3A_558 = arith.mulf %gather3A_554, %get3A_553 : vector<16xf32>
        %mul3A_559 = arith.mulf %mul3A_558, %gather3A_555 : vector<16xf32>
        %swap3A_560 = arith.constant 32 : index
        %swap3A_561 = tpu.vector_load %arg30[%swap3A_560] {strides = array<i32>} : memref<64xf32, #tpu.memory_space<vmem>>, vector<16xf32>,
        tpu.vector_store %arg30[%swap3A_560], %mul3A_559 {strides = array<i32>} : memref<64xf32, #tpu.memory_space<vmem>>, vector<16xf32>,
        %add3A_562 = vector.broadcast %mul3A_0 : i32 to vector<16xi32>
        %add3A_563 = arith.addi %get3A_549, %add3A_562 : vector<16xi32>
        %swap3A_564 = arith.constant 32 : index
        %swap3A_565 = tpu.vector_load %arg20[%swap3A_564] {strides = array<i32>} : memref<64xi32, #tpu.memory_space<vmem>>, vector<16xi32>,
        tpu.vector_store %arg20[%swap3A_564], %add3A_563 {strides = array<i32>} : memref<64xi32, #tpu.memory_space<vmem>>, vector<16xi32>,
        %get3A_566 = arith.constant 48 : index
        %get3A_567 = tpu.vector_load %arg8[%get3A_566] {strides = array<i32>} : memref<64xi32, #tpu.memory_space<vmem>>, vector<16xi32>,
        %get3A_568 = arith.constant 48 : index
        %get3A_569 = tpu.vector_load %arg12[%get3A_568] {strides = array<i32>} : memref<64xi32, #tpu.memory_space<vmem>>, vector<16xi32>,
        %get3A_570 = arith.constant 48 : index
        %get3A_571 = tpu.vector_load %arg16[%get3A_570] {strides = array<i32>} : memref<64xf32, #tpu.memory_space<vmem>>, vector<16xf32>,
        %gather3A_572 = tpu.vector_load_idx %arg42[%get3A_567] : memref<10112xf32, #tpu.memory_space<vmem>>[vector<16xi32>], vector<16xf32>,
        %gather3A_573 = tpu.vector_load_idx %arg42[%get3A_569] : memref<10112xf32, #tpu.memory_space<vmem>>[vector<16xi32>], vector<16xf32>,
        %swap3A_574 = arith.constant 48 : index
        %swap3A_575 = tpu.vector_load %arg26[%swap3A_574] {strides = array<i32>} : memref<64xf32, #tpu.memory_space<vmem>>, vector<16xf32>,
        tpu.vector_store %arg26[%swap3A_574], %get3A_571 {strides = array<i32>} : memref<64xf32, #tpu.memory_space<vmem>>, vector<16xf32>,
        %mul3A_576 = arith.mulf %gather3A_572, %get3A_571 : vector<16xf32>
        %mul3A_577 = arith.mulf %mul3A_576, %gather3A_573 : vector<16xf32>
        %swap3A_578 = arith.constant 48 : index
        %swap3A_579 = tpu.vector_load %arg30[%swap3A_578] {strides = array<i32>} : memref<64xf32, #tpu.memory_space<vmem>>, vector<16xf32>,
        tpu.vector_store %arg30[%swap3A_578], %mul3A_577 {strides = array<i32>} : memref<64xf32, #tpu.memory_space<vmem>>, vector<16xf32>,
        %add3A_580 = vector.broadcast %mul3A_0 : i32 to vector<16xi32>
        %add3A_581 = arith.addi %get3A_567, %add3A_580 : vector<16xi32>
        %swap3A_582 = arith.constant 48 : index
        %swap3A_583 = tpu.vector_load %arg20[%swap3A_582] {strides = array<i32>} : memref<64xi32, #tpu.memory_space<vmem>>, vector<16xi32>,
        tpu.vector_store %arg20[%swap3A_582], %add3A_581 {strides = array<i32>} : memref<64xi32, #tpu.memory_space<vmem>>, vector<16xi32>,
        %dma_start3A_584 = arith.constant 0 : i32
        %dma_start3A_585 = arith.constant 0 : i32
        %dma_start3A_586 = tpu.memref_slice %arg2[%dma_start3A_584, %dma_start3A_585] : memref<20224x64xf32, #tpu.memory_space<hbm>> -> memref<20224x64xf32, #tpu.memory_space<hbm>>
        tpu.enqueue_indirect_dma source(%dma_start3A_586 : memref<20224x64xf32, #tpu.memory_space<hbm>>) target(%arg34 : memref<64x64xf32, #tpu.memory_space<vmem>>) offsets(%arg20 : memref<64xi32, #tpu.memory_space<vmem>>) semaphore(%arg49 : memref<!tpu.dma_semaphore, #tpu.memory_space<semaphore_mem>>)
      } else {
      }
      %dma_wait3A_407 = arith.constant 0 : i32
      %dma_wait3A_408 = arith.constant 0 : i32
      %dma_wait3A_409 = tpu.memref_slice %arg2[%dma_wait3A_407, %dma_wait3A_408] : memref<20224x64xf32, #tpu.memory_space<hbm>> -> memref<20224x64xf32, #tpu.memory_space<hbm>>
      tpu.wait_indirect_dma semaphore(%arg51 : memref<!tpu.dma_semaphore, #tpu.memory_space<semaphore_mem>>) src(%dma_wait3A_409 : memref<20224x64xf32, #tpu.memory_space<hbm>>) dst(%arg36 : memref<64x64xf32, #tpu.memory_space<vmem>>)
      %ge3A_410 = arith.constant 2 : i32
      %ge3A_411 = arith.cmpi sge, %add3A_399, %ge3A_410 : i32
      %convert_element_type3A_412 = arith.extui %ge3A_411 : i1 to i32
      %cond3A_413 = arith.constant 0 : i32
      %cond3A_414 = arith.cmpi ne, %convert_element_type3A_412, %cond3A_413 : i32
      scf.if %cond3A_414 {
        %dma_wait3A_499 = arith.constant 0 : i32
        %dma_wait3A_500 = arith.constant 0 : i32
        %dma_wait3A_501 = tpu.memref_slice %arg43[%dma_wait3A_499, %dma_wait3A_500] : memref<10112x64xf32, #tpu.memory_space<vmem_shared>> -> memref<10112x64xf32, #tpu.memory_space<vmem_shared>>
        tpu.wait_indirect_dma semaphore(%arg53 : memref<!tpu.dma_semaphore, #tpu.memory_space<semaphore_mem>>) src(%arg38 : memref<64x64xf32, #tpu.memory_space<vmem>>) dst(%dma_wait3A_501 : memref<10112x64xf32, #tpu.memory_space<vmem_shared>>)
        %dma_wait3A_502 = arith.constant 0 : i32
        %dma_wait3A_503 = arith.constant 0 : i32
        %dma_wait3A_504 = tpu.memref_slice %arg44[%dma_wait3A_502, %dma_wait3A_503] : memref<10112x64xf32, #tpu.memory_space<vmem_shared>> -> memref<10112x64xf32, #tpu.memory_space<vmem_shared>>
        tpu.wait_indirect_dma semaphore(%arg53 : memref<!tpu.dma_semaphore, #tpu.memory_space<semaphore_mem>>) src(%arg40 : memref<64x64xf32, #tpu.memory_space<vmem>>) dst(%dma_wait3A_504 : memref<10112x64xf32, #tpu.memory_space<vmem_shared>>)
      } else {
      }
      %get3A_415 = arith.constant 0 : index
      %get3A_416 = tpu.vector_load %arg14[%get3A_415] {strides = array<i32>} : memref<64xi32, #tpu.memory_space<vmem>>, vector<16xi32>,
      %swap3A_417 = arith.constant 0 : index
      %swap3A_418 = tpu.vector_load %arg24[%swap3A_417] {strides = array<i32>} : memref<64xi32, #tpu.memory_space<vmem>>, vector<16xi32>,
      tpu.vector_store %arg24[%swap3A_417], %get3A_416 {strides = array<i32>} : memref<64xi32, #tpu.memory_space<vmem>>, vector<16xi32>,
      %get3A_419 = arith.constant 16 : index
      %get3A_420 = tpu.vector_load %arg14[%get3A_419] {strides = array<i32>} : memref<64xi32, #tpu.memory_space<vmem>>, vector<16xi32>,
      %swap3A_421 = arith.constant 16 : index
      %swap3A_422 = tpu.vector_load %arg24[%swap3A_421] {strides = array<i32>} : memref<64xi32, #tpu.memory_space<vmem>>, vector<16xi32>,
      tpu.vector_store %arg24[%swap3A_421], %get3A_420 {strides = array<i32>} : memref<64xi32, #tpu.memory_space<vmem>>, vector<16xi32>,
      %get3A_423 = arith.constant 32 : index
      %get3A_424 = tpu.vector_load %arg14[%get3A_423] {strides = array<i32>} : memref<64xi32, #tpu.memory_space<vmem>>, vector<16xi32>,
      %swap3A_425 = arith.constant 32 : index
      %swap3A_426 = tpu.vector_load %arg24[%swap3A_425] {strides = array<i32>} : memref<64xi32, #tpu.memory_space<vmem>>, vector<16xi32>,
      tpu.vector_store %arg24[%swap3A_425], %get3A_424 {strides = array<i32>} : memref<64xi32, #tpu.memory_space<vmem>>, vector<16xi32>,
      %get3A_427 = arith.constant 48 : index
      %get3A_428 = tpu.vector_load %arg14[%get3A_427] {strides = array<i32>} : memref<64xi32, #tpu.memory_space<vmem>>, vector<16xi32>,
      %swap3A_429 = arith.constant 48 : index
      %swap3A_430 = tpu.vector_load %arg24[%swap3A_429] {strides = array<i32>} : memref<64xi32, #tpu.memory_space<vmem>>, vector<16xi32>,
      tpu.vector_store %arg24[%swap3A_429], %get3A_428 {strides = array<i32>} : memref<64xi32, #tpu.memory_space<vmem>>, vector<16xi32>,
      %parallel_loop3A_431 = arith.constant 0 : i32
      %parallel_loop3A_432 = arith.constant 64 : i32
      %parallel_loop3A_433 = arith.constant 1 : i32
      scf.for %parallel_loop3A_499 = %parallel_loop3A_431 to %parallel_loop3A_432 step %parallel_loop3A_433  : i32 {
        %parallel_loop3A_500 = vector.broadcast %parallel_loop3A_499 : i32 to vector<16xi32>
        %parallel_loop3A_501 = tpu.vector_load_idx %arg28[%parallel_loop3A_500] : memref<64xf32, #tpu.memory_space<vmem>>[vector<16xi32>], vector<16xf32>,
        %parallel_loop3A_502 = tpu.vector_load_idx %arg32[%parallel_loop3A_500] : memref<64xf32, #tpu.memory_space<vmem>>[vector<16xi32>], vector<16xf32>,
        %parallel_loop3A_503 = arith.constant 0 : i32
        %parallel_loop3A_504 = tpu.memref_slice %arg36[%parallel_loop3A_499, %parallel_loop3A_503] : memref<64x64xf32, #tpu.memory_space<vmem>> -> memref<1x64xf32, #tpu.memory_space<vmem>>
        %parallel_loop3A_505 = tpu.memref_squeeze %parallel_loop3A_504 : memref<1x64xf32, #tpu.memory_space<vmem>> -> memref<64xf32, #tpu.memory_space<vmem>>
        %parallel_loop3A_506 = arith.constant 0 : index
        %parallel_loop3A_507 = tpu.vector_load %parallel_loop3A_505[%parallel_loop3A_506] {strides = array<i32>} : memref<64xf32, #tpu.memory_space<vmem>>, vector<16xf32>,
        %parallel_loop3A_508 = arith.mulf %parallel_loop3A_507, %parallel_loop3A_501 : vector<16xf32>
        %parallel_loop3A_509 = arith.constant 0 : i32
        %parallel_loop3A_510 = tpu.memref_slice %arg38[%parallel_loop3A_499, %parallel_loop3A_509] : memref<64x64xf32, #tpu.memory_space<vmem>> -> memref<1x64xf32, #tpu.memory_space<vmem>>
        %parallel_loop3A_511 = tpu.memref_squeeze %parallel_loop3A_510 : memref<1x64xf32, #tpu.memory_space<vmem>> -> memref<64xf32, #tpu.memory_space<vmem>>
        %parallel_loop3A_512 = arith.constant 0 : index
        %parallel_loop3A_513 = tpu.vector_load %parallel_loop3A_511[%parallel_loop3A_512] {strides = array<i32>} : memref<64xf32, #tpu.memory_space<vmem>>, vector<16xf32>,
        tpu.vector_store %parallel_loop3A_511[%parallel_loop3A_512], %parallel_loop3A_508 {strides = array<i32>} : memref<64xf32, #tpu.memory_space<vmem>>, vector<16xf32>,
        %parallel_loop3A_514 = arith.mulf %parallel_loop3A_507, %parallel_loop3A_502 : vector<16xf32>
        %parallel_loop3A_515 = arith.constant 0 : i32
        %parallel_loop3A_516 = tpu.memref_slice %arg40[%parallel_loop3A_499, %parallel_loop3A_515] : memref<64x64xf32, #tpu.memory_space<vmem>> -> memref<1x64xf32, #tpu.memory_space<vmem>>
        %parallel_loop3A_517 = tpu.memref_squeeze %parallel_loop3A_516 : memref<1x64xf32, #tpu.memory_space<vmem>> -> memref<64xf32, #tpu.memory_space<vmem>>
        %parallel_loop3A_518 = arith.constant 0 : index
        %parallel_loop3A_519 = tpu.vector_load %parallel_loop3A_517[%parallel_loop3A_518] {strides = array<i32>} : memref<64xf32, #tpu.memory_space<vmem>>, vector<16xf32>,
        tpu.vector_store %parallel_loop3A_517[%parallel_loop3A_518], %parallel_loop3A_514 {strides = array<i32>} : memref<64xf32, #tpu.memory_space<vmem>>, vector<16xf32>,
        %parallel_loop3A_520 = arith.constant 0 : i32
        %parallel_loop3A_521 = tpu.memref_slice %arg36[%parallel_loop3A_499, %parallel_loop3A_520] : memref<64x64xf32, #tpu.memory_space<vmem>> -> memref<1x64xf32, #tpu.memory_space<vmem>>
        %parallel_loop3A_522 = tpu.memref_squeeze %parallel_loop3A_521 : memref<1x64xf32, #tpu.memory_space<vmem>> -> memref<64xf32, #tpu.memory_space<vmem>>
        %parallel_loop3A_523 = arith.constant 16 : index
        %parallel_loop3A_524 = tpu.vector_load %parallel_loop3A_522[%parallel_loop3A_523] {strides = array<i32>} : memref<64xf32, #tpu.memory_space<vmem>>, vector<16xf32>,
        %parallel_loop3A_525 = arith.mulf %parallel_loop3A_524, %parallel_loop3A_501 : vector<16xf32>
        %parallel_loop3A_526 = arith.constant 0 : i32
        %parallel_loop3A_527 = tpu.memref_slice %arg38[%parallel_loop3A_499, %parallel_loop3A_526] : memref<64x64xf32, #tpu.memory_space<vmem>> -> memref<1x64xf32, #tpu.memory_space<vmem>>
        %parallel_loop3A_528 = tpu.memref_squeeze %parallel_loop3A_527 : memref<1x64xf32, #tpu.memory_space<vmem>> -> memref<64xf32, #tpu.memory_space<vmem>>
        %parallel_loop3A_529 = arith.constant 16 : index
        %parallel_loop3A_530 = tpu.vector_load %parallel_loop3A_528[%parallel_loop3A_529] {strides = array<i32>} : memref<64xf32, #tpu.memory_space<vmem>>, vector<16xf32>,
        tpu.vector_store %parallel_loop3A_528[%parallel_loop3A_529], %parallel_loop3A_525 {strides = array<i32>} : memref<64xf32, #tpu.memory_space<vmem>>, vector<16xf32>,
        %parallel_loop3A_531 = arith.mulf %parallel_loop3A_524, %parallel_loop3A_502 : vector<16xf32>
        %parallel_loop3A_532 = arith.constant 0 : i32
        %parallel_loop3A_533 = tpu.memref_slice %arg40[%parallel_loop3A_499, %parallel_loop3A_532] : memref<64x64xf32, #tpu.memory_space<vmem>> -> memref<1x64xf32, #tpu.memory_space<vmem>>
        %parallel_loop3A_534 = tpu.memref_squeeze %parallel_loop3A_533 : memref<1x64xf32, #tpu.memory_space<vmem>> -> memref<64xf32, #tpu.memory_space<vmem>>
        %parallel_loop3A_535 = arith.constant 16 : index
        %parallel_loop3A_536 = tpu.vector_load %parallel_loop3A_534[%parallel_loop3A_535] {strides = array<i32>} : memref<64xf32, #tpu.memory_space<vmem>>, vector<16xf32>,
        tpu.vector_store %parallel_loop3A_534[%parallel_loop3A_535], %parallel_loop3A_531 {strides = array<i32>} : memref<64xf32, #tpu.memory_space<vmem>>, vector<16xf32>,
        %parallel_loop3A_537 = arith.constant 0 : i32
        %parallel_loop3A_538 = tpu.memref_slice %arg36[%parallel_loop3A_499, %parallel_loop3A_537] : memref<64x64xf32, #tpu.memory_space<vmem>> -> memref<1x64xf32, #tpu.memory_space<vmem>>
        %parallel_loop3A_539 = tpu.memref_squeeze %parallel_loop3A_538 : memref<1x64xf32, #tpu.memory_space<vmem>> -> memref<64xf32, #tpu.memory_space<vmem>>
        %parallel_loop3A_540 = arith.constant 32 : index
        %parallel_loop3A_541 = tpu.vector_load %parallel_loop3A_539[%parallel_loop3A_540] {strides = array<i32>} : memref<64xf32, #tpu.memory_space<vmem>>, vector<16xf32>,
        %parallel_loop3A_542 = arith.mulf %parallel_loop3A_541, %parallel_loop3A_501 : vector<16xf32>
        %parallel_loop3A_543 = arith.constant 0 : i32
        %parallel_loop3A_544 = tpu.memref_slice %arg38[%parallel_loop3A_499, %parallel_loop3A_543] : memref<64x64xf32, #tpu.memory_space<vmem>> -> memref<1x64xf32, #tpu.memory_space<vmem>>
        %parallel_loop3A_545 = tpu.memref_squeeze %parallel_loop3A_544 : memref<1x64xf32, #tpu.memory_space<vmem>> -> memref<64xf32, #tpu.memory_space<vmem>>
        %parallel_loop3A_546 = arith.constant 32 : index
        %parallel_loop3A_547 = tpu.vector_load %parallel_loop3A_545[%parallel_loop3A_546] {strides = array<i32>} : memref<64xf32, #tpu.memory_space<vmem>>, vector<16xf32>,
        tpu.vector_store %parallel_loop3A_545[%parallel_loop3A_546], %parallel_loop3A_542 {strides = array<i32>} : memref<64xf32, #tpu.memory_space<vmem>>, vector<16xf32>,
        %parallel_loop3A_548 = arith.mulf %parallel_loop3A_541, %parallel_loop3A_502 : vector<16xf32>
        %parallel_loop3A_549 = arith.constant 0 : i32
        %parallel_loop3A_550 = tpu.memref_slice %arg40[%parallel_loop3A_499, %parallel_loop3A_549] : memref<64x64xf32, #tpu.memory_space<vmem>> -> memref<1x64xf32, #tpu.memory_space<vmem>>
        %parallel_loop3A_551 = tpu.memref_squeeze %parallel_loop3A_550 : memref<1x64xf32, #tpu.memory_space<vmem>> -> memref<64xf32, #tpu.memory_space<vmem>>
        %parallel_loop3A_552 = arith.constant 32 : index
        %parallel_loop3A_553 = tpu.vector_load %parallel_loop3A_551[%parallel_loop3A_552] {strides = array<i32>} : memref<64xf32, #tpu.memory_space<vmem>>, vector<16xf32>,
        tpu.vector_store %parallel_loop3A_551[%parallel_loop3A_552], %parallel_loop3A_548 {strides = array<i32>} : memref<64xf32, #tpu.memory_space<vmem>>, vector<16xf32>,
        %parallel_loop3A_554 = arith.constant 0 : i32
        %parallel_loop3A_555 = tpu.memref_slice %arg36[%parallel_loop3A_499, %parallel_loop3A_554] : memref<64x64xf32, #tpu.memory_space<vmem>> -> memref<1x64xf32, #tpu.memory_space<vmem>>
        %parallel_loop3A_556 = tpu.memref_squeeze %parallel_loop3A_555 : memref<1x64xf32, #tpu.memory_space<vmem>> -> memref<64xf32, #tpu.memory_space<vmem>>
        %parallel_loop3A_557 = arith.constant 48 : index
        %parallel_loop3A_558 = tpu.vector_load %parallel_loop3A_556[%parallel_loop3A_557] {strides = array<i32>} : memref<64xf32, #tpu.memory_space<vmem>>, vector<16xf32>,
        %parallel_loop3A_559 = arith.mulf %parallel_loop3A_558, %parallel_loop3A_501 : vector<16xf32>
        %parallel_loop3A_560 = arith.constant 0 : i32
        %parallel_loop3A_561 = tpu.memref_slice %arg38[%parallel_loop3A_499, %parallel_loop3A_560] : memref<64x64xf32, #tpu.memory_space<vmem>> -> memref<1x64xf32, #tpu.memory_space<vmem>>
        %parallel_loop3A_562 = tpu.memref_squeeze %parallel_loop3A_561 : memref<1x64xf32, #tpu.memory_space<vmem>> -> memref<64xf32, #tpu.memory_space<vmem>>
        %parallel_loop3A_563 = arith.constant 48 : index
        %parallel_loop3A_564 = tpu.vector_load %parallel_loop3A_562[%parallel_loop3A_563] {strides = array<i32>} : memref<64xf32, #tpu.memory_space<vmem>>, vector<16xf32>,
        tpu.vector_store %parallel_loop3A_562[%parallel_loop3A_563], %parallel_loop3A_559 {strides = array<i32>} : memref<64xf32, #tpu.memory_space<vmem>>, vector<16xf32>,
        %parallel_loop3A_565 = arith.mulf %parallel_loop3A_558, %parallel_loop3A_502 : vector<16xf32>
        %parallel_loop3A_566 = arith.constant 0 : i32
        %parallel_loop3A_567 = tpu.memref_slice %arg40[%parallel_loop3A_499, %parallel_loop3A_566] : memref<64x64xf32, #tpu.memory_space<vmem>> -> memref<1x64xf32, #tpu.memory_space<vmem>>
        %parallel_loop3A_568 = tpu.memref_squeeze %parallel_loop3A_567 : memref<1x64xf32, #tpu.memory_space<vmem>> -> memref<64xf32, #tpu.memory_space<vmem>>
        %parallel_loop3A_569 = arith.constant 48 : index
        %parallel_loop3A_570 = tpu.vector_load %parallel_loop3A_568[%parallel_loop3A_569] {strides = array<i32>} : memref<64xf32, #tpu.memory_space<vmem>>, vector<16xf32>,
        tpu.vector_store %parallel_loop3A_568[%parallel_loop3A_569], %parallel_loop3A_565 {strides = array<i32>} : memref<64xf32, #tpu.memory_space<vmem>>, vector<16xf32>,
      } {sc.loop_unroll_factor = 4 : i64, sc.parallel_access}
      %dma_start3A_434 = arith.constant 0 : i32
      %dma_start3A_435 = arith.constant 0 : i32
      %dma_start3A_436 = tpu.memref_slice %arg43[%dma_start3A_434, %dma_start3A_435] : memref<10112x64xf32, #tpu.memory_space<vmem_shared>> -> memref<10112x64xf32, #tpu.memory_space<vmem_shared>>
      tpu.enqueue_indirect_dma source(%arg38 : memref<64x64xf32, #tpu.memory_space<vmem>>) target(%dma_start3A_436 : memref<10112x64xf32, #tpu.memory_space<vmem_shared>>) offsets(%arg24 : memref<64xi32, #tpu.memory_space<vmem>>) semaphore(%arg53 : memref<!tpu.dma_semaphore, #tpu.memory_space<semaphore_mem>>) {add = true}
      %dma_start3A_437 = arith.constant 0 : i32
      %dma_start3A_438 = arith.constant 0 : i32
      %dma_start3A_439 = tpu.memref_slice %arg44[%dma_start3A_437, %dma_start3A_438] : memref<10112x64xf32, #tpu.memory_space<vmem_shared>> -> memref<10112x64xf32, #tpu.memory_space<vmem_shared>>
      tpu.enqueue_indirect_dma source(%arg40 : memref<64x64xf32, #tpu.memory_space<vmem>>) target(%dma_start3A_439 : memref<10112x64xf32, #tpu.memory_space<vmem_shared>>) offsets(%arg24 : memref<64xi32, #tpu.memory_space<vmem>>) semaphore(%arg53 : memref<!tpu.dma_semaphore, #tpu.memory_space<semaphore_mem>>) {add = true}
      %add3A_440 = arith.constant 4 : i32
      %add3A_441 = arith.addi %add3A_399, %add3A_440 : i32
      %lt3A_442 = arith.constant 320 : i32
      %lt3A_443 = arith.cmpi slt, %add3A_441, %lt3A_442 : i32
      %convert_element_type3A_444 = arith.extui %lt3A_443 : i1 to i32
      %cond3A_445 = arith.constant 0 : i32
      %cond3A_446 = arith.cmpi ne, %convert_element_type3A_444, %cond3A_445 : i32
      scf.if %cond3A_446 {
        %add3A_499 = arith.constant 4 : i32
        %add3A_500 = arith.addi %add3A_399, %add3A_499 : i32
        %mul3A_501 = arith.constant 320 : i32
        %mul3A_502 = arith.muli %arg1, %mul3A_501 : i32
        %add3A_503 = arith.addi %mul3A_502, %add3A_500 : i32
        %mul3A_504 = arith.constant 64 : i32
        %mul3A_505 = arith.muli %add3A_503, %mul3A_504 : i32
        %dma_start3A_506 = tpu.memref_slice %arg3[%mul3A_505] : memref<327680xi32, #tpu.memory_space<hbm>> -> memref<64xi32, #tpu.memory_space<hbm>>
        %dma_start3A_507 = tpu.memref_slice %arg3[%mul3A_505] : memref<327680xi32, #tpu.memory_space<hbm>> -> memref<64xi32, #tpu.memory_space<hbm>>
        tpu.enqueue_dma source(%dma_start3A_507 : memref<64xi32, #tpu.memory_space<hbm>>) target(%arg10 : memref<64xi32, #tpu.memory_space<vmem>>) target_semaphore(%arg47 : memref<!tpu.dma_semaphore, #tpu.memory_space<semaphore_mem>>)
        %dma_start3A_508 = tpu.memref_slice %arg4[%mul3A_505] : memref<327680xi32, #tpu.memory_space<hbm>> -> memref<64xi32, #tpu.memory_space<hbm>>
        %dma_start3A_509 = tpu.memref_slice %arg4[%mul3A_505] : memref<327680xi32, #tpu.memory_space<hbm>> -> memref<64xi32, #tpu.memory_space<hbm>>
        tpu.enqueue_dma source(%dma_start3A_509 : memref<64xi32, #tpu.memory_space<hbm>>) target(%arg14 : memref<64xi32, #tpu.memory_space<vmem>>) target_semaphore(%arg47 : memref<!tpu.dma_semaphore, #tpu.memory_space<semaphore_mem>>)
        %dma_start3A_510 = tpu.memref_slice %arg5[%mul3A_505] : memref<327680xf32, #tpu.memory_space<hbm>> -> memref<64xf32, #tpu.memory_space<hbm>>
        %dma_start3A_511 = tpu.memref_slice %arg5[%mul3A_505] : memref<327680xf32, #tpu.memory_space<hbm>> -> memref<64xf32, #tpu.memory_space<hbm>>
        tpu.enqueue_dma source(%dma_start3A_511 : memref<64xf32, #tpu.memory_space<hbm>>) target(%arg18 : memref<64xf32, #tpu.memory_space<vmem>>) target_semaphore(%arg47 : memref<!tpu.dma_semaphore, #tpu.memory_space<semaphore_mem>>)
      } else {
      }
      %mul3A_447 = arith.constant 4 : i32
      %mul3A_448 = arith.muli %mul3A_447, %scan3A_297 : i32
      %add3A_449 = arith.constant 3 : i32
      %add3A_450 = arith.addi %mul3A_448, %add3A_449 : i32
      %add3A_451 = arith.constant 2 : i32
      %add3A_452 = arith.addi %add3A_450, %add3A_451 : i32
      %lt3A_453 = arith.constant 320 : i32
      %lt3A_454 = arith.cmpi slt, %add3A_452, %lt3A_453 : i32
      %convert_element_type3A_455 = arith.extui %lt3A_454 : i1 to i32
      %cond3A_456 = arith.constant 0 : i32
      %cond3A_457 = arith.cmpi ne, %convert_element_type3A_455, %cond3A_456 : i32
      scf.if %cond3A_457 {
        %add3A_499 = arith.constant 2 : i32
        %add3A_500 = arith.addi %add3A_450, %add3A_499 : i32
        %mul3A_501 = arith.constant 320 : i32
        %mul3A_502 = arith.muli %arg1, %mul3A_501 : i32
        %add3A_503 = arith.addi %mul3A_502, %add3A_500 : i32
        %mul3A_504 = arith.constant 64 : i32
        %mul3A_505 = arith.muli %add3A_503, %mul3A_504 : i32
        %dma_wait3A_506 = tpu.memref_slice %arg3[%mul3A_505] : memref<327680xi32, #tpu.memory_space<hbm>> -> memref<64xi32, #tpu.memory_space<hbm>>
        %dma_wait3A_507 = tpu.memref_slice %arg3[%mul3A_505] : memref<327680xi32, #tpu.memory_space<hbm>> -> memref<64xi32, #tpu.memory_space<hbm>>
        tpu.wait_dma2 semaphore(%arg46 : memref<!tpu.dma_semaphore, #tpu.memory_space<semaphore_mem>>) src(%dma_wait3A_507 : memref<64xi32, #tpu.memory_space<hbm>>) dst(%arg9 : memref<64xi32, #tpu.memory_space<vmem>>)
        %dma_wait3A_508 = tpu.memref_slice %arg4[%mul3A_505] : memref<327680xi32, #tpu.memory_space<hbm>> -> memref<64xi32, #tpu.memory_space<hbm>>
        %dma_wait3A_509 = tpu.memref_slice %arg4[%mul3A_505] : memref<327680xi32, #tpu.memory_space<hbm>> -> memref<64xi32, #tpu.memory_space<hbm>>
        tpu.wait_dma2 semaphore(%arg46 : memref<!tpu.dma_semaphore, #tpu.memory_space<semaphore_mem>>) src(%dma_wait3A_509 : memref<64xi32, #tpu.memory_space<hbm>>) dst(%arg13 : memref<64xi32, #tpu.memory_space<vmem>>)
        %dma_wait3A_510 = tpu.memref_slice %arg5[%mul3A_505] : memref<327680xf32, #tpu.memory_space<hbm>> -> memref<64xf32, #tpu.memory_space<hbm>>
        %dma_wait3A_511 = tpu.memref_slice %arg5[%mul3A_505] : memref<327680xf32, #tpu.memory_space<hbm>> -> memref<64xf32, #tpu.memory_space<hbm>>
        tpu.wait_dma2 semaphore(%arg46 : memref<!tpu.dma_semaphore, #tpu.memory_space<semaphore_mem>>) src(%dma_wait3A_511 : memref<64xf32, #tpu.memory_space<hbm>>) dst(%arg17 : memref<64xf32, #tpu.memory_space<vmem>>)
        %get3A_512 = arith.constant 0 : index
        %get3A_513 = tpu.vector_load %arg9[%get3A_512] {strides = array<i32>} : memref<64xi32, #tpu.memory_space<vmem>>, vector<16xi32>,
        %get3A_514 = arith.constant 0 : index
        %get3A_515 = tpu.vector_load %arg13[%get3A_514] {strides = array<i32>} : memref<64xi32, #tpu.memory_space<vmem>>, vector<16xi32>,
        %get3A_516 = arith.constant 0 : index
        %get3A_517 = tpu.vector_load %arg17[%get3A_516] {strides = array<i32>} : memref<64xf32, #tpu.memory_space<vmem>>, vector<16xf32>,
        %gather3A_518 = tpu.vector_load_idx %arg42[%get3A_513] : memref<10112xf32, #tpu.memory_space<vmem>>[vector<16xi32>], vector<16xf32>,
        %gather3A_519 = tpu.vector_load_idx %arg42[%get3A_515] : memref<10112xf32, #tpu.memory_space<vmem>>[vector<16xi32>], vector<16xf32>,
        %swap3A_520 = arith.constant 0 : index
        %swap3A_521 = tpu.vector_load %arg27[%swap3A_520] {strides = array<i32>} : memref<64xf32, #tpu.memory_space<vmem>>, vector<16xf32>,
        tpu.vector_store %arg27[%swap3A_520], %get3A_517 {strides = array<i32>} : memref<64xf32, #tpu.memory_space<vmem>>, vector<16xf32>,
        %mul3A_522 = arith.mulf %gather3A_518, %get3A_517 : vector<16xf32>
        %mul3A_523 = arith.mulf %mul3A_522, %gather3A_519 : vector<16xf32>
        %swap3A_524 = arith.constant 0 : index
        %swap3A_525 = tpu.vector_load %arg31[%swap3A_524] {strides = array<i32>} : memref<64xf32, #tpu.memory_space<vmem>>, vector<16xf32>,
        tpu.vector_store %arg31[%swap3A_524], %mul3A_523 {strides = array<i32>} : memref<64xf32, #tpu.memory_space<vmem>>, vector<16xf32>,
        %add3A_526 = vector.broadcast %mul3A_0 : i32 to vector<16xi32>
        %add3A_527 = arith.addi %get3A_513, %add3A_526 : vector<16xi32>
        %swap3A_528 = arith.constant 0 : index
        %swap3A_529 = tpu.vector_load %arg21[%swap3A_528] {strides = array<i32>} : memref<64xi32, #tpu.memory_space<vmem>>, vector<16xi32>,
        tpu.vector_store %arg21[%swap3A_528], %add3A_527 {strides = array<i32>} : memref<64xi32, #tpu.memory_space<vmem>>, vector<16xi32>,
        %get3A_530 = arith.constant 16 : index
        %get3A_531 = tpu.vector_load %arg9[%get3A_530] {strides = array<i32>} : memref<64xi32, #tpu.memory_space<vmem>>, vector<16xi32>,
        %get3A_532 = arith.constant 16 : index
        %get3A_533 = tpu.vector_load %arg13[%get3A_532] {strides = array<i32>} : memref<64xi32, #tpu.memory_space<vmem>>, vector<16xi32>,
        %get3A_534 = arith.constant 16 : index
        %get3A_535 = tpu.vector_load %arg17[%get3A_534] {strides = array<i32>} : memref<64xf32, #tpu.memory_space<vmem>>, vector<16xf32>,
        %gather3A_536 = tpu.vector_load_idx %arg42[%get3A_531] : memref<10112xf32, #tpu.memory_space<vmem>>[vector<16xi32>], vector<16xf32>,
        %gather3A_537 = tpu.vector_load_idx %arg42[%get3A_533] : memref<10112xf32, #tpu.memory_space<vmem>>[vector<16xi32>], vector<16xf32>,
        %swap3A_538 = arith.constant 16 : index
        %swap3A_539 = tpu.vector_load %arg27[%swap3A_538] {strides = array<i32>} : memref<64xf32, #tpu.memory_space<vmem>>, vector<16xf32>,
        tpu.vector_store %arg27[%swap3A_538], %get3A_535 {strides = array<i32>} : memref<64xf32, #tpu.memory_space<vmem>>, vector<16xf32>,
        %mul3A_540 = arith.mulf %gather3A_536, %get3A_535 : vector<16xf32>
        %mul3A_541 = arith.mulf %mul3A_540, %gather3A_537 : vector<16xf32>
        %swap3A_542 = arith.constant 16 : index
        %swap3A_543 = tpu.vector_load %arg31[%swap3A_542] {strides = array<i32>} : memref<64xf32, #tpu.memory_space<vmem>>, vector<16xf32>,
        tpu.vector_store %arg31[%swap3A_542], %mul3A_541 {strides = array<i32>} : memref<64xf32, #tpu.memory_space<vmem>>, vector<16xf32>,
        %add3A_544 = vector.broadcast %mul3A_0 : i32 to vector<16xi32>
        %add3A_545 = arith.addi %get3A_531, %add3A_544 : vector<16xi32>
        %swap3A_546 = arith.constant 16 : index
        %swap3A_547 = tpu.vector_load %arg21[%swap3A_546] {strides = array<i32>} : memref<64xi32, #tpu.memory_space<vmem>>, vector<16xi32>,
        tpu.vector_store %arg21[%swap3A_546], %add3A_545 {strides = array<i32>} : memref<64xi32, #tpu.memory_space<vmem>>, vector<16xi32>,
        %get3A_548 = arith.constant 32 : index
        %get3A_549 = tpu.vector_load %arg9[%get3A_548] {strides = array<i32>} : memref<64xi32, #tpu.memory_space<vmem>>, vector<16xi32>,
        %get3A_550 = arith.constant 32 : index
        %get3A_551 = tpu.vector_load %arg13[%get3A_550] {strides = array<i32>} : memref<64xi32, #tpu.memory_space<vmem>>, vector<16xi32>,
        %get3A_552 = arith.constant 32 : index
        %get3A_553 = tpu.vector_load %arg17[%get3A_552] {strides = array<i32>} : memref<64xf32, #tpu.memory_space<vmem>>, vector<16xf32>,
        %gather3A_554 = tpu.vector_load_idx %arg42[%get3A_549] : memref<10112xf32, #tpu.memory_space<vmem>>[vector<16xi32>], vector<16xf32>,
        %gather3A_555 = tpu.vector_load_idx %arg42[%get3A_551] : memref<10112xf32, #tpu.memory_space<vmem>>[vector<16xi32>], vector<16xf32>,
        %swap3A_556 = arith.constant 32 : index
        %swap3A_557 = tpu.vector_load %arg27[%swap3A_556] {strides = array<i32>} : memref<64xf32, #tpu.memory_space<vmem>>, vector<16xf32>,
        tpu.vector_store %arg27[%swap3A_556], %get3A_553 {strides = array<i32>} : memref<64xf32, #tpu.memory_space<vmem>>, vector<16xf32>,
        %mul3A_558 = arith.mulf %gather3A_554, %get3A_553 : vector<16xf32>
        %mul3A_559 = arith.mulf %mul3A_558, %gather3A_555 : vector<16xf32>
        %swap3A_560 = arith.constant 32 : index
        %swap3A_561 = tpu.vector_load %arg31[%swap3A_560] {strides = array<i32>} : memref<64xf32, #tpu.memory_space<vmem>>, vector<16xf32>,
        tpu.vector_store %arg31[%swap3A_560], %mul3A_559 {strides = array<i32>} : memref<64xf32, #tpu.memory_space<vmem>>, vector<16xf32>,
        %add3A_562 = vector.broadcast %mul3A_0 : i32 to vector<16xi32>
        %add3A_563 = arith.addi %get3A_549, %add3A_562 : vector<16xi32>
        %swap3A_564 = arith.constant 32 : index
        %swap3A_565 = tpu.vector_load %arg21[%swap3A_564] {strides = array<i32>} : memref<64xi32, #tpu.memory_space<vmem>>, vector<16xi32>,
        tpu.vector_store %arg21[%swap3A_564], %add3A_563 {strides = array<i32>} : memref<64xi32, #tpu.memory_space<vmem>>, vector<16xi32>,
        %get3A_566 = arith.constant 48 : index
        %get3A_567 = tpu.vector_load %arg9[%get3A_566] {strides = array<i32>} : memref<64xi32, #tpu.memory_space<vmem>>, vector<16xi32>,
        %get3A_568 = arith.constant 48 : index
        %get3A_569 = tpu.vector_load %arg13[%get3A_568] {strides = array<i32>} : memref<64xi32, #tpu.memory_space<vmem>>, vector<16xi32>,
        %get3A_570 = arith.constant 48 : index
        %get3A_571 = tpu.vector_load %arg17[%get3A_570] {strides = array<i32>} : memref<64xf32, #tpu.memory_space<vmem>>, vector<16xf32>,
        %gather3A_572 = tpu.vector_load_idx %arg42[%get3A_567] : memref<10112xf32, #tpu.memory_space<vmem>>[vector<16xi32>], vector<16xf32>,
        %gather3A_573 = tpu.vector_load_idx %arg42[%get3A_569] : memref<10112xf32, #tpu.memory_space<vmem>>[vector<16xi32>], vector<16xf32>,
        %swap3A_574 = arith.constant 48 : index
        %swap3A_575 = tpu.vector_load %arg27[%swap3A_574] {strides = array<i32>} : memref<64xf32, #tpu.memory_space<vmem>>, vector<16xf32>,
        tpu.vector_store %arg27[%swap3A_574], %get3A_571 {strides = array<i32>} : memref<64xf32, #tpu.memory_space<vmem>>, vector<16xf32>,
        %mul3A_576 = arith.mulf %gather3A_572, %get3A_571 : vector<16xf32>
        %mul3A_577 = arith.mulf %mul3A_576, %gather3A_573 : vector<16xf32>
        %swap3A_578 = arith.constant 48 : index
        %swap3A_579 = tpu.vector_load %arg31[%swap3A_578] {strides = array<i32>} : memref<64xf32, #tpu.memory_space<vmem>>, vector<16xf32>,
        tpu.vector_store %arg31[%swap3A_578], %mul3A_577 {strides = array<i32>} : memref<64xf32, #tpu.memory_space<vmem>>, vector<16xf32>,
        %add3A_580 = vector.broadcast %mul3A_0 : i32 to vector<16xi32>
        %add3A_581 = arith.addi %get3A_567, %add3A_580 : vector<16xi32>
        %swap3A_582 = arith.constant 48 : index
        %swap3A_583 = tpu.vector_load %arg21[%swap3A_582] {strides = array<i32>} : memref<64xi32, #tpu.memory_space<vmem>>, vector<16xi32>,
        tpu.vector_store %arg21[%swap3A_582], %add3A_581 {strides = array<i32>} : memref<64xi32, #tpu.memory_space<vmem>>, vector<16xi32>,
        %dma_start3A_584 = arith.constant 0 : i32
        %dma_start3A_585 = arith.constant 0 : i32
        %dma_start3A_586 = tpu.memref_slice %arg2[%dma_start3A_584, %dma_start3A_585] : memref<20224x64xf32, #tpu.memory_space<hbm>> -> memref<20224x64xf32, #tpu.memory_space<hbm>>
        tpu.enqueue_indirect_dma source(%dma_start3A_586 : memref<20224x64xf32, #tpu.memory_space<hbm>>) target(%arg35 : memref<64x64xf32, #tpu.memory_space<vmem>>) offsets(%arg21 : memref<64xi32, #tpu.memory_space<vmem>>) semaphore(%arg50 : memref<!tpu.dma_semaphore, #tpu.memory_space<semaphore_mem>>)
      } else {
      }
      %dma_wait3A_458 = arith.constant 0 : i32
      %dma_wait3A_459 = arith.constant 0 : i32
      %dma_wait3A_460 = tpu.memref_slice %arg2[%dma_wait3A_458, %dma_wait3A_459] : memref<20224x64xf32, #tpu.memory_space<hbm>> -> memref<20224x64xf32, #tpu.memory_space<hbm>>
      tpu.wait_indirect_dma semaphore(%arg52 : memref<!tpu.dma_semaphore, #tpu.memory_space<semaphore_mem>>) src(%dma_wait3A_460 : memref<20224x64xf32, #tpu.memory_space<hbm>>) dst(%arg37 : memref<64x64xf32, #tpu.memory_space<vmem>>)
      %ge3A_461 = arith.constant 2 : i32
      %ge3A_462 = arith.cmpi sge, %add3A_450, %ge3A_461 : i32
      %convert_element_type3A_463 = arith.extui %ge3A_462 : i1 to i32
      %cond3A_464 = arith.constant 0 : i32
      %cond3A_465 = arith.cmpi ne, %convert_element_type3A_463, %cond3A_464 : i32
      scf.if %cond3A_465 {
        %dma_wait3A_499 = arith.constant 0 : i32
        %dma_wait3A_500 = arith.constant 0 : i32
        %dma_wait3A_501 = tpu.memref_slice %arg43[%dma_wait3A_499, %dma_wait3A_500] : memref<10112x64xf32, #tpu.memory_space<vmem_shared>> -> memref<10112x64xf32, #tpu.memory_space<vmem_shared>>
        tpu.wait_indirect_dma semaphore(%arg54 : memref<!tpu.dma_semaphore, #tpu.memory_space<semaphore_mem>>) src(%arg39 : memref<64x64xf32, #tpu.memory_space<vmem>>) dst(%dma_wait3A_501 : memref<10112x64xf32, #tpu.memory_space<vmem_shared>>)
        %dma_wait3A_502 = arith.constant 0 : i32
        %dma_wait3A_503 = arith.constant 0 : i32
        %dma_wait3A_504 = tpu.memref_slice %arg44[%dma_wait3A_502, %dma_wait3A_503] : memref<10112x64xf32, #tpu.memory_space<vmem_shared>> -> memref<10112x64xf32, #tpu.memory_space<vmem_shared>>
        tpu.wait_indirect_dma semaphore(%arg54 : memref<!tpu.dma_semaphore, #tpu.memory_space<semaphore_mem>>) src(%arg41 : memref<64x64xf32, #tpu.memory_space<vmem>>) dst(%dma_wait3A_504 : memref<10112x64xf32, #tpu.memory_space<vmem_shared>>)
      } else {
      }
      %get3A_466 = arith.constant 0 : index
      %get3A_467 = tpu.vector_load %arg15[%get3A_466] {strides = array<i32>} : memref<64xi32, #tpu.memory_space<vmem>>, vector<16xi32>,
      %swap3A_468 = arith.constant 0 : index
      %swap3A_469 = tpu.vector_load %arg25[%swap3A_468] {strides = array<i32>} : memref<64xi32, #tpu.memory_space<vmem>>, vector<16xi32>,
      tpu.vector_store %arg25[%swap3A_468], %get3A_467 {strides = array<i32>} : memref<64xi32, #tpu.memory_space<vmem>>, vector<16xi32>,
      %get3A_470 = arith.constant 16 : index
      %get3A_471 = tpu.vector_load %arg15[%get3A_470] {strides = array<i32>} : memref<64xi32, #tpu.memory_space<vmem>>, vector<16xi32>,
      %swap3A_472 = arith.constant 16 : index
      %swap3A_473 = tpu.vector_load %arg25[%swap3A_472] {strides = array<i32>} : memref<64xi32, #tpu.memory_space<vmem>>, vector<16xi32>,
      tpu.vector_store %arg25[%swap3A_472], %get3A_471 {strides = array<i32>} : memref<64xi32, #tpu.memory_space<vmem>>, vector<16xi32>,
      %get3A_474 = arith.constant 32 : index
      %get3A_475 = tpu.vector_load %arg15[%get3A_474] {strides = array<i32>} : memref<64xi32, #tpu.memory_space<vmem>>, vector<16xi32>,
      %swap3A_476 = arith.constant 32 : index
      %swap3A_477 = tpu.vector_load %arg25[%swap3A_476] {strides = array<i32>} : memref<64xi32, #tpu.memory_space<vmem>>, vector<16xi32>,
      tpu.vector_store %arg25[%swap3A_476], %get3A_475 {strides = array<i32>} : memref<64xi32, #tpu.memory_space<vmem>>, vector<16xi32>,
      %get3A_478 = arith.constant 48 : index
      %get3A_479 = tpu.vector_load %arg15[%get3A_478] {strides = array<i32>} : memref<64xi32, #tpu.memory_space<vmem>>, vector<16xi32>,
      %swap3A_480 = arith.constant 48 : index
      %swap3A_481 = tpu.vector_load %arg25[%swap3A_480] {strides = array<i32>} : memref<64xi32, #tpu.memory_space<vmem>>, vector<16xi32>,
      tpu.vector_store %arg25[%swap3A_480], %get3A_479 {strides = array<i32>} : memref<64xi32, #tpu.memory_space<vmem>>, vector<16xi32>,
      %parallel_loop3A_482 = arith.constant 0 : i32
      %parallel_loop3A_483 = arith.constant 64 : i32
      %parallel_loop3A_484 = arith.constant 1 : i32
      scf.for %parallel_loop3A_499 = %parallel_loop3A_482 to %parallel_loop3A_483 step %parallel_loop3A_484  : i32 {
        %parallel_loop3A_500 = vector.broadcast %parallel_loop3A_499 : i32 to vector<16xi32>
        %parallel_loop3A_501 = tpu.vector_load_idx %arg29[%parallel_loop3A_500] : memref<64xf32, #tpu.memory_space<vmem>>[vector<16xi32>], vector<16xf32>,
        %parallel_loop3A_502 = tpu.vector_load_idx %arg33[%parallel_loop3A_500] : memref<64xf32, #tpu.memory_space<vmem>>[vector<16xi32>], vector<16xf32>,
        %parallel_loop3A_503 = arith.constant 0 : i32
        %parallel_loop3A_504 = tpu.memref_slice %arg37[%parallel_loop3A_499, %parallel_loop3A_503] : memref<64x64xf32, #tpu.memory_space<vmem>> -> memref<1x64xf32, #tpu.memory_space<vmem>>
        %parallel_loop3A_505 = tpu.memref_squeeze %parallel_loop3A_504 : memref<1x64xf32, #tpu.memory_space<vmem>> -> memref<64xf32, #tpu.memory_space<vmem>>
        %parallel_loop3A_506 = arith.constant 0 : index
        %parallel_loop3A_507 = tpu.vector_load %parallel_loop3A_505[%parallel_loop3A_506] {strides = array<i32>} : memref<64xf32, #tpu.memory_space<vmem>>, vector<16xf32>,
        %parallel_loop3A_508 = arith.mulf %parallel_loop3A_507, %parallel_loop3A_501 : vector<16xf32>
        %parallel_loop3A_509 = arith.constant 0 : i32
        %parallel_loop3A_510 = tpu.memref_slice %arg39[%parallel_loop3A_499, %parallel_loop3A_509] : memref<64x64xf32, #tpu.memory_space<vmem>> -> memref<1x64xf32, #tpu.memory_space<vmem>>
        %parallel_loop3A_511 = tpu.memref_squeeze %parallel_loop3A_510 : memref<1x64xf32, #tpu.memory_space<vmem>> -> memref<64xf32, #tpu.memory_space<vmem>>
        %parallel_loop3A_512 = arith.constant 0 : index
        %parallel_loop3A_513 = tpu.vector_load %parallel_loop3A_511[%parallel_loop3A_512] {strides = array<i32>} : memref<64xf32, #tpu.memory_space<vmem>>, vector<16xf32>,
        tpu.vector_store %parallel_loop3A_511[%parallel_loop3A_512], %parallel_loop3A_508 {strides = array<i32>} : memref<64xf32, #tpu.memory_space<vmem>>, vector<16xf32>,
        %parallel_loop3A_514 = arith.mulf %parallel_loop3A_507, %parallel_loop3A_502 : vector<16xf32>
        %parallel_loop3A_515 = arith.constant 0 : i32
        %parallel_loop3A_516 = tpu.memref_slice %arg41[%parallel_loop3A_499, %parallel_loop3A_515] : memref<64x64xf32, #tpu.memory_space<vmem>> -> memref<1x64xf32, #tpu.memory_space<vmem>>
        %parallel_loop3A_517 = tpu.memref_squeeze %parallel_loop3A_516 : memref<1x64xf32, #tpu.memory_space<vmem>> -> memref<64xf32, #tpu.memory_space<vmem>>
        %parallel_loop3A_518 = arith.constant 0 : index
        %parallel_loop3A_519 = tpu.vector_load %parallel_loop3A_517[%parallel_loop3A_518] {strides = array<i32>} : memref<64xf32, #tpu.memory_space<vmem>>, vector<16xf32>,
        tpu.vector_store %parallel_loop3A_517[%parallel_loop3A_518], %parallel_loop3A_514 {strides = array<i32>} : memref<64xf32, #tpu.memory_space<vmem>>, vector<16xf32>,
        %parallel_loop3A_520 = arith.constant 0 : i32
        %parallel_loop3A_521 = tpu.memref_slice %arg37[%parallel_loop3A_499, %parallel_loop3A_520] : memref<64x64xf32, #tpu.memory_space<vmem>> -> memref<1x64xf32, #tpu.memory_space<vmem>>
        %parallel_loop3A_522 = tpu.memref_squeeze %parallel_loop3A_521 : memref<1x64xf32, #tpu.memory_space<vmem>> -> memref<64xf32, #tpu.memory_space<vmem>>
        %parallel_loop3A_523 = arith.constant 16 : index
        %parallel_loop3A_524 = tpu.vector_load %parallel_loop3A_522[%parallel_loop3A_523] {strides = array<i32>} : memref<64xf32, #tpu.memory_space<vmem>>, vector<16xf32>,
        %parallel_loop3A_525 = arith.mulf %parallel_loop3A_524, %parallel_loop3A_501 : vector<16xf32>
        %parallel_loop3A_526 = arith.constant 0 : i32
        %parallel_loop3A_527 = tpu.memref_slice %arg39[%parallel_loop3A_499, %parallel_loop3A_526] : memref<64x64xf32, #tpu.memory_space<vmem>> -> memref<1x64xf32, #tpu.memory_space<vmem>>
        %parallel_loop3A_528 = tpu.memref_squeeze %parallel_loop3A_527 : memref<1x64xf32, #tpu.memory_space<vmem>> -> memref<64xf32, #tpu.memory_space<vmem>>
        %parallel_loop3A_529 = arith.constant 16 : index
        %parallel_loop3A_530 = tpu.vector_load %parallel_loop3A_528[%parallel_loop3A_529] {strides = array<i32>} : memref<64xf32, #tpu.memory_space<vmem>>, vector<16xf32>,
        tpu.vector_store %parallel_loop3A_528[%parallel_loop3A_529], %parallel_loop3A_525 {strides = array<i32>} : memref<64xf32, #tpu.memory_space<vmem>>, vector<16xf32>,
        %parallel_loop3A_531 = arith.mulf %parallel_loop3A_524, %parallel_loop3A_502 : vector<16xf32>
        %parallel_loop3A_532 = arith.constant 0 : i32
        %parallel_loop3A_533 = tpu.memref_slice %arg41[%parallel_loop3A_499, %parallel_loop3A_532] : memref<64x64xf32, #tpu.memory_space<vmem>> -> memref<1x64xf32, #tpu.memory_space<vmem>>
        %parallel_loop3A_534 = tpu.memref_squeeze %parallel_loop3A_533 : memref<1x64xf32, #tpu.memory_space<vmem>> -> memref<64xf32, #tpu.memory_space<vmem>>
        %parallel_loop3A_535 = arith.constant 16 : index
        %parallel_loop3A_536 = tpu.vector_load %parallel_loop3A_534[%parallel_loop3A_535] {strides = array<i32>} : memref<64xf32, #tpu.memory_space<vmem>>, vector<16xf32>,
        tpu.vector_store %parallel_loop3A_534[%parallel_loop3A_535], %parallel_loop3A_531 {strides = array<i32>} : memref<64xf32, #tpu.memory_space<vmem>>, vector<16xf32>,
        %parallel_loop3A_537 = arith.constant 0 : i32
        %parallel_loop3A_538 = tpu.memref_slice %arg37[%parallel_loop3A_499, %parallel_loop3A_537] : memref<64x64xf32, #tpu.memory_space<vmem>> -> memref<1x64xf32, #tpu.memory_space<vmem>>
        %parallel_loop3A_539 = tpu.memref_squeeze %parallel_loop3A_538 : memref<1x64xf32, #tpu.memory_space<vmem>> -> memref<64xf32, #tpu.memory_space<vmem>>
        %parallel_loop3A_540 = arith.constant 32 : index
        %parallel_loop3A_541 = tpu.vector_load %parallel_loop3A_539[%parallel_loop3A_540] {strides = array<i32>} : memref<64xf32, #tpu.memory_space<vmem>>, vector<16xf32>,
        %parallel_loop3A_542 = arith.mulf %parallel_loop3A_541, %parallel_loop3A_501 : vector<16xf32>
        %parallel_loop3A_543 = arith.constant 0 : i32
        %parallel_loop3A_544 = tpu.memref_slice %arg39[%parallel_loop3A_499, %parallel_loop3A_543] : memref<64x64xf32, #tpu.memory_space<vmem>> -> memref<1x64xf32, #tpu.memory_space<vmem>>
        %parallel_loop3A_545 = tpu.memref_squeeze %parallel_loop3A_544 : memref<1x64xf32, #tpu.memory_space<vmem>> -> memref<64xf32, #tpu.memory_space<vmem>>
        %parallel_loop3A_546 = arith.constant 32 : index
        %parallel_loop3A_547 = tpu.vector_load %parallel_loop3A_545[%parallel_loop3A_546] {strides = array<i32>} : memref<64xf32, #tpu.memory_space<vmem>>, vector<16xf32>,
        tpu.vector_store %parallel_loop3A_545[%parallel_loop3A_546], %parallel_loop3A_542 {strides = array<i32>} : memref<64xf32, #tpu.memory_space<vmem>>, vector<16xf32>,
        %parallel_loop3A_548 = arith.mulf %parallel_loop3A_541, %parallel_loop3A_502 : vector<16xf32>
        %parallel_loop3A_549 = arith.constant 0 : i32
        %parallel_loop3A_550 = tpu.memref_slice %arg41[%parallel_loop3A_499, %parallel_loop3A_549] : memref<64x64xf32, #tpu.memory_space<vmem>> -> memref<1x64xf32, #tpu.memory_space<vmem>>
        %parallel_loop3A_551 = tpu.memref_squeeze %parallel_loop3A_550 : memref<1x64xf32, #tpu.memory_space<vmem>> -> memref<64xf32, #tpu.memory_space<vmem>>
        %parallel_loop3A_552 = arith.constant 32 : index
        %parallel_loop3A_553 = tpu.vector_load %parallel_loop3A_551[%parallel_loop3A_552] {strides = array<i32>} : memref<64xf32, #tpu.memory_space<vmem>>, vector<16xf32>,
        tpu.vector_store %parallel_loop3A_551[%parallel_loop3A_552], %parallel_loop3A_548 {strides = array<i32>} : memref<64xf32, #tpu.memory_space<vmem>>, vector<16xf32>,
        %parallel_loop3A_554 = arith.constant 0 : i32
        %parallel_loop3A_555 = tpu.memref_slice %arg37[%parallel_loop3A_499, %parallel_loop3A_554] : memref<64x64xf32, #tpu.memory_space<vmem>> -> memref<1x64xf32, #tpu.memory_space<vmem>>
        %parallel_loop3A_556 = tpu.memref_squeeze %parallel_loop3A_555 : memref<1x64xf32, #tpu.memory_space<vmem>> -> memref<64xf32, #tpu.memory_space<vmem>>
        %parallel_loop3A_557 = arith.constant 48 : index
        %parallel_loop3A_558 = tpu.vector_load %parallel_loop3A_556[%parallel_loop3A_557] {strides = array<i32>} : memref<64xf32, #tpu.memory_space<vmem>>, vector<16xf32>,
        %parallel_loop3A_559 = arith.mulf %parallel_loop3A_558, %parallel_loop3A_501 : vector<16xf32>
        %parallel_loop3A_560 = arith.constant 0 : i32
        %parallel_loop3A_561 = tpu.memref_slice %arg39[%parallel_loop3A_499, %parallel_loop3A_560] : memref<64x64xf32, #tpu.memory_space<vmem>> -> memref<1x64xf32, #tpu.memory_space<vmem>>
        %parallel_loop3A_562 = tpu.memref_squeeze %parallel_loop3A_561 : memref<1x64xf32, #tpu.memory_space<vmem>> -> memref<64xf32, #tpu.memory_space<vmem>>
        %parallel_loop3A_563 = arith.constant 48 : index
        %parallel_loop3A_564 = tpu.vector_load %parallel_loop3A_562[%parallel_loop3A_563] {strides = array<i32>} : memref<64xf32, #tpu.memory_space<vmem>>, vector<16xf32>,
        tpu.vector_store %parallel_loop3A_562[%parallel_loop3A_563], %parallel_loop3A_559 {strides = array<i32>} : memref<64xf32, #tpu.memory_space<vmem>>, vector<16xf32>,
        %parallel_loop3A_565 = arith.mulf %parallel_loop3A_558, %parallel_loop3A_502 : vector<16xf32>
        %parallel_loop3A_566 = arith.constant 0 : i32
        %parallel_loop3A_567 = tpu.memref_slice %arg41[%parallel_loop3A_499, %parallel_loop3A_566] : memref<64x64xf32, #tpu.memory_space<vmem>> -> memref<1x64xf32, #tpu.memory_space<vmem>>
        %parallel_loop3A_568 = tpu.memref_squeeze %parallel_loop3A_567 : memref<1x64xf32, #tpu.memory_space<vmem>> -> memref<64xf32, #tpu.memory_space<vmem>>
        %parallel_loop3A_569 = arith.constant 48 : index
        %parallel_loop3A_570 = tpu.vector_load %parallel_loop3A_568[%parallel_loop3A_569] {strides = array<i32>} : memref<64xf32, #tpu.memory_space<vmem>>, vector<16xf32>,
        tpu.vector_store %parallel_loop3A_568[%parallel_loop3A_569], %parallel_loop3A_565 {strides = array<i32>} : memref<64xf32, #tpu.memory_space<vmem>>, vector<16xf32>,
      } {sc.loop_unroll_factor = 4 : i64, sc.parallel_access}
      %dma_start3A_485 = arith.constant 0 : i32
      %dma_start3A_486 = arith.constant 0 : i32
      %dma_start3A_487 = tpu.memref_slice %arg43[%dma_start3A_485, %dma_start3A_486] : memref<10112x64xf32, #tpu.memory_space<vmem_shared>> -> memref<10112x64xf32, #tpu.memory_space<vmem_shared>>
      tpu.enqueue_indirect_dma source(%arg39 : memref<64x64xf32, #tpu.memory_space<vmem>>) target(%dma_start3A_487 : memref<10112x64xf32, #tpu.memory_space<vmem_shared>>) offsets(%arg25 : memref<64xi32, #tpu.memory_space<vmem>>) semaphore(%arg54 : memref<!tpu.dma_semaphore, #tpu.memory_space<semaphore_mem>>) {add = true}
      %dma_start3A_488 = arith.constant 0 : i32
      %dma_start3A_489 = arith.constant 0 : i32
      %dma_start3A_490 = tpu.memref_slice %arg44[%dma_start3A_488, %dma_start3A_489] : memref<10112x64xf32, #tpu.memory_space<vmem_shared>> -> memref<10112x64xf32, #tpu.memory_space<vmem_shared>>
      tpu.enqueue_indirect_dma source(%arg41 : memref<64x64xf32, #tpu.memory_space<vmem>>) target(%dma_start3A_490 : memref<10112x64xf32, #tpu.memory_space<vmem_shared>>) offsets(%arg25 : memref<64xi32, #tpu.memory_space<vmem>>) semaphore(%arg54 : memref<!tpu.dma_semaphore, #tpu.memory_space<semaphore_mem>>) {add = true}
      %add3A_491 = arith.constant 4 : i32
      %add3A_492 = arith.addi %add3A_450, %add3A_491 : i32
      %lt3A_493 = arith.constant 320 : i32
      %lt3A_494 = arith.cmpi slt, %add3A_492, %lt3A_493 : i32
      %convert_element_type3A_495 = arith.extui %lt3A_494 : i1 to i32
      %cond3A_496 = arith.constant 0 : i32
      %cond3A_497 = arith.cmpi ne, %convert_element_type3A_495, %cond3A_496 : i32
      scf.if %cond3A_497 {
        %add3A_499 = arith.constant 4 : i32
        %add3A_500 = arith.addi %add3A_450, %add3A_499 : i32
        %mul3A_501 = arith.constant 320 : i32
        %mul3A_502 = arith.muli %arg1, %mul3A_501 : i32
        %add3A_503 = arith.addi %mul3A_502, %add3A_500 : i32
        %mul3A_504 = arith.constant 64 : i32
        %mul3A_505 = arith.muli %add3A_503, %mul3A_504 : i32
        %dma_start3A_506 = tpu.memref_slice %arg3[%mul3A_505] : memref<327680xi32, #tpu.memory_space<hbm>> -> memref<64xi32, #tpu.memory_space<hbm>>
        %dma_start3A_507 = tpu.memref_slice %arg3[%mul3A_505] : memref<327680xi32, #tpu.memory_space<hbm>> -> memref<64xi32, #tpu.memory_space<hbm>>
        tpu.enqueue_dma source(%dma_start3A_507 : memref<64xi32, #tpu.memory_space<hbm>>) target(%arg11 : memref<64xi32, #tpu.memory_space<vmem>>) target_semaphore(%arg48 : memref<!tpu.dma_semaphore, #tpu.memory_space<semaphore_mem>>)
        %dma_start3A_508 = tpu.memref_slice %arg4[%mul3A_505] : memref<327680xi32, #tpu.memory_space<hbm>> -> memref<64xi32, #tpu.memory_space<hbm>>
        %dma_start3A_509 = tpu.memref_slice %arg4[%mul3A_505] : memref<327680xi32, #tpu.memory_space<hbm>> -> memref<64xi32, #tpu.memory_space<hbm>>
        tpu.enqueue_dma source(%dma_start3A_509 : memref<64xi32, #tpu.memory_space<hbm>>) target(%arg15 : memref<64xi32, #tpu.memory_space<vmem>>) target_semaphore(%arg48 : memref<!tpu.dma_semaphore, #tpu.memory_space<semaphore_mem>>)
        %dma_start3A_510 = tpu.memref_slice %arg5[%mul3A_505] : memref<327680xf32, #tpu.memory_space<hbm>> -> memref<64xf32, #tpu.memory_space<hbm>>
        %dma_start3A_511 = tpu.memref_slice %arg5[%mul3A_505] : memref<327680xf32, #tpu.memory_space<hbm>> -> memref<64xf32, #tpu.memory_space<hbm>>
        tpu.enqueue_dma source(%dma_start3A_511 : memref<64xf32, #tpu.memory_space<hbm>>) target(%arg19 : memref<64xf32, #tpu.memory_space<vmem>>) target_semaphore(%arg48 : memref<!tpu.dma_semaphore, #tpu.memory_space<semaphore_mem>>)
      } else {
      }
      %scan3A_498 = arith.constant 0 : i32
      scf.yield %scan3A_498 : i32
    }
    %scan3A_275 = arith.constant 80 : i32
    %dma_wait3A = arith.constant 0 : i32
    %dma_wait3A_276 = arith.constant 0 : i32
    %dma_wait3A_277 = tpu.memref_slice %arg43[%dma_wait3A, %dma_wait3A_276] : memref<10112x64xf32, #tpu.memory_space<vmem_shared>> -> memref<10112x64xf32, #tpu.memory_space<vmem_shared>>
    tpu.wait_indirect_dma semaphore(%arg53 : memref<!tpu.dma_semaphore, #tpu.memory_space<semaphore_mem>>) src(%arg38 : memref<64x64xf32, #tpu.memory_space<vmem>>) dst(%dma_wait3A_277 : memref<10112x64xf32, #tpu.memory_space<vmem_shared>>)
    %dma_wait3A_278 = arith.constant 0 : i32
    %dma_wait3A_279 = arith.constant 0 : i32
    %dma_wait3A_280 = tpu.memref_slice %arg44[%dma_wait3A_278, %dma_wait3A_279] : memref<10112x64xf32, #tpu.memory_space<vmem_shared>> -> memref<10112x64xf32, #tpu.memory_space<vmem_shared>>
    tpu.wait_indirect_dma semaphore(%arg53 : memref<!tpu.dma_semaphore, #tpu.memory_space<semaphore_mem>>) src(%arg40 : memref<64x64xf32, #tpu.memory_space<vmem>>) dst(%dma_wait3A_280 : memref<10112x64xf32, #tpu.memory_space<vmem_shared>>)
    %dma_wait3A_281 = arith.constant 0 : i32
    %dma_wait3A_282 = arith.constant 0 : i32
    %dma_wait3A_283 = tpu.memref_slice %arg43[%dma_wait3A_281, %dma_wait3A_282] : memref<10112x64xf32, #tpu.memory_space<vmem_shared>> -> memref<10112x64xf32, #tpu.memory_space<vmem_shared>>
    tpu.wait_indirect_dma semaphore(%arg54 : memref<!tpu.dma_semaphore, #tpu.memory_space<semaphore_mem>>) src(%arg39 : memref<64x64xf32, #tpu.memory_space<vmem>>) dst(%dma_wait3A_283 : memref<10112x64xf32, #tpu.memory_space<vmem_shared>>)
    %dma_wait3A_284 = arith.constant 0 : i32
    %dma_wait3A_285 = arith.constant 0 : i32
    %dma_wait3A_286 = tpu.memref_slice %arg44[%dma_wait3A_284, %dma_wait3A_285] : memref<10112x64xf32, #tpu.memory_space<vmem_shared>> -> memref<10112x64xf32, #tpu.memory_space<vmem_shared>>
    tpu.wait_indirect_dma semaphore(%arg54 : memref<!tpu.dma_semaphore, #tpu.memory_space<semaphore_mem>>) src(%arg41 : memref<64x64xf32, #tpu.memory_space<vmem>>) dst(%dma_wait3A_286 : memref<10112x64xf32, #tpu.memory_space<vmem_shared>>)
    %barrier3A_287 = arith.constant 0 : index
    tpu.barrier barrier_id(%barrier3A_287)
    %mul3A_288 = arith.constant 632 : i32
    %mul3A_289 = arith.muli %arg1, %mul3A_288 : i32
    %mul3A_290 = arith.constant 632 : i32
    %mul3A_291 = arith.muli %arg1, %mul3A_290 : i32
    %run_scoped3A = arith.constant 0 : i32
    "tpu.region"() ({
      %run_scoped3A_297 = tpu.sem_alloc : memref<!tpu.dma_semaphore, #tpu.memory_space<semaphore_mem>>
      %dma_start3A_298 = arith.constant 0 : i32
      %dma_start3A_299 = tpu.memref_slice %arg7[%arg0, %run_scoped3A, %mul3A_291, %dma_start3A_298] : memref<2x2x10112x64xf32, #tpu.memory_space<hbm>> -> memref<1x1x632x64xf32, #tpu.memory_space<hbm>>
      %dma_start3A_300 = tpu.memref_squeeze %dma_start3A_299 : memref<1x1x632x64xf32, #tpu.memory_space<hbm>> -> memref<632x64xf32, #tpu.memory_space<hbm>>
      %dma_start3A_301 = arith.constant 0 : i32
      %dma_start3A_302 = tpu.memref_slice %arg43[%mul3A_289, %dma_start3A_301] : memref<10112x64xf32, #tpu.memory_space<vmem_shared>> -> memref<632x64xf32, #tpu.memory_space<vmem_shared>>
      tpu.enqueue_dma source(%dma_start3A_302 : memref<632x64xf32, #tpu.memory_space<vmem_shared>>) target(%dma_start3A_300 : memref<632x64xf32, #tpu.memory_space<hbm>>) target_semaphore(%run_scoped3A_297 : memref<!tpu.dma_semaphore, #tpu.memory_space<semaphore_mem>>)
      %dma_wait3A_303 = arith.constant 0 : i32
      %dma_wait3A_304 = tpu.memref_slice %arg7[%arg0, %run_scoped3A, %mul3A_291, %dma_wait3A_303] : memref<2x2x10112x64xf32, #tpu.memory_space<hbm>> -> memref<1x1x632x64xf32, #tpu.memory_space<hbm>>
      %dma_wait3A_305 = tpu.memref_squeeze %dma_wait3A_304 : memref<1x1x632x64xf32, #tpu.memory_space<hbm>> -> memref<632x64xf32, #tpu.memory_space<hbm>>
      %dma_wait3A_306 = arith.constant 0 : i32
      %dma_wait3A_307 = tpu.memref_slice %arg43[%mul3A_289, %dma_wait3A_306] : memref<10112x64xf32, #tpu.memory_space<vmem_shared>> -> memref<632x64xf32, #tpu.memory_space<vmem_shared>>
      tpu.wait_dma2 semaphore(%run_scoped3A_297 : memref<!tpu.dma_semaphore, #tpu.memory_space<semaphore_mem>>) src(%dma_wait3A_307 : memref<632x64xf32, #tpu.memory_space<vmem_shared>>) dst(%dma_wait3A_305 : memref<632x64xf32, #tpu.memory_space<hbm>>)
      tpu.yield
    }) : () -> ()
    %mul3A_292 = arith.constant 632 : i32
    %mul3A_293 = arith.muli %arg1, %mul3A_292 : i32
    %mul3A_294 = arith.constant 632 : i32
    %mul3A_295 = arith.muli %arg1, %mul3A_294 : i32
    %run_scoped3A_296 = arith.constant 1 : i32
    "tpu.region"() ({
      %run_scoped3A_297 = tpu.sem_alloc : memref<!tpu.dma_semaphore, #tpu.memory_space<semaphore_mem>>
      %dma_start3A_298 = arith.constant 0 : i32
      %dma_start3A_299 = tpu.memref_slice %arg7[%arg0, %run_scoped3A_296, %mul3A_295, %dma_start3A_298] : memref<2x2x10112x64xf32, #tpu.memory_space<hbm>> -> memref<1x1x632x64xf32, #tpu.memory_space<hbm>>
      %dma_start3A_300 = tpu.memref_squeeze %dma_start3A_299 : memref<1x1x632x64xf32, #tpu.memory_space<hbm>> -> memref<632x64xf32, #tpu.memory_space<hbm>>
      %dma_start3A_301 = arith.constant 0 : i32
      %dma_start3A_302 = tpu.memref_slice %arg44[%mul3A_293, %dma_start3A_301] : memref<10112x64xf32, #tpu.memory_space<vmem_shared>> -> memref<632x64xf32, #tpu.memory_space<vmem_shared>>
      tpu.enqueue_dma source(%dma_start3A_302 : memref<632x64xf32, #tpu.memory_space<vmem_shared>>) target(%dma_start3A_300 : memref<632x64xf32, #tpu.memory_space<hbm>>) target_semaphore(%run_scoped3A_297 : memref<!tpu.dma_semaphore, #tpu.memory_space<semaphore_mem>>)
      %dma_wait3A_303 = arith.constant 0 : i32
      %dma_wait3A_304 = tpu.memref_slice %arg7[%arg0, %run_scoped3A_296, %mul3A_295, %dma_wait3A_303] : memref<2x2x10112x64xf32, #tpu.memory_space<hbm>> -> memref<1x1x632x64xf32, #tpu.memory_space<hbm>>
      %dma_wait3A_305 = tpu.memref_squeeze %dma_wait3A_304 : memref<1x1x632x64xf32, #tpu.memory_space<hbm>> -> memref<632x64xf32, #tpu.memory_space<hbm>>
      %dma_wait3A_306 = arith.constant 0 : i32
      %dma_wait3A_307 = tpu.memref_slice %arg44[%mul3A_293, %dma_wait3A_306] : memref<10112x64xf32, #tpu.memory_space<vmem_shared>> -> memref<632x64xf32, #tpu.memory_space<vmem_shared>>
      tpu.wait_dma2 semaphore(%run_scoped3A_297 : memref<!tpu.dma_semaphore, #tpu.memory_space<semaphore_mem>>) src(%dma_wait3A_307 : memref<632x64xf32, #tpu.memory_space<vmem_shared>>) dst(%dma_wait3A_305 : memref<632x64xf32, #tpu.memory_space<hbm>>)
      tpu.yield
    }) : () -> ()
    return
  }
}

module attributes {stable_mosaic.version = 14 : i64} {
  func.func @_pre_body(%arg0: i32, %arg1: i32, %arg2: memref<1264x128xf32, #tpu.memory_space<vmem>>, %arg3: memref<1x128x64xf32, #tpu.memory_space<vmem>>, %arg4: memref<1x1x64xf32, #tpu.memory_space<vmem>>, %arg5: memref<1x1264x64xf32, #tpu.memory_space<vmem>>) attributes {dimension_semantics = [#tpu.dimension_semantics<arbitrary>, #tpu.dimension_semantics<arbitrary>], iteration_bounds = array<i64: 2, 8>, scalar_prefetch = 0 : i64, scratch_operands = 0 : i64, tpu.core_type = #tpu.core_type<tc>, window_params = [{transform_indices = @transform_0, window_bounds = array<i64: 1264, 128>}, {transform_indices = @transform_1, window_bounds = array<i64: 1, 128, 64>}, {transform_indices = @transform_2, window_bounds = array<i64: 1, 1, 64>}, {transform_indices = @transform_3, window_bounds = array<i64: 1, 1264, 64>}]} {
    %get3A = arith.constant 0 : index
    %get3A_0 = arith.constant 0 : index
    %get3A_1 = vector.load %arg2[%get3A, %get3A_0] : memref<1264x128xf32, #tpu.memory_space<vmem>>, vector<1264x128xf32>
    %get3A_2 = arith.constant 0 : index
    %get3A_3 = arith.constant 0 : index
    %get3A_4 = arith.constant 0 : index
    %get3A_5 = vector.load %arg3[%get3A_2, %get3A_3, %get3A_4] : memref<1x128x64xf32, #tpu.memory_space<vmem>>, vector<1x128x64xf32>
    %get3A_6 = vector.shape_cast %get3A_5 : vector<1x128x64xf32> to vector<128x64xf32>
    %dot_general3A = arith.constant dense<0.000000e+00> : vector<1264x64xf32>
    %dot_general3A_7 = tpu.matmul %get3A_1, %get3A_6, %dot_general3A {dimension_numbers = #tpu.dot_dimension_numbers<[1], [0], [0], [1], [0, 0, 1, 1], [], []>, transpose_lhs_hint = false} : vector<1264x128xf32>, vector<128x64xf32>, vector<1264x64xf32> -> vector<1264x64xf32>
    %get3A_8 = arith.constant 0 : index
    %get3A_9 = arith.constant 0 : index
    %get3A_10 = arith.constant 0 : index
    %get3A_11 = vector.load %arg4[%get3A_8, %get3A_9, %get3A_10] : memref<1x1x64xf32, #tpu.memory_space<vmem>>, vector<1x1x64xf32>
    %get3A_12 = vector.shape_cast %get3A_11 : vector<1x1x64xf32> to vector<1x64xf32>
    %add3A = vector.broadcast %get3A_12 : vector<1x64xf32> to vector<1264x64xf32>
    %add3A_13 = arith.addf %dot_general3A_7, %add3A : vector<1264x64xf32>
    %swap3A = arith.constant 0 : index
    %swap3A_14 = arith.constant 0 : index
    %swap3A_15 = arith.constant 0 : index
    %swap3A_16 = vector.load %arg5[%swap3A, %swap3A_14, %swap3A_15] : memref<1x1264x64xf32, #tpu.memory_space<vmem>>, vector<1x1264x64xf32>
    %swap3A_17 = vector.shape_cast %swap3A_16 : vector<1x1264x64xf32> to vector<1264x64xf32>
    %swap3A_18 = vector.shape_cast %add3A_13 : vector<1264x64xf32> to vector<1x1264x64xf32>
    tpu.vector_store %arg5[%swap3A, %swap3A_14, %swap3A_15], %swap3A_18 {strides = array<i32>} : memref<1x1264x64xf32, #tpu.memory_space<vmem>>, vector<1x1264x64xf32>,
    return
  }
  func.func @transform_0(%arg0: i32, %arg1: i32) -> (i32, i32) {
    %c0_i32 = arith.constant 0 : i32
    %c0_i32_0 = arith.constant 0 : i32
    return %arg1, %c0_i32 : i32, i32
  }
  func.func @transform_1(%arg0: i32, %arg1: i32) -> (i32, i32, i32) {
    %c0_i32 = arith.constant 0 : i32
    %c0_i32_0 = arith.constant 0 : i32
    %c0_i32_1 = arith.constant 0 : i32
    return %arg0, %c0_i32, %c0_i32_0 : i32, i32, i32
  }
  func.func @transform_2(%arg0: i32, %arg1: i32) -> (i32, i32, i32) {
    %c0_i32 = arith.constant 0 : i32
    %c0_i32_0 = arith.constant 0 : i32
    %c0_i32_1 = arith.constant 0 : i32
    return %arg0, %c0_i32, %c0_i32_0 : i32, i32, i32
  }
  func.func @transform_3(%arg0: i32, %arg1: i32) -> (i32, i32, i32) {
    %c0_i32 = arith.constant 0 : i32
    %c0_i32_0 = arith.constant 0 : i32
    return %arg0, %arg1, %c0_i32 : i32, i32, i32
  }
}

module attributes {stable_mosaic.version = 14 : i64} {
  func.func @_prep_body(%arg0: memref<2x79x128xf32, #tpu.memory_space<vmem>>, %arg1: memref<2x79x128xf32, #tpu.memory_space<vmem>>, %arg2: memref<79x128xf32, #tpu.memory_space<vmem>>, %arg3: memref<79x128xf32, #tpu.memory_space<vmem>>) attributes {dimension_semantics = [], scalar_prefetch = 0 : i64, scratch_operands = 0 : i64, tpu.core_type = #tpu.core_type<tc>} {
    %get3A = arith.constant 0 : index
    %get3A_0 = arith.constant 0 : index
    %get3A_1 = arith.constant 0 : index
    %get3A_2 = vector.load %arg0[%get3A, %get3A_0, %get3A_1] : memref<2x79x128xf32, #tpu.memory_space<vmem>>, vector<1x79x128xf32>
    %get3A_3 = vector.shape_cast %get3A_2 : vector<1x79x128xf32> to vector<79x128xf32>
    %get3A_4 = arith.constant 1 : index
    %get3A_5 = arith.constant 0 : index
    %get3A_6 = arith.constant 0 : index
    %get3A_7 = vector.load %arg0[%get3A_4, %get3A_5, %get3A_6] : memref<2x79x128xf32, #tpu.memory_space<vmem>>, vector<1x79x128xf32>
    %get3A_8 = vector.shape_cast %get3A_7 : vector<1x79x128xf32> to vector<79x128xf32>
    %add3A = arith.addf %get3A_3, %get3A_8 : vector<79x128xf32>
    %get3A_9 = arith.constant 0 : index
    %get3A_10 = arith.constant 0 : index
    %get3A_11 = arith.constant 0 : index
    %get3A_12 = vector.load %arg1[%get3A_9, %get3A_10, %get3A_11] : memref<2x79x128xf32, #tpu.memory_space<vmem>>, vector<1x79x128xf32>
    %get3A_13 = vector.shape_cast %get3A_12 : vector<1x79x128xf32> to vector<79x128xf32>
    %get3A_14 = arith.constant 1 : index
    %get3A_15 = arith.constant 0 : index
    %get3A_16 = arith.constant 0 : index
    %get3A_17 = vector.load %arg1[%get3A_14, %get3A_15, %get3A_16] : memref<2x79x128xf32, #tpu.memory_space<vmem>>, vector<1x79x128xf32>
    %get3A_18 = vector.shape_cast %get3A_17 : vector<1x79x128xf32> to vector<79x128xf32>
    %add3A_19 = arith.addf %get3A_13, %get3A_18 : vector<79x128xf32>
    %gt3A = arith.constant 0.000000e+00 : f32
    %gt3A_20 = vector.broadcast %gt3A : f32 to vector<79x128xf32>
    %gt3A_21 = arith.cmpf ogt, %add3A, %gt3A_20 : vector<79x128xf32>
    %max3A = arith.constant 9.99999996E-13 : f32
    %max3A_22 = vector.broadcast %max3A : f32 to vector<79x128xf32>
    %max3A_23 = arith.maximumf %add3A, %max3A_22 : vector<79x128xf32>
    %rsqrt3A = math.rsqrt %max3A_23 : vector<79x128xf32>
    %jit3A = arith.constant 0.000000e+00 : f32
    %broadcast_in_dim3A = vector.broadcast %jit3A : f32 to vector<79x128xf32>
    %select_n3A = arith.select %gt3A_21, %rsqrt3A, %broadcast_in_dim3A : vector<79x128xi1>, vector<79x128xf32>
    %swap3A = arith.constant 0 : index
    %swap3A_24 = arith.constant 0 : index
    %swap3A_25 = vector.load %arg2[%swap3A, %swap3A_24] : memref<79x128xf32, #tpu.memory_space<vmem>>, vector<79x128xf32>
    tpu.vector_store %arg2[%swap3A, %swap3A_24], %select_n3A {strides = array<i32>} : memref<79x128xf32, #tpu.memory_space<vmem>>, vector<79x128xf32>,
    %max3A_26 = arith.constant 1.000000e+00 : f32
    %max3A_27 = vector.broadcast %max3A_26 : f32 to vector<79x128xf32>
    %max3A_28 = arith.maximumf %add3A_19, %max3A_27 : vector<79x128xf32>
    %div3A = arith.constant 1.000000e+00 : f32
    %div3A_29 = vector.broadcast %div3A : f32 to vector<79x128xf32>
    %div3A_30 = arith.divf %div3A_29, %max3A_28 : vector<79x128xf32>
    %swap3A_31 = arith.constant 0 : index
    %swap3A_32 = arith.constant 0 : index
    %swap3A_33 = vector.load %arg3[%swap3A_31, %swap3A_32] : memref<79x128xf32, #tpu.memory_space<vmem>>, vector<79x128xf32>
    tpu.vector_store %arg3[%swap3A_31, %swap3A_32], %div3A_30 {strides = array<i32>} : memref<79x128xf32, #tpu.memory_space<vmem>>, vector<79x128xf32>,
    return
  }
}

module attributes {stable_mosaic.version = 14 : i64} {
  func.func @_post_body(%arg0: i32, %arg1: memref<2x2x1264x64xf32, #tpu.memory_space<vmem>>, %arg2: memref<2x1264x64xf32, #tpu.memory_space<vmem>>, %arg3: memref<1264x1xf32, #tpu.memory_space<vmem>>, %arg4: memref<2x64x128xf32, #tpu.memory_space<vmem>>, %arg5: memref<2x64x128xf32, #tpu.memory_space<vmem>>, %arg6: memref<2x64x128xf32, #tpu.memory_space<vmem>>, %arg7: memref<2x64x128xf32, #tpu.memory_space<vmem>>, %arg8: memref<1x128xf32, #tpu.memory_space<vmem>>, %arg9: memref<1x128xf32, #tpu.memory_space<vmem>>, %arg10: memref<1264x128xf32, #tpu.memory_space<vmem>>) attributes {dimension_semantics = [#tpu.dimension_semantics<arbitrary>], iteration_bounds = array<i64: 8>, scalar_prefetch = 0 : i64, scratch_operands = 0 : i64, tpu.core_type = #tpu.core_type<tc>, window_params = [{transform_indices = @transform_0, window_bounds = array<i64: 2, 2, 1264, 64>}, {transform_indices = @transform_1, window_bounds = array<i64: 2, 1264, 64>}, {transform_indices = @transform_2, window_bounds = array<i64: 1264, 1>}, {pipeline_mode = #tpu.pipeline_mode<synchronous>, transform_indices = @transform_3, window_bounds = array<i64: 2, 64, 128>}, {pipeline_mode = #tpu.pipeline_mode<synchronous>, transform_indices = @transform_4, window_bounds = array<i64: 2, 64, 128>}, {pipeline_mode = #tpu.pipeline_mode<synchronous>, transform_indices = @transform_5, window_bounds = array<i64: 2, 64, 128>}, {pipeline_mode = #tpu.pipeline_mode<synchronous>, transform_indices = @transform_6, window_bounds = array<i64: 2, 64, 128>}, {pipeline_mode = #tpu.pipeline_mode<synchronous>, transform_indices = @transform_7, window_bounds = array<i64: 1, 128>}, {pipeline_mode = #tpu.pipeline_mode<synchronous>, transform_indices = @transform_8, window_bounds = array<i64: 1, 128>}, {transform_indices = @transform_9, window_bounds = array<i64: 1264, 128>}]} {
    %get3A = arith.constant 0 : index
    %get3A_0 = arith.constant 0 : index
    %get3A_1 = vector.load %arg3[%get3A, %get3A_0] : memref<1264x1xf32, #tpu.memory_space<vmem>>, vector<1264x1xf32>
    %get3A_2 = arith.constant 0 : index
    %get3A_3 = arith.constant 0 : index
    %get3A_4 = arith.constant 0 : index
    %get3A_5 = arith.constant 0 : index
    %get3A_6 = vector.load %arg1[%get3A_2, %get3A_3, %get3A_4, %get3A_5] : memref<2x2x1264x64xf32, #tpu.memory_space<vmem>>, vector<1x1x1264x64xf32>
    %get3A_7 = vector.shape_cast %get3A_6 : vector<1x1x1264x64xf32> to vector<1264x64xf32>
    %mul3A = vector.broadcast %get3A_1 : vector<1264x1xf32> to vector<1264x64xf32>
    %mul3A_8 = arith.mulf %get3A_7, %mul3A : vector<1264x64xf32>
    %get3A_9 = arith.constant 1 : index
    %get3A_10 = arith.constant 0 : index
    %get3A_11 = arith.constant 0 : index
    %get3A_12 = arith.constant 0 : index
    %get3A_13 = vector.load %arg1[%get3A_9, %get3A_10, %get3A_11, %get3A_12] : memref<2x2x1264x64xf32, #tpu.memory_space<vmem>>, vector<1x1x1264x64xf32>
    %get3A_14 = vector.shape_cast %get3A_13 : vector<1x1x1264x64xf32> to vector<1264x64xf32>
    %mul3A_15 = vector.broadcast %get3A_1 : vector<1264x1xf32> to vector<1264x64xf32>
    %mul3A_16 = arith.mulf %get3A_14, %mul3A_15 : vector<1264x64xf32>
    %get3A_17 = arith.constant 0 : index
    %get3A_18 = arith.constant 1 : index
    %get3A_19 = arith.constant 0 : index
    %get3A_20 = arith.constant 0 : index
    %get3A_21 = vector.load %arg1[%get3A_17, %get3A_18, %get3A_19, %get3A_20] : memref<2x2x1264x64xf32, #tpu.memory_space<vmem>>, vector<1x1x1264x64xf32>
    %get3A_22 = vector.shape_cast %get3A_21 : vector<1x1x1264x64xf32> to vector<1264x64xf32>
    %get3A_23 = arith.constant 1 : index
    %get3A_24 = arith.constant 1 : index
    %get3A_25 = arith.constant 0 : index
    %get3A_26 = arith.constant 0 : index
    %get3A_27 = vector.load %arg1[%get3A_23, %get3A_24, %get3A_25, %get3A_26] : memref<2x2x1264x64xf32, #tpu.memory_space<vmem>>, vector<1x1x1264x64xf32>
    %get3A_28 = vector.shape_cast %get3A_27 : vector<1x1x1264x64xf32> to vector<1264x64xf32>
    %get3A_29 = arith.constant 0 : index
    %get3A_30 = arith.constant 0 : index
    %get3A_31 = arith.constant 0 : index
    %get3A_32 = vector.load %arg4[%get3A_29, %get3A_30, %get3A_31] : memref<2x64x128xf32, #tpu.memory_space<vmem>>, vector<1x64x128xf32>
    %get3A_33 = vector.shape_cast %get3A_32 : vector<1x64x128xf32> to vector<64x128xf32>
    %dot_general3A = arith.constant dense<0.000000e+00> : vector<1264x128xf32>
    %dot_general3A_34 = tpu.matmul %mul3A_8, %get3A_33, %dot_general3A {dimension_numbers = #tpu.dot_dimension_numbers<[1], [0], [0], [1], [0, 0, 1, 1], [], []>, transpose_lhs_hint = false} : vector<1264x64xf32>, vector<64x128xf32>, vector<1264x128xf32> -> vector<1264x128xf32>
    %get3A_35 = arith.constant 1 : index
    %get3A_36 = arith.constant 0 : index
    %get3A_37 = arith.constant 0 : index
    %get3A_38 = vector.load %arg4[%get3A_35, %get3A_36, %get3A_37] : memref<2x64x128xf32, #tpu.memory_space<vmem>>, vector<1x64x128xf32>
    %get3A_39 = vector.shape_cast %get3A_38 : vector<1x64x128xf32> to vector<64x128xf32>
    %dot_general3A_40 = arith.constant dense<0.000000e+00> : vector<1264x128xf32>
    %dot_general3A_41 = tpu.matmul %mul3A_16, %get3A_39, %dot_general3A_40 {dimension_numbers = #tpu.dot_dimension_numbers<[1], [0], [0], [1], [0, 0, 1, 1], [], []>, transpose_lhs_hint = false} : vector<1264x64xf32>, vector<64x128xf32>, vector<1264x128xf32> -> vector<1264x128xf32>
    %add3A = arith.addf %dot_general3A_34, %dot_general3A_41 : vector<1264x128xf32>
    %get3A_42 = arith.constant 0 : index
    %get3A_43 = arith.constant 0 : index
    %get3A_44 = arith.constant 0 : index
    %get3A_45 = vector.load %arg2[%get3A_42, %get3A_43, %get3A_44] : memref<2x1264x64xf32, #tpu.memory_space<vmem>>, vector<1x1264x64xf32>
    %get3A_46 = vector.shape_cast %get3A_45 : vector<1x1264x64xf32> to vector<1264x64xf32>
    %get3A_47 = arith.constant 0 : index
    %get3A_48 = arith.constant 0 : index
    %get3A_49 = arith.constant 0 : index
    %get3A_50 = vector.load %arg5[%get3A_47, %get3A_48, %get3A_49] : memref<2x64x128xf32, #tpu.memory_space<vmem>>, vector<1x64x128xf32>
    %get3A_51 = vector.shape_cast %get3A_50 : vector<1x64x128xf32> to vector<64x128xf32>
    %dot_general3A_52 = arith.constant dense<0.000000e+00> : vector<1264x128xf32>
    %dot_general3A_53 = tpu.matmul %get3A_46, %get3A_51, %dot_general3A_52 {dimension_numbers = #tpu.dot_dimension_numbers<[1], [0], [0], [1], [0, 0, 1, 1], [], []>, transpose_lhs_hint = false} : vector<1264x64xf32>, vector<64x128xf32>, vector<1264x128xf32> -> vector<1264x128xf32>
    %add3A_54 = arith.addf %add3A, %dot_general3A_53 : vector<1264x128xf32>
    %get3A_55 = arith.constant 1 : index
    %get3A_56 = arith.constant 0 : index
    %get3A_57 = arith.constant 0 : index
    %get3A_58 = vector.load %arg2[%get3A_55, %get3A_56, %get3A_57] : memref<2x1264x64xf32, #tpu.memory_space<vmem>>, vector<1x1264x64xf32>
    %get3A_59 = vector.shape_cast %get3A_58 : vector<1x1264x64xf32> to vector<1264x64xf32>
    %get3A_60 = arith.constant 1 : index
    %get3A_61 = arith.constant 0 : index
    %get3A_62 = arith.constant 0 : index
    %get3A_63 = vector.load %arg5[%get3A_60, %get3A_61, %get3A_62] : memref<2x64x128xf32, #tpu.memory_space<vmem>>, vector<1x64x128xf32>
    %get3A_64 = vector.shape_cast %get3A_63 : vector<1x64x128xf32> to vector<64x128xf32>
    %dot_general3A_65 = arith.constant dense<0.000000e+00> : vector<1264x128xf32>
    %dot_general3A_66 = tpu.matmul %get3A_59, %get3A_64, %dot_general3A_65 {dimension_numbers = #tpu.dot_dimension_numbers<[1], [0], [0], [1], [0, 0, 1, 1], [], []>, transpose_lhs_hint = false} : vector<1264x64xf32>, vector<64x128xf32>, vector<1264x128xf32> -> vector<1264x128xf32>
    %add3A_67 = arith.addf %add3A_54, %dot_general3A_66 : vector<1264x128xf32>
    %get3A_68 = arith.constant 0 : index
    %get3A_69 = arith.constant 0 : index
    %get3A_70 = vector.load %arg8[%get3A_68, %get3A_69] : memref<1x128xf32, #tpu.memory_space<vmem>>, vector<1x128xf32>
    %add3A_71 = vector.broadcast %get3A_70 : vector<1x128xf32> to vector<1264x128xf32>
    %add3A_72 = arith.addf %add3A_67, %add3A_71 : vector<1264x128xf32>
    %ge3A = arith.constant 0.000000e+00 : f32
    %ge3A_73 = vector.broadcast %ge3A : f32 to vector<1264x128xf32>
    %ge3A_74 = arith.cmpf oge, %add3A_72, %ge3A_73 : vector<1264x128xf32>
    %mul3A_75 = arith.constant 0.00999999977 : f32
    %mul3A_76 = vector.broadcast %mul3A_75 : f32 to vector<1264x128xf32>
    %mul3A_77 = arith.mulf %mul3A_76, %add3A_72 : vector<1264x128xf32>
    %select_n3A = arith.select %ge3A_74, %add3A_72, %mul3A_77 : vector<1264x128xi1>, vector<1264x128xf32>
    %get3A_78 = arith.constant 0 : index
    %get3A_79 = arith.constant 0 : index
    %get3A_80 = arith.constant 0 : index
    %get3A_81 = vector.load %arg6[%get3A_78, %get3A_79, %get3A_80] : memref<2x64x128xf32, #tpu.memory_space<vmem>>, vector<1x64x128xf32>
    %get3A_82 = vector.shape_cast %get3A_81 : vector<1x64x128xf32> to vector<64x128xf32>
    %dot_general3A_83 = arith.constant dense<0.000000e+00> : vector<1264x128xf32>
    %dot_general3A_84 = tpu.matmul %get3A_22, %get3A_82, %dot_general3A_83 {dimension_numbers = #tpu.dot_dimension_numbers<[1], [0], [0], [1], [0, 0, 1, 1], [], []>, transpose_lhs_hint = false} : vector<1264x64xf32>, vector<64x128xf32>, vector<1264x128xf32> -> vector<1264x128xf32>
    %get3A_85 = arith.constant 1 : index
    %get3A_86 = arith.constant 0 : index
    %get3A_87 = arith.constant 0 : index
    %get3A_88 = vector.load %arg6[%get3A_85, %get3A_86, %get3A_87] : memref<2x64x128xf32, #tpu.memory_space<vmem>>, vector<1x64x128xf32>
    %get3A_89 = vector.shape_cast %get3A_88 : vector<1x64x128xf32> to vector<64x128xf32>
    %dot_general3A_90 = arith.constant dense<0.000000e+00> : vector<1264x128xf32>
    %dot_general3A_91 = tpu.matmul %get3A_28, %get3A_89, %dot_general3A_90 {dimension_numbers = #tpu.dot_dimension_numbers<[1], [0], [0], [1], [0, 0, 1, 1], [], []>, transpose_lhs_hint = false} : vector<1264x64xf32>, vector<64x128xf32>, vector<1264x128xf32> -> vector<1264x128xf32>
    %add3A_92 = arith.addf %dot_general3A_84, %dot_general3A_91 : vector<1264x128xf32>
    %get3A_93 = arith.constant 0 : index
    %get3A_94 = arith.constant 0 : index
    %get3A_95 = arith.constant 0 : index
    %get3A_96 = vector.load %arg2[%get3A_93, %get3A_94, %get3A_95] : memref<2x1264x64xf32, #tpu.memory_space<vmem>>, vector<1x1264x64xf32>
    %get3A_97 = vector.shape_cast %get3A_96 : vector<1x1264x64xf32> to vector<1264x64xf32>
    %get3A_98 = arith.constant 0 : index
    %get3A_99 = arith.constant 0 : index
    %get3A_100 = arith.constant 0 : index
    %get3A_101 = vector.load %arg7[%get3A_98, %get3A_99, %get3A_100] : memref<2x64x128xf32, #tpu.memory_space<vmem>>, vector<1x64x128xf32>
    %get3A_102 = vector.shape_cast %get3A_101 : vector<1x64x128xf32> to vector<64x128xf32>
    %dot_general3A_103 = arith.constant dense<0.000000e+00> : vector<1264x128xf32>
    %dot_general3A_104 = tpu.matmul %get3A_97, %get3A_102, %dot_general3A_103 {dimension_numbers = #tpu.dot_dimension_numbers<[1], [0], [0], [1], [0, 0, 1, 1], [], []>, transpose_lhs_hint = false} : vector<1264x64xf32>, vector<64x128xf32>, vector<1264x128xf32> -> vector<1264x128xf32>
    %add3A_105 = arith.addf %add3A_92, %dot_general3A_104 : vector<1264x128xf32>
    %get3A_106 = arith.constant 1 : index
    %get3A_107 = arith.constant 0 : index
    %get3A_108 = arith.constant 0 : index
    %get3A_109 = vector.load %arg2[%get3A_106, %get3A_107, %get3A_108] : memref<2x1264x64xf32, #tpu.memory_space<vmem>>, vector<1x1264x64xf32>
    %get3A_110 = vector.shape_cast %get3A_109 : vector<1x1264x64xf32> to vector<1264x64xf32>
    %get3A_111 = arith.constant 1 : index
    %get3A_112 = arith.constant 0 : index
    %get3A_113 = arith.constant 0 : index
    %get3A_114 = vector.load %arg7[%get3A_111, %get3A_112, %get3A_113] : memref<2x64x128xf32, #tpu.memory_space<vmem>>, vector<1x64x128xf32>
    %get3A_115 = vector.shape_cast %get3A_114 : vector<1x64x128xf32> to vector<64x128xf32>
    %dot_general3A_116 = arith.constant dense<0.000000e+00> : vector<1264x128xf32>
    %dot_general3A_117 = tpu.matmul %get3A_110, %get3A_115, %dot_general3A_116 {dimension_numbers = #tpu.dot_dimension_numbers<[1], [0], [0], [1], [0, 0, 1, 1], [], []>, transpose_lhs_hint = false} : vector<1264x64xf32>, vector<64x128xf32>, vector<1264x128xf32> -> vector<1264x128xf32>
    %add3A_118 = arith.addf %add3A_105, %dot_general3A_117 : vector<1264x128xf32>
    %get3A_119 = arith.constant 0 : index
    %get3A_120 = arith.constant 0 : index
    %get3A_121 = vector.load %arg9[%get3A_119, %get3A_120] : memref<1x128xf32, #tpu.memory_space<vmem>>, vector<1x128xf32>
    %add3A_122 = vector.broadcast %get3A_121 : vector<1x128xf32> to vector<1264x128xf32>
    %add3A_123 = arith.addf %add3A_118, %add3A_122 : vector<1264x128xf32>
    %max3A = arith.constant 0.000000e+00 : f32
    %max3A_124 = vector.broadcast %max3A : f32 to vector<1264x128xf32>
    %max3A_125 = arith.maximumf %add3A_123, %max3A_124 : vector<1264x128xf32>
    %add3A_126 = arith.addf %select_n3A, %max3A_125 : vector<1264x128xf32>
    %max3A_127 = arith.constant 0.000000e+00 : f32
    %max3A_128 = vector.broadcast %max3A_127 : f32 to vector<1264x128xf32>
    %max3A_129 = arith.maximumf %add3A_126, %max3A_128 : vector<1264x128xf32>
    %swap3A = arith.constant 0 : index
    %swap3A_130 = arith.constant 0 : index
    %swap3A_131 = vector.load %arg10[%swap3A, %swap3A_130] : memref<1264x128xf32, #tpu.memory_space<vmem>>, vector<1264x128xf32>
    tpu.vector_store %arg10[%swap3A, %swap3A_130], %max3A_129 {strides = array<i32>} : memref<1264x128xf32, #tpu.memory_space<vmem>>, vector<1264x128xf32>,
    return
  }
  func.func @transform_0(%arg0: i32) -> (i32, i32, i32, i32) {
    %c0_i32 = arith.constant 0 : i32
    %c0_i32_0 = arith.constant 0 : i32
    %c0_i32_1 = arith.constant 0 : i32
    %c0_i32_2 = arith.constant 0 : i32
    return %c0_i32, %c0_i32_0, %arg0, %c0_i32_1 : i32, i32, i32, i32
  }
  func.func @transform_1(%arg0: i32) -> (i32, i32, i32) {
    %c0_i32 = arith.constant 0 : i32
    %c0_i32_0 = arith.constant 0 : i32
    %c0_i32_1 = arith.constant 0 : i32
    return %c0_i32, %arg0, %c0_i32_0 : i32, i32, i32
  }
  func.func @transform_2(%arg0: i32) -> (i32, i32) {
    %c0_i32 = arith.constant 0 : i32
    %c0_i32_0 = arith.constant 0 : i32
    return %arg0, %c0_i32 : i32, i32
  }
  func.func @transform_3(%arg0: i32) -> (i32, i32, i32) {
    %c0_i32 = arith.constant 0 : i32
    %c0_i32_0 = arith.constant 0 : i32
    %c0_i32_1 = arith.constant 0 : i32
    %c0_i32_2 = arith.constant 0 : i32
    return %c0_i32, %c0_i32_0, %c0_i32_1 : i32, i32, i32
  }
  func.func @transform_4(%arg0: i32) -> (i32, i32, i32) {
    %c0_i32 = arith.constant 0 : i32
    %c0_i32_0 = arith.constant 0 : i32
    %c0_i32_1 = arith.constant 0 : i32
    %c0_i32_2 = arith.constant 0 : i32
    return %c0_i32, %c0_i32_0, %c0_i32_1 : i32, i32, i32
  }
  func.func @transform_5(%arg0: i32) -> (i32, i32, i32) {
    %c0_i32 = arith.constant 0 : i32
    %c0_i32_0 = arith.constant 0 : i32
    %c0_i32_1 = arith.constant 0 : i32
    %c0_i32_2 = arith.constant 0 : i32
    return %c0_i32, %c0_i32_0, %c0_i32_1 : i32, i32, i32
  }
  func.func @transform_6(%arg0: i32) -> (i32, i32, i32) {
    %c0_i32 = arith.constant 0 : i32
    %c0_i32_0 = arith.constant 0 : i32
    %c0_i32_1 = arith.constant 0 : i32
    %c0_i32_2 = arith.constant 0 : i32
    return %c0_i32, %c0_i32_0, %c0_i32_1 : i32, i32, i32
  }
  func.func @transform_7(%arg0: i32) -> (i32, i32) {
    %c0_i32 = arith.constant 0 : i32
    %c0_i32_0 = arith.constant 0 : i32
    %c0_i32_1 = arith.constant 0 : i32
    return %c0_i32, %c0_i32_0 : i32, i32
  }
  func.func @transform_8(%arg0: i32) -> (i32, i32) {
    %c0_i32 = arith.constant 0 : i32
    %c0_i32_0 = arith.constant 0 : i32
    %c0_i32_1 = arith.constant 0 : i32
    return %c0_i32, %c0_i32_0 : i32, i32
  }
  func.func @transform_9(%arg0: i32) -> (i32, i32) {
    %c0_i32 = arith.constant 0 : i32
    %c0_i32_0 = arith.constant 0 : i32
    return %arg0, %c0_i32 : i32, i32
  }
}

</mosaic_0001>

<sc_bundles>
// kernel: kernel.10.cloned.1.call-start
scs
__scs_entry_jumppad:
0x0: {  	(pc) =	sbr.rel $0x88, $3  }
0x1: {  	(tag) =	ssettag $0x0;
	lr =	simm.s32 $0x1  }
0x2: {  	[smem:$0x3F96] =	sst lr;
	_ =	strace $0xD0000000  }
0x3: {  	_ = 	snop  }
0x4: {  	_ = 	snop  }
0x5: {  	_ = 	snop  }
0x6: {  	_ = 	snop  }
0x7: {  	_ = 	snop  }
__scs_overlays_trampoline_lowered:
0x8: {  	[smem:$0x3FA5] =	sst s0  }
0x9: {  	[smem:$0x3FA6] =	sst s1  }
0xa: {  	[smem:$0x3FA7] =	sst s2  }
0xb: {  	[smem:$0x3FA8] =	sst s3  }
0xc: {  	[smem:$0x3FA9] =	sst s4  }
0xd: {  	[smem:$0x3FAA] =	sst s5  }
0xe: {  	[smem:$0x3FAB] =	sst s6  }
0xf: {  	[smem:$0x3FAC] =	sst s7  }
0x10: {  	[smem:$0x3FAD] =	sst s8  }
0x11: {  	[smem:$0x3FAE] =	sst s9;
	s0 =	simm.s32 @!p0 $0x0  }
0x12: {  	s1 =	sld [smem:$0x3F94];
	s0 =	simm.s32 @p0 $0x1  }
0x13: {  	[smem:$0x3FAF] =	sst s0;
	s0 =	simm.s32 @!p1 $0x0  }
0x14: {  	s2 =	sld [smem:$0x3F93];
	s0 =	simm.s32 @p1 $0x1  }
0x15: {  	[smem:$0x3FB0] =	sst s0;
	s0 =	simm.s32 @!p2 $0x0  }
0x16: {  	s3 =	sld [smem:$0x3FDB];
	s0 =	simm.s32 @p2 $0x1  }
0x17: {  	s4 =	simm.s32 $0x1BF5;
	[smem:$0x3FB2] =	sst s0  }
0x18: {  	s0 =	sld [smem:$0x3F95];
	_ =	swait.ge [sflag:s4], $0x0  }
0x19: {  	s7 =	sld [smem:$0x3F96]  }
0x1a: {  	s8 =	sadd.s32 $0xFFFFE003, lr  }
0x1b: {  	s9 =	sadd.s32 $0xFFFFFEF7, lr;
	s5 =	simm.s32 $0xFFFFFFFF;
	p2 =	slt.u32 s8, $0xFFFFF086  }
0x1c: {  	p1 =	slt.u32 s9, $0xF7A;
	s5 =	simm.s32 @!p2 $0x0  }
0x1d: {  	s5 =	simm.s32 @p1 $0x1;
	p0 =	seq.s32 s7, s2  }
0x1e: {  	s7 =	smul.u32 @!p0 $0xF7A, s2;
	p2 =	seq.s32 @!p0 s5, $0x0  }
0x1f: {  	s9 =	smul.u32 $0xF7A, s1;
	s8 =	simm.s32 @!p0 $0x1BF5;
	p2 =	por !p2, p0  }
0x20: {  	[sflag:s8] =	ssyncset.s32 @!p0 $0xFFFFF086;
	s6 =	sadd.s32 @!p0 s3, s7;
	s7 =	simm.s32 @!p0 $0x108  }
0x21: {  	s3 =	sadd.s32 s3, s9;
	s6 =	sadd.s32 @!p0 $0x88, s6;
	s7 =	simm.s32 @p2 $0x1082  }
0x22: {  	[simem:s7], [sflag:s8] =	dma.local @!p0 [hbm:s6], $0xF7A  }
0x23: {  	s9 =	sor.u32 $0xD0000000, s2;
	s6 =	simm.s32 $0x108;
	_ =	swait.ge @!p0 [sflag:s8], $0x0  }
0x24: {  	s3 =	sadd.s32 $0x88, s3;
	s6 =	simm.s32 @!p1 $0x1082;
	[sflag:s4] =	ssyncset.s32 $0xFFFFF086  }
0x25: {  	[simem:s6], [sflag:s4] =	dma.local [hbm:s3], $0xF7A  }
0x26: {  	[smem:$0x3F96] =	sst s1;
	(tag) =	ssettag s2;
	_ =	strace s9  }
0x27: {  	s1 =	sld [smem:$0x3FA6]  }
0x28: {  	s2 =	sld [smem:$0x3FA7]  }
0x29: {  	s4 =	sld [smem:$0x3FA9]  }
0x2a: {  	p0 =	seq.s32 s5, $0x0;
	s5 =	sld [smem:$0x3FAA]  }
0x2b: {  	s6 =	sld [smem:$0x3FAB]  }
0x2c: {  	s7 =	sld [smem:$0x3FAC]  }
0x2d: {  	s3 =	simm.s32 $0x108;
	s8 =	sld [smem:$0x3FAD]  }
0x2e: {  	s3 =	simm.s32 @!p0 $0x1082;
	s9 =	sld [smem:$0x3FAE]  }
0x2f: {  	lr =	sadd.s32 s0, s3;
	s0 =	sld [smem:$0x3FA5]  }
0x30: {  	s3 =	sld [smem:$0x3FA8]  }
0x31: {  	[smem:$0x3FB1] =	sst s10  }
0x32: {  	s10 =	sld [smem:$0x3FAF];
	_ =	sdelay $0x3  }
0x33: {  	p0 =	seq.s32 s10, $0x1;
	s10 =	sld [smem:$0x3FB1];
	_ =	sdelay $0x3  }
0x34: {  	[smem:$0x3FB1] =	sst s10  }
0x35: {  	s10 =	sld [smem:$0x3FB0];
	_ =	sdelay $0x3  }
0x36: {  	p1 =	seq.s32 s10, $0x1;
	s10 =	sld [smem:$0x3FB1];
	_ =	sdelay $0x3  }
0x37: {  	[smem:$0x3FB1] =	sst s10  }
0x38: {  	s10 =	sld [smem:$0x3FB2]  }
0x39: {  	_ = 	snop;
	(pc) =	sbr.ind lr, $3  }
0x3a: {  	_ = 	snop  }
0x3b: {  	_ = 	snop  }
0x3c: {  	p2 =	seq.s32 s10, $0x1;
	s10 =	sld [smem:$0x3FB1]  }
0x3d: {  	_ =	shalt  }
0x3e: {  	_ =	shalt  }
0x3f: {  	_ =	shalt  }
0x40: {  	_ =	shalt  }
0x41: {  	_ =	shalt  }
0x42: {  	_ =	shalt  }
0x43: {  	_ =	shalt  }
0x44: {  	_ =	shalt  }
0x45: {  	_ =	shalt  }
0x46: {  	_ =	shalt  }
0x47: {  	_ =	shalt  }
0x48: {  	_ =	shalt  }
0x49: {  	_ =	shalt  }
0x4a: {  	_ =	shalt  }
0x4b: {  	_ =	shalt  }
0x4c: {  	_ =	shalt  }
0x4d: {  	_ =	shalt  }
0x4e: {  	_ =	shalt  }
0x4f: {  	_ =	shalt  }
0x50: {  	_ =	shalt  }
0x51: {  	_ =	shalt  }
0x52: {  	_ =	shalt  }
0x53: {  	_ =	shalt  }
0x54: {  	_ =	shalt  }
0x55: {  	_ =	shalt  }
0x56: {  	_ =	shalt  }
0x57: {  	_ =	shalt  }
0x58: {  	_ =	shalt  }
0x59: {  	_ =	shalt  }
0x5a: {  	_ =	shalt  }
0x5b: {  	_ =	shalt  }
0x5c: {  	_ =	shalt  }
0x5d: {  	_ =	shalt  }
0x5e: {  	_ =	shalt  }
0x5f: {  	_ =	shalt  }
0x60: {  	_ =	shalt  }
0x61: {  	_ =	shalt  }
0x62: {  	_ =	shalt  }
0x63: {  	_ =	shalt  }
0x64: {  	_ =	shalt  }
0x65: {  	_ =	shalt  }
0x66: {  	_ =	shalt  }
0x67: {  	_ =	shalt  }
0x68: {  	_ =	shalt  }
0x69: {  	_ =	shalt  }
0x6a: {  	_ =	shalt  }
0x6b: {  	_ =	shalt  }
0x6c: {  	_ =	shalt  }
0x6d: {  	_ =	shalt  }
0x6e: {  	_ =	shalt  }
0x6f: {  	_ =	shalt  }
0x70: {  	_ =	shalt  }
0x71: {  	_ =	shalt  }
0x72: {  	_ =	shalt  }
0x73: {  	_ =	shalt  }
0x74: {  	_ =	shalt  }
0x75: {  	_ =	shalt  }
0x76: {  	_ =	shalt  }
0x77: {  	_ =	shalt  }
0x78: {  	_ =	shalt  }
0x79: {  	_ =	shalt  }
0x7a: {  	_ =	shalt  }
0x7b: {  	_ =	shalt  }
0x7c: {  	_ =	shalt  }
0x7d: {  	_ =	shalt  }
0x7e: {  	_ =	shalt  }
0x7f: {  	_ =	shalt  }
0x80: {  	_ =	shalt  }
0x81: {  	_ =	shalt  }
0x82: {  	_ =	shalt  }
0x83: {  	_ =	shalt  }
0x84: {  	_ =	shalt  }
0x85: {  	_ =	shalt  }
0x86: {  	_ =	shalt  }
0x87: {  	_ =	shalt  }
.Lfunc_end0:
.L_simem_size_0:
called_computation.1_lowered:
.L_overlay_start_0:
0x88: {  	s2 =	sld [smem:$0x3FD9]  }
0x89: {  	s3 =	sld [smem:$0x3FFE];
	_ =	sdelay $0x1  }
0x8a: {  	s1 =	srdreg.scid  }
0x8b: {  	s0 =	sand.u32 $0x1, s1  }
0x8c: {  	s14 =	sshll.u32 s0, $0xA;
	s2 =	sadd.s32 s3, s2  }
0x8d: {  	s2 =	sadd.s32 s2, s14  }
0x8e: {  	[smem:$0x3FBD] =	sst s2  }
0x8f: {  	_ = 	snop  }
0x90: {  	s2 =	sld [smem:$0x3FD0];
	_ =	sdelay $0x2  }
0x91: {  	s15 =	simm.s32 $0xA;
	s4 =	simm.s32 $0x10  }
0x92: {  	[smem:s4], [sflag:s15] =	dma.local [hbm:s2], $0x1  }
0x93: {  	_ =	swait.eq [sflag:s15], $0x1  }
0x94: {  	[sflag:s15] =	ssyncset.done $0x0  }
0x95: {  	s16 =	sld [smem:$0x10];
	[sflag:s15] =	ssyncadd.s32 $0xFFFFFFFF  }
0x96: {  	s17 =	sld [smem:$0x11];
	(tm) =	ssettm $0x1  }
0x97: {  	s18 =	sld [smem:$0x3FFB];
	_ =	sdelay $0x3  }
0x98: {  	_ =	strace s18  }
0x99: {  	s4 =	sld [smem:$0x3FFC];
	_ =	sdelay $0x3  }
0x9a: {  	_ =	strace s4  }
0x9b: {  	s4 =	sld [smem:$0x3FFD];
	_ =	sdelay $0x3  }
0x9c: {  	_ =	strace s4  }
0x9d: {  	_ =	strace $0x8FFFFFFF  }
0x9e: {  	s19 =	sld [smem:$0x3FDB];
	_ =	sdelay $0x1  }
0x9f: {  	s5 =	simm.s32 $_scs_section_size  }
0xa0: {  	s6 =	simm.s32 $_size__tile_overlayer_lowered;
	s7 =	simm.s32 $_tile_overlayer_lowered  }
0xa1: {  	s22 =	simm.s32 $0x1BFF;
	s21 =	sshll.u32 s7, $0x1;
	s4 =	sadd.s32 s5, s19  }
0xa2: {  	s8 =	simm.s32 $0x0;
	s20 =	sshll.u32 s6, $0x1;
	s6 =	sadd.s32 s21, s4  }
0xa3: {  	[timem:s8], [sflag:s22] =	dma.local [hbm:s6], s20  }
0xa4: {  	_ =	swait.ge [sflag:s22], s20  }
0xa5: {  	s5 =	ssub.s32 $0x0, s20;
	[sflag:s22] =	ssyncset.done $0x0  }
0xa6: {  	[sflag:s22] =	ssyncadd.s32 s5;
	_ =	sdelay $0x1  }
0xa7: {  	s23 =	simm.s32 $0x1B8B  }
0xa8: {  	_ =	swait.ge [sflag:s23], $0x1  }
0xa9: {  	[sflag:s23] =	ssyncset.done $0x0  }
0xaa: {  	s25 =	simm.s32 $0x1B8E;
	s24 =	sld [smem:$0x3FFE];
	[sflag:s23] =	ssyncadd.s32 $0xFFFFFFFF  }
0xab: {  	s26 =	simm.s32 $execute0_lowered;
	[smem:$0x3FD2] =	sst s25  }
0xac: {  	s6 =	sshll.u32 s26, $0x1;
	_ =	strace $0x80000049;
	[dreg:$0x1] =	wrdreg $0xFFFFFFFF  }
0xad: {  	s28 =	simm.s32 $_size_execute0_lowered;
	s4 =	sadd.s32 s4, s6;
	[dreg:$0x0] =	wrdreg $0x0  }
0xae: {  	s6 =	sshll.u32 s28, $0x1;
	[dreg:$0x2] =	wrdreg s4  }
0xaf: {  	[dreg:$0x3] =	wrdreg s6  }
0xb0: {  	[dreg:$0x4] =	wrdreg $0xC0  }
0xb1: {  	_ =	task [dreg:s8], $0x5FFFF  }
0xb2: {  	[dreg:$0x1] =	wrdreg $0xFFFFFFFF  }
0xb3: {  	[dreg:$0x0] =	wrdreg $0x60  }
0xb4: {  	[dreg:$0x2] =	wrdreg s24  }
0xb5: {  	[dreg:$0x3] =	wrdreg s17  }
0xb6: {  	[dreg:$0x4] =	wrdreg s16  }
0xb7: {  	[dreg:$0x5] =	wrdreg $0xAE000  }
0xb8: {  	[dreg:$0x6] =	wrdreg $0x14C000  }
0xb9: {  	[dreg:$0x7] =	wrdreg $0x9  }
0xba: {  	_ =	task.clear_ibuf [dreg:s8], $0x8FFFF;
	_ =	strace $0x90000049  }
0xbb: {  	s29 =	simm.s32 $0x9;
	_ =	strace $0x8000004B  }
0xbc: {  	_ =	swait.ge [sflag:s29], $0x1  }
0xbd: {  	[sflag:s29] =	ssyncadd.s32 $0xFFFFFFFF  }
0xbe: {  	_ =	strace $0x9000004B  }
0xbf: {  	_ =	sfence  }
0xc0: {  	s30 =	sld [smem:$0x0];
	_ =	sdelay $0x2  }
0xc1: {  	s31 =	sshll.u32 s1, $0xD;
	s1 =	sshrl.u32 s1, $0x2  }
0xc2: {  	s3 =	sand.u32 $0x4000, s31;
	s1 =	sadd.s32 s1, s30  }
0xc3: {  	s0 =	sor.u32 s3, s0;
	s1 =	sshll.u32 s1, $0x11  }
0xc4: {  	s0 =	sor.u32 s1, s0  }
0xc5: {  	s0 =	sadd.s32 $0x8F2B, s0  }
0xc6: {  	[sflag:s0] =	ssyncadd.remote.s32 $0x1  }
0xc7: {  	_ =	sfence.sel $0xFFFF  }
0xc8: {  	[dreg:$0x0] =	wrdreg $0xFFFFFFFF;
	(pc) =	sbr.abs _section_cstart, $3  }
0xc9: {  	[dreg:$0x1] =	wrdreg $0xFFFFFFFF  }
0xca: {  	_ =	task.clear_ibuf [dreg:s8], $0x2FFFF;
	_ =	strace $0x9FFFFFFF  }
0xcb: {  	(tm) =	ssettm $0x7FFFFFFF  }
tec
execute0_lowered:
.L_overlay_start_1:
0x0: {  	(tag) =	ssettag $0x1  }
0x1: {  	s0 =	rddreg [dreg:$0x0]  }
0x2: {  	s5 =	rddreg [dreg:$0x1]  }
0x3: {  	s10 =	rddreg [dreg:$0x2]  }
0x4: {  	s12 =	rddreg [dreg:$0x3]  }
0x5: {  	s13 =	rddreg [dreg:$0x4];
	s1 =	srdreg.scid  }
0x6: {  	s11 =	stileid.u32;
	s6 =	simm.s32 $0x0;
	s1 =	sand.u32 $0x1, s1  }
0x7: {  	s2 =	smul.u32 $0x9E00, s11;
	[smem:$0x7FF] =	sst s6;
	s7 =	sadd.s32 $0xEE00, s0  }
0x8: {  	s8 =	sadd.s32 $0x3200, s0;
	s9 =	sadd.s32 $0xD200, s0;
	s3 =	smul.u32 $0x13C000, s1  }
0x9: {  	_ =	strace $0x8000004A;
	s4 =	ssub.s32 $0x2, s1;
	s21 =	sadd.s32 $0x1000, s2  }
0xa: {  	[dreg:$0x6] =	wrdreg s9;
	s23 =	sadd.s32 $0x2000, s2;
	s22 =	sadd.s32 s21, s12  }
0xb: {  	s20 =	sshrl.u32 s4, $0x1;
	s24 =	sadd.s32 s23, s12;
	[dreg:$0x7] =	wrdreg s22  }
0xc: {  	s25 =	sadd.s32 $0x3000, s2;
	s9 =	sadd.s32 s23, s13;
	[dreg:$0x9] =	wrdreg s24  }
0xd: {  	s29 =	sadd.s32 $0x4000, s2;
	s26 =	sadd.s32 s25, s12;
	[dreg:$0xa] =	wrdreg s9  }
0xe: {  	s14 =	sadd.s32 $0x5000, s2;
	s30 =	sadd.s32 s29, s12;
	[dreg:$0xb] =	wrdreg s26  }
0xf: {  	s16 =	sadd.s32 $0x6000, s2;
	s15 =	sadd.s32 s14, s12;
	[dreg:$0xd] =	wrdreg s30  }
0x10: {  	s18 =	sadd.s32 $0x7000, s2;
	s17 =	sadd.s32 s16, s12;
	[dreg:$0xf] =	wrdreg s15  }
0x11: {  	s3 =	sadd.s32 s2, s3;
	s19 =	sadd.s32 s18, s12;
	[dreg:$0x11] =	wrdreg s17  }
0x12: {  	s3 =	sshrl.u32 s3, $0x3;
	s9 =	sadd.s32 s29, s13;
	[dreg:$0x13] =	wrdreg s19  }
0x13: {  	s22 =	sadd.s32 s2, s13;
	s0 =	sadd.s32 s3, s0;
	[dreg:$0xe] =	wrdreg s9  }
0x14: {  	s3 =	ssub.s32 s4, s20;
	s4 =	sadd.s32 s21, s13;
	[dreg:$0x16] =	wrdreg s22  }
0x15: {  	s9 =	sadd.s32 s16, s13;
	[dreg:$0x8] =	wrdreg s4  }
0x16: {  	s20 =	sadd.s32 $0x8000, s2;
	s4 =	sadd.s32 s25, s13;
	[dreg:$0x12] =	wrdreg s9  }
0x17: {  	s21 =	smul.u32 $0xA00, s11;
	s15 =	sadd.s32 s20, s12;
	[dreg:$0xc] =	wrdreg s4  }
0x18: {  	s4 =	sadd.s32 s14, s13;
	[dreg:$0x17] =	wrdreg s15  }
0x19: {  	s30 =	sadd.s32 s5, s21;
	[dreg:$0x10] =	wrdreg s4  }
0x1a: {  	s14 =	sadd.s32 s2, s12;
	[dreg:$0x1e] =	wrdreg s30  }
0x1b: {  	s2 =	sadd.s32 $0x9000, s2;
	s4 =	sadd.s32 s18, s13;
	[dreg:$0x15] =	wrdreg s14  }
0x1c: {  	s28 =	simm.s32 $0x8680;
	s23 =	sadd.s32 s2, s12;
	[dreg:$0x14] =	wrdreg s4  }
0x1d: {  	s24 =	sor.u32 $0x8, s21;
	s2 =	sadd.s32 s2, s13;
	[dreg:$0x19] =	wrdreg s23  }
0x1e: {  	s31 =	simm.s32 $0x40;
	s25 =	sadd.s32 s5, s24;
	[dreg:$0x1a] =	wrdreg s2  }
0x1f: {  	s1 =	smul.u32 $0x2780, s1;
	s26 =	sadd.s32 s10, s24;
	[dreg:$0x1b] =	wrdreg s25  }
0x20: {  	s16 =	smul.u32 $0x140, s11;
	s29 =	sadd.s32 s8, s24;
	[dreg:$0x1c] =	wrdreg s26  }
0x21: {  	s15 =	sor.u32 $0x18, s21;
	s12 =	sadd.s32 s8, s21;
	[dreg:$0x1d] =	wrdreg s29  }
0x22: {  	s11 =	simm.s32 $0x4;
	s19 =	sadd.s32 s5, s15;
	[smem:$0x7F0] =	sst s12  }
0x23: {  	s9 =	simm.s32 $0x400;
	s24 =	sor.u32 $0x5, s16;
	[smem:$0x7F4] =	sst s19  }
0x24: {  	s30 =	smax.u32 s3, $0x1;
	s3 =	simm.s32 $0x580;
	[smem:$0x7F8] =	sst s24  }
0x25: {  	s4 =	sadd.s32 s20, s13;
	s13 =	sor.u32 $0x10, s21;
	[smem:$0x7FD] =	sst s30  }
0x26: {  	s20 =	sadd.s32 s10, s15;
	s23 =	sor.u32 $0x4, s16;
	[dreg:$0x18] =	wrdreg s4  }
0x27: {  	s25 =	sor.u32 $0x6, s16;
	s26 =	sor.u32 $0x7, s16;
	[smem:$0x7F5] =	sst s20  }
0x28: {  	s29 =	sadd.s32 $0x36600, s0;
	s0 =	sadd.s32 $0x4A200, s0;
	[smem:$0x7F7] =	sst s23  }
0x29: {  	s19 =	simm.s32 $0x5C0;
	s24 =	simm.s32 $0x500;
	[smem:$0x7F9] =	sst s25  }
0x2a: {  	s12 =	simm.s32 $0x600;
	s16 =	simm.s32 $0x2;
	[smem:$0x7FA] =	sst s26  }
0x2b: {  	s4 =	sadd.s32 s10, s21;
	s17 =	sadd.s32 s5, s13;
	[smem:$0x7FB] =	sst s29  }
0x2c: {  	s18 =	sadd.s32 s10, s13;
	s2 =	sadd.s32 s8, s13;
	[smem:$0x7FC] =	sst s0  }
0x2d: {  	s21 =	sadd.s32 s8, s15;
	s5 =	simm.s32 $0xB;
	[dreg:$0x1f] =	wrdreg s4  }
.Ltmp0:
0x2e: {  	s23 =	simm.s32 $0x3;
	[smem:$0x7F1] =	sst s17;
	(pc) =	sbr.rel .LBB2_1-.Ltmp0, $4  }
0x2f: {  	s0 =	simm.s32 $0x480;
	s15 =	simm.s32 $0x4C0;
	[smem:$0x7F2] =	sst s18  }
0x30: {  	s20 =	simm.s32 $0x440;
	s26 =	simm.s32 $0x9;
	[smem:$0x7F3] =	sst s2  }
0x31: {  	s10 =	simm.s32 $0x640;
	[smem:$0x7F6] =	sst s21;
	s21 =	simm.s32 $0xA  }
0x32: {  	v1 =	vimm.f32 $0.0e+00;
	v0 =	vmov s1;
	s18 =	simm.s32 $0x540;
	s17 =	simm.s32 $0x1;
	s2 =	simm.s32 $0x0  }
.LBB2_18:
0x33: {  	_ =	swait.ge [sflag:s26], $0x1000  }
0x34: {  	[sflag:s26] =	ssyncset.done $0x0  }
0x35: {  	[sflag:s26] =	ssyncadd.s32 $0xFFFFF000  }
0x36: {  	_ =	swait.ge [sflag:s26], $0x1000  }
0x37: {  	[sflag:s26] =	ssyncset.done $0x0  }
0x38: {  	[sflag:s26] =	ssyncadd.s32 $0xFFFFF000  }
0x39: {  	_ =	swait.ge [sflag:s21], $0x1000  }
0x3a: {  	[sflag:s21] =	ssyncset.done $0x0  }
0x3b: {  	[sflag:s21] =	ssyncadd.s32 $0xFFFFF000  }
0x3c: {  	_ =	swait.ge [sflag:s21], $0x1000  }
0x3d: {  	[sflag:s21] =	ssyncset.done $0x0  }
0x3e: {  	[sflag:s21] =	ssyncadd.s32 $0xFFFFF000  }
0x3f: {  	[bflag:$0x0] =	sbarrier.arrive $0xFFFF  }
0x40: {  	s1 =	stileid.u32;
	s4 =	sld [smem:$0x7FB]  }
0x41: {  	s1 =	sshll.u32 s1, $0x6;
	s14 =	rddreg [dreg:$0x15]  }
0x42: {  	s5 =	simm.s32 $0xB;
	s1 =	sor.u32 $0x1C0B, s1;
	s2 =	sshrl.u32 s14, $0x3  }
0x43: {  	[hbm:s4], [sflag:s1] =	dma.local [spmem:s2], $0x13C0  }
0x44: {  	_ =	swait.ge [sflag:s5], $0x13C0  }
0x45: {  	s25 =	sld [smem:$0x7FC]  }
0x46: {  	[sflag:s5] =	ssyncset.done $0x0;
	s22 =	rddreg [dreg:$0x16]  }
0x47: {  	[sflag:s5] =	ssyncadd.s32 $0xFFFFEC40;
	s13 =	sshrl.u32 s22, $0x3  }
0x48: {  	[hbm:s25], [sflag:s1] =	dma.local [spmem:s13], $0x13C0  }
0x49: {  	_ =	swait.ge [sflag:s5], $0x13C0  }
0x4a: {  	s29 =	sld [smem:$0x7EF]  }
0x4b: {  	s30 =	sld [smem:$0x7FD];
	_ =	sdelay $0x1  }
0x4c: {  	s2 =	sadd.s32 $0x1, s29  }
0x4d: {  	p0 =	sne.s32 s2, s30  }
.Ltmp1:
0x4e: {  	_ = 	snop;
	(pc) =	sbr.rel @!p0 .LBB2_19-.Ltmp1, $3  }
0x4f: {  	_ =	sdelay $0x1  }
0x50: {  	[sflag:s5] =	ssyncset.done $0x0  }
0x51: {  	[sflag:s5] =	ssyncadd.s32 $0xFFFFEC40  }
.LBB2_1:
0x52: {  	[smem:$0x7EF] =	sst s2  }
0x53: {  	s1 =	rddreg [dreg:$0x6]  }
0x54: {  	[tilespmem:s28], [sflag:$0xB] =	stream.linear.gather [hbm4b:s1+s6], $0x2780, $0x38;
	[tilespmem:$0x1EA00] =	vst v63  }
0x55: {  	_ =	swait.ge [sflag:s5], $0x2780  }
0x56: {  	[sflag:s5] =	ssyncset.done $0x0  }
0x57: {  	s2 =	simm.s32 $0x100;
	s1 =	simm.s32 $0x0;
	[sflag:s5] =	ssyncadd.s32 $0xFFFFD880  }
.LBB2_2:
0x58: {  	p0 =	sne.s32 s2, $0x3F00;
	[tilespmem:s1+$0x46B0] =	vst v1;
	s4 =	smov.u32 s2;
	s2 =	sadd.s32 $0x100, s2  }
.Ltmp2:
0x59: {  	[tilespmem:s1+$0x46A0] =	vst v1;
	(pc) =	sbr.rel @p0 .LBB2_2-.Ltmp2, $3  }
0x5a: {  	[tilespmem:s1+$0x4680] =	vst v1  }
0x5b: {  	[tilespmem:s1+$0x4690] =	vst v1;
	_ =	sdelay $0x1  }
0x5c: {  	s1 =	sshra.s32 s4, $0x2  }
0x5d: {  	[tilespmem:s1+$0x46B0] =	vst v1  }
0x5e: {  	[tilespmem:s1+$0x46A0] =	vst v1  }
0x5f: {  	[tilespmem:s1+$0x4680] =	vst v1  }
0x60: {  	[tilespmem:s1+$0x4690] =	vst v1;
	s2 =	simm.s32 $0x4680  }
0x61: {  	[spmem:s14] =	stream.linear.scatter [tilespmem:s2], [sflag:$0xB], $0x1000, $0x38;
	[tilespmem:$0x1EA00] =	vst v63  }
0x62: {  	_ =	swait.ge [sflag:s5], $0x1000  }
0x63: {  	[sflag:s5] =	ssyncset.done $0x0  }
0x64: {  	[sflag:s5] =	ssyncadd.s32 $0xFFFFF000  }
0x65: {  	[spmem:s22] =	stream.linear.scatter [tilespmem:s2], [sflag:$0xB], $0x1000, $0x38;
	[tilespmem:$0x1EA00] =	vst v63  }
0x66: {  	_ =	swait.ge [sflag:s5], $0x1000  }
0x67: {  	[sflag:s5] =	ssyncset.done $0x0  }
0x68: {  	s22 =	rddreg [dreg:$0x7];
	[sflag:s5] =	ssyncadd.s32 $0xFFFFF000  }
0x69: {  	[spmem:s22] =	stream.linear.scatter [tilespmem:s2], [sflag:$0xB], $0x1000, $0x38;
	[tilespmem:$0x1EA00] =	vst v63  }
0x6a: {  	_ =	swait.ge [sflag:s5], $0x1000  }
0x6b: {  	[sflag:s5] =	ssyncset.done $0x0  }
0x6c: {  	s25 =	rddreg [dreg:$0x8];
	[sflag:s5] =	ssyncadd.s32 $0xFFFFF000  }
0x6d: {  	[spmem:s25] =	stream.linear.scatter [tilespmem:s2], [sflag:$0xB], $0x1000, $0x38;
	[tilespmem:$0x1EA00] =	vst v63  }
0x6e: {  	_ =	swait.ge [sflag:s5], $0x1000  }
0x6f: {  	[sflag:s5] =	ssyncset.done $0x0  }
0x70: {  	s29 =	rddreg [dreg:$0x9];
	[sflag:s5] =	ssyncadd.s32 $0xFFFFF000  }
0x71: {  	[spmem:s29] =	stream.linear.scatter [tilespmem:s2], [sflag:$0xB], $0x1000, $0x38;
	[tilespmem:$0x1EA00] =	vst v63  }
0x72: {  	_ =	swait.ge [sflag:s5], $0x1000  }
0x73: {  	[sflag:s5] =	ssyncset.done $0x0  }
0x74: {  	s4 =	rddreg [dreg:$0xa];
	[sflag:s5] =	ssyncadd.s32 $0xFFFFF000  }
0x75: {  	[spmem:s4] =	stream.linear.scatter [tilespmem:s2], [sflag:$0xB], $0x1000, $0x38;
	[tilespmem:$0x1EA00] =	vst v63  }
0x76: {  	_ =	swait.ge [sflag:s5], $0x1000  }
0x77: {  	[sflag:s5] =	ssyncset.done $0x0  }
0x78: {  	s13 =	rddreg [dreg:$0xb];
	[sflag:s5] =	ssyncadd.s32 $0xFFFFF000  }
0x79: {  	[spmem:s13] =	stream.linear.scatter [tilespmem:s2], [sflag:$0xB], $0x1000, $0x38;
	[tilespmem:$0x1EA00] =	vst v63  }
0x7a: {  	_ =	swait.ge [sflag:s5], $0x1000  }
0x7b: {  	[sflag:s5] =	ssyncset.done $0x0  }
0x7c: {  	s14 =	rddreg [dreg:$0xc];
	[sflag:s5] =	ssyncadd.s32 $0xFFFFF000  }
0x7d: {  	[spmem:s14] =	stream.linear.scatter [tilespmem:s2], [sflag:$0xB], $0x1000, $0x38;
	[tilespmem:$0x1EA00] =	vst v63  }
0x7e: {  	_ =	swait.ge [sflag:s5], $0x1000  }
0x7f: {  	[sflag:s5] =	ssyncset.done $0x0  }
0x80: {  	s22 =	rddreg [dreg:$0xd];
	[sflag:s5] =	ssyncadd.s32 $0xFFFFF000  }
0x81: {  	[spmem:s22] =	stream.linear.scatter [tilespmem:s2], [sflag:$0xB], $0x1000, $0x38;
	[tilespmem:$0x1EA00] =	vst v63  }
0x82: {  	_ =	swait.ge [sflag:s5], $0x1000  }
0x83: {  	[sflag:s5] =	ssyncset.done $0x0  }
0x84: {  	s25 =	rddreg [dreg:$0xe];
	[sflag:s5] =	ssyncadd.s32 $0xFFFFF000  }
0x85: {  	[spmem:s25] =	stream.linear.scatter [tilespmem:s2], [sflag:$0xB], $0x1000, $0x38;
	[tilespmem:$0x1EA00] =	vst v63  }
0x86: {  	_ =	swait.ge [sflag:s5], $0x1000  }
0x87: {  	[sflag:s5] =	ssyncset.done $0x0  }
0x88: {  	s29 =	rddreg [dreg:$0xf];
	[sflag:s5] =	ssyncadd.s32 $0xFFFFF000  }
0x89: {  	[spmem:s29] =	stream.linear.scatter [tilespmem:s2], [sflag:$0xB], $0x1000, $0x38;
	[tilespmem:$0x1EA00] =	vst v63  }
0x8a: {  	_ =	swait.ge [sflag:s5], $0x1000  }
0x8b: {  	[sflag:s5] =	ssyncset.done $0x0  }
0x8c: {  	s4 =	rddreg [dreg:$0x10];
	[sflag:s5] =	ssyncadd.s32 $0xFFFFF000  }
0x8d: {  	[spmem:s4] =	stream.linear.scatter [tilespmem:s2], [sflag:$0xB], $0x1000, $0x38;
	[tilespmem:$0x1EA00] =	vst v63  }
0x8e: {  	_ =	swait.ge [sflag:s5], $0x1000  }
0x8f: {  	[sflag:s5] =	ssyncset.done $0x0  }
0x90: {  	s13 =	rddreg [dreg:$0x11];
	[sflag:s5] =	ssyncadd.s32 $0xFFFFF000  }
0x91: {  	[spmem:s13] =	stream.linear.scatter [tilespmem:s2], [sflag:$0xB], $0x1000, $0x38;
	[tilespmem:$0x1EA00] =	vst v63  }
0x92: {  	_ =	swait.ge [sflag:s5], $0x1000  }
0x93: {  	[sflag:s5] =	ssyncset.done $0x0  }
0x94: {  	s14 =	rddreg [dreg:$0x12];
	[sflag:s5] =	ssyncadd.s32 $0xFFFFF000  }
0x95: {  	[spmem:s14] =	stream.linear.scatter [tilespmem:s2], [sflag:$0xB], $0x1000, $0x38;
	[tilespmem:$0x1EA00] =	vst v63  }
0x96: {  	_ =	swait.ge [sflag:s5], $0x1000  }
0x97: {  	[sflag:s5] =	ssyncset.done $0x0  }
0x98: {  	s22 =	rddreg [dreg:$0x13];
	[sflag:s5] =	ssyncadd.s32 $0xFFFFF000  }
0x99: {  	[spmem:s22] =	stream.linear.scatter [tilespmem:s2], [sflag:$0xB], $0x1000, $0x38;
	[tilespmem:$0x1EA00] =	vst v63  }
0x9a: {  	_ =	swait.ge [sflag:s5], $0x1000  }
0x9b: {  	[sflag:s5] =	ssyncset.done $0x0  }
0x9c: {  	s25 =	rddreg [dreg:$0x14];
	[sflag:s5] =	ssyncadd.s32 $0xFFFFF000  }
0x9d: {  	[spmem:s25] =	stream.linear.scatter [tilespmem:s2], [sflag:$0xB], $0x1000, $0x38;
	[tilespmem:$0x1EA00] =	vst v63  }
0x9e: {  	_ =	swait.ge [sflag:s5], $0x1000  }
0x9f: {  	[sflag:s5] =	ssyncset.done $0x0  }
0xa0: {  	s29 =	rddreg [dreg:$0x17];
	[sflag:s5] =	ssyncadd.s32 $0xFFFFF000  }
0xa1: {  	[spmem:s29] =	stream.linear.scatter [tilespmem:s2], [sflag:$0xB], $0x1000, $0x38;
	[tilespmem:$0x1EA00] =	vst v63  }
0xa2: {  	_ =	swait.ge [sflag:s5], $0x1000  }
0xa3: {  	[sflag:s5] =	ssyncset.done $0x0  }
0xa4: {  	s4 =	rddreg [dreg:$0x18];
	[sflag:s5] =	ssyncadd.s32 $0xFFFFF000  }
0xa5: {  	[spmem:s4] =	stream.linear.scatter [tilespmem:s2], [sflag:$0xB], $0x1000, $0x38;
	[tilespmem:$0x1EA00] =	vst v63  }
0xa6: {  	_ =	swait.ge [sflag:s5], $0x1000  }
0xa7: {  	[sflag:s5] =	ssyncset.done $0x0  }
0xa8: {  	s13 =	rddreg [dreg:$0x19];
	[sflag:s5] =	ssyncadd.s32 $0xFFFFF000  }
0xa9: {  	[spmem:s13] =	stream.linear.scatter [tilespmem:s2], [sflag:$0xB], $0xE00, $0x38;
	[tilespmem:$0x1EA00] =	vst v63  }
0xaa: {  	_ =	swait.ge [sflag:s5], $0xE00  }
0xab: {  	[sflag:s5] =	ssyncset.done $0x0  }
0xac: {  	s14 =	rddreg [dreg:$0x1a];
	[sflag:s5] =	ssyncadd.s32 $0xFFFFF200  }
0xad: {  	[spmem:s14] =	stream.linear.scatter [tilespmem:s2], [sflag:$0xB], $0xE00, $0x38;
	[tilespmem:$0x1EA00] =	vst v63  }
0xae: {  	_ =	swait.ge [sflag:s5], $0xE00  }
0xaf: {  	[sflag:s5] =	ssyncset.done $0x0  }
0xb0: {  	[sflag:s5] =	ssyncadd.s32 $0xFFFFF200  }
0xb1: {  	[bflag:$0x0] =	sbarrier.arrive $0xFFFF  }
0xb2: {  	s4 =	simm.s32 $0x0;
	s22 =	rddreg [dreg:$0x1e]  }
0xb3: {  	[tilespmem:s4], [sflag:$0xB] =	stream.linear.gather [hbm4b:s22+s4], $0x40, $0x38;
	[tilespmem:$0x1EA00] =	vst v63  }
0xb4: {  	_ =	swait.ge [sflag:s5], $0x40  }
0xb5: {  	[sflag:s5] =	ssyncset.done $0x0  }
0xb6: {  	s29 =	simm.s32 $0x100;
	s25 =	rddreg [dreg:$0x1f];
	[sflag:s5] =	ssyncadd.s32 $0xFFFFFFC0  }
0xb7: {  	[tilespmem:s29], [sflag:$0xB] =	stream.linear.gather [hbm4b:s25+s4], $0x40, $0x38;
	[tilespmem:$0x1EA00] =	vst v63  }
0xb8: {  	_ =	swait.ge [sflag:s5], $0x40  }
0xb9: {  	s13 =	sld [smem:$0x7F0]  }
0xba: {  	[sflag:s5] =	ssyncset.done $0x0  }
0xbb: {  	s14 =	simm.s32 $0x200;
	[sflag:s5] =	ssyncadd.s32 $0xFFFFFFC0  }
0xbc: {  	[tilespmem:s14], [sflag:$0xB] =	stream.linear.gather [hbm4b:s13+s4], $0x40, $0x38;
	[tilespmem:$0x1EA00] =	vst v63  }
0xbd: {  	_ =	swait.ge [sflag:s5], $0x40  }
0xbe: {  	[sflag:s5] =	ssyncset.done $0x0  }
0xbf: {  	[sflag:s5] =	ssyncadd.s32 $0xFFFFFFC0  }
0xc0: {  	v2 =	vld [tilespmem:$0x0];
	_ =	sdelay $0x1  }
0xc1: {  	v3 =	vld [tilespmem:$0x100];
	_ =	sdelay $0x4  }
0xc2: {  	v4 =	vld [tilespmem:$0x200]  }
0xc3: {  	v5 =	vld.idx.msk [tilespmem:v2+s28+$0x0], $0xffff  }
0xc4: {  	v6 =	vld [tilespmem:$0x10]  }
0xc5: {  	v3 =	vld.idx.msk [tilespmem:v3+s28+$0x0], $0xffff;
	_ =	sdelay $0x1  }
0xc6: {  	v7 =	vld [tilespmem:$0x110]  }
0xc7: {  	v5 =	vmul.f32 v5, v4;
	_ =	sdelay $0x1  }
0xc8: {  	[tilespmem:$0x480] =	vst v4;
	v2 =	vadd.s32 v0, v2;
	v3 =	vmul.f32 v3, v5  }
0xc9: {  	[tilespmem:$0x300] =	vst v2  }
0xca: {  	v2 =	vld [tilespmem:$0x210];
	[tilespmem:$0x580] =	vst v3  }
0xcb: {  	v3 =	vld.idx.msk [tilespmem:v6+s28+$0x0], $0xffff  }
0xcc: {  	v48 =	vld [tilespmem:$0x20]  }
0xcd: {  	v4 =	vld.idx.msk [tilespmem:v7+s28+$0x0], $0xffff;
	_ =	sdelay $0x1  }
0xce: {  	v49 =	vld [tilespmem:$0x120]  }
0xcf: {  	v3 =	vmul.f32 v3, v2;
	_ =	sdelay $0x1  }
0xd0: {  	[tilespmem:$0x490] =	vst v2;
	v2 =	vadd.s32 v0, v6;
	v3 =	vmul.f32 v4, v3  }
0xd1: {  	[tilespmem:$0x310] =	vst v2  }
0xd2: {  	v2 =	vld [tilespmem:$0x220];
	[tilespmem:$0x590] =	vst v3  }
0xd3: {  	v3 =	vld.idx.msk [tilespmem:v48+s28+$0x0], $0xffff  }
0xd4: {  	v51 =	vld [tilespmem:$0x30]  }
0xd5: {  	v50 =	vld.idx.msk [tilespmem:v49+s28+$0x0], $0xffff;
	_ =	sdelay $0x1  }
0xd6: {  	v52 =	vld [tilespmem:$0x130]  }
0xd7: {  	v3 =	vmul.f32 v3, v2;
	_ =	sdelay $0x1  }
0xd8: {  	[tilespmem:$0x4A0] =	vst v2;
	v2 =	vadd.s32 v0, v48;
	v3 =	vmul.f32 v50, v3  }
0xd9: {  	[tilespmem:$0x320] =	vst v2  }
0xda: {  	v2 =	vld [tilespmem:$0x230];
	[tilespmem:$0x5A0] =	vst v3  }
0xdb: {  	v3 =	vld.idx.msk [tilespmem:v51+s28+$0x0], $0xffff;
	_ =	sdelay $0x1  }
0xdc: {  	v53 =	vld.idx.msk [tilespmem:v52+s28+$0x0], $0xffff;
	_ =	sdelay $0x2  }
0xdd: {  	v3 =	vmul.f32 v3, v2;
	_ =	sdelay $0x1  }
0xde: {  	[tilespmem:$0x4B0] =	vst v2;
	v2 =	vadd.s32 v0, v51;
	v3 =	vmul.f32 v53, v3  }
0xdf: {  	[tilespmem:$0x330] =	vst v2  }
0xe0: {  	s22 =	simm.s32 $0x300;
	s25 =	simm.s32 $0x680;
	[tilespmem:$0x5B0] =	vst v3  }
0xe1: {  	[tilespmem:s25], [sflag:$0x5] =	stream.indirect.gather [hbm4b:s7+s31], $0x40, s22, s31, $0xb8;
	[tilespmem:$0x1EA00] =	vst v63  }
0xe2: {  	s29 =	rddreg [dreg:$0x1b]  }
0xe3: {  	[tilespmem:s31], [sflag:$0xB] =	stream.linear.gather [hbm4b:s29+s4], $0x40, $0x38;
	[tilespmem:$0x1EA00] =	vst v63  }
0xe4: {  	_ =	swait.ge [sflag:s5], $0x40  }
0xe5: {  	[sflag:s5] =	ssyncset.done $0x0  }
0xe6: {  	s13 =	simm.s32 $0x140;
	s2 =	rddreg [dreg:$0x1c];
	[sflag:s5] =	ssyncadd.s32 $0xFFFFFFC0  }
0xe7: {  	[tilespmem:s13], [sflag:$0xB] =	stream.linear.gather [hbm4b:s2+s4], $0x40, $0x38;
	[tilespmem:$0x1EA00] =	vst v63  }
0xe8: {  	_ =	swait.ge [sflag:s5], $0x40  }
0xe9: {  	[sflag:s5] =	ssyncset.done $0x0  }
0xea: {  	s22 =	simm.s32 $0x240;
	s14 =	rddreg [dreg:$0x1d];
	[sflag:s5] =	ssyncadd.s32 $0xFFFFFFC0  }
0xeb: {  	[tilespmem:s22], [sflag:$0xB] =	stream.linear.gather [hbm4b:s14+s4], $0x40, $0x38;
	[tilespmem:$0x1EA00] =	vst v63  }
0xec: {  	_ =	swait.ge [sflag:s5], $0x40  }
0xed: {  	[sflag:s5] =	ssyncset.done $0x0  }
0xee: {  	[sflag:s5] =	ssyncadd.s32 $0xFFFFFFC0  }
0xef: {  	v2 =	vld [tilespmem:$0x40];
	_ =	sdelay $0x1  }
0xf0: {  	v3 =	vld [tilespmem:$0x140];
	_ =	sdelay $0x4  }
0xf1: {  	v54 =	vld [tilespmem:$0x240]  }
0xf2: {  	v55 =	vld.idx.msk [tilespmem:v2+s28+$0x0], $0xffff  }
0xf3: {  	v56 =	vld [tilespmem:$0x50]  }
0xf4: {  	v3 =	vld.idx.msk [tilespmem:v3+s28+$0x0], $0xffff;
	_ =	sdelay $0x1  }
0xf5: {  	v57 =	vld [tilespmem:$0x150]  }
0xf6: {  	v5 =	vmul.f32 v55, v54;
	_ =	sdelay $0x1  }
0xf7: {  	[tilespmem:$0x4C0] =	vst v54;
	v2 =	vadd.s32 v0, v2;
	v3 =	vmul.f32 v3, v5  }
0xf8: {  	[tilespmem:$0x340] =	vst v2  }
0xf9: {  	v2 =	vld [tilespmem:$0x250];
	[tilespmem:$0x5C0] =	vst v3  }
0xfa: {  	v3 =	vld.idx.msk [tilespmem:v56+s28+$0x0], $0xffff  }
0xfb: {  	v58 =	vld [tilespmem:$0x60]  }
0xfc: {  	v4 =	vld.idx.msk [tilespmem:v57+s28+$0x0], $0xffff;
	_ =	sdelay $0x1  }
0xfd: {  	v59 =	vld [tilespmem:$0x160]  }
0xfe: {  	v3 =	vmul.f32 v3, v2;
	_ =	sdelay $0x1  }
0xff: {  	[tilespmem:$0x4D0] =	vst v2;
	v2 =	vadd.s32 v0, v56;
	v3 =	vmul.f32 v4, v3  }
0x100: {  	[tilespmem:$0x350] =	vst v2  }
0x101: {  	v2 =	vld [tilespmem:$0x260];
	[tilespmem:$0x5D0] =	vst v3  }
0x102: {  	v3 =	vld.idx.msk [tilespmem:v58+s28+$0x0], $0xffff  }
0x103: {  	v61 =	vld [tilespmem:$0x70]  }
0x104: {  	v60 =	vld.idx.msk [tilespmem:v59+s28+$0x0], $0xffff;
	_ =	sdelay $0x1  }
0x105: {  	v62 =	vld [tilespmem:$0x170]  }
0x106: {  	v3 =	vmul.f32 v3, v2;
	_ =	sdelay $0x1  }
0x107: {  	[tilespmem:$0x4E0] =	vst v2;
	v2 =	vadd.s32 v0, v58;
	v3 =	vmul.f32 v60, v3  }
0x108: {  	[tilespmem:$0x360] =	vst v2  }
0x109: {  	v2 =	vld [tilespmem:$0x270];
	[tilespmem:$0x5E0] =	vst v3  }
0x10a: {  	v3 =	vld.idx.msk [tilespmem:v61+s28+$0x0], $0xffff;
	_ =	sdelay $0x1  }
0x10b: {  	v63 =	vld.idx.msk [tilespmem:v62+s28+$0x0], $0xffff;
	_ =	sdelay $0x2  }
0x10c: {  	v3 =	vmul.f32 v3, v2;
	_ =	sdelay $0x1  }
0x10d: {  	[tilespmem:$0x4F0] =	vst v2;
	v2 =	vadd.s32 v0, v61;
	v3 =	vmul.f32 v63, v3  }
0x10e: {  	[tilespmem:$0x370] =	vst v2  }
0x10f: {  	s25 =	simm.s32 $0x340;
	s29 =	simm.s32 $0x1680;
	s5 =	sld [smem:$0x7F1];
	[tilespmem:$0x5F0] =	vst v3  }
0x110: {  	[tilespmem:s29], [sflag:$0x6] =	stream.indirect.gather [hbm4b:s7+s31], $0x40, s25, s31, $0xb8;
	[tilespmem:$0x1EA00] =	vst v63  }
0x111: {  	s13 =	simm.s32 $0x80;
	s14 =	sld [smem:$0x7F2]  }
0x112: {  	[tilespmem:s13], [sflag:$0x3] =	stream.linear.gather [hbm4b:s5+s4], $0x40, $0x38;
	[tilespmem:$0x1EA00] =	vst v63  }
0x113: {  	s22 =	simm.s32 $0x180;
	s25 =	sld [smem:$0x7F3]  }
0x114: {  	[tilespmem:s22], [sflag:$0x3] =	stream.linear.gather [hbm4b:s14+s4], $0x40, $0x38;
	[tilespmem:$0x1EA00] =	vst v63  }
0x115: {  	s29 =	simm.s32 $0x280;
	s5 =	sld [smem:$0x7F4]  }
0x116: {  	[tilespmem:s29], [sflag:$0x3] =	stream.linear.gather [hbm4b:s25+s4], $0x40, $0x38;
	[tilespmem:$0x1EA00] =	vst v63  }
0x117: {  	s13 =	simm.s32 $0xC0;
	s14 =	sld [smem:$0x7F5]  }
0x118: {  	[tilespmem:s13], [sflag:$0x4] =	stream.linear.gather [hbm4b:s5+s4], $0x40, $0x38;
	[tilespmem:$0x1EA00] =	vst v63  }
0x119: {  	s22 =	simm.s32 $0x1C0;
	s25 =	sld [smem:$0x7F6]  }
0x11a: {  	[tilespmem:s22], [sflag:$0x4] =	stream.linear.gather [hbm4b:s14+s4], $0x40, $0x38;
	[tilespmem:$0x1EA00] =	vst v63  }
0x11b: {  	s30 =	simm.s32 $0x0;
	s29 =	simm.s32 $0x2C0  }
0x11c: {  	[tilespmem:s29], [sflag:$0x4] =	stream.linear.gather [hbm4b:s25+s4], $0x40, $0x38;
	[tilespmem:$0x1EA00] =	vst v63  }
.LBB2_4:
0x11d: {  	_ =	swait.ge [sflag:s23], $0x40  }
0x11e: {  	[sflag:s23] =	ssyncset.done $0x0  }
0x11f: {  	[sflag:s23] =	ssyncadd.s32 $0xFFFFFFC0  }
0x120: {  	_ =	swait.ge [sflag:s23], $0x40  }
0x121: {  	[sflag:s23] =	ssyncset.done $0x0  }
0x122: {  	[sflag:s23] =	ssyncadd.s32 $0xFFFFFFC0  }
0x123: {  	_ =	swait.ge [sflag:s23], $0x40  }
0x124: {  	[sflag:s23] =	ssyncset.done $0x0  }
0x125: {  	[sflag:s23] =	ssyncadd.s32 $0xFFFFFFC0  }
0x126: {  	v2 =	vld [tilespmem:$0x80];
	_ =	sdelay $0x1  }
0x127: {  	v3 =	vld [tilespmem:$0x180];
	_ =	sdelay $0x4  }
0x128: {  	v4 =	vld [tilespmem:$0x280]  }
0x129: {  	v5 =	vld.idx.msk [tilespmem:v2+s28+$0x0], $0xffff  }
0x12a: {  	v6 =	vld [tilespmem:$0x90]  }
0x12b: {  	v3 =	vld.idx.msk [tilespmem:v3+s28+$0x0], $0xffff;
	_ =	sdelay $0x1  }
0x12c: {  	v7 =	vld [tilespmem:$0x190]  }
0x12d: {  	v5 =	vmul.f32 v5, v4;
	_ =	sdelay $0x1  }
0x12e: {  	[tilespmem:$0x500] =	vst v4;
	v2 =	vadd.s32 v0, v2;
	v3 =	vmul.f32 v3, v5  }
0x12f: {  	[tilespmem:$0x380] =	vst v2  }
0x130: {  	v2 =	vld [tilespmem:$0x290];
	[tilespmem:$0x600] =	vst v3  }
0x131: {  	v3 =	vld.idx.msk [tilespmem:v6+s28+$0x0], $0xffff  }
0x132: {  	v5 =	vld [tilespmem:$0xA0]  }
0x133: {  	v4 =	vld.idx.msk [tilespmem:v7+s28+$0x0], $0xffff;
	_ =	sdelay $0x1  }
0x134: {  	v7 =	vld [tilespmem:$0x1A0]  }
0x135: {  	v3 =	vmul.f32 v3, v2;
	_ =	sdelay $0x1  }
0x136: {  	[tilespmem:$0x510] =	vst v2;
	v2 =	vadd.s32 v0, v6;
	v3 =	vmul.f32 v4, v3  }
0x137: {  	[tilespmem:$0x390] =	vst v2  }
0x138: {  	v2 =	vld [tilespmem:$0x2A0];
	[tilespmem:$0x610] =	vst v3  }
0x139: {  	v3 =	vld.idx.msk [tilespmem:v5+s28+$0x0], $0xffff  }
0x13a: {  	v6 =	vld [tilespmem:$0xB0]  }
0x13b: {  	v4 =	vld.idx.msk [tilespmem:v7+s28+$0x0], $0xffff;
	_ =	sdelay $0x1  }
0x13c: {  	v7 =	vld [tilespmem:$0x1B0]  }
0x13d: {  	v3 =	vmul.f32 v3, v2;
	_ =	sdelay $0x1  }
0x13e: {  	[tilespmem:$0x520] =	vst v2;
	v2 =	vadd.s32 v0, v5;
	v3 =	vmul.f32 v4, v3  }
0x13f: {  	[tilespmem:$0x3A0] =	vst v2  }
0x140: {  	v2 =	vld [tilespmem:$0x2B0];
	[tilespmem:$0x620] =	vst v3  }
0x141: {  	v3 =	vld.idx.msk [tilespmem:v6+s28+$0x0], $0xffff;
	_ =	sdelay $0x1  }
0x142: {  	v4 =	vld.idx.msk [tilespmem:v7+s28+$0x0], $0xffff;
	_ =	sdelay $0x2  }
0x143: {  	v3 =	vmul.f32 v3, v2;
	_ =	sdelay $0x1  }
0x144: {  	[tilespmem:$0x530] =	vst v2;
	v2 =	vadd.s32 v0, v6;
	v3 =	vmul.f32 v4, v3  }
0x145: {  	[tilespmem:$0x3B0] =	vst v2  }
0x146: {  	s1 =	simm.s32 $0x380;
	s2 =	simm.s32 $0x2680;
	[tilespmem:$0x630] =	vst v3  }
0x147: {  	[tilespmem:s2], [sflag:$0x7] =	stream.indirect.gather [hbm4b:s7+s31], $0x40, s1, s31, $0xb8;
	[tilespmem:$0x1EA00] =	vst v63  }
0x148: {  	s2 =	simm.s32 $0x5  }
0x149: {  	_ =	swait.ge [sflag:s2], $0x1000  }
0x14a: {  	p1 =	seq.s32 s30, $0x0;
	[sflag:s2] =	ssyncset.done $0x0  }
0x14b: {  	s1 =	simm.s32 @!p1 $0x9;
	[sflag:s2] =	ssyncadd.s32 $0xFFFFF000  }
0x14c: {  	_ =	swait.ge @!p1 [sflag:s1], $0x1000  }
0x14d: {  	[sflag:s1] =	ssyncset.done @!p1 $0x0  }
0x14e: {  	[sflag:s1] =	ssyncadd.s32 @!p1 $0xFFFFF000  }
0x14f: {  	_ =	swait.ge @!p1 [sflag:s1], $0x1000  }
0x150: {  	[sflag:s1] =	ssyncset.done @!p1 $0x0  }
0x151: {  	[sflag:s1] =	ssyncadd.s32 @!p1 $0xFFFFF000  }
0x152: {  	v2 =	vld [tilespmem:$0x100]  }
0x153: {  	s4 =	simm.s32 $0x1;
	v3 =	vld [tilespmem:$0x110]  }
0x154: {  	v5 =	vmov s4;
	v4 =	vld [tilespmem:$0x120]  }
0x155: {  	s5 =	simm.s32 $0x3;
	s13 =	simm.s32 $0x2;
	v5 =	vand.u32 $0xFFFFFFFD, v5;
	v6 =	vld [tilespmem:$0x130]  }
0x156: {  	v8 =	vmov s13;
	v5 =	vbroadcast v5, $0x0;
	v7 =	vmov s5  }
0x157: {  	[tilespmem:$0x400] =	vst v2;
	v2 =	vand.u32 $0xFFFFFFFE, v8  }
0x158: {  	[tilespmem:$0x410] =	vst v3;
	v2 =	vbroadcast v2, $0x0  }
0x159: {  	[tilespmem:$0x420] =	vst v4  }
0x15a: {  	s14 =	simm.s32 $0x0;
	[tilespmem:$0x430] =	vst v6  }
0x15b: {  	v3 =	vmov s14;
	v13 =	vld.idx.msk [tilespmem:v7+s0+$0x0], $0xffff  }
0x15c: {  	s4 =	simm.s32 $0x700;
	v3 =	vand.u32 $0xFFFFFFFC, v3;
	v8 =	vld.idx.msk [tilespmem:v5+s0+$0x0], $0xffff  }
0x15d: {  	v4 =	vld [tilespmem:s4+$0x0];
	v3 =	vbroadcast v3, $0x0  }
0x15e: {  	v9 =	vld.idx.msk [tilespmem:v2+s0+$0x0], $0xffff  }
0x15f: {  	v15 =	vld.idx.msk [tilespmem:v2+s3+$0x0], $0xffff  }
0x160: {  	v2 =	vld [tilespmem:s4+$0xFFFFFFC0]  }
0x161: {  	v5 =	vld.idx.msk [tilespmem:v5+s3+$0x0], $0xffff  }
0x162: {  	v6 =	vld [tilespmem:s4+$0xFFFFFF80]  }
0x163: {  	v16 =	vld.idx.msk [tilespmem:v3+s0+$0x0], $0xffff;
	v10 =	vmul.f32 v4, v9  }
0x164: {  	s2 =	simm.s32 $0x4700;
	v12 =	vld.idx.msk [tilespmem:v3+s3+$0x0], $0xffff;
	v3 =	vmul.f32 v4, v15  }
0x165: {  	s1 =	simm.s32 $0x6700;
	v4 =	vld [tilespmem:s4+$0x40];
	v11 =	vmul.f32 v2, v8;
	[tilespmem:s2+$0x0] =	vst v10  }
0x166: {  	v14 =	vld.idx.msk [tilespmem:v7+s3+$0x0], $0xffff;
	v2 =	vmul.f32 v2, v5;
	[tilespmem:s1+$0x0] =	vst v3  }
0x167: {  	[tilespmem:s2+$0xFFFFFFC0] =	vst v11;
	v3 =	vld [tilespmem:s4+$0x10]  }
0x168: {  	v7 =	vmul.f32 v6, v16;
	[tilespmem:s1+$0xFFFFFFC0] =	vst v2  }
0x169: {  	v2 =	vmul.f32 v6, v12;
	v6 =	vld [tilespmem:s4+$0xFFFFFFD0]  }
0x16a: {  	[tilespmem:s2+$0xFFFFFF80] =	vst v7;
	v10 =	vmul.f32 v4, v13  }
0x16b: {  	v4 =	vmul.f32 v4, v14;
	[tilespmem:s1+$0xFFFFFF80] =	vst v2  }
0x16c: {  	v2 =	vld [tilespmem:s4+$0xFFFFFF90];
	[tilespmem:s2+$0x40] =	vst v10;
	v7 =	vmul.f32 v3, v9  }
0x16d: {  	[tilespmem:s1+$0x40] =	vst v4;
	v3 =	vmul.f32 v3, v15  }
0x16e: {  	v4 =	vld [tilespmem:s4+$0x50];
	v10 =	vmul.f32 v6, v8;
	[tilespmem:s2+$0x10] =	vst v7  }
0x16f: {  	v6 =	vmul.f32 v6, v5;
	[tilespmem:s1+$0x10] =	vst v3  }
0x170: {  	[tilespmem:s2+$0xFFFFFFD0] =	vst v10;
	v7 =	vld [tilespmem:s4+$0x20]  }
0x171: {  	s13 =	simm.s32 $0x4;
	s14 =	simm.s32 $0x7;
	v10 =	vmul.f32 v2, v16;
	[tilespmem:s1+$0xFFFFFFD0] =	vst v6  }
0x172: {  	s22 =	simm.s32 $0x5;
	v17 =	vmov s14;
	v2 =	vmul.f32 v2, v12;
	v3 =	vmov s13;
	v11 =	vld [tilespmem:s4+$0xFFFFFFE0]  }
0x173: {  	v6 =	vmov s22;
	v3 =	vand.u32 $0xFFFFFFFC, v3;
	[tilespmem:s2+$0xFFFFFF90] =	vst v10;
	v10 =	vmul.f32 v4, v13  }
0x174: {  	s25 =	simm.s32 $0x6;
	v6 =	vand.u32 $0xFFFFFFFD, v6;
	v3 =	vbroadcast v3, $0x0;
	v4 =	vmul.f32 v4, v14;
	[tilespmem:s1+$0xFFFFFF90] =	vst v2  }
0x175: {  	s22 =	simm.s32 $0x800;
	v18 =	vbroadcast v6, $0x0;
	v6 =	vmov s25;
	v19 =	vld [tilespmem:s4+$0xFFFFFFA0];
	[tilespmem:s2+$0x50] =	vst v10;
	v10 =	vmul.f32 v7, v9  }
0x176: {  	v22 =	vld [tilespmem:s22+$0x0];
	[tilespmem:s1+$0x50] =	vst v4;
	v4 =	vand.u32 $0xFFFFFFFE, v6;
	v6 =	vmul.f32 v7, v15  }
0x177: {  	v7 =	vld [tilespmem:s4+$0x60];
	v20 =	vbroadcast v4, $0x0;
	v21 =	vmul.f32 v11, v8;
	[tilespmem:s2+$0x20] =	vst v10  }
0x178: {  	v2 =	vld.idx.msk [tilespmem:v17+s0+$0x0], $0xffff;
	v10 =	vmul.f32 v11, v5;
	[tilespmem:s1+$0x20] =	vst v6  }
0x179: {  	[tilespmem:s2+$0xFFFFFFE0] =	vst v21;
	v21 =	vld [tilespmem:s4+$0x30]  }
0x17a: {  	v4 =	vld.idx.msk [tilespmem:v3+s0+$0x0], $0xffff;
	v11 =	vmul.f32 v19, v16;
	[tilespmem:s1+$0xFFFFFFE0] =	vst v10  }
0x17b: {  	v10 =	vmul.f32 v19, v12;
	v19 =	vld [tilespmem:s4+$0xFFFFFFF0]  }
0x17c: {  	v6 =	vld.idx.msk [tilespmem:v18+s0+$0x0], $0xffff;
	[tilespmem:s2+$0xFFFFFFA0] =	vst v11;
	v11 =	vmul.f32 v7, v13  }
0x17d: {  	v7 =	vmul.f32 v7, v14;
	[tilespmem:s1+$0xFFFFFFA0] =	vst v10;
	v10 =	vld.idx.msk [tilespmem:v20+s0+$0x0], $0xffff  }
0x17e: {  	[tilespmem:s2+$0x60] =	vst v11;
	v11 =	vld.idx.msk [tilespmem:v20+s3+$0x0], $0xffff;
	v9 =	vmul.f32 v21, v9  }
0x17f: {  	v20 =	vld [tilespmem:s22+$0xFFFFFFC0];
	[tilespmem:s1+$0x60] =	vst v7;
	v15 =	vmul.f32 v21, v15  }
0x180: {  	v7 =	vld.idx.msk [tilespmem:v18+s3+$0x0], $0xffff;
	v8 =	vmul.f32 v19, v8;
	[tilespmem:s2+$0x30] =	vst v9  }
0x181: {  	v18 =	vmul.f32 v19, v5;
	v9 =	vld [tilespmem:s22+$0xFFFFFF80];
	[tilespmem:s1+$0x30] =	vst v15  }
0x182: {  	v5 =	vld.idx.msk [tilespmem:v3+s3+$0x0], $0xffff;
	[tilespmem:s2+$0xFFFFFFF0] =	vst v8;
	v8 =	vmul.f32 v22, v10  }
0x183: {  	s14 =	simm.s32 $0x4800;
	v15 =	vld [tilespmem:s22+$0x40];
	[tilespmem:s1+$0xFFFFFFF0] =	vst v18;
	v18 =	vmul.f32 v22, v11  }
0x184: {  	s25 =	simm.s32 $0x6800;
	v3 =	vld.idx.msk [tilespmem:v17+s3+$0x0], $0xffff;
	v17 =	vmul.f32 v20, v6;
	[tilespmem:s14+$0x0] =	vst v8  }
0x185: {  	v19 =	vld [tilespmem:s4+$0xFFFFFFB0];
	v8 =	vmul.f32 v20, v7;
	[tilespmem:s25+$0x0] =	vst v18  }
0x186: {  	[tilespmem:s14+$0xFFFFFFC0] =	vst v17;
	v18 =	vmul.f32 v9, v4;
	v17 =	vld [tilespmem:s22+$0x10]  }
0x187: {  	v9 =	vmul.f32 v9, v5;
	[tilespmem:s25+$0xFFFFFFC0] =	vst v8  }
0x188: {  	v8 =	vmul.f32 v15, v2;
	[tilespmem:s14+$0xFFFFFF80] =	vst v18;
	v18 =	vld [tilespmem:s22+$0xFFFFFFD0]  }
0x189: {  	v15 =	vmul.f32 v15, v3;
	[tilespmem:s25+$0xFFFFFF80] =	vst v9  }
0x18a: {  	s5 =	simm.s32 $0xB;
	v9 =	vmul.f32 v19, v16;
	[tilespmem:s14+$0x40] =	vst v8;
	v16 =	vld [tilespmem:s22+$0xFFFFFF90]  }
0x18b: {  	s29 =	simm.s32 $0x8;
	v20 =	vmov s5;
	[tilespmem:s25+$0x40] =	vst v15;
	v8 =	vmul.f32 v17, v10  }
0x18c: {  	v15 =	vmov s29;
	v17 =	vmul.f32 v17, v11;
	v21 =	vld [tilespmem:s22+$0x50];
	[tilespmem:s2+$0xFFFFFFB0] =	vst v9  }
0x18d: {  	v9 =	vand.u32 $0xFFFFFFFC, v15;
	v15 =	vmul.f32 v18, v6;
	[tilespmem:s14+$0x10] =	vst v8  }
0x18e: {  	v22 =	vld [tilespmem:s4+$0x70];
	s5 =	simm.s32 $0x9;
	v23 =	vbroadcast v9, $0x0;
	v18 =	vmul.f32 v18, v7;
	[tilespmem:s25+$0x10] =	vst v17  }
0x18f: {  	v8 =	vmov s5;
	v9 =	vmul.f32 v16, v4;
	[tilespmem:s14+$0xFFFFFFD0] =	vst v15;
	v15 =	vld [tilespmem:s22+$0x20]  }
0x190: {  	v17 =	vand.u32 $0xFFFFFFFD, v8;
	v8 =	vld.idx.msk [tilespmem:v20+s0+$0x0], $0xffff;
	v16 =	vmul.f32 v16, v5;
	[tilespmem:s25+$0xFFFFFFD0] =	vst v18  }
0x191: {  	v17 =	vbroadcast v17, $0x0;
	v18 =	vmul.f32 v21, v2;
	[tilespmem:s14+$0xFFFFFF90] =	vst v9;
	v24 =	vld [tilespmem:s22+$0xFFFFFFE0]  }
0x192: {  	v21 =	vmul.f32 v21, v3;
	v9 =	vld.idx.msk [tilespmem:v20+s3+$0x0], $0xffff;
	[tilespmem:s25+$0xFFFFFF90] =	vst v16  }
0x193: {  	s13 =	simm.s32 $0xA;
	v20 =	vmul.f32 v19, v12;
	[tilespmem:s14+$0x50] =	vst v18;
	v19 =	vld [tilespmem:s22+$0xFFFFFFA0]  }
0x194: {  	v12 =	vld.idx.msk [tilespmem:v23+s0+$0x0], $0xffff;
	v18 =	vmov s13;
	[tilespmem:s25+$0x50] =	vst v21;
	v21 =	vmul.f32 v15, v10  }
0x195: {  	v16 =	vmul.f32 v22, v13;
	v18 =	vand.u32 $0xFFFFFFFE, v18;
	[tilespmem:s1+$0xFFFFFFB0] =	vst v20;
	v25 =	vmul.f32 v15, v11;
	v20 =	vld [tilespmem:s22+$0x60]  }
0x196: {  	v13 =	vld.idx.msk [tilespmem:v23+s3+$0x0], $0xffff;
	v18 =	vbroadcast v18, $0x0;
	[tilespmem:s14+$0x20] =	vst v21;
	v21 =	vmul.f32 v24, v6  }
0x197: {  	s4 =	simm.s32 $0xC;
	v14 =	vmul.f32 v22, v14;
	s29 =	sshll.u32 s30, $0x2;
	s13 =	simm.s32 $0x800;
	v15 =	vld.idx.msk [tilespmem:v17+s0+$0x0], $0xffff;
	v22 =	vmul.f32 v24, v7;
	[tilespmem:s25+$0x20] =	vst v25  }
.LBB2_5:
0x198: {  	p0 =	slt.u32 s4, $0x3C;
	v23 =	vmul.f32 v19, v4;
	v19 =	vmul.f32 v19, v5;
	[tilespmem:s14+$0xFFFFFFE0] =	vst v21;
	v21 =	vld [tilespmem:s22+$0x30]  }
0x199: {  	v17 =	vld.idx.msk [tilespmem:v17+s3+$0x0], $0xffff;
	[tilespmem:s25+$0xFFFFFFE0] =	vst v22  }
0x19a: {  	s22 =	sadd.s32 $0x100, s22;
	[tilespmem:s14+$0xFFFFFFA0] =	vst v23;
	v22 =	vld [tilespmem:s13+$0xFFFFFFF0];
	v23 =	vmul.f32 v20, v2;
	v20 =	vmul.f32 v20, v3  }
0x19b: {  	v24 =	vld [tilespmem:s22+$0x0];
	[tilespmem:s25+$0xFFFFFFA0] =	vst v19  }
0x19c: {  	v19 =	vld.idx.msk [tilespmem:v18+s0+$0x0], $0xffff;
	[tilespmem:s14+$0x60] =	vst v23  }
0x19d: {  	v18 =	vld.idx.msk [tilespmem:v18+s3+$0x0], $0xffff;
	v10 =	vmul.f32 v21, v10;
	[tilespmem:s25+$0x60] =	vst v20  }
0x19e: {  	v11 =	vmul.f32 v21, v11;
	v20 =	vld [tilespmem:s22+$0xFFFFFF80];
	[tilespmem:s2+$0x70] =	vst v16;
	s2 =	smov.u32 s14  }
0x19f: {  	v16 =	vld [tilespmem:s22+$0xFFFFFFC0];
	v21 =	vmul.f32 v22, v6;
	v22 =	vmul.f32 v22, v7;
	[tilespmem:s14+$0x30] =	vst v10;
	v7 =	vmovc v17;
	v6 =	vmov v15  }
0x1a0: {  	v15 =	vld [tilespmem:s22+$0x40];
	[tilespmem:s25+$0x30] =	vst v11  }
0x1a1: {  	v17 =	vld [tilespmem:s13+$0xFFFFFFB0];
	[tilespmem:s14+$0xFFFFFFF0] =	vst v21  }
0x1a2: {  	v21 =	vmul.f32 v24, v19;
	v10 =	vmov v19;
	[tilespmem:s25+$0xFFFFFFF0] =	vst v22;
	v22 =	vld [tilespmem:s13+$0x70];
	s13 =	smov.u32 s22  }
0x1a3: {  	s14 =	sadd.s32 $0x100, s14;
	v23 =	vmul.f32 v24, v18;
	v11 =	vmov v18;
	v19 =	vmul.f32 v20, v12;
	[tilespmem:s1+$0x70] =	vst v14;
	s1 =	smov.u32 s25  }
0x1a4: {  	s25 =	sadd.s32 $0x100, s25;
	v14 =	vmul.f32 v16, v6;
	v16 =	vmul.f32 v16, v7;
	[tilespmem:s14+$0x0] =	vst v21  }
0x1a5: {  	v18 =	vmul.f32 v20, v13;
	[tilespmem:s25+$0x0] =	vst v23;
	v20 =	vmul.f32 v15, v8  }
0x1a6: {  	v15 =	vmul.f32 v15, v9;
	[tilespmem:s14+$0xFFFFFFC0] =	vst v14;
	v21 =	vld [tilespmem:s22+$0x10];
	v23 =	vmul.f32 v17, v4;
	v4 =	vmov v12  }
0x1a7: {  	v24 =	vmul.f32 v17, v5;
	v5 =	vmovc v13;
	[tilespmem:s25+$0xFFFFFFC0] =	vst v16;
	v16 =	vmul.f32 v22, v2;
	v2 =	vmov v8  }
0x1a8: {  	v14 =	vmul.f32 v22, v3;
	v3 =	vmov v9;
	[tilespmem:s14+$0xFFFFFF80] =	vst v19;
	v8 =	vld [tilespmem:s22+$0xFFFFFFD0]  }
0x1a9: {  	[tilespmem:s25+$0xFFFFFF80] =	vst v18  }
0x1aa: {  	s5 =	sadd.s32 $0x3, s4;
	v9 =	vld [tilespmem:s22+$0xFFFFFF90];
	[tilespmem:s14+$0x40] =	vst v20  }
0x1ab: {  	v12 =	vmov s5;
	v13 =	vmul.f32 v21, v10;
	[tilespmem:s25+$0x40] =	vst v15  }
0x1ac: {  	v15 =	vmov s4;
	v17 =	vmul.f32 v21, v11;
	v18 =	vld [tilespmem:s22+$0x50];
	[tilespmem:s2+$0xFFFFFFB0] =	vst v23  }
0x1ad: {  	s5 =	sadd.s32 $0x1, s4;
	v15 =	vand.u32 $0xFFFFFFFC, v15;
	v19 =	vmul.f32 v8, v6;
	v20 =	vmul.f32 v8, v7;
	[tilespmem:s14+$0x10] =	vst v13  }
0x1ae: {  	v13 =	vbroadcast v15, $0x0;
	v8 =	vmov s5;
	[tilespmem:s25+$0x10] =	vst v17  }
0x1af: {  	v8 =	vand.u32 $0xFFFFFFFD, v8;
	v15 =	vmul.f32 v9, v4;
	v21 =	vmul.f32 v9, v5;
	[tilespmem:s14+$0xFFFFFFD0] =	vst v19;
	v22 =	vld [tilespmem:s22+$0x20]  }
0x1b0: {  	v17 =	vbroadcast v8, $0x0;
	v8 =	vld.idx.msk [tilespmem:v12+s0+$0x0], $0xffff;
	[tilespmem:s25+$0xFFFFFFD0] =	vst v20  }
0x1b1: {  	[tilespmem:s14+$0xFFFFFF90] =	vst v15;
	v23 =	vld [tilespmem:s22+$0xFFFFFFE0];
	v15 =	vmul.f32 v18, v2;
	v18 =	vmul.f32 v18, v3  }
0x1b2: {  	v9 =	vld.idx.msk [tilespmem:v12+s3+$0x0], $0xffff;
	[tilespmem:s25+$0xFFFFFF90] =	vst v21  }
.Ltmp3:
0x1b3: {  	s5 =	sadd.s32 $0x2, s4;
	v19 =	vld [tilespmem:s22+$0xFFFFFFA0];
	[tilespmem:s14+$0x50] =	vst v15;
	(pc) =	sbr.rel @p0 .LBB2_5-.Ltmp3, $4  }
0x1b4: {  	v15 =	vmov s5;
	v12 =	vld.idx.msk [tilespmem:v13+s0+$0x0], $0xffff;
	v25 =	vmul.f32 v22, v10;
	[tilespmem:s25+$0x50] =	vst v18  }
0x1b5: {  	v15 =	vand.u32 $0xFFFFFFFE, v15;
	v26 =	vmul.f32 v22, v11;
	v20 =	vld [tilespmem:s22+$0x60];
	[tilespmem:s1+$0xFFFFFFB0] =	vst v24  }
0x1b6: {  	v18 =	vbroadcast v15, $0x0;
	v13 =	vld.idx.msk [tilespmem:v13+s3+$0x0], $0xffff;
	v21 =	vmul.f32 v23, v6;
	[tilespmem:s14+$0x20] =	vst v25  }
0x1b7: {  	s4 =	sadd.s32 $0x4, s4;
	v22 =	vmul.f32 v23, v7;
	v15 =	vld.idx.msk [tilespmem:v17+s0+$0x0], $0xffff;
	[tilespmem:s25+$0x20] =	vst v26  }
0x1b8: {  	[tilespmem:s14+$0xFFFFFFE0] =	vst v21  }
0x1b9: {  	v23 =	vmul.f32 v19, v4;
	v21 =	vld [tilespmem:s22+$0x30];
	[tilespmem:s2+$0x70] =	vst v16  }
0x1ba: {  	v19 =	vmul.f32 v19, v5;
	[tilespmem:s25+$0xFFFFFFE0] =	vst v22  }
0x1bb: {  	s4 =	sadd.s32 $0x100, s22;
	[tilespmem:s14+$0xFFFFFFA0] =	vst v23;
	v22 =	vld [tilespmem:s13+$0xFFFFFFF0];
	v23 =	vmul.f32 v20, v2  }
0x1bc: {  	[tilespmem:s25+$0xFFFFFFA0] =	vst v19;
	v19 =	vld [tilespmem:s4+$0x0]  }
0x1bd: {  	v20 =	vmul.f32 v20, v3;
	[tilespmem:s14+$0x60] =	vst v23;
	v23 =	vld.idx.msk [tilespmem:v18+s0+$0x0], $0xffff  }
0x1be: {  	[tilespmem:s1+$0x70] =	vst v14;
	v18 =	vld.idx.msk [tilespmem:v18+s3+$0x0], $0xffff;
	v10 =	vmul.f32 v21, v10  }
0x1bf: {  	v16 =	vld [tilespmem:s4+$0xFFFFFFC0];
	[tilespmem:s25+$0x60] =	vst v20;
	v11 =	vmul.f32 v21, v11  }
0x1c0: {  	v6 =	vmul.f32 v22, v6;
	[tilespmem:s14+$0x30] =	vst v10;
	v10 =	vld.idx.msk [tilespmem:v17+s3+$0x0], $0xffff  }
0x1c1: {  	v7 =	vmul.f32 v22, v7;
	[tilespmem:s25+$0x30] =	vst v11;
	v11 =	vld [tilespmem:s4+$0xFFFFFF80]  }
0x1c2: {  	[tilespmem:s14+$0xFFFFFFF0] =	vst v6;
	v6 =	vmul.f32 v19, v23  }
0x1c3: {  	s22 =	sadd.s32 $0x100, s14;
	v17 =	vmul.f32 v19, v18;
	[tilespmem:s25+$0xFFFFFFF0] =	vst v7;
	v7 =	vld [tilespmem:s4+$0x40]  }
0x1c4: {  	s5 =	sadd.s32 $0x100, s25;
	v14 =	vmul.f32 v16, v15;
	[tilespmem:s22+$0x0] =	vst v6  }
0x1c5: {  	v6 =	vld [tilespmem:s13+$0xFFFFFFB0];
	v16 =	vmul.f32 v16, v10;
	[tilespmem:s5+$0x0] =	vst v17  }
0x1c6: {  	[tilespmem:s22+$0xFFFFFFC0] =	vst v14;
	v17 =	vmul.f32 v11, v12;
	v14 =	vld [tilespmem:s4+$0x10]  }
0x1c7: {  	v11 =	vmul.f32 v11, v13;
	[tilespmem:s5+$0xFFFFFFC0] =	vst v16  }
0x1c8: {  	v16 =	vmul.f32 v7, v8;
	[tilespmem:s22+$0xFFFFFF80] =	vst v17;
	v17 =	vld [tilespmem:s4+$0xFFFFFFD0]  }
0x1c9: {  	v7 =	vmul.f32 v7, v9;
	[tilespmem:s5+$0xFFFFFF80] =	vst v11  }
0x1ca: {  	v4 =	vmul.f32 v6, v4;
	v11 =	vld [tilespmem:s4+$0xFFFFFF90];
	[tilespmem:s22+$0x40] =	vst v16  }
0x1cb: {  	v16 =	vmul.f32 v14, v23;
	[tilespmem:s5+$0x40] =	vst v7  }
0x1cc: {  	v7 =	vmul.f32 v14, v18;
	[tilespmem:s14+$0xFFFFFFB0] =	vst v4;
	v14 =	vld [tilespmem:s4+$0x50]  }
0x1cd: {  	v4 =	vmul.f32 v17, v15;
	[tilespmem:s22+$0x10] =	vst v16  }
0x1ce: {  	v16 =	vmul.f32 v17, v10;
	[tilespmem:s5+$0x10] =	vst v7  }
0x1cf: {  	v7 =	vmul.f32 v11, v12;
	[tilespmem:s22+$0xFFFFFFD0] =	vst v4;
	v4 =	vld [tilespmem:s4+$0x20]  }
0x1d0: {  	v11 =	vmul.f32 v11, v13;
	[tilespmem:s5+$0xFFFFFFD0] =	vst v16  }
0x1d1: {  	[tilespmem:s22+$0xFFFFFF90] =	vst v7;
	v7 =	vld [tilespmem:s4+$0xFFFFFFE0];
	v16 =	vmul.f32 v14, v8  }
0x1d2: {  	v14 =	vmul.f32 v14, v9;
	[tilespmem:s5+$0xFFFFFF90] =	vst v11  }
0x1d3: {  	v5 =	vmul.f32 v6, v5;
	v6 =	vld [tilespmem:s4+$0xFFFFFFA0];
	[tilespmem:s22+$0x50] =	vst v16  }
0x1d4: {  	v11 =	vmul.f32 v4, v23;
	[tilespmem:s5+$0x50] =	vst v14  }
0x1d5: {  	[tilespmem:s25+$0xFFFFFFB0] =	vst v5;
	v4 =	vmul.f32 v4, v18;
	v14 =	vld [tilespmem:s4+$0x60]  }
0x1d6: {  	v5 =	vmul.f32 v7, v15;
	[tilespmem:s22+$0x20] =	vst v11  }
0x1d7: {  	v11 =	vld [tilespmem:s13+$0x70];
	v7 =	vmul.f32 v7, v10;
	[tilespmem:s5+$0x20] =	vst v4  }
0x1d8: {  	v4 =	vmul.f32 v6, v12;
	[tilespmem:s22+$0xFFFFFFE0] =	vst v5;
	v5 =	vld [tilespmem:s4+$0x30]  }
0x1d9: {  	v6 =	vmul.f32 v6, v13;
	[tilespmem:s5+$0xFFFFFFE0] =	vst v7  }
0x1da: {  	[tilespmem:s22+$0xFFFFFFA0] =	vst v4;
	v7 =	vmul.f32 v14, v8  }
0x1db: {  	v4 =	vld [tilespmem:s4+$0xFFFFFFF0];
	v14 =	vmul.f32 v14, v9;
	[tilespmem:s5+$0xFFFFFFA0] =	vst v6  }
0x1dc: {  	v2 =	vmul.f32 v11, v2;
	[tilespmem:s22+$0x60] =	vst v7  }
0x1dd: {  	v7 =	vld [tilespmem:s4+$0xFFFFFFB0];
	v6 =	vmul.f32 v5, v23;
	[tilespmem:s5+$0x60] =	vst v14  }
0x1de: {  	v3 =	vmul.f32 v11, v3;
	[tilespmem:s14+$0x70] =	vst v2  }
0x1df: {  	v5 =	vmul.f32 v5, v18;
	[tilespmem:s22+$0x30] =	vst v6;
	v6 =	vld [tilespmem:s4+$0x70]  }
0x1e0: {  	[tilespmem:s25+$0x70] =	vst v3;
	v2 =	vmul.f32 v4, v15  }
0x1e1: {  	v4 =	vmul.f32 v4, v10;
	[tilespmem:s5+$0x30] =	vst v5  }
0x1e2: {  	[tilespmem:s22+$0xFFFFFFF0] =	vst v2;
	v2 =	vmul.f32 v7, v12  }
0x1e3: {  	v3 =	vmul.f32 v7, v13;
	[tilespmem:s5+$0xFFFFFFF0] =	vst v4  }
0x1e4: {  	[tilespmem:s22+$0xFFFFFFB0] =	vst v2;
	v4 =	vmul.f32 v6, v8  }
0x1e5: {  	v2 =	vmul.f32 v6, v9;
	[tilespmem:s5+$0xFFFFFFB0] =	vst v3  }
0x1e6: {  	[tilespmem:s22+$0x70] =	vst v4  }
0x1e7: {  	s25 =	simm.s32 $0x4680;
	s22 =	rddreg [dreg:$0x3];
	[tilespmem:s5+$0x70] =	vst v2  }
0x1e8: {  	[spmem:s22] =	stream.indirect.scatter.add.f32 [tilespmem:s25], [sflag:$0x9], $0x40, s9, s31, $0xb8;
	[tilespmem:$0x1EA00] =	vst v63  }
0x1e9: {  	s1 =	sld [smem:$0x7F7]  }
0x1ea: {  	p0 =	seq.s32 s30, $0x4F;
	s4 =	rddreg [dreg:$0x4];
	s5 =	simm.s32 $0x6680  }
0x1eb: {  	[spmem:s4] =	stream.indirect.scatter.add.f32 [tilespmem:s5], [sflag:$0x9], $0x40, s9, s31, $0xb8;
	[tilespmem:$0x1EA00] =	vst v63  }
0x1ec: {  	s1 =	sadd.s32 @!p0 s29, s1  }
0x1ed: {  	s2 =	rddreg [dreg:$0x1];
	s1 =	sshll.u32 @!p0 s1, $0x3  }
0x1ee: {  	s4 =	simm.s32 @!p0 $0x0;
	s2 =	sadd.s32 @!p0 s2, s1  }
0x1ef: {  	[tilespmem:s4], [sflag:$0x1] =	stream.linear.gather @!p0 [hbm4b:s2+s4], $0x40, $0x38;
	[tilespmem:$0x1EA00] =	vst v63  }
0x1f0: {  	s2 =	rddreg [dreg:$0x2]  }
0x1f1: {  	s5 =	simm.s32 @!p0 $0x100;
	s2 =	sadd.s32 @!p0 s2, s1  }
0x1f2: {  	[tilespmem:s5], [sflag:$0x1] =	stream.linear.gather @!p0 [hbm4b:s2+s4], $0x40, $0x38;
	[tilespmem:$0x1EA00] =	vst v63  }
0x1f3: {  	s1 =	sadd.s32 @!p0 s8, s1;
	s2 =	simm.s32 @!p0 $0x200  }
0x1f4: {  	[tilespmem:s2], [sflag:$0x1] =	stream.linear.gather @!p0 [hbm4b:s1+s4], $0x40, $0x38;
	[tilespmem:$0x1EA00] =	vst v63  }
0x1f5: {  	_ =	swait.ge [sflag:s11], $0x40  }
0x1f6: {  	[sflag:s11] =	ssyncset.done $0x0  }
0x1f7: {  	[sflag:s11] =	ssyncadd.s32 $0xFFFFFFC0  }
0x1f8: {  	_ =	swait.ge [sflag:s11], $0x40  }
0x1f9: {  	[sflag:s11] =	ssyncset.done $0x0  }
0x1fa: {  	[sflag:s11] =	ssyncadd.s32 $0xFFFFFFC0  }
0x1fb: {  	_ =	swait.ge [sflag:s11], $0x40  }
0x1fc: {  	[sflag:s11] =	ssyncset.done $0x0  }
0x1fd: {  	[sflag:s11] =	ssyncadd.s32 $0xFFFFFFC0  }
0x1fe: {  	v2 =	vld [tilespmem:$0xC0];
	_ =	sdelay $0x1  }
0x1ff: {  	v3 =	vld [tilespmem:$0x1C0];
	_ =	sdelay $0x4  }
0x200: {  	v4 =	vld [tilespmem:$0x2C0]  }
0x201: {  	v5 =	vld.idx.msk [tilespmem:v2+s28+$0x0], $0xffff  }
0x202: {  	v6 =	vld [tilespmem:$0xD0]  }
0x203: {  	v3 =	vld.idx.msk [tilespmem:v3+s28+$0x0], $0xffff;
	_ =	sdelay $0x1  }
0x204: {  	v7 =	vld [tilespmem:$0x1D0]  }
0x205: {  	v5 =	vmul.f32 v5, v4;
	_ =	sdelay $0x1  }
0x206: {  	[tilespmem:$0x540] =	vst v4;
	v2 =	vadd.s32 v0, v2;
	v3 =	vmul.f32 v3, v5  }
0x207: {  	[tilespmem:$0x3C0] =	vst v2  }
0x208: {  	v2 =	vld [tilespmem:$0x2D0];
	[tilespmem:$0x640] =	vst v3  }
0x209: {  	v3 =	vld.idx.msk [tilespmem:v6+s28+$0x0], $0xffff  }
0x20a: {  	v5 =	vld [tilespmem:$0xE0]  }
0x20b: {  	v4 =	vld.idx.msk [tilespmem:v7+s28+$0x0], $0xffff;
	_ =	sdelay $0x1  }
0x20c: {  	v7 =	vld [tilespmem:$0x1E0]  }
0x20d: {  	v3 =	vmul.f32 v3, v2;
	_ =	sdelay $0x1  }
0x20e: {  	[tilespmem:$0x550] =	vst v2;
	v2 =	vadd.s32 v0, v6;
	v3 =	vmul.f32 v4, v3  }
0x20f: {  	[tilespmem:$0x3D0] =	vst v2  }
0x210: {  	v2 =	vld [tilespmem:$0x2E0];
	[tilespmem:$0x650] =	vst v3  }
0x211: {  	v3 =	vld.idx.msk [tilespmem:v5+s28+$0x0], $0xffff  }
0x212: {  	v6 =	vld [tilespmem:$0xF0]  }
0x213: {  	v4 =	vld.idx.msk [tilespmem:v7+s28+$0x0], $0xffff;
	_ =	sdelay $0x1  }
0x214: {  	v7 =	vld [tilespmem:$0x1F0]  }
0x215: {  	v3 =	vmul.f32 v3, v2;
	_ =	sdelay $0x1  }
0x216: {  	[tilespmem:$0x560] =	vst v2;
	v2 =	vadd.s32 v0, v5;
	v3 =	vmul.f32 v4, v3  }
0x217: {  	[tilespmem:$0x3E0] =	vst v2  }
0x218: {  	v2 =	vld [tilespmem:$0x2F0];
	[tilespmem:$0x660] =	vst v3  }
0x219: {  	v3 =	vld.idx.msk [tilespmem:v6+s28+$0x0], $0xffff;
	_ =	sdelay $0x1  }
0x21a: {  	v4 =	vld.idx.msk [tilespmem:v7+s28+$0x0], $0xffff;
	_ =	sdelay $0x2  }
0x21b: {  	v3 =	vmul.f32 v3, v2;
	_ =	sdelay $0x1  }
0x21c: {  	[tilespmem:$0x570] =	vst v2;
	v2 =	vadd.s32 v0, v6;
	v3 =	vmul.f32 v4, v3  }
0x21d: {  	[tilespmem:$0x3F0] =	vst v2  }
0x21e: {  	s13 =	simm.s32 $0x3C0;
	s14 =	simm.s32 $0x3680;
	s22 =	simm.s32 $0x6;
	[tilespmem:$0x670] =	vst v3  }
0x21f: {  	[tilespmem:s14], [sflag:$0x8] =	stream.indirect.gather [hbm4b:s7+s31], $0x40, s13, s31, $0xb8;
	[tilespmem:$0x1EA00] =	vst v63  }
0x220: {  	_ =	swait.ge [sflag:s22], $0x1000  }
0x221: {  	[sflag:s22] =	ssyncset.done $0x0  }
0x222: {  	s1 =	simm.s32 @!p1 $0xA;
	[sflag:s22] =	ssyncadd.s32 $0xFFFFF000  }
0x223: {  	_ =	swait.ge @!p1 [sflag:s1], $0x1000  }
0x224: {  	[sflag:s1] =	ssyncset.done @!p1 $0x0  }
0x225: {  	[sflag:s1] =	ssyncadd.s32 @!p1 $0xFFFFF000  }
0x226: {  	_ =	swait.ge @!p1 [sflag:s1], $0x1000  }
0x227: {  	[sflag:s1] =	ssyncset.done @!p1 $0x0  }
0x228: {  	[sflag:s1] =	ssyncadd.s32 @!p1 $0xFFFFF000  }
0x229: {  	v2 =	vld [tilespmem:$0x140]  }
0x22a: {  	s25 =	simm.s32 $0x1;
	v3 =	vld [tilespmem:$0x150]  }
0x22b: {  	v5 =	vmov s25;
	v4 =	vld [tilespmem:$0x160]  }
0x22c: {  	s2 =	simm.s32 $0x3;
	s4 =	simm.s32 $0x2;
	v5 =	vand.u32 $0xFFFFFFFD, v5;
	v6 =	vld [tilespmem:$0x170]  }
0x22d: {  	v8 =	vmov s4;
	v5 =	vbroadcast v5, $0x0;
	v7 =	vmov s2  }
0x22e: {  	[tilespmem:$0x440] =	vst v2;
	v2 =	vand.u32 $0xFFFFFFFE, v8  }
0x22f: {  	[tilespmem:$0x450] =	vst v3;
	v2 =	vbroadcast v2, $0x0  }
0x230: {  	[tilespmem:$0x460] =	vst v4  }
0x231: {  	s5 =	simm.s32 $0x0;
	[tilespmem:$0x470] =	vst v6  }
0x232: {  	v3 =	vmov s5;
	v13 =	vld.idx.msk [tilespmem:v7+s15+$0x0], $0xffff  }
0x233: {  	s4 =	simm.s32 $0x1700;
	v3 =	vand.u32 $0xFFFFFFFC, v3;
	v8 =	vld.idx.msk [tilespmem:v5+s15+$0x0], $0xffff  }
0x234: {  	v4 =	vld [tilespmem:s4+$0x0];
	v3 =	vbroadcast v3, $0x0  }
0x235: {  	v9 =	vld.idx.msk [tilespmem:v2+s15+$0x0], $0xffff  }
0x236: {  	v15 =	vld.idx.msk [tilespmem:v2+s19+$0x0], $0xffff  }
0x237: {  	v2 =	vld [tilespmem:s4+$0xFFFFFFC0]  }
0x238: {  	v5 =	vld.idx.msk [tilespmem:v5+s19+$0x0], $0xffff  }
0x239: {  	v6 =	vld [tilespmem:s4+$0xFFFFFF80]  }
0x23a: {  	v16 =	vld.idx.msk [tilespmem:v3+s15+$0x0], $0xffff;
	v10 =	vmul.f32 v4, v9  }
0x23b: {  	s2 =	simm.s32 $0x5700;
	v12 =	vld.idx.msk [tilespmem:v3+s19+$0x0], $0xffff;
	v3 =	vmul.f32 v4, v15  }
0x23c: {  	s1 =	simm.s32 $0x7700;
	v4 =	vld [tilespmem:s4+$0x40];
	v11 =	vmul.f32 v2, v8;
	[tilespmem:s2+$0x0] =	vst v10  }
0x23d: {  	v14 =	vld.idx.msk [tilespmem:v7+s19+$0x0], $0xffff;
	v2 =	vmul.f32 v2, v5;
	[tilespmem:s1+$0x0] =	vst v3  }
0x23e: {  	[tilespmem:s2+$0xFFFFFFC0] =	vst v11;
	v3 =	vld [tilespmem:s4+$0x10]  }
0x23f: {  	v7 =	vmul.f32 v6, v16;
	[tilespmem:s1+$0xFFFFFFC0] =	vst v2  }
0x240: {  	v2 =	vmul.f32 v6, v12;
	v6 =	vld [tilespmem:s4+$0xFFFFFFD0]  }
0x241: {  	[tilespmem:s2+$0xFFFFFF80] =	vst v7;
	v10 =	vmul.f32 v4, v13  }
0x242: {  	v4 =	vmul.f32 v4, v14;
	[tilespmem:s1+$0xFFFFFF80] =	vst v2  }
0x243: {  	v2 =	vld [tilespmem:s4+$0xFFFFFF90];
	[tilespmem:s2+$0x40] =	vst v10;
	v7 =	vmul.f32 v3, v9  }
0x244: {  	[tilespmem:s1+$0x40] =	vst v4;
	v3 =	vmul.f32 v3, v15  }
0x245: {  	v4 =	vld [tilespmem:s4+$0x50];
	v10 =	vmul.f32 v6, v8;
	[tilespmem:s2+$0x10] =	vst v7  }
0x246: {  	v6 =	vmul.f32 v6, v5;
	[tilespmem:s1+$0x10] =	vst v3  }
0x247: {  	[tilespmem:s2+$0xFFFFFFD0] =	vst v10;
	v7 =	vld [tilespmem:s4+$0x20]  }
0x248: {  	s13 =	simm.s32 $0x4;
	s14 =	simm.s32 $0x7;
	v10 =	vmul.f32 v2, v16;
	[tilespmem:s1+$0xFFFFFFD0] =	vst v6  }
0x249: {  	v17 =	vmov s14;
	s22 =	simm.s32 $0x5;
	v2 =	vmul.f32 v2, v12;
	v3 =	vmov s13;
	v11 =	vld [tilespmem:s4+$0xFFFFFFE0]  }
0x24a: {  	v6 =	vmov s22;
	v3 =	vand.u32 $0xFFFFFFFC, v3;
	[tilespmem:s2+$0xFFFFFF90] =	vst v10;
	v10 =	vmul.f32 v4, v13  }
0x24b: {  	s25 =	simm.s32 $0x6;
	v6 =	vand.u32 $0xFFFFFFFD, v6;
	v3 =	vbroadcast v3, $0x0;
	v4 =	vmul.f32 v4, v14;
	[tilespmem:s1+$0xFFFFFF90] =	vst v2  }
0x24c: {  	s22 =	simm.s32 $0x1800;
	v18 =	vbroadcast v6, $0x0;
	v6 =	vmov s25;
	v19 =	vld [tilespmem:s4+$0xFFFFFFA0];
	[tilespmem:s2+$0x50] =	vst v10;
	v10 =	vmul.f32 v7, v9  }
0x24d: {  	v22 =	vld [tilespmem:s22+$0x0];
	[tilespmem:s1+$0x50] =	vst v4;
	v4 =	vand.u32 $0xFFFFFFFE, v6;
	v6 =	vmul.f32 v7, v15  }
0x24e: {  	v7 =	vld [tilespmem:s4+$0x60];
	v20 =	vbroadcast v4, $0x0;
	v21 =	vmul.f32 v11, v8;
	[tilespmem:s2+$0x20] =	vst v10  }
0x24f: {  	v2 =	vld.idx.msk [tilespmem:v17+s15+$0x0], $0xffff;
	v10 =	vmul.f32 v11, v5;
	[tilespmem:s1+$0x20] =	vst v6  }
0x250: {  	[tilespmem:s2+$0xFFFFFFE0] =	vst v21;
	v21 =	vld [tilespmem:s4+$0x30]  }
0x251: {  	v4 =	vld.idx.msk [tilespmem:v3+s15+$0x0], $0xffff;
	v11 =	vmul.f32 v19, v16;
	[tilespmem:s1+$0xFFFFFFE0] =	vst v10  }
0x252: {  	v10 =	vmul.f32 v19, v12;
	v19 =	vld [tilespmem:s4+$0xFFFFFFF0]  }
0x253: {  	v6 =	vld.idx.msk [tilespmem:v18+s15+$0x0], $0xffff;
	[tilespmem:s2+$0xFFFFFFA0] =	vst v11;
	v11 =	vmul.f32 v7, v13  }
0x254: {  	v7 =	vmul.f32 v7, v14;
	[tilespmem:s1+$0xFFFFFFA0] =	vst v10;
	v10 =	vld.idx.msk [tilespmem:v20+s15+$0x0], $0xffff  }
0x255: {  	[tilespmem:s2+$0x60] =	vst v11;
	v11 =	vld.idx.msk [tilespmem:v20+s19+$0x0], $0xffff;
	v9 =	vmul.f32 v21, v9  }
0x256: {  	v20 =	vld [tilespmem:s22+$0xFFFFFFC0];
	[tilespmem:s1+$0x60] =	vst v7;
	v15 =	vmul.f32 v21, v15  }
0x257: {  	v7 =	vld.idx.msk [tilespmem:v18+s19+$0x0], $0xffff;
	v8 =	vmul.f32 v19, v8;
	[tilespmem:s2+$0x30] =	vst v9  }
0x258: {  	v18 =	vmul.f32 v19, v5;
	v9 =	vld [tilespmem:s22+$0xFFFFFF80];
	[tilespmem:s1+$0x30] =	vst v15  }
0x259: {  	v5 =	vld.idx.msk [tilespmem:v3+s19+$0x0], $0xffff;
	[tilespmem:s2+$0xFFFFFFF0] =	vst v8;
	v8 =	vmul.f32 v22, v10  }
0x25a: {  	s14 =	simm.s32 $0x5800;
	v15 =	vld [tilespmem:s22+$0x40];
	[tilespmem:s1+$0xFFFFFFF0] =	vst v18;
	v18 =	vmul.f32 v22, v11  }
0x25b: {  	s25 =	simm.s32 $0x7800;
	v3 =	vld.idx.msk [tilespmem:v17+s19+$0x0], $0xffff;
	v17 =	vmul.f32 v20, v6;
	[tilespmem:s14+$0x0] =	vst v8  }
0x25c: {  	v19 =	vld [tilespmem:s4+$0xFFFFFFB0];
	v8 =	vmul.f32 v20, v7;
	[tilespmem:s25+$0x0] =	vst v18  }
0x25d: {  	[tilespmem:s14+$0xFFFFFFC0] =	vst v17;
	v18 =	vmul.f32 v9, v4;
	v17 =	vld [tilespmem:s22+$0x10]  }
0x25e: {  	v9 =	vmul.f32 v9, v5;
	[tilespmem:s25+$0xFFFFFFC0] =	vst v8  }
0x25f: {  	v8 =	vmul.f32 v15, v2;
	[tilespmem:s14+$0xFFFFFF80] =	vst v18;
	v18 =	vld [tilespmem:s22+$0xFFFFFFD0]  }
0x260: {  	v15 =	vmul.f32 v15, v3;
	[tilespmem:s25+$0xFFFFFF80] =	vst v9  }
0x261: {  	s13 =	simm.s32 $0xB;
	v9 =	vmul.f32 v19, v16;
	[tilespmem:s14+$0x40] =	vst v8;
	v16 =	vld [tilespmem:s22+$0xFFFFFF90]  }
0x262: {  	v20 =	vmov s13;
	s13 =	simm.s32 $0x8;
	[tilespmem:s25+$0x40] =	vst v15;
	v8 =	vmul.f32 v17, v10  }
0x263: {  	v15 =	vmov s13;
	v17 =	vmul.f32 v17, v11;
	v21 =	vld [tilespmem:s22+$0x50];
	[tilespmem:s2+$0xFFFFFFB0] =	vst v9  }
0x264: {  	v9 =	vand.u32 $0xFFFFFFFC, v15;
	v15 =	vmul.f32 v18, v6;
	[tilespmem:s14+$0x10] =	vst v8  }
0x265: {  	s5 =	simm.s32 $0x9;
	v22 =	vld [tilespmem:s4+$0x70];
	v23 =	vbroadcast v9, $0x0;
	v18 =	vmul.f32 v18, v7;
	[tilespmem:s25+$0x10] =	vst v17  }
0x266: {  	v8 =	vmov s5;
	v9 =	vmul.f32 v16, v4;
	[tilespmem:s14+$0xFFFFFFD0] =	vst v15;
	v15 =	vld [tilespmem:s22+$0x20]  }
0x267: {  	v17 =	vand.u32 $0xFFFFFFFD, v8;
	v8 =	vld.idx.msk [tilespmem:v20+s15+$0x0], $0xffff;
	v16 =	vmul.f32 v16, v5;
	[tilespmem:s25+$0xFFFFFFD0] =	vst v18  }
0x268: {  	v17 =	vbroadcast v17, $0x0;
	v18 =	vmul.f32 v21, v2;
	[tilespmem:s14+$0xFFFFFF90] =	vst v9;
	v24 =	vld [tilespmem:s22+$0xFFFFFFE0]  }
0x269: {  	v21 =	vmul.f32 v21, v3;
	v9 =	vld.idx.msk [tilespmem:v20+s19+$0x0], $0xffff;
	[tilespmem:s25+$0xFFFFFF90] =	vst v16  }
0x26a: {  	v25 =	vmul.f32 v19, v12;
	s13 =	simm.s32 $0xA;
	[tilespmem:s14+$0x50] =	vst v18;
	v19 =	vld [tilespmem:s22+$0xFFFFFFA0]  }
0x26b: {  	v12 =	vld.idx.msk [tilespmem:v23+s15+$0x0], $0xffff;
	v18 =	vmov s13;
	[tilespmem:s25+$0x50] =	vst v21;
	v26 =	vmul.f32 v15, v10  }
0x26c: {  	[tilespmem:s1+$0xFFFFFFB0] =	vst v25;
	v16 =	vmul.f32 v22, v13;
	v18 =	vand.u32 $0xFFFFFFFE, v18;
	v27 =	vmul.f32 v15, v11;
	v20 =	vld [tilespmem:s22+$0x60]  }
0x26d: {  	v13 =	vld.idx.msk [tilespmem:v23+s19+$0x0], $0xffff;
	v18 =	vbroadcast v18, $0x0;
	[tilespmem:s14+$0x20] =	vst v26;
	v21 =	vmul.f32 v24, v6  }
0x26e: {  	s4 =	simm.s32 $0xC;
	v14 =	vmul.f32 v22, v14;
	s13 =	simm.s32 $0x1800;
	v15 =	vld.idx.msk [tilespmem:v17+s15+$0x0], $0xffff;
	v22 =	vmul.f32 v24, v7;
	[tilespmem:s25+$0x20] =	vst v27  }
.LBB2_7:
0x26f: {  	p1 =	slt.u32 s4, $0x3C;
	v23 =	vmul.f32 v19, v4;
	v19 =	vmul.f32 v19, v5;
	[tilespmem:s14+$0xFFFFFFE0] =	vst v21;
	v21 =	vld [tilespmem:s22+$0x30]  }
0x270: {  	v17 =	vld.idx.msk [tilespmem:v17+s19+$0x0], $0xffff;
	[tilespmem:s25+$0xFFFFFFE0] =	vst v22  }
0x271: {  	s22 =	sadd.s32 $0x100, s22;
	[tilespmem:s14+$0xFFFFFFA0] =	vst v23;
	v22 =	vld [tilespmem:s13+$0xFFFFFFF0];
	v23 =	vmul.f32 v20, v2;
	v20 =	vmul.f32 v20, v3  }
0x272: {  	v24 =	vld [tilespmem:s22+$0x0];
	[tilespmem:s25+$0xFFFFFFA0] =	vst v19  }
0x273: {  	v19 =	vld.idx.msk [tilespmem:v18+s15+$0x0], $0xffff;
	[tilespmem:s14+$0x60] =	vst v23  }
0x274: {  	v18 =	vld.idx.msk [tilespmem:v18+s19+$0x0], $0xffff;
	v10 =	vmul.f32 v21, v10;
	[tilespmem:s25+$0x60] =	vst v20  }
0x275: {  	v11 =	vmul.f32 v21, v11;
	v20 =	vld [tilespmem:s22+$0xFFFFFF80];
	[tilespmem:s2+$0x70] =	vst v16;
	s2 =	smov.u32 s14  }
0x276: {  	v16 =	vld [tilespmem:s22+$0xFFFFFFC0];
	v21 =	vmul.f32 v22, v6;
	v22 =	vmul.f32 v22, v7;
	[tilespmem:s14+$0x30] =	vst v10;
	v7 =	vmovc v17;
	v6 =	vmov v15  }
0x277: {  	v15 =	vld [tilespmem:s22+$0x40];
	[tilespmem:s25+$0x30] =	vst v11  }
0x278: {  	v17 =	vld [tilespmem:s13+$0xFFFFFFB0];
	[tilespmem:s14+$0xFFFFFFF0] =	vst v21  }
0x279: {  	v21 =	vmul.f32 v24, v19;
	v10 =	vmov v19;
	[tilespmem:s25+$0xFFFFFFF0] =	vst v22;
	v22 =	vld [tilespmem:s13+$0x70];
	s13 =	smov.u32 s22  }
0x27a: {  	s14 =	sadd.s32 $0x100, s14;
	v23 =	vmul.f32 v24, v18;
	v11 =	vmov v18;
	v19 =	vmul.f32 v20, v12;
	[tilespmem:s1+$0x70] =	vst v14;
	s1 =	smov.u32 s25  }
0x27b: {  	s25 =	sadd.s32 $0x100, s25;
	v14 =	vmul.f32 v16, v6;
	v16 =	vmul.f32 v16, v7;
	[tilespmem:s14+$0x0] =	vst v21  }
0x27c: {  	v18 =	vmul.f32 v20, v13;
	[tilespmem:s25+$0x0] =	vst v23;
	v20 =	vmul.f32 v15, v8  }
0x27d: {  	v15 =	vmul.f32 v15, v9;
	[tilespmem:s14+$0xFFFFFFC0] =	vst v14;
	v21 =	vld [tilespmem:s22+$0x10];
	v23 =	vmul.f32 v17, v4;
	v4 =	vmov v12  }
0x27e: {  	v24 =	vmul.f32 v17, v5;
	v5 =	vmovc v13;
	[tilespmem:s25+$0xFFFFFFC0] =	vst v16;
	v16 =	vmul.f32 v22, v2;
	v2 =	vmov v8  }
0x27f: {  	v14 =	vmul.f32 v22, v3;
	v3 =	vmov v9;
	[tilespmem:s14+$0xFFFFFF80] =	vst v19;
	v8 =	vld [tilespmem:s22+$0xFFFFFFD0]  }
0x280: {  	[tilespmem:s25+$0xFFFFFF80] =	vst v18  }
0x281: {  	s5 =	sadd.s32 $0x3, s4;
	v9 =	vld [tilespmem:s22+$0xFFFFFF90];
	[tilespmem:s14+$0x40] =	vst v20  }
0x282: {  	v12 =	vmov s5;
	v13 =	vmul.f32 v21, v10;
	[tilespmem:s25+$0x40] =	vst v15  }
0x283: {  	v15 =	vmov s4;
	v17 =	vmul.f32 v21, v11;
	v18 =	vld [tilespmem:s22+$0x50];
	[tilespmem:s2+$0xFFFFFFB0] =	vst v23  }
0x284: {  	s5 =	sadd.s32 $0x1, s4;
	v15 =	vand.u32 $0xFFFFFFFC, v15;
	v19 =	vmul.f32 v8, v6;
	v20 =	vmul.f32 v8, v7;
	[tilespmem:s14+$0x10] =	vst v13  }
0x285: {  	v13 =	vbroadcast v15, $0x0;
	v8 =	vmov s5;
	[tilespmem:s25+$0x10] =	vst v17  }
0x286: {  	v8 =	vand.u32 $0xFFFFFFFD, v8;
	v15 =	vmul.f32 v9, v4;
	v21 =	vmul.f32 v9, v5;
	[tilespmem:s14+$0xFFFFFFD0] =	vst v19;
	v22 =	vld [tilespmem:s22+$0x20]  }
0x287: {  	v17 =	vbroadcast v8, $0x0;
	v8 =	vld.idx.msk [tilespmem:v12+s15+$0x0], $0xffff;
	[tilespmem:s25+$0xFFFFFFD0] =	vst v20  }
0x288: {  	[tilespmem:s14+$0xFFFFFF90] =	vst v15;
	v23 =	vld [tilespmem:s22+$0xFFFFFFE0];
	v15 =	vmul.f32 v18, v2;
	v18 =	vmul.f32 v18, v3  }
0x289: {  	v9 =	vld.idx.msk [tilespmem:v12+s19+$0x0], $0xffff;
	[tilespmem:s25+$0xFFFFFF90] =	vst v21  }
.Ltmp4:
0x28a: {  	s5 =	sadd.s32 $0x2, s4;
	v19 =	vld [tilespmem:s22+$0xFFFFFFA0];
	[tilespmem:s14+$0x50] =	vst v15;
	(pc) =	sbr.rel @p1 .LBB2_7-.Ltmp4, $4  }
0x28b: {  	v15 =	vmov s5;
	v12 =	vld.idx.msk [tilespmem:v13+s15+$0x0], $0xffff;
	v25 =	vmul.f32 v22, v10;
	[tilespmem:s25+$0x50] =	vst v18  }
0x28c: {  	v15 =	vand.u32 $0xFFFFFFFE, v15;
	v26 =	vmul.f32 v22, v11;
	v20 =	vld [tilespmem:s22+$0x60];
	[tilespmem:s1+$0xFFFFFFB0] =	vst v24  }
0x28d: {  	v18 =	vbroadcast v15, $0x0;
	v13 =	vld.idx.msk [tilespmem:v13+s19+$0x0], $0xffff;
	v21 =	vmul.f32 v23, v6;
	[tilespmem:s14+$0x20] =	vst v25  }
0x28e: {  	s4 =	sadd.s32 $0x4, s4;
	v22 =	vmul.f32 v23, v7;
	v15 =	vld.idx.msk [tilespmem:v17+s15+$0x0], $0xffff;
	[tilespmem:s25+$0x20] =	vst v26  }
0x28f: {  	_ =	sdelay $0x1  }
0x290: {  	[tilespmem:s14+$0xFFFFFFE0] =	vst v21  }
0x291: {  	v62 =	vld [tilespmem:s22+$0x30];
	[tilespmem:s2+$0x70] =	vst v16  }
0x292: {  	v23 =	vmul.f32 v19, v4;
	s4 =	sadd.s32 $0x100, s22;
	v27 =	vld.idx.msk [tilespmem:v18+s15+$0x0], $0xffff;
	[tilespmem:s25+$0xFFFFFFE0] =	vst v22  }
0x293: {  	v63 =	vmul.f32 v19, v5;
	v26 =	vld [tilespmem:s4+$0x0];
	[tilespmem:s1+$0x70] =	vst v14  }
0x294: {  	v29 =	vld [tilespmem:s4+$0xFFFFFFC0];
	[tilespmem:s14+$0xFFFFFFA0] =	vst v23;
	v24 =	vmul.f32 v20, v2  }
0x295: {  	v28 =	vld.idx.msk [tilespmem:v18+s19+$0x0], $0xffff;
	v25 =	vmul.f32 v20, v3;
	[tilespmem:s25+$0xFFFFFFA0] =	vst v63  }
0x296: {  	v30 =	vld.idx.msk [tilespmem:v17+s19+$0x0], $0xffff;
	[tilespmem:s14+$0x60] =	vst v24;
	v10 =	vmul.f32 v62, v10  }
0x297: {  	v31 =	vld [tilespmem:s4+$0xFFFFFF80];
	[tilespmem:s25+$0x60] =	vst v25;
	v11 =	vmul.f32 v62, v11  }
0x298: {  	v33 =	vld [tilespmem:s4+$0x40];
	v32 =	vmul.f32 v26, v27;
	[tilespmem:s14+$0x30] =	vst v10  }
0x299: {  	s22 =	sadd.s32 $0x100, s14;
	v22 =	vld [tilespmem:s13+$0xFFFFFFF0];
	v35 =	vmul.f32 v29, v15;
	[tilespmem:s25+$0x30] =	vst v11  }
0x29a: {  	v34 =	vmul.f32 v26, v28;
	[tilespmem:s22+$0x0] =	vst v32  }
0x29b: {  	s5 =	sadd.s32 $0x100, s25;
	v16 =	vmul.f32 v29, v30;
	[tilespmem:s22+$0xFFFFFFC0] =	vst v35  }
0x29c: {  	v37 =	vmul.f32 v31, v12;
	[tilespmem:s5+$0x0] =	vst v34  }
0x29d: {  	v39 =	vmul.f32 v33, v8;
	[tilespmem:s5+$0xFFFFFFC0] =	vst v16;
	v38 =	vld [tilespmem:s4+$0x10]  }
0x29e: {  	v6 =	vmul.f32 v22, v6;
	[tilespmem:s22+$0xFFFFFF80] =	vst v37;
	v40 =	vld [tilespmem:s4+$0xFFFFFFD0]  }
0x29f: {  	v7 =	vmul.f32 v22, v7;
	[tilespmem:s22+$0x40] =	vst v39  }
0x2a0: {  	v11 =	vmul.f32 v31, v13;
	[tilespmem:s14+$0xFFFFFFF0] =	vst v6  }
0x2a1: {  	v36 =	vld [tilespmem:s13+$0xFFFFFFB0];
	[tilespmem:s25+$0xFFFFFFF0] =	vst v7;
	v7 =	vmul.f32 v33, v9  }
0x2a2: {  	[tilespmem:s5+$0xFFFFFF80] =	vst v11;
	v42 =	vmul.f32 v38, v27  }
0x2a3: {  	v11 =	vld [tilespmem:s4+$0xFFFFFF90];
	[tilespmem:s5+$0x40] =	vst v7;
	v45 =	vmul.f32 v40, v15  }
0x2a4: {  	v43 =	vmul.f32 v38, v28;
	[tilespmem:s22+$0x10] =	vst v42  }
0x2a5: {  	v44 =	vld [tilespmem:s4+$0x50];
	v46 =	vmul.f32 v40, v30;
	[tilespmem:s22+$0xFFFFFFD0] =	vst v45  }
0x2a6: {  	v41 =	vmul.f32 v36, v4;
	[tilespmem:s5+$0x10] =	vst v43  }
0x2a7: {  	v51 =	vmul.f32 v36, v5;
	[tilespmem:s5+$0xFFFFFFD0] =	vst v46;
	v48 =	vld [tilespmem:s4+$0x20]  }
0x2a8: {  	[tilespmem:s14+$0xFFFFFFB0] =	vst v41;
	v47 =	vmul.f32 v11, v12;
	v49 =	vld [tilespmem:s4+$0xFFFFFFE0]  }
0x2a9: {  	[tilespmem:s25+$0xFFFFFFB0] =	vst v51;
	v11 =	vmul.f32 v11, v13  }
0x2aa: {  	[tilespmem:s22+$0xFFFFFF90] =	vst v47;
	v50 =	vmul.f32 v44, v8  }
0x2ab: {  	v55 =	vld [tilespmem:s13+$0x70];
	v14 =	vmul.f32 v44, v9;
	[tilespmem:s5+$0xFFFFFF90] =	vst v11  }
0x2ac: {  	v52 =	vld [tilespmem:s4+$0xFFFFFFA0];
	[tilespmem:s22+$0x50] =	vst v50;
	v53 =	vmul.f32 v48, v27  }
0x2ad: {  	[tilespmem:s5+$0x50] =	vst v14;
	v54 =	vmul.f32 v49, v15  }
0x2ae: {  	v14 =	vld [tilespmem:s4+$0x60];
	v4 =	vmul.f32 v48, v28;
	[tilespmem:s22+$0x20] =	vst v53  }
0x2af: {  	v7 =	vmul.f32 v49, v30;
	[tilespmem:s22+$0xFFFFFFE0] =	vst v54  }
0x2b0: {  	v2 =	vmul.f32 v55, v2;
	[tilespmem:s5+$0x20] =	vst v4  }
0x2b1: {  	v56 =	vmul.f32 v52, v12;
	[tilespmem:s5+$0xFFFFFFE0] =	vst v7;
	v57 =	vld [tilespmem:s4+$0x30]  }
0x2b2: {  	[tilespmem:s14+$0x70] =	vst v2;
	v6 =	vmul.f32 v52, v13;
	v58 =	vld [tilespmem:s4+$0xFFFFFFF0]  }
0x2b3: {  	[tilespmem:s22+$0xFFFFFFA0] =	vst v56;
	v59 =	vmul.f32 v14, v8  }
0x2b4: {  	v14 =	vmul.f32 v14, v9;
	[tilespmem:s5+$0xFFFFFFA0] =	vst v6  }
0x2b5: {  	v3 =	vmul.f32 v55, v3;
	[tilespmem:s22+$0x60] =	vst v59;
	v61 =	vld [tilespmem:s4+$0xFFFFFFB0]  }
0x2b6: {  	[tilespmem:s5+$0x60] =	vst v14;
	v60 =	vmul.f32 v57, v27  }
0x2b7: {  	[tilespmem:s25+$0x70] =	vst v3;
	v62 =	vld [tilespmem:s4+$0x70];
	v2 =	vmul.f32 v58, v15  }
0x2b8: {  	v5 =	vmul.f32 v57, v28;
	[tilespmem:s22+$0x30] =	vst v60  }
0x2b9: {  	v4 =	vmul.f32 v58, v30;
	[tilespmem:s22+$0xFFFFFFF0] =	vst v2  }
0x2ba: {  	v2 =	vmul.f32 v61, v12;
	[tilespmem:s5+$0x30] =	vst v5  }
0x2bb: {  	v3 =	vmul.f32 v61, v13;
	[tilespmem:s5+$0xFFFFFFF0] =	vst v4  }
0x2bc: {  	v63 =	vmul.f32 v62, v8;
	[tilespmem:s22+$0xFFFFFFB0] =	vst v2  }
0x2bd: {  	v2 =	vmul.f32 v62, v9;
	[tilespmem:s5+$0xFFFFFFB0] =	vst v3  }
.Ltmp5:
0x2be: {  	[tilespmem:s22+$0x70] =	vst v63;
	(pc) =	sbr.rel @p0 .LBB2_10-.Ltmp5, $4  }
0x2bf: {  	s13 =	rddreg [dreg:$0x3];
	s14 =	simm.s32 $0x5680;
	[tilespmem:s5+$0x70] =	vst v2  }
0x2c0: {  	[spmem:s13] =	stream.indirect.scatter.add.f32 [tilespmem:s14], [sflag:$0xA], $0x40, s20, s31, $0xb8;
	[tilespmem:$0x1EA00] =	vst v63  }
0x2c1: {  	s25 =	simm.s32 $0x7680;
	s22 =	rddreg [dreg:$0x4]  }
0x2c2: {  	[spmem:s22] =	stream.indirect.scatter.add.f32 [tilespmem:s25], [sflag:$0xA], $0x40, s20, s31, $0xb8;
	[tilespmem:$0x1EA00] =	vst v63  }
0x2c3: {  	s1 =	sld [smem:$0x7F8];
	_ =	sdelay $0x2  }
0x2c4: {  	s1 =	sadd.s32 s29, s1  }
0x2c5: {  	s2 =	rddreg [dreg:$0x1];
	s1 =	sshll.u32 s1, $0x3  }
0x2c6: {  	s13 =	rddreg [dreg:$0x2];
	s2 =	sadd.s32 s2, s1  }
0x2c7: {  	[tilespmem:s31], [sflag:$0x2] =	stream.linear.gather [hbm4b:s2+s6], $0x40, $0x38;
	[tilespmem:$0x1EA00] =	vst v63  }
0x2c8: {  	s4 =	simm.s32 $0x140;
	s2 =	sadd.s32 s13, s1  }
0x2c9: {  	[tilespmem:s4], [sflag:$0x2] =	stream.linear.gather [hbm4b:s2+s6], $0x40, $0x38;
	[tilespmem:$0x1EA00] =	vst v63  }
0x2ca: {  	s14 =	simm.s32 $0x240;
	s1 =	sadd.s32 s8, s1  }
0x2cb: {  	[tilespmem:s14], [sflag:$0x2] =	stream.linear.gather [hbm4b:s1+s6], $0x40, $0x38;
	[tilespmem:$0x1EA00] =	vst v63  }
0x2cc: {  	_ =	swait.ge [sflag:s17], $0x40  }
0x2cd: {  	[sflag:s17] =	ssyncset.done $0x0  }
0x2ce: {  	[sflag:s17] =	ssyncadd.s32 $0xFFFFFFC0  }
0x2cf: {  	_ =	swait.ge [sflag:s17], $0x40  }
0x2d0: {  	[sflag:s17] =	ssyncset.done $0x0  }
0x2d1: {  	[sflag:s17] =	ssyncadd.s32 $0xFFFFFFC0  }
0x2d2: {  	_ =	swait.ge [sflag:s17], $0x40  }
0x2d3: {  	[sflag:s17] =	ssyncset.done $0x0  }
0x2d4: {  	[sflag:s17] =	ssyncadd.s32 $0xFFFFFFC0  }
0x2d5: {  	v2 =	vld [tilespmem:$0x0];
	_ =	sdelay $0x1  }
0x2d6: {  	v3 =	vld [tilespmem:$0x100];
	_ =	sdelay $0x4  }
0x2d7: {  	v4 =	vld [tilespmem:$0x200]  }
0x2d8: {  	v5 =	vld.idx.msk [tilespmem:v2+s28+$0x0], $0xffff  }
0x2d9: {  	v6 =	vld [tilespmem:$0x10]  }
0x2da: {  	v3 =	vld.idx.msk [tilespmem:v3+s28+$0x0], $0xffff;
	_ =	sdelay $0x1  }
0x2db: {  	v7 =	vld [tilespmem:$0x110]  }
0x2dc: {  	v5 =	vmul.f32 v5, v4;
	_ =	sdelay $0x1  }
0x2dd: {  	[tilespmem:$0x480] =	vst v4;
	v2 =	vadd.s32 v0, v2;
	v3 =	vmul.f32 v3, v5  }
0x2de: {  	[tilespmem:$0x300] =	vst v2  }
0x2df: {  	v2 =	vld [tilespmem:$0x210];
	[tilespmem:$0x580] =	vst v3  }
0x2e0: {  	v3 =	vld.idx.msk [tilespmem:v6+s28+$0x0], $0xffff  }
0x2e1: {  	v58 =	vld [tilespmem:$0x20]  }
0x2e2: {  	v4 =	vld.idx.msk [tilespmem:v7+s28+$0x0], $0xffff;
	_ =	sdelay $0x1  }
0x2e3: {  	v59 =	vld [tilespmem:$0x120]  }
0x2e4: {  	v3 =	vmul.f32 v3, v2;
	_ =	sdelay $0x1  }
0x2e5: {  	[tilespmem:$0x490] =	vst v2;
	v2 =	vadd.s32 v0, v6;
	v3 =	vmul.f32 v4, v3  }
0x2e6: {  	[tilespmem:$0x310] =	vst v2  }
0x2e7: {  	v2 =	vld [tilespmem:$0x220];
	[tilespmem:$0x590] =	vst v3  }
0x2e8: {  	v3 =	vld.idx.msk [tilespmem:v58+s28+$0x0], $0xffff  }
0x2e9: {  	v61 =	vld [tilespmem:$0x30]  }
0x2ea: {  	v60 =	vld.idx.msk [tilespmem:v59+s28+$0x0], $0xffff;
	_ =	sdelay $0x1  }
0x2eb: {  	v62 =	vld [tilespmem:$0x130]  }
0x2ec: {  	v3 =	vmul.f32 v3, v2;
	_ =	sdelay $0x1  }
0x2ed: {  	[tilespmem:$0x4A0] =	vst v2;
	v2 =	vadd.s32 v0, v58;
	v3 =	vmul.f32 v60, v3  }
0x2ee: {  	[tilespmem:$0x320] =	vst v2  }
0x2ef: {  	v2 =	vld [tilespmem:$0x230];
	[tilespmem:$0x5A0] =	vst v3  }
0x2f0: {  	v3 =	vld.idx.msk [tilespmem:v61+s28+$0x0], $0xffff;
	_ =	sdelay $0x1  }
0x2f1: {  	v63 =	vld.idx.msk [tilespmem:v62+s28+$0x0], $0xffff;
	_ =	sdelay $0x2  }
0x2f2: {  	v3 =	vmul.f32 v3, v2;
	_ =	sdelay $0x1  }
0x2f3: {  	[tilespmem:$0x4B0] =	vst v2;
	v2 =	vadd.s32 v0, v61;
	v3 =	vmul.f32 v63, v3  }
0x2f4: {  	[tilespmem:$0x330] =	vst v2  }
0x2f5: {  	s22 =	simm.s32 $0x300;
	s25 =	simm.s32 $0x680;
	[tilespmem:$0x5B0] =	vst v3  }
0x2f6: {  	[tilespmem:s25], [sflag:$0x5] =	stream.indirect.gather [hbm4b:s7+s31], $0x40, s22, s31, $0xb8;
	[tilespmem:$0x1EA00] =	vst v63  }
.LBB2_10:
0x2f7: {  	s1 =	simm.s32 $0x7  }
0x2f8: {  	_ =	swait.ge [sflag:s1], $0x1000  }
0x2f9: {  	[sflag:s1] =	ssyncset.done $0x0  }
0x2fa: {  	[sflag:s1] =	ssyncadd.s32 $0xFFFFF000  }
0x2fb: {  	_ =	swait.ge [sflag:s26], $0x1000  }
0x2fc: {  	[sflag:s26] =	ssyncset.done $0x0  }
0x2fd: {  	[sflag:s26] =	ssyncadd.s32 $0xFFFFF000  }
0x2fe: {  	_ =	swait.ge [sflag:s26], $0x1000  }
0x2ff: {  	[sflag:s26] =	ssyncset.done $0x0  }
0x300: {  	[sflag:s26] =	ssyncadd.s32 $0xFFFFF000  }
0x301: {  	v2 =	vld [tilespmem:$0x180]  }
0x302: {  	s5 =	simm.s32 $0x1;
	v3 =	vld [tilespmem:$0x190]  }
0x303: {  	v5 =	vmov s5;
	v4 =	vld [tilespmem:$0x1A0]  }
0x304: {  	s13 =	simm.s32 $0x3;
	s2 =	simm.s32 $0x2;
	v5 =	vand.u32 $0xFFFFFFFD, v5;
	v6 =	vld [tilespmem:$0x1B0]  }
0x305: {  	v7 =	vmov s13;
	v8 =	vmov s2;
	v5 =	vbroadcast v5, $0x0  }
0x306: {  	[tilespmem:$0x400] =	vst v2;
	v2 =	vand.u32 $0xFFFFFFFE, v8  }
0x307: {  	[tilespmem:$0x410] =	vst v3;
	v2 =	vbroadcast v2, $0x0  }
0x308: {  	[tilespmem:$0x420] =	vst v4  }
0x309: {  	s14 =	simm.s32 $0x0;
	[tilespmem:$0x430] =	vst v6  }
0x30a: {  	v3 =	vmov s14;
	v13 =	vld.idx.msk [tilespmem:v7+s24+$0x0], $0xffff  }
0x30b: {  	s4 =	simm.s32 $0x2700;
	v3 =	vand.u32 $0xFFFFFFFC, v3;
	v8 =	vld.idx.msk [tilespmem:v5+s24+$0x0], $0xffff  }
0x30c: {  	v4 =	vld [tilespmem:s4+$0x0];
	v3 =	vbroadcast v3, $0x0  }
0x30d: {  	v9 =	vld.idx.msk [tilespmem:v2+s24+$0x0], $0xffff  }
0x30e: {  	v15 =	vld.idx.msk [tilespmem:v2+s12+$0x0], $0xffff  }
0x30f: {  	v2 =	vld [tilespmem:s4+$0xFFFFFFC0]  }
0x310: {  	v5 =	vld.idx.msk [tilespmem:v5+s12+$0x0], $0xffff  }
0x311: {  	v6 =	vld [tilespmem:s4+$0xFFFFFF80]  }
0x312: {  	v16 =	vld.idx.msk [tilespmem:v3+s24+$0x0], $0xffff;
	v10 =	vmul.f32 v4, v9  }
0x313: {  	s2 =	simm.s32 $0x4700;
	v12 =	vld.idx.msk [tilespmem:v3+s12+$0x0], $0xffff;
	v3 =	vmul.f32 v4, v15  }
0x314: {  	s1 =	simm.s32 $0x6700;
	v4 =	vld [tilespmem:s4+$0x40];
	v11 =	vmul.f32 v2, v8;
	[tilespmem:s2+$0x0] =	vst v10  }
0x315: {  	v14 =	vld.idx.msk [tilespmem:v7+s12+$0x0], $0xffff;
	v2 =	vmul.f32 v2, v5;
	[tilespmem:s1+$0x0] =	vst v3  }
0x316: {  	[tilespmem:s2+$0xFFFFFFC0] =	vst v11;
	v3 =	vld [tilespmem:s4+$0x10]  }
0x317: {  	v7 =	vmul.f32 v6, v16;
	[tilespmem:s1+$0xFFFFFFC0] =	vst v2  }
0x318: {  	v2 =	vmul.f32 v6, v12;
	v6 =	vld [tilespmem:s4+$0xFFFFFFD0]  }
0x319: {  	[tilespmem:s2+$0xFFFFFF80] =	vst v7;
	v10 =	vmul.f32 v4, v13  }
0x31a: {  	v4 =	vmul.f32 v4, v14;
	[tilespmem:s1+$0xFFFFFF80] =	vst v2  }
0x31b: {  	v2 =	vld [tilespmem:s4+$0xFFFFFF90];
	[tilespmem:s2+$0x40] =	vst v10;
	v7 =	vmul.f32 v3, v9  }
0x31c: {  	[tilespmem:s1+$0x40] =	vst v4;
	v3 =	vmul.f32 v3, v15  }
0x31d: {  	v4 =	vld [tilespmem:s4+$0x50];
	v10 =	vmul.f32 v6, v8;
	[tilespmem:s2+$0x10] =	vst v7  }
0x31e: {  	v6 =	vmul.f32 v6, v5;
	[tilespmem:s1+$0x10] =	vst v3  }
0x31f: {  	[tilespmem:s2+$0xFFFFFFD0] =	vst v10;
	v7 =	vld [tilespmem:s4+$0x20]  }
0x320: {  	s5 =	simm.s32 $0x4;
	s13 =	simm.s32 $0x7;
	v10 =	vmul.f32 v2, v16;
	[tilespmem:s1+$0xFFFFFFD0] =	vst v6  }
0x321: {  	s22 =	simm.s32 $0x5;
	v17 =	vmov s13;
	v2 =	vmul.f32 v2, v12;
	v3 =	vmov s5;
	v11 =	vld [tilespmem:s4+$0xFFFFFFE0]  }
0x322: {  	v6 =	vmov s22;
	v3 =	vand.u32 $0xFFFFFFFC, v3;
	[tilespmem:s2+$0xFFFFFF90] =	vst v10;
	v10 =	vmul.f32 v4, v13  }
0x323: {  	s25 =	simm.s32 $0x6;
	v6 =	vand.u32 $0xFFFFFFFD, v6;
	v3 =	vbroadcast v3, $0x0;
	v4 =	vmul.f32 v4, v14;
	[tilespmem:s1+$0xFFFFFF90] =	vst v2  }
0x324: {  	s22 =	simm.s32 $0x2800;
	v18 =	vbroadcast v6, $0x0;
	v6 =	vmov s25;
	v19 =	vld [tilespmem:s4+$0xFFFFFFA0];
	[tilespmem:s2+$0x50] =	vst v10;
	v10 =	vmul.f32 v7, v9  }
0x325: {  	v22 =	vld [tilespmem:s22+$0x0];
	[tilespmem:s1+$0x50] =	vst v4;
	v4 =	vand.u32 $0xFFFFFFFE, v6;
	v6 =	vmul.f32 v7, v15  }
0x326: {  	v7 =	vld [tilespmem:s4+$0x60];
	v20 =	vbroadcast v4, $0x0;
	v21 =	vmul.f32 v11, v8;
	[tilespmem:s2+$0x20] =	vst v10  }
0x327: {  	v2 =	vld.idx.msk [tilespmem:v17+s24+$0x0], $0xffff;
	v10 =	vmul.f32 v11, v5;
	[tilespmem:s1+$0x20] =	vst v6  }
0x328: {  	[tilespmem:s2+$0xFFFFFFE0] =	vst v21;
	v21 =	vld [tilespmem:s4+$0x30]  }
0x329: {  	v4 =	vld.idx.msk [tilespmem:v3+s24+$0x0], $0xffff;
	v11 =	vmul.f32 v19, v16;
	[tilespmem:s1+$0xFFFFFFE0] =	vst v10  }
0x32a: {  	v10 =	vmul.f32 v19, v12;
	v19 =	vld [tilespmem:s4+$0xFFFFFFF0]  }
0x32b: {  	v6 =	vld.idx.msk [tilespmem:v18+s24+$0x0], $0xffff;
	[tilespmem:s2+$0xFFFFFFA0] =	vst v11;
	v11 =	vmul.f32 v7, v13  }
0x32c: {  	v7 =	vmul.f32 v7, v14;
	[tilespmem:s1+$0xFFFFFFA0] =	vst v10;
	v10 =	vld.idx.msk [tilespmem:v20+s24+$0x0], $0xffff  }
0x32d: {  	[tilespmem:s2+$0x60] =	vst v11;
	v11 =	vld.idx.msk [tilespmem:v20+s12+$0x0], $0xffff;
	v9 =	vmul.f32 v21, v9  }
0x32e: {  	v20 =	vld [tilespmem:s22+$0xFFFFFFC0];
	[tilespmem:s1+$0x60] =	vst v7;
	v15 =	vmul.f32 v21, v15  }
0x32f: {  	v7 =	vld.idx.msk [tilespmem:v18+s12+$0x0], $0xffff;
	v8 =	vmul.f32 v19, v8;
	[tilespmem:s2+$0x30] =	vst v9  }
0x330: {  	v18 =	vmul.f32 v19, v5;
	v9 =	vld [tilespmem:s22+$0xFFFFFF80];
	[tilespmem:s1+$0x30] =	vst v15  }
0x331: {  	v5 =	vld.idx.msk [tilespmem:v3+s12+$0x0], $0xffff;
	[tilespmem:s2+$0xFFFFFFF0] =	vst v8;
	v8 =	vmul.f32 v22, v10  }
0x332: {  	s14 =	simm.s32 $0x4800;
	v15 =	vld [tilespmem:s22+$0x40];
	[tilespmem:s1+$0xFFFFFFF0] =	vst v18;
	v18 =	vmul.f32 v22, v11  }
0x333: {  	s25 =	simm.s32 $0x6800;
	v3 =	vld.idx.msk [tilespmem:v17+s12+$0x0], $0xffff;
	v17 =	vmul.f32 v20, v6;
	[tilespmem:s14+$0x0] =	vst v8  }
0x334: {  	v19 =	vld [tilespmem:s4+$0xFFFFFFB0];
	v8 =	vmul.f32 v20, v7;
	[tilespmem:s25+$0x0] =	vst v18  }
0x335: {  	[tilespmem:s14+$0xFFFFFFC0] =	vst v17;
	v18 =	vmul.f32 v9, v4;
	v17 =	vld [tilespmem:s22+$0x10]  }
0x336: {  	v9 =	vmul.f32 v9, v5;
	[tilespmem:s25+$0xFFFFFFC0] =	vst v8  }
0x337: {  	v8 =	vmul.f32 v15, v2;
	[tilespmem:s14+$0xFFFFFF80] =	vst v18;
	v18 =	vld [tilespmem:s22+$0xFFFFFFD0]  }
0x338: {  	v15 =	vmul.f32 v15, v3;
	[tilespmem:s25+$0xFFFFFF80] =	vst v9  }
0x339: {  	s13 =	simm.s32 $0xB;
	v9 =	vmul.f32 v19, v16;
	[tilespmem:s14+$0x40] =	vst v8;
	v16 =	vld [tilespmem:s22+$0xFFFFFF90]  }
0x33a: {  	v20 =	vmov s13;
	s13 =	simm.s32 $0x8;
	[tilespmem:s25+$0x40] =	vst v15;
	v8 =	vmul.f32 v17, v10  }
0x33b: {  	v15 =	vmov s13;
	v17 =	vmul.f32 v17, v11;
	v21 =	vld [tilespmem:s22+$0x50];
	[tilespmem:s2+$0xFFFFFFB0] =	vst v9  }
0x33c: {  	v9 =	vand.u32 $0xFFFFFFFC, v15;
	v15 =	vmul.f32 v18, v6;
	[tilespmem:s14+$0x10] =	vst v8  }
0x33d: {  	s5 =	simm.s32 $0x9;
	v22 =	vld [tilespmem:s4+$0x70];
	v23 =	vbroadcast v9, $0x0;
	v18 =	vmul.f32 v18, v7;
	[tilespmem:s25+$0x10] =	vst v17  }
0x33e: {  	v8 =	vmov s5;
	v9 =	vmul.f32 v16, v4;
	[tilespmem:s14+$0xFFFFFFD0] =	vst v15;
	v15 =	vld [tilespmem:s22+$0x20]  }
0x33f: {  	v17 =	vand.u32 $0xFFFFFFFD, v8;
	v8 =	vld.idx.msk [tilespmem:v20+s24+$0x0], $0xffff;
	v16 =	vmul.f32 v16, v5;
	[tilespmem:s25+$0xFFFFFFD0] =	vst v18  }
0x340: {  	v17 =	vbroadcast v17, $0x0;
	v18 =	vmul.f32 v21, v2;
	[tilespmem:s14+$0xFFFFFF90] =	vst v9;
	v24 =	vld [tilespmem:s22+$0xFFFFFFE0]  }
0x341: {  	v21 =	vmul.f32 v21, v3;
	v9 =	vld.idx.msk [tilespmem:v20+s12+$0x0], $0xffff;
	[tilespmem:s25+$0xFFFFFF90] =	vst v16  }
0x342: {  	s13 =	simm.s32 $0xA;
	v20 =	vmul.f32 v19, v12;
	[tilespmem:s14+$0x50] =	vst v18;
	v19 =	vld [tilespmem:s22+$0xFFFFFFA0]  }
0x343: {  	v12 =	vld.idx.msk [tilespmem:v23+s24+$0x0], $0xffff;
	v18 =	vmov s13;
	[tilespmem:s25+$0x50] =	vst v21;
	v21 =	vmul.f32 v15, v10  }
0x344: {  	v16 =	vmul.f32 v22, v13;
	v18 =	vand.u32 $0xFFFFFFFE, v18;
	[tilespmem:s1+$0xFFFFFFB0] =	vst v20;
	v25 =	vmul.f32 v15, v11;
	v20 =	vld [tilespmem:s22+$0x60]  }
0x345: {  	v13 =	vld.idx.msk [tilespmem:v23+s12+$0x0], $0xffff;
	v18 =	vbroadcast v18, $0x0;
	[tilespmem:s14+$0x20] =	vst v21;
	v21 =	vmul.f32 v24, v6  }
0x346: {  	s4 =	simm.s32 $0xC;
	v14 =	vmul.f32 v22, v14;
	s13 =	simm.s32 $0x2800;
	v15 =	vld.idx.msk [tilespmem:v17+s24+$0x0], $0xffff;
	v22 =	vmul.f32 v24, v7;
	[tilespmem:s25+$0x20] =	vst v25  }
.LBB2_11:
0x347: {  	p1 =	slt.u32 s4, $0x3C;
	v23 =	vmul.f32 v19, v4;
	v19 =	vmul.f32 v19, v5;
	[tilespmem:s14+$0xFFFFFFE0] =	vst v21;
	v21 =	vld [tilespmem:s22+$0x30]  }
0x348: {  	v17 =	vld.idx.msk [tilespmem:v17+s12+$0x0], $0xffff;
	[tilespmem:s25+$0xFFFFFFE0] =	vst v22  }
0x349: {  	s22 =	sadd.s32 $0x100, s22;
	[tilespmem:s14+$0xFFFFFFA0] =	vst v23;
	v22 =	vld [tilespmem:s13+$0xFFFFFFF0];
	v23 =	vmul.f32 v20, v2;
	v20 =	vmul.f32 v20, v3  }
0x34a: {  	v24 =	vld [tilespmem:s22+$0x0];
	[tilespmem:s25+$0xFFFFFFA0] =	vst v19  }
0x34b: {  	v19 =	vld.idx.msk [tilespmem:v18+s24+$0x0], $0xffff;
	[tilespmem:s14+$0x60] =	vst v23  }
0x34c: {  	v18 =	vld.idx.msk [tilespmem:v18+s12+$0x0], $0xffff;
	v10 =	vmul.f32 v21, v10;
	[tilespmem:s25+$0x60] =	vst v20  }
0x34d: {  	v11 =	vmul.f32 v21, v11;
	v20 =	vld [tilespmem:s22+$0xFFFFFF80];
	[tilespmem:s2+$0x70] =	vst v16;
	s2 =	smov.u32 s14  }
0x34e: {  	v16 =	vld [tilespmem:s22+$0xFFFFFFC0];
	v21 =	vmul.f32 v22, v6;
	v22 =	vmul.f32 v22, v7;
	[tilespmem:s14+$0x30] =	vst v10;
	v7 =	vmovc v17;
	v6 =	vmov v15  }
0x34f: {  	v15 =	vld [tilespmem:s22+$0x40];
	[tilespmem:s25+$0x30] =	vst v11  }
0x350: {  	v17 =	vld [tilespmem:s13+$0xFFFFFFB0];
	[tilespmem:s14+$0xFFFFFFF0] =	vst v21  }
0x351: {  	v21 =	vmul.f32 v24, v19;
	v10 =	vmov v19;
	[tilespmem:s25+$0xFFFFFFF0] =	vst v22;
	v22 =	vld [tilespmem:s13+$0x70];
	s13 =	smov.u32 s22  }
0x352: {  	s14 =	sadd.s32 $0x100, s14;
	v23 =	vmul.f32 v24, v18;
	v11 =	vmov v18;
	v19 =	vmul.f32 v20, v12;
	[tilespmem:s1+$0x70] =	vst v14;
	s1 =	smov.u32 s25  }
0x353: {  	s25 =	sadd.s32 $0x100, s25;
	v14 =	vmul.f32 v16, v6;
	v16 =	vmul.f32 v16, v7;
	[tilespmem:s14+$0x0] =	vst v21  }
0x354: {  	v18 =	vmul.f32 v20, v13;
	[tilespmem:s25+$0x0] =	vst v23;
	v20 =	vmul.f32 v15, v8  }
0x355: {  	v15 =	vmul.f32 v15, v9;
	[tilespmem:s14+$0xFFFFFFC0] =	vst v14;
	v21 =	vld [tilespmem:s22+$0x10];
	v23 =	vmul.f32 v17, v4;
	v4 =	vmov v12  }
0x356: {  	v24 =	vmul.f32 v17, v5;
	v5 =	vmovc v13;
	[tilespmem:s25+$0xFFFFFFC0] =	vst v16;
	v16 =	vmul.f32 v22, v2;
	v2 =	vmov v8  }
0x357: {  	v14 =	vmul.f32 v22, v3;
	v3 =	vmov v9;
	[tilespmem:s14+$0xFFFFFF80] =	vst v19;
	v8 =	vld [tilespmem:s22+$0xFFFFFFD0]  }
0x358: {  	[tilespmem:s25+$0xFFFFFF80] =	vst v18  }
0x359: {  	s5 =	sadd.s32 $0x3, s4;
	v9 =	vld [tilespmem:s22+$0xFFFFFF90];
	[tilespmem:s14+$0x40] =	vst v20  }
0x35a: {  	v12 =	vmov s5;
	v13 =	vmul.f32 v21, v10;
	[tilespmem:s25+$0x40] =	vst v15  }
0x35b: {  	v15 =	vmov s4;
	v17 =	vmul.f32 v21, v11;
	v18 =	vld [tilespmem:s22+$0x50];
	[tilespmem:s2+$0xFFFFFFB0] =	vst v23  }
0x35c: {  	s5 =	sadd.s32 $0x1, s4;
	v15 =	vand.u32 $0xFFFFFFFC, v15;
	v19 =	vmul.f32 v8, v6;
	v20 =	vmul.f32 v8, v7;
	[tilespmem:s14+$0x10] =	vst v13  }
0x35d: {  	v13 =	vbroadcast v15, $0x0;
	v8 =	vmov s5;
	[tilespmem:s25+$0x10] =	vst v17  }
0x35e: {  	v8 =	vand.u32 $0xFFFFFFFD, v8;
	v15 =	vmul.f32 v9, v4;
	v21 =	vmul.f32 v9, v5;
	[tilespmem:s14+$0xFFFFFFD0] =	vst v19;
	v22 =	vld [tilespmem:s22+$0x20]  }
0x35f: {  	v17 =	vbroadcast v8, $0x0;
	v8 =	vld.idx.msk [tilespmem:v12+s24+$0x0], $0xffff;
	[tilespmem:s25+$0xFFFFFFD0] =	vst v20  }
0x360: {  	[tilespmem:s14+$0xFFFFFF90] =	vst v15;
	v23 =	vld [tilespmem:s22+$0xFFFFFFE0];
	v15 =	vmul.f32 v18, v2;
	v18 =	vmul.f32 v18, v3  }
0x361: {  	v9 =	vld.idx.msk [tilespmem:v12+s12+$0x0], $0xffff;
	[tilespmem:s25+$0xFFFFFF90] =	vst v21  }
.Ltmp6:
0x362: {  	s5 =	sadd.s32 $0x2, s4;
	v19 =	vld [tilespmem:s22+$0xFFFFFFA0];
	[tilespmem:s14+$0x50] =	vst v15;
	(pc) =	sbr.rel @p1 .LBB2_11-.Ltmp6, $4  }
0x363: {  	v15 =	vmov s5;
	v12 =	vld.idx.msk [tilespmem:v13+s24+$0x0], $0xffff;
	v25 =	vmul.f32 v22, v10;
	[tilespmem:s25+$0x50] =	vst v18  }
0x364: {  	v15 =	vand.u32 $0xFFFFFFFE, v15;
	v26 =	vmul.f32 v22, v11;
	v20 =	vld [tilespmem:s22+$0x60];
	[tilespmem:s1+$0xFFFFFFB0] =	vst v24  }
0x365: {  	v18 =	vbroadcast v15, $0x0;
	v13 =	vld.idx.msk [tilespmem:v13+s12+$0x0], $0xffff;
	v21 =	vmul.f32 v23, v6;
	[tilespmem:s14+$0x20] =	vst v25  }
0x366: {  	s4 =	sadd.s32 $0x4, s4;
	v22 =	vmul.f32 v23, v7;
	v15 =	vld.idx.msk [tilespmem:v17+s24+$0x0], $0xffff;
	[tilespmem:s25+$0x20] =	vst v26  }
0x367: {  	_ =	sdelay $0x1  }
0x368: {  	[tilespmem:s14+$0xFFFFFFE0] =	vst v21  }
0x369: {  	v62 =	vld [tilespmem:s22+$0x30];
	[tilespmem:s2+$0x70] =	vst v16  }
0x36a: {  	v23 =	vmul.f32 v19, v4;
	s4 =	sadd.s32 $0x100, s22;
	v27 =	vld.idx.msk [tilespmem:v18+s24+$0x0], $0xffff;
	[tilespmem:s25+$0xFFFFFFE0] =	vst v22  }
0x36b: {  	v63 =	vmul.f32 v19, v5;
	v26 =	vld [tilespmem:s4+$0x0];
	[tilespmem:s1+$0x70] =	vst v14  }
0x36c: {  	v29 =	vld [tilespmem:s4+$0xFFFFFFC0];
	[tilespmem:s14+$0xFFFFFFA0] =	vst v23;
	v24 =	vmul.f32 v20, v2  }
0x36d: {  	v28 =	vld.idx.msk [tilespmem:v18+s12+$0x0], $0xffff;
	v25 =	vmul.f32 v20, v3;
	[tilespmem:s25+$0xFFFFFFA0] =	vst v63  }
0x36e: {  	v30 =	vld.idx.msk [tilespmem:v17+s12+$0x0], $0xffff;
	[tilespmem:s14+$0x60] =	vst v24;
	v10 =	vmul.f32 v62, v10  }
0x36f: {  	v31 =	vld [tilespmem:s4+$0xFFFFFF80];
	[tilespmem:s25+$0x60] =	vst v25;
	v11 =	vmul.f32 v62, v11  }
0x370: {  	v33 =	vld [tilespmem:s4+$0x40];
	v32 =	vmul.f32 v26, v27;
	[tilespmem:s14+$0x30] =	vst v10  }
0x371: {  	s22 =	sadd.s32 $0x100, s14;
	v22 =	vld [tilespmem:s13+$0xFFFFFFF0];
	v35 =	vmul.f32 v29, v15;
	[tilespmem:s25+$0x30] =	vst v11  }
0x372: {  	v34 =	vmul.f32 v26, v28;
	[tilespmem:s22+$0x0] =	vst v32  }
0x373: {  	s5 =	sadd.s32 $0x100, s25;
	v16 =	vmul.f32 v29, v30;
	[tilespmem:s22+$0xFFFFFFC0] =	vst v35  }
0x374: {  	v37 =	vmul.f32 v31, v12;
	[tilespmem:s5+$0x0] =	vst v34  }
0x375: {  	v39 =	vmul.f32 v33, v8;
	[tilespmem:s5+$0xFFFFFFC0] =	vst v16;
	v38 =	vld [tilespmem:s4+$0x10]  }
0x376: {  	v6 =	vmul.f32 v22, v6;
	[tilespmem:s22+$0xFFFFFF80] =	vst v37;
	v40 =	vld [tilespmem:s4+$0xFFFFFFD0]  }
0x377: {  	v7 =	vmul.f32 v22, v7;
	[tilespmem:s22+$0x40] =	vst v39  }
0x378: {  	v11 =	vmul.f32 v31, v13;
	[tilespmem:s14+$0xFFFFFFF0] =	vst v6  }
0x379: {  	v36 =	vld [tilespmem:s13+$0xFFFFFFB0];
	[tilespmem:s25+$0xFFFFFFF0] =	vst v7;
	v7 =	vmul.f32 v33, v9  }
0x37a: {  	[tilespmem:s5+$0xFFFFFF80] =	vst v11;
	v42 =	vmul.f32 v38, v27  }
0x37b: {  	v11 =	vld [tilespmem:s4+$0xFFFFFF90];
	[tilespmem:s5+$0x40] =	vst v7;
	v45 =	vmul.f32 v40, v15  }
0x37c: {  	v43 =	vmul.f32 v38, v28;
	[tilespmem:s22+$0x10] =	vst v42  }
0x37d: {  	v44 =	vld [tilespmem:s4+$0x50];
	v46 =	vmul.f32 v40, v30;
	[tilespmem:s22+$0xFFFFFFD0] =	vst v45  }
0x37e: {  	v41 =	vmul.f32 v36, v4;
	[tilespmem:s5+$0x10] =	vst v43  }
0x37f: {  	v51 =	vmul.f32 v36, v5;
	[tilespmem:s5+$0xFFFFFFD0] =	vst v46;
	v48 =	vld [tilespmem:s4+$0x20]  }
0x380: {  	[tilespmem:s14+$0xFFFFFFB0] =	vst v41;
	v47 =	vmul.f32 v11, v12;
	v49 =	vld [tilespmem:s4+$0xFFFFFFE0]  }
0x381: {  	[tilespmem:s25+$0xFFFFFFB0] =	vst v51;
	v11 =	vmul.f32 v11, v13  }
0x382: {  	[tilespmem:s22+$0xFFFFFF90] =	vst v47;
	v50 =	vmul.f32 v44, v8  }
0x383: {  	v55 =	vld [tilespmem:s13+$0x70];
	v14 =	vmul.f32 v44, v9;
	[tilespmem:s5+$0xFFFFFF90] =	vst v11  }
0x384: {  	v52 =	vld [tilespmem:s4+$0xFFFFFFA0];
	[tilespmem:s22+$0x50] =	vst v50;
	v53 =	vmul.f32 v48, v27  }
0x385: {  	[tilespmem:s5+$0x50] =	vst v14;
	v54 =	vmul.f32 v49, v15  }
0x386: {  	v14 =	vld [tilespmem:s4+$0x60];
	v4 =	vmul.f32 v48, v28;
	[tilespmem:s22+$0x20] =	vst v53  }
0x387: {  	v7 =	vmul.f32 v49, v30;
	[tilespmem:s22+$0xFFFFFFE0] =	vst v54  }
0x388: {  	v2 =	vmul.f32 v55, v2;
	[tilespmem:s5+$0x20] =	vst v4  }
0x389: {  	v56 =	vmul.f32 v52, v12;
	[tilespmem:s5+$0xFFFFFFE0] =	vst v7;
	v57 =	vld [tilespmem:s4+$0x30]  }
0x38a: {  	[tilespmem:s14+$0x70] =	vst v2;
	v6 =	vmul.f32 v52, v13;
	v58 =	vld [tilespmem:s4+$0xFFFFFFF0]  }
0x38b: {  	[tilespmem:s22+$0xFFFFFFA0] =	vst v56;
	v59 =	vmul.f32 v14, v8  }
0x38c: {  	v14 =	vmul.f32 v14, v9;
	[tilespmem:s5+$0xFFFFFFA0] =	vst v6  }
0x38d: {  	v3 =	vmul.f32 v55, v3;
	[tilespmem:s22+$0x60] =	vst v59;
	v61 =	vld [tilespmem:s4+$0xFFFFFFB0]  }
0x38e: {  	[tilespmem:s5+$0x60] =	vst v14;
	v60 =	vmul.f32 v57, v27  }
0x38f: {  	[tilespmem:s25+$0x70] =	vst v3;
	v62 =	vld [tilespmem:s4+$0x70];
	v2 =	vmul.f32 v58, v15  }
0x390: {  	v5 =	vmul.f32 v57, v28;
	[tilespmem:s22+$0x30] =	vst v60  }
0x391: {  	v4 =	vmul.f32 v58, v30;
	[tilespmem:s22+$0xFFFFFFF0] =	vst v2  }
0x392: {  	v2 =	vmul.f32 v61, v12;
	[tilespmem:s5+$0x30] =	vst v5  }
0x393: {  	v3 =	vmul.f32 v61, v13;
	[tilespmem:s5+$0xFFFFFFF0] =	vst v4  }
0x394: {  	v63 =	vmul.f32 v62, v8;
	[tilespmem:s22+$0xFFFFFFB0] =	vst v2  }
0x395: {  	v2 =	vmul.f32 v62, v9;
	[tilespmem:s5+$0xFFFFFFB0] =	vst v3  }
.Ltmp7:
0x396: {  	[tilespmem:s22+$0x70] =	vst v63;
	(pc) =	sbr.rel @p0 .LBB2_14-.Ltmp7, $4  }
0x397: {  	s13 =	rddreg [dreg:$0x3];
	s14 =	simm.s32 $0x4680;
	[tilespmem:s5+$0x70] =	vst v2  }
0x398: {  	[spmem:s13] =	stream.indirect.scatter.add.f32 [tilespmem:s14], [sflag:$0x9], $0x40, s9, s31, $0xb8;
	[tilespmem:$0x1EA00] =	vst v63  }
0x399: {  	s25 =	simm.s32 $0x6680;
	s22 =	rddreg [dreg:$0x4]  }
0x39a: {  	[spmem:s22] =	stream.indirect.scatter.add.f32 [tilespmem:s25], [sflag:$0x9], $0x40, s9, s31, $0xb8;
	[tilespmem:$0x1EA00] =	vst v63  }
0x39b: {  	s1 =	sld [smem:$0x7F9];
	_ =	sdelay $0x2  }
0x39c: {  	s1 =	sadd.s32 s29, s1  }
0x39d: {  	s2 =	rddreg [dreg:$0x1];
	s1 =	sshll.u32 s1, $0x3  }
0x39e: {  	s4 =	simm.s32 $0x80;
	s5 =	rddreg [dreg:$0x2];
	s2 =	sadd.s32 s2, s1  }
0x39f: {  	[tilespmem:s4], [sflag:$0x3] =	stream.linear.gather [hbm4b:s2+s6], $0x40, $0x38;
	[tilespmem:$0x1EA00] =	vst v63  }
0x3a0: {  	s13 =	simm.s32 $0x180;
	s2 =	sadd.s32 s5, s1  }
0x3a1: {  	[tilespmem:s13], [sflag:$0x3] =	stream.linear.gather [hbm4b:s2+s6], $0x40, $0x38;
	[tilespmem:$0x1EA00] =	vst v63  }
0x3a2: {  	s14 =	simm.s32 $0x280;
	s1 =	sadd.s32 s8, s1  }
0x3a3: {  	[tilespmem:s14], [sflag:$0x3] =	stream.linear.gather [hbm4b:s1+s6], $0x40, $0x38;
	[tilespmem:$0x1EA00] =	vst v63  }
0x3a4: {  	_ =	swait.ge [sflag:s16], $0x40  }
0x3a5: {  	[sflag:s16] =	ssyncset.done $0x0  }
0x3a6: {  	[sflag:s16] =	ssyncadd.s32 $0xFFFFFFC0  }
0x3a7: {  	_ =	swait.ge [sflag:s16], $0x40  }
0x3a8: {  	[sflag:s16] =	ssyncset.done $0x0  }
0x3a9: {  	[sflag:s16] =	ssyncadd.s32 $0xFFFFFFC0  }
0x3aa: {  	_ =	swait.ge [sflag:s16], $0x40  }
0x3ab: {  	[sflag:s16] =	ssyncset.done $0x0  }
0x3ac: {  	[sflag:s16] =	ssyncadd.s32 $0xFFFFFFC0  }
0x3ad: {  	v2 =	vld [tilespmem:$0x40];
	_ =	sdelay $0x1  }
0x3ae: {  	v3 =	vld [tilespmem:$0x140];
	_ =	sdelay $0x4  }
0x3af: {  	v4 =	vld [tilespmem:$0x240]  }
0x3b0: {  	v5 =	vld.idx.msk [tilespmem:v2+s28+$0x0], $0xffff  }
0x3b1: {  	v6 =	vld [tilespmem:$0x50]  }
0x3b2: {  	v3 =	vld.idx.msk [tilespmem:v3+s28+$0x0], $0xffff;
	_ =	sdelay $0x1  }
0x3b3: {  	v7 =	vld [tilespmem:$0x150]  }
0x3b4: {  	v5 =	vmul.f32 v5, v4;
	_ =	sdelay $0x1  }
0x3b5: {  	[tilespmem:$0x4C0] =	vst v4;
	v2 =	vadd.s32 v0, v2;
	v3 =	vmul.f32 v3, v5  }
0x3b6: {  	[tilespmem:$0x340] =	vst v2  }
0x3b7: {  	v2 =	vld [tilespmem:$0x250];
	[tilespmem:$0x5C0] =	vst v3  }
0x3b8: {  	v3 =	vld.idx.msk [tilespmem:v6+s28+$0x0], $0xffff  }
0x3b9: {  	v58 =	vld [tilespmem:$0x60]  }
0x3ba: {  	v4 =	vld.idx.msk [tilespmem:v7+s28+$0x0], $0xffff;
	_ =	sdelay $0x1  }
0x3bb: {  	v59 =	vld [tilespmem:$0x160]  }
0x3bc: {  	v3 =	vmul.f32 v3, v2;
	_ =	sdelay $0x1  }
0x3bd: {  	[tilespmem:$0x4D0] =	vst v2;
	v2 =	vadd.s32 v0, v6;
	v3 =	vmul.f32 v4, v3  }
0x3be: {  	[tilespmem:$0x350] =	vst v2  }
0x3bf: {  	v2 =	vld [tilespmem:$0x260];
	[tilespmem:$0x5D0] =	vst v3  }
0x3c0: {  	v3 =	vld.idx.msk [tilespmem:v58+s28+$0x0], $0xffff  }
0x3c1: {  	v61 =	vld [tilespmem:$0x70]  }
0x3c2: {  	v60 =	vld.idx.msk [tilespmem:v59+s28+$0x0], $0xffff;
	_ =	sdelay $0x1  }
0x3c3: {  	v62 =	vld [tilespmem:$0x170]  }
0x3c4: {  	v3 =	vmul.f32 v3, v2;
	_ =	sdelay $0x1  }
0x3c5: {  	[tilespmem:$0x4E0] =	vst v2;
	v2 =	vadd.s32 v0, v58;
	v3 =	vmul.f32 v60, v3  }
0x3c6: {  	[tilespmem:$0x360] =	vst v2  }
0x3c7: {  	v2 =	vld [tilespmem:$0x270];
	[tilespmem:$0x5E0] =	vst v3  }
0x3c8: {  	v3 =	vld.idx.msk [tilespmem:v61+s28+$0x0], $0xffff;
	_ =	sdelay $0x1  }
0x3c9: {  	v63 =	vld.idx.msk [tilespmem:v62+s28+$0x0], $0xffff;
	_ =	sdelay $0x2  }
0x3ca: {  	v3 =	vmul.f32 v3, v2;
	_ =	sdelay $0x1  }
0x3cb: {  	[tilespmem:$0x4F0] =	vst v2;
	v2 =	vadd.s32 v0, v61;
	v3 =	vmul.f32 v63, v3  }
0x3cc: {  	[tilespmem:$0x370] =	vst v2  }
0x3cd: {  	s22 =	simm.s32 $0x340;
	s25 =	simm.s32 $0x1680;
	[tilespmem:$0x5F0] =	vst v3  }
0x3ce: {  	[tilespmem:s25], [sflag:$0x6] =	stream.indirect.gather [hbm4b:s7+s31], $0x40, s22, s31, $0xb8;
	[tilespmem:$0x1EA00] =	vst v63  }
.LBB2_14:
0x3cf: {  	s1 =	simm.s32 $0x8  }
0x3d0: {  	_ =	swait.ge [sflag:s1], $0x1000  }
0x3d1: {  	[sflag:s1] =	ssyncset.done $0x0  }
0x3d2: {  	[sflag:s1] =	ssyncadd.s32 $0xFFFFF000  }
0x3d3: {  	_ =	swait.ge [sflag:s21], $0x1000  }
0x3d4: {  	[sflag:s21] =	ssyncset.done $0x0  }
0x3d5: {  	[sflag:s21] =	ssyncadd.s32 $0xFFFFF000  }
0x3d6: {  	_ =	swait.ge [sflag:s21], $0x1000  }
0x3d7: {  	[sflag:s21] =	ssyncset.done $0x0  }
0x3d8: {  	[sflag:s21] =	ssyncadd.s32 $0xFFFFF000  }
0x3d9: {  	v2 =	vld [tilespmem:$0x1C0]  }
0x3da: {  	s5 =	simm.s32 $0x1;
	v3 =	vld [tilespmem:$0x1D0]  }
0x3db: {  	v5 =	vmov s5;
	v4 =	vld [tilespmem:$0x1E0]  }
0x3dc: {  	s13 =	simm.s32 $0x3;
	s2 =	simm.s32 $0x2;
	v5 =	vand.u32 $0xFFFFFFFD, v5;
	v6 =	vld [tilespmem:$0x1F0]  }
0x3dd: {  	v7 =	vmov s13;
	v8 =	vmov s2;
	v5 =	vbroadcast v5, $0x0  }
0x3de: {  	[tilespmem:$0x440] =	vst v2;
	v2 =	vand.u32 $0xFFFFFFFE, v8  }
0x3df: {  	[tilespmem:$0x450] =	vst v3;
	v2 =	vbroadcast v2, $0x0  }
0x3e0: {  	[tilespmem:$0x460] =	vst v4  }
0x3e1: {  	s14 =	simm.s32 $0x0;
	[tilespmem:$0x470] =	vst v6  }
0x3e2: {  	v3 =	vmov s14;
	v13 =	vld.idx.msk [tilespmem:v7+s18+$0x0], $0xffff  }
0x3e3: {  	s4 =	simm.s32 $0x3700;
	v3 =	vand.u32 $0xFFFFFFFC, v3;
	v8 =	vld.idx.msk [tilespmem:v5+s18+$0x0], $0xffff  }
0x3e4: {  	v4 =	vld [tilespmem:s4+$0x0];
	v3 =	vbroadcast v3, $0x0  }
0x3e5: {  	v9 =	vld.idx.msk [tilespmem:v2+s18+$0x0], $0xffff  }
0x3e6: {  	v15 =	vld.idx.msk [tilespmem:v2+s10+$0x0], $0xffff  }
0x3e7: {  	v2 =	vld [tilespmem:s4+$0xFFFFFFC0]  }
0x3e8: {  	v5 =	vld.idx.msk [tilespmem:v5+s10+$0x0], $0xffff  }
0x3e9: {  	v6 =	vld [tilespmem:s4+$0xFFFFFF80]  }
0x3ea: {  	v16 =	vld.idx.msk [tilespmem:v3+s18+$0x0], $0xffff;
	v10 =	vmul.f32 v4, v9  }
0x3eb: {  	s2 =	simm.s32 $0x5700;
	v12 =	vld.idx.msk [tilespmem:v3+s10+$0x0], $0xffff;
	v3 =	vmul.f32 v4, v15  }
0x3ec: {  	s1 =	simm.s32 $0x7700;
	v4 =	vld [tilespmem:s4+$0x40];
	v11 =	vmul.f32 v2, v8;
	[tilespmem:s2+$0x0] =	vst v10  }
0x3ed: {  	v14 =	vld.idx.msk [tilespmem:v7+s10+$0x0], $0xffff;
	v2 =	vmul.f32 v2, v5;
	[tilespmem:s1+$0x0] =	vst v3  }
0x3ee: {  	[tilespmem:s2+$0xFFFFFFC0] =	vst v11;
	v3 =	vld [tilespmem:s4+$0x10]  }
0x3ef: {  	v7 =	vmul.f32 v6, v16;
	[tilespmem:s1+$0xFFFFFFC0] =	vst v2  }
0x3f0: {  	v2 =	vmul.f32 v6, v12;
	v6 =	vld [tilespmem:s4+$0xFFFFFFD0]  }
0x3f1: {  	[tilespmem:s2+$0xFFFFFF80] =	vst v7;
	v10 =	vmul.f32 v4, v13  }
0x3f2: {  	v4 =	vmul.f32 v4, v14;
	[tilespmem:s1+$0xFFFFFF80] =	vst v2  }
0x3f3: {  	v2 =	vld [tilespmem:s4+$0xFFFFFF90];
	[tilespmem:s2+$0x40] =	vst v10;
	v7 =	vmul.f32 v3, v9  }
0x3f4: {  	[tilespmem:s1+$0x40] =	vst v4;
	v3 =	vmul.f32 v3, v15  }
0x3f5: {  	v4 =	vld [tilespmem:s4+$0x50];
	v10 =	vmul.f32 v6, v8;
	[tilespmem:s2+$0x10] =	vst v7  }
0x3f6: {  	v6 =	vmul.f32 v6, v5;
	[tilespmem:s1+$0x10] =	vst v3  }
0x3f7: {  	[tilespmem:s2+$0xFFFFFFD0] =	vst v10;
	v7 =	vld [tilespmem:s4+$0x20]  }
0x3f8: {  	s5 =	simm.s32 $0x4;
	s13 =	simm.s32 $0x7;
	v10 =	vmul.f32 v2, v16;
	[tilespmem:s1+$0xFFFFFFD0] =	vst v6  }
0x3f9: {  	s22 =	simm.s32 $0x5;
	v17 =	vmov s13;
	v2 =	vmul.f32 v2, v12;
	v3 =	vmov s5;
	v11 =	vld [tilespmem:s4+$0xFFFFFFE0]  }
0x3fa: {  	v6 =	vmov s22;
	v3 =	vand.u32 $0xFFFFFFFC, v3;
	[tilespmem:s2+$0xFFFFFF90] =	vst v10;
	v10 =	vmul.f32 v4, v13  }
0x3fb: {  	s25 =	simm.s32 $0x6;
	v6 =	vand.u32 $0xFFFFFFFD, v6;
	v3 =	vbroadcast v3, $0x0;
	v4 =	vmul.f32 v4, v14;
	[tilespmem:s1+$0xFFFFFF90] =	vst v2  }
0x3fc: {  	s22 =	simm.s32 $0x3800;
	v18 =	vbroadcast v6, $0x0;
	v6 =	vmov s25;
	v19 =	vld [tilespmem:s4+$0xFFFFFFA0];
	[tilespmem:s2+$0x50] =	vst v10;
	v10 =	vmul.f32 v7, v9  }
0x3fd: {  	v22 =	vld [tilespmem:s22+$0x0];
	[tilespmem:s1+$0x50] =	vst v4;
	v4 =	vand.u32 $0xFFFFFFFE, v6;
	v6 =	vmul.f32 v7, v15  }
0x3fe: {  	v7 =	vld [tilespmem:s4+$0x60];
	v20 =	vbroadcast v4, $0x0;
	v21 =	vmul.f32 v11, v8;
	[tilespmem:s2+$0x20] =	vst v10  }
0x3ff: {  	v2 =	vld.idx.msk [tilespmem:v17+s18+$0x0], $0xffff;
	v10 =	vmul.f32 v11, v5;
	[tilespmem:s1+$0x20] =	vst v6  }
0x400: {  	[tilespmem:s2+$0xFFFFFFE0] =	vst v21;
	v21 =	vld [tilespmem:s4+$0x30]  }
0x401: {  	v4 =	vld.idx.msk [tilespmem:v3+s18+$0x0], $0xffff;
	v11 =	vmul.f32 v19, v16;
	[tilespmem:s1+$0xFFFFFFE0] =	vst v10  }
0x402: {  	v10 =	vmul.f32 v19, v12;
	v19 =	vld [tilespmem:s4+$0xFFFFFFF0]  }
0x403: {  	v6 =	vld.idx.msk [tilespmem:v18+s18+$0x0], $0xffff;
	[tilespmem:s2+$0xFFFFFFA0] =	vst v11;
	v11 =	vmul.f32 v7, v13  }
0x404: {  	v7 =	vmul.f32 v7, v14;
	[tilespmem:s1+$0xFFFFFFA0] =	vst v10;
	v10 =	vld.idx.msk [tilespmem:v20+s18+$0x0], $0xffff  }
0x405: {  	[tilespmem:s2+$0x60] =	vst v11;
	v11 =	vld.idx.msk [tilespmem:v20+s10+$0x0], $0xffff;
	v9 =	vmul.f32 v21, v9  }
0x406: {  	v20 =	vld [tilespmem:s22+$0xFFFFFFC0];
	[tilespmem:s1+$0x60] =	vst v7;
	v15 =	vmul.f32 v21, v15  }
0x407: {  	v7 =	vld.idx.msk [tilespmem:v18+s10+$0x0], $0xffff;
	v8 =	vmul.f32 v19, v8;
	[tilespmem:s2+$0x30] =	vst v9  }
0x408: {  	v18 =	vmul.f32 v19, v5;
	v9 =	vld [tilespmem:s22+$0xFFFFFF80];
	[tilespmem:s1+$0x30] =	vst v15  }
0x409: {  	v5 =	vld.idx.msk [tilespmem:v3+s10+$0x0], $0xffff;
	[tilespmem:s2+$0xFFFFFFF0] =	vst v8;
	v8 =	vmul.f32 v22, v10  }
0x40a: {  	s14 =	simm.s32 $0x5800;
	v15 =	vld [tilespmem:s22+$0x40];
	[tilespmem:s1+$0xFFFFFFF0] =	vst v18;
	v18 =	vmul.f32 v22, v11  }
0x40b: {  	s25 =	simm.s32 $0x7800;
	v3 =	vld.idx.msk [tilespmem:v17+s10+$0x0], $0xffff;
	v17 =	vmul.f32 v20, v6;
	[tilespmem:s14+$0x0] =	vst v8  }
0x40c: {  	v19 =	vld [tilespmem:s4+$0xFFFFFFB0];
	v8 =	vmul.f32 v20, v7;
	[tilespmem:s25+$0x0] =	vst v18  }
0x40d: {  	[tilespmem:s14+$0xFFFFFFC0] =	vst v17;
	v18 =	vmul.f32 v9, v4;
	v17 =	vld [tilespmem:s22+$0x10]  }
0x40e: {  	v9 =	vmul.f32 v9, v5;
	[tilespmem:s25+$0xFFFFFFC0] =	vst v8  }
0x40f: {  	v8 =	vmul.f32 v15, v2;
	[tilespmem:s14+$0xFFFFFF80] =	vst v18;
	v18 =	vld [tilespmem:s22+$0xFFFFFFD0]  }
0x410: {  	v15 =	vmul.f32 v15, v3;
	[tilespmem:s25+$0xFFFFFF80] =	vst v9  }
0x411: {  	s13 =	simm.s32 $0xB;
	v9 =	vmul.f32 v19, v16;
	[tilespmem:s14+$0x40] =	vst v8;
	v16 =	vld [tilespmem:s22+$0xFFFFFF90]  }
0x412: {  	v20 =	vmov s13;
	s13 =	simm.s32 $0x8;
	[tilespmem:s25+$0x40] =	vst v15;
	v8 =	vmul.f32 v17, v10  }
0x413: {  	v15 =	vmov s13;
	v17 =	vmul.f32 v17, v11;
	v21 =	vld [tilespmem:s22+$0x50];
	[tilespmem:s2+$0xFFFFFFB0] =	vst v9  }
0x414: {  	v9 =	vand.u32 $0xFFFFFFFC, v15;
	v15 =	vmul.f32 v18, v6;
	[tilespmem:s14+$0x10] =	vst v8  }
0x415: {  	s5 =	simm.s32 $0x9;
	v22 =	vld [tilespmem:s4+$0x70];
	v23 =	vbroadcast v9, $0x0;
	v18 =	vmul.f32 v18, v7;
	[tilespmem:s25+$0x10] =	vst v17  }
0x416: {  	v8 =	vmov s5;
	v9 =	vmul.f32 v16, v4;
	[tilespmem:s14+$0xFFFFFFD0] =	vst v15;
	v15 =	vld [tilespmem:s22+$0x20]  }
0x417: {  	v17 =	vand.u32 $0xFFFFFFFD, v8;
	v8 =	vld.idx.msk [tilespmem:v20+s18+$0x0], $0xffff;
	v16 =	vmul.f32 v16, v5;
	[tilespmem:s25+$0xFFFFFFD0] =	vst v18  }
0x418: {  	v17 =	vbroadcast v17, $0x0;
	v18 =	vmul.f32 v21, v2;
	[tilespmem:s14+$0xFFFFFF90] =	vst v9;
	v24 =	vld [tilespmem:s22+$0xFFFFFFE0]  }
0x419: {  	v21 =	vmul.f32 v21, v3;
	v9 =	vld.idx.msk [tilespmem:v20+s10+$0x0], $0xffff;
	[tilespmem:s25+$0xFFFFFF90] =	vst v16  }
0x41a: {  	s13 =	simm.s32 $0xA;
	v20 =	vmul.f32 v19, v12;
	[tilespmem:s14+$0x50] =	vst v18;
	v19 =	vld [tilespmem:s22+$0xFFFFFFA0]  }
0x41b: {  	v12 =	vld.idx.msk [tilespmem:v23+s18+$0x0], $0xffff;
	v18 =	vmov s13;
	[tilespmem:s25+$0x50] =	vst v21;
	v21 =	vmul.f32 v15, v10  }
0x41c: {  	v16 =	vmul.f32 v22, v13;
	v18 =	vand.u32 $0xFFFFFFFE, v18;
	[tilespmem:s1+$0xFFFFFFB0] =	vst v20;
	v25 =	vmul.f32 v15, v11;
	v20 =	vld [tilespmem:s22+$0x60]  }
0x41d: {  	v13 =	vld.idx.msk [tilespmem:v23+s10+$0x0], $0xffff;
	v18 =	vbroadcast v18, $0x0;
	[tilespmem:s14+$0x20] =	vst v21;
	v21 =	vmul.f32 v24, v6  }
0x41e: {  	s4 =	simm.s32 $0xC;
	v14 =	vmul.f32 v22, v14;
	s13 =	simm.s32 $0x3800;
	v15 =	vld.idx.msk [tilespmem:v17+s18+$0x0], $0xffff;
	v22 =	vmul.f32 v24, v7;
	[tilespmem:s25+$0x20] =	vst v25  }
.LBB2_15:
0x41f: {  	p1 =	slt.u32 s4, $0x3C;
	v23 =	vmul.f32 v19, v4;
	v19 =	vmul.f32 v19, v5;
	[tilespmem:s14+$0xFFFFFFE0] =	vst v21;
	v21 =	vld [tilespmem:s22+$0x30]  }
0x420: {  	v17 =	vld.idx.msk [tilespmem:v17+s10+$0x0], $0xffff;
	[tilespmem:s25+$0xFFFFFFE0] =	vst v22  }
0x421: {  	s22 =	sadd.s32 $0x100, s22;
	[tilespmem:s14+$0xFFFFFFA0] =	vst v23;
	v22 =	vld [tilespmem:s13+$0xFFFFFFF0];
	v23 =	vmul.f32 v20, v2;
	v20 =	vmul.f32 v20, v3  }
0x422: {  	v24 =	vld [tilespmem:s22+$0x0];
	[tilespmem:s25+$0xFFFFFFA0] =	vst v19  }
0x423: {  	v19 =	vld.idx.msk [tilespmem:v18+s18+$0x0], $0xffff;
	[tilespmem:s14+$0x60] =	vst v23  }
0x424: {  	v18 =	vld.idx.msk [tilespmem:v18+s10+$0x0], $0xffff;
	v10 =	vmul.f32 v21, v10;
	[tilespmem:s25+$0x60] =	vst v20  }
0x425: {  	v11 =	vmul.f32 v21, v11;
	v20 =	vld [tilespmem:s22+$0xFFFFFF80];
	[tilespmem:s2+$0x70] =	vst v16;
	s2 =	smov.u32 s14  }
0x426: {  	v16 =	vld [tilespmem:s22+$0xFFFFFFC0];
	v21 =	vmul.f32 v22, v6;
	v22 =	vmul.f32 v22, v7;
	[tilespmem:s14+$0x30] =	vst v10;
	v7 =	vmovc v17;
	v6 =	vmov v15  }
0x427: {  	v15 =	vld [tilespmem:s22+$0x40];
	[tilespmem:s25+$0x30] =	vst v11  }
0x428: {  	v17 =	vld [tilespmem:s13+$0xFFFFFFB0];
	[tilespmem:s14+$0xFFFFFFF0] =	vst v21  }
0x429: {  	v21 =	vmul.f32 v24, v19;
	v10 =	vmov v19;
	[tilespmem:s25+$0xFFFFFFF0] =	vst v22;
	v22 =	vld [tilespmem:s13+$0x70];
	s13 =	smov.u32 s22  }
0x42a: {  	s14 =	sadd.s32 $0x100, s14;
	v23 =	vmul.f32 v24, v18;
	v11 =	vmov v18;
	v19 =	vmul.f32 v20, v12;
	[tilespmem:s1+$0x70] =	vst v14;
	s1 =	smov.u32 s25  }
0x42b: {  	s25 =	sadd.s32 $0x100, s25;
	v14 =	vmul.f32 v16, v6;
	v16 =	vmul.f32 v16, v7;
	[tilespmem:s14+$0x0] =	vst v21  }
0x42c: {  	v18 =	vmul.f32 v20, v13;
	[tilespmem:s25+$0x0] =	vst v23;
	v20 =	vmul.f32 v15, v8  }
0x42d: {  	v15 =	vmul.f32 v15, v9;
	[tilespmem:s14+$0xFFFFFFC0] =	vst v14;
	v21 =	vld [tilespmem:s22+$0x10];
	v23 =	vmul.f32 v17, v4;
	v4 =	vmov v12  }
0x42e: {  	v24 =	vmul.f32 v17, v5;
	v5 =	vmovc v13;
	[tilespmem:s25+$0xFFFFFFC0] =	vst v16;
	v16 =	vmul.f32 v22, v2;
	v2 =	vmov v8  }
0x42f: {  	v14 =	vmul.f32 v22, v3;
	v3 =	vmov v9;
	[tilespmem:s14+$0xFFFFFF80] =	vst v19;
	v8 =	vld [tilespmem:s22+$0xFFFFFFD0]  }
0x430: {  	[tilespmem:s25+$0xFFFFFF80] =	vst v18  }
0x431: {  	s5 =	sadd.s32 $0x3, s4;
	v9 =	vld [tilespmem:s22+$0xFFFFFF90];
	[tilespmem:s14+$0x40] =	vst v20  }
0x432: {  	v12 =	vmov s5;
	v13 =	vmul.f32 v21, v10;
	[tilespmem:s25+$0x40] =	vst v15  }
0x433: {  	v15 =	vmov s4;
	v17 =	vmul.f32 v21, v11;
	v18 =	vld [tilespmem:s22+$0x50];
	[tilespmem:s2+$0xFFFFFFB0] =	vst v23  }
0x434: {  	s5 =	sadd.s32 $0x1, s4;
	v15 =	vand.u32 $0xFFFFFFFC, v15;
	v19 =	vmul.f32 v8, v6;
	v20 =	vmul.f32 v8, v7;
	[tilespmem:s14+$0x10] =	vst v13  }
0x435: {  	v13 =	vbroadcast v15, $0x0;
	v8 =	vmov s5;
	[tilespmem:s25+$0x10] =	vst v17  }
0x436: {  	v8 =	vand.u32 $0xFFFFFFFD, v8;
	v15 =	vmul.f32 v9, v4;
	v21 =	vmul.f32 v9, v5;
	[tilespmem:s14+$0xFFFFFFD0] =	vst v19;
	v22 =	vld [tilespmem:s22+$0x20]  }
0x437: {  	v17 =	vbroadcast v8, $0x0;
	v8 =	vld.idx.msk [tilespmem:v12+s18+$0x0], $0xffff;
	[tilespmem:s25+$0xFFFFFFD0] =	vst v20  }
0x438: {  	[tilespmem:s14+$0xFFFFFF90] =	vst v15;
	v23 =	vld [tilespmem:s22+$0xFFFFFFE0];
	v15 =	vmul.f32 v18, v2;
	v18 =	vmul.f32 v18, v3  }
0x439: {  	v9 =	vld.idx.msk [tilespmem:v12+s10+$0x0], $0xffff;
	[tilespmem:s25+$0xFFFFFF90] =	vst v21  }
.Ltmp8:
0x43a: {  	s5 =	sadd.s32 $0x2, s4;
	v19 =	vld [tilespmem:s22+$0xFFFFFFA0];
	[tilespmem:s14+$0x50] =	vst v15;
	(pc) =	sbr.rel @p1 .LBB2_15-.Ltmp8, $4  }
0x43b: {  	v15 =	vmov s5;
	v12 =	vld.idx.msk [tilespmem:v13+s18+$0x0], $0xffff;
	v25 =	vmul.f32 v22, v10;
	[tilespmem:s25+$0x50] =	vst v18  }
0x43c: {  	v15 =	vand.u32 $0xFFFFFFFE, v15;
	v26 =	vmul.f32 v22, v11;
	v20 =	vld [tilespmem:s22+$0x60];
	[tilespmem:s1+$0xFFFFFFB0] =	vst v24  }
0x43d: {  	v18 =	vbroadcast v15, $0x0;
	v13 =	vld.idx.msk [tilespmem:v13+s10+$0x0], $0xffff;
	v21 =	vmul.f32 v23, v6;
	[tilespmem:s14+$0x20] =	vst v25  }
0x43e: {  	s4 =	sadd.s32 $0x4, s4;
	v22 =	vmul.f32 v23, v7;
	v15 =	vld.idx.msk [tilespmem:v17+s18+$0x0], $0xffff;
	[tilespmem:s25+$0x20] =	vst v26  }
0x43f: {  	_ =	sdelay $0x1  }
0x440: {  	[tilespmem:s14+$0xFFFFFFE0] =	vst v21  }
0x441: {  	v62 =	vld [tilespmem:s22+$0x30];
	[tilespmem:s2+$0x70] =	vst v16  }
0x442: {  	v23 =	vmul.f32 v19, v4;
	s4 =	sadd.s32 $0x100, s22;
	v27 =	vld.idx.msk [tilespmem:v18+s18+$0x0], $0xffff;
	[tilespmem:s25+$0xFFFFFFE0] =	vst v22  }
0x443: {  	v63 =	vmul.f32 v19, v5;
	v26 =	vld [tilespmem:s4+$0x0];
	[tilespmem:s1+$0x70] =	vst v14  }
0x444: {  	v29 =	vld [tilespmem:s4+$0xFFFFFFC0];
	[tilespmem:s14+$0xFFFFFFA0] =	vst v23;
	v24 =	vmul.f32 v20, v2  }
0x445: {  	v28 =	vld.idx.msk [tilespmem:v18+s10+$0x0], $0xffff;
	v25 =	vmul.f32 v20, v3;
	[tilespmem:s25+$0xFFFFFFA0] =	vst v63  }
0x446: {  	v30 =	vld.idx.msk [tilespmem:v17+s10+$0x0], $0xffff;
	[tilespmem:s14+$0x60] =	vst v24;
	v10 =	vmul.f32 v62, v10  }
0x447: {  	v31 =	vld [tilespmem:s4+$0xFFFFFF80];
	[tilespmem:s25+$0x60] =	vst v25;
	v11 =	vmul.f32 v62, v11  }
0x448: {  	v33 =	vld [tilespmem:s4+$0x40];
	v32 =	vmul.f32 v26, v27;
	[tilespmem:s14+$0x30] =	vst v10  }
0x449: {  	s22 =	sadd.s32 $0x100, s14;
	v22 =	vld [tilespmem:s13+$0xFFFFFFF0];
	v35 =	vmul.f32 v29, v15;
	[tilespmem:s25+$0x30] =	vst v11  }
0x44a: {  	v34 =	vmul.f32 v26, v28;
	[tilespmem:s22+$0x0] =	vst v32  }
0x44b: {  	s5 =	sadd.s32 $0x100, s25;
	v16 =	vmul.f32 v29, v30;
	[tilespmem:s22+$0xFFFFFFC0] =	vst v35  }
0x44c: {  	v37 =	vmul.f32 v31, v12;
	[tilespmem:s5+$0x0] =	vst v34  }
0x44d: {  	v39 =	vmul.f32 v33, v8;
	[tilespmem:s5+$0xFFFFFFC0] =	vst v16;
	v38 =	vld [tilespmem:s4+$0x10]  }
0x44e: {  	v6 =	vmul.f32 v22, v6;
	[tilespmem:s22+$0xFFFFFF80] =	vst v37;
	v40 =	vld [tilespmem:s4+$0xFFFFFFD0]  }
0x44f: {  	v7 =	vmul.f32 v22, v7;
	[tilespmem:s22+$0x40] =	vst v39  }
0x450: {  	v11 =	vmul.f32 v31, v13;
	[tilespmem:s14+$0xFFFFFFF0] =	vst v6  }
0x451: {  	v36 =	vld [tilespmem:s13+$0xFFFFFFB0];
	[tilespmem:s25+$0xFFFFFFF0] =	vst v7;
	v7 =	vmul.f32 v33, v9  }
0x452: {  	[tilespmem:s5+$0xFFFFFF80] =	vst v11;
	v42 =	vmul.f32 v38, v27  }
0x453: {  	v11 =	vld [tilespmem:s4+$0xFFFFFF90];
	[tilespmem:s5+$0x40] =	vst v7;
	v45 =	vmul.f32 v40, v15  }
0x454: {  	v43 =	vmul.f32 v38, v28;
	[tilespmem:s22+$0x10] =	vst v42  }
0x455: {  	v44 =	vld [tilespmem:s4+$0x50];
	v46 =	vmul.f32 v40, v30;
	[tilespmem:s22+$0xFFFFFFD0] =	vst v45  }
0x456: {  	v41 =	vmul.f32 v36, v4;
	[tilespmem:s5+$0x10] =	vst v43  }
0x457: {  	v51 =	vmul.f32 v36, v5;
	[tilespmem:s5+$0xFFFFFFD0] =	vst v46;
	v48 =	vld [tilespmem:s4+$0x20]  }
0x458: {  	[tilespmem:s14+$0xFFFFFFB0] =	vst v41;
	v47 =	vmul.f32 v11, v12;
	v49 =	vld [tilespmem:s4+$0xFFFFFFE0]  }
0x459: {  	[tilespmem:s25+$0xFFFFFFB0] =	vst v51;
	v11 =	vmul.f32 v11, v13  }
0x45a: {  	[tilespmem:s22+$0xFFFFFF90] =	vst v47;
	v50 =	vmul.f32 v44, v8  }
0x45b: {  	v55 =	vld [tilespmem:s13+$0x70];
	v14 =	vmul.f32 v44, v9;
	[tilespmem:s5+$0xFFFFFF90] =	vst v11  }
0x45c: {  	v52 =	vld [tilespmem:s4+$0xFFFFFFA0];
	[tilespmem:s22+$0x50] =	vst v50;
	v53 =	vmul.f32 v48, v27  }
0x45d: {  	[tilespmem:s5+$0x50] =	vst v14;
	v54 =	vmul.f32 v49, v15  }
0x45e: {  	v14 =	vld [tilespmem:s4+$0x60];
	v4 =	vmul.f32 v48, v28;
	[tilespmem:s22+$0x20] =	vst v53  }
0x45f: {  	v7 =	vmul.f32 v49, v30;
	[tilespmem:s22+$0xFFFFFFE0] =	vst v54  }
0x460: {  	v2 =	vmul.f32 v55, v2;
	[tilespmem:s5+$0x20] =	vst v4  }
0x461: {  	v56 =	vmul.f32 v52, v12;
	[tilespmem:s5+$0xFFFFFFE0] =	vst v7;
	v57 =	vld [tilespmem:s4+$0x30]  }
0x462: {  	[tilespmem:s14+$0x70] =	vst v2;
	v6 =	vmul.f32 v52, v13;
	v58 =	vld [tilespmem:s4+$0xFFFFFFF0]  }
0x463: {  	[tilespmem:s22+$0xFFFFFFA0] =	vst v56;
	v59 =	vmul.f32 v14, v8  }
0x464: {  	v14 =	vmul.f32 v14, v9;
	[tilespmem:s5+$0xFFFFFFA0] =	vst v6  }
0x465: {  	v3 =	vmul.f32 v55, v3;
	[tilespmem:s22+$0x60] =	vst v59;
	v61 =	vld [tilespmem:s4+$0xFFFFFFB0]  }
0x466: {  	[tilespmem:s5+$0x60] =	vst v14;
	v60 =	vmul.f32 v57, v27  }
0x467: {  	[tilespmem:s25+$0x70] =	vst v3;
	v62 =	vld [tilespmem:s4+$0x70];
	v2 =	vmul.f32 v58, v15  }
0x468: {  	v5 =	vmul.f32 v57, v28;
	[tilespmem:s22+$0x30] =	vst v60  }
0x469: {  	v4 =	vmul.f32 v58, v30;
	[tilespmem:s22+$0xFFFFFFF0] =	vst v2  }
0x46a: {  	v2 =	vmul.f32 v61, v12;
	[tilespmem:s5+$0x30] =	vst v5  }
0x46b: {  	v3 =	vmul.f32 v61, v13;
	[tilespmem:s5+$0xFFFFFFF0] =	vst v4  }
0x46c: {  	v63 =	vmul.f32 v62, v8;
	[tilespmem:s22+$0xFFFFFFB0] =	vst v2  }
0x46d: {  	v2 =	vmul.f32 v62, v9;
	[tilespmem:s5+$0xFFFFFFB0] =	vst v3  }
.Ltmp9:
0x46e: {  	[tilespmem:s22+$0x70] =	vst v63;
	(pc) =	sbr.rel @p0 .LBB2_18-.Ltmp9, $4  }
0x46f: {  	s13 =	rddreg [dreg:$0x3];
	s14 =	simm.s32 $0x5680;
	[tilespmem:s5+$0x70] =	vst v2  }
0x470: {  	[spmem:s13] =	stream.indirect.scatter.add.f32 [tilespmem:s14], [sflag:$0xA], $0x40, s20, s31, $0xb8;
	[tilespmem:$0x1EA00] =	vst v63  }
0x471: {  	s25 =	simm.s32 $0x7680;
	s22 =	rddreg [dreg:$0x4]  }
0x472: {  	[spmem:s22] =	stream.indirect.scatter.add.f32 [tilespmem:s25], [sflag:$0xA], $0x40, s20, s31, $0xb8;
	[tilespmem:$0x1EA00] =	vst v63  }
0x473: {  	s1 =	sld [smem:$0x7FA];
	_ =	sdelay $0x2  }
0x474: {  	s1 =	sadd.s32 s29, s1  }
0x475: {  	s2 =	rddreg [dreg:$0x1];
	s1 =	sshll.u32 s1, $0x3  }
0x476: {  	s4 =	simm.s32 $0xC0;
	s2 =	sadd.s32 s2, s1  }
0x477: {  	[tilespmem:s4], [sflag:$0x4] =	stream.linear.gather [hbm4b:s2+s6], $0x40, $0x38;
	[tilespmem:$0x1EA00] =	vst v63  }
.Ltmp10:
0x478: {  	s22 =	rddreg [dreg:$0x2];
	(pc) =	sbr.rel .LBB2_4-.Ltmp10, $4  }
0x479: {  	s25 =	simm.s32 $0x1C0;
	s2 =	sadd.s32 s22, s1  }
0x47a: {  	[tilespmem:s25], [sflag:$0x4] =	stream.linear.gather [hbm4b:s2+s6], $0x40, $0x38;
	[tilespmem:$0x1EA00] =	vst v63  }
0x47b: {  	s30 =	sadd.s32 $0x1, s30;
	s29 =	simm.s32 $0x2C0;
	s1 =	sadd.s32 s8, s1  }
0x47c: {  	[tilespmem:s29], [sflag:$0x4] =	stream.linear.gather [hbm4b:s1+s6], $0x40, $0x38;
	[tilespmem:$0x1EA00] =	vst v63  }
.LBB2_19:
0x47d: {  	_ =	sfence.sel $0x180000  }
0x47e: {  	[bflag:$0x0] =	sbarrier.arrive $0xFFFF  }
0x47f: {  	_ =	strace $0x9000004A  }
0x480: {  	s0 =	stileid.u32;
	[bflag:$0x2] =	sbarrier.arrive $0xFFFF  }
0x481: {  	p0 =	sne.s32 s0, $0x0;
	s0 =	rddreg [dreg:$0x5]  }
0x482: {  	s0 =	sadd.s32 @!p0 $0x100000, s0  }
0x483: {  	[sflag:s0] =	ssyncadd.tile.s32 @!p0 $0x1;
	_ =	shalt  }
.Lfunc_end2:
_tile_overlayer_lowered:
.L_overlay_start_2:
0x484: {  	(tag) =	ssettag $0x2  }
0x485: {  	s0 =	rddreg [dreg:$0x0];
	s2 =	stileid.u32  }
0x486: {  	s1 =	rddreg [dreg:$0x1];
	p0 =	sne.s32 s2, $0x0  }
0x487: {  	s3 =	rddreg [dreg:$0x2];
	[bflag:$0x3] =	sbarrier.arrive $0xFFFF;
	s2 =	simm.s32 @!p0 $0x1C0B  }
0x488: {  	[timem:s3], [sflag:s2] =	dma.local @!p0 [hbm:s0], s1  }
0x489: {  	s0 =	simm.s32 @!p0 $0xB  }
0x48a: {  	_ =	swait.ge @!p0 [sflag:s0], s1  }
0x48b: {  	s1 =	ssub.s32 @!p0 $0x0, s1;
	[sflag:s0] =	ssyncset.done @!p0 $0x0  }
0x48c: {  	[sflag:s0] =	ssyncadd.s32 @!p0 s1  }
0x48d: {  	[bflag:$0x3] =	sbarrier.arrive $0xFFFF  }
0x48e: {  	_ =	shalt  }

// kernel: kernel.7.cloned.1.call-start
scs
__scs_entry_jumppad:
0x0: {  	(pc) =	sbr.rel $0x88, $3  }
0x1: {  	(tag) =	ssettag $0x0;
	lr =	simm.s32 $0x1  }
0x2: {  	[smem:$0x3F96] =	sst lr;
	_ =	strace $0xD0000000  }
0x3: {  	_ = 	snop  }
0x4: {  	_ = 	snop  }
0x5: {  	_ = 	snop  }
0x6: {  	_ = 	snop  }
0x7: {  	_ = 	snop  }
__scs_overlays_trampoline_lowered:
0x8: {  	[smem:$0x3FA5] =	sst s0  }
0x9: {  	[smem:$0x3FA6] =	sst s1  }
0xa: {  	[smem:$0x3FA7] =	sst s2  }
0xb: {  	[smem:$0x3FA8] =	sst s3  }
0xc: {  	[smem:$0x3FA9] =	sst s4  }
0xd: {  	[smem:$0x3FAA] =	sst s5  }
0xe: {  	[smem:$0x3FAB] =	sst s6  }
0xf: {  	[smem:$0x3FAC] =	sst s7  }
0x10: {  	[smem:$0x3FAD] =	sst s8  }
0x11: {  	[smem:$0x3FAE] =	sst s9;
	s0 =	simm.s32 @!p0 $0x0  }
0x12: {  	s1 =	sld [smem:$0x3F94];
	s0 =	simm.s32 @p0 $0x1  }
0x13: {  	[smem:$0x3FAF] =	sst s0;
	s0 =	simm.s32 @!p1 $0x0  }
0x14: {  	s2 =	sld [smem:$0x3F93];
	s0 =	simm.s32 @p1 $0x1  }
0x15: {  	[smem:$0x3FB0] =	sst s0;
	s0 =	simm.s32 @!p2 $0x0  }
0x16: {  	s3 =	sld [smem:$0x3FDB];
	s0 =	simm.s32 @p2 $0x1  }
0x17: {  	s4 =	simm.s32 $0x1BF5;
	[smem:$0x3FB2] =	sst s0  }
0x18: {  	s0 =	sld [smem:$0x3F95];
	_ =	swait.ge [sflag:s4], $0x0  }
0x19: {  	s7 =	sld [smem:$0x3F96]  }
0x1a: {  	s8 =	sadd.s32 $0xFFFFE003, lr  }
0x1b: {  	s9 =	sadd.s32 $0xFFFFFEF7, lr;
	s5 =	simm.s32 $0xFFFFFFFF;
	p2 =	slt.u32 s8, $0xFFFFF086  }
0x1c: {  	p1 =	slt.u32 s9, $0xF7A;
	s5 =	simm.s32 @!p2 $0x0  }
0x1d: {  	s5 =	simm.s32 @p1 $0x1;
	p0 =	seq.s32 s7, s2  }
0x1e: {  	s7 =	smul.u32 @!p0 $0xF7A, s2;
	p2 =	seq.s32 @!p0 s5, $0x0  }
0x1f: {  	s9 =	smul.u32 $0xF7A, s1;
	s8 =	simm.s32 @!p0 $0x1BF5;
	p2 =	por !p2, p0  }
0x20: {  	[sflag:s8] =	ssyncset.s32 @!p0 $0xFFFFF086;
	s6 =	sadd.s32 @!p0 s3, s7;
	s7 =	simm.s32 @!p0 $0x108  }
0x21: {  	s3 =	sadd.s32 s3, s9;
	s6 =	sadd.s32 @!p0 $0x88, s6;
	s7 =	simm.s32 @p2 $0x1082  }
0x22: {  	[simem:s7], [sflag:s8] =	dma.local @!p0 [hbm:s6], $0xF7A  }
0x23: {  	s9 =	sor.u32 $0xD0000000, s2;
	s6 =	simm.s32 $0x108;
	_ =	swait.ge @!p0 [sflag:s8], $0x0  }
0x24: {  	s3 =	sadd.s32 $0x88, s3;
	s6 =	simm.s32 @!p1 $0x1082;
	[sflag:s4] =	ssyncset.s32 $0xFFFFF086  }
0x25: {  	[simem:s6], [sflag:s4] =	dma.local [hbm:s3], $0xF7A  }
0x26: {  	[smem:$0x3F96] =	sst s1;
	(tag) =	ssettag s2;
	_ =	strace s9  }
0x27: {  	s1 =	sld [smem:$0x3FA6]  }
0x28: {  	s2 =	sld [smem:$0x3FA7]  }
0x29: {  	s4 =	sld [smem:$0x3FA9]  }
0x2a: {  	p0 =	seq.s32 s5, $0x0;
	s5 =	sld [smem:$0x3FAA]  }
0x2b: {  	s6 =	sld [smem:$0x3FAB]  }
0x2c: {  	s7 =	sld [smem:$0x3FAC]  }
0x2d: {  	s3 =	simm.s32 $0x108;
	s8 =	sld [smem:$0x3FAD]  }
0x2e: {  	s3 =	simm.s32 @!p0 $0x1082;
	s9 =	sld [smem:$0x3FAE]  }
0x2f: {  	lr =	sadd.s32 s0, s3;
	s0 =	sld [smem:$0x3FA5]  }
0x30: {  	s3 =	sld [smem:$0x3FA8]  }
0x31: {  	[smem:$0x3FB1] =	sst s10  }
0x32: {  	s10 =	sld [smem:$0x3FAF];
	_ =	sdelay $0x3  }
0x33: {  	p0 =	seq.s32 s10, $0x1;
	s10 =	sld [smem:$0x3FB1];
	_ =	sdelay $0x3  }
0x34: {  	[smem:$0x3FB1] =	sst s10  }
0x35: {  	s10 =	sld [smem:$0x3FB0];
	_ =	sdelay $0x3  }
0x36: {  	p1 =	seq.s32 s10, $0x1;
	s10 =	sld [smem:$0x3FB1];
	_ =	sdelay $0x3  }
0x37: {  	[smem:$0x3FB1] =	sst s10  }
0x38: {  	s10 =	sld [smem:$0x3FB2]  }
0x39: {  	_ = 	snop;
	(pc) =	sbr.ind lr, $3  }
0x3a: {  	_ = 	snop  }
0x3b: {  	_ = 	snop  }
0x3c: {  	p2 =	seq.s32 s10, $0x1;
	s10 =	sld [smem:$0x3FB1]  }
0x3d: {  	_ =	shalt  }
0x3e: {  	_ =	shalt  }
0x3f: {  	_ =	shalt  }
0x40: {  	_ =	shalt  }
0x41: {  	_ =	shalt  }
0x42: {  	_ =	shalt  }
0x43: {  	_ =	shalt  }
0x44: {  	_ =	shalt  }
0x45: {  	_ =	shalt  }
0x46: {  	_ =	shalt  }
0x47: {  	_ =	shalt  }
0x48: {  	_ =	shalt  }
0x49: {  	_ =	shalt  }
0x4a: {  	_ =	shalt  }
0x4b: {  	_ =	shalt  }
0x4c: {  	_ =	shalt  }
0x4d: {  	_ =	shalt  }
0x4e: {  	_ =	shalt  }
0x4f: {  	_ =	shalt  }
0x50: {  	_ =	shalt  }
0x51: {  	_ =	shalt  }
0x52: {  	_ =	shalt  }
0x53: {  	_ =	shalt  }
0x54: {  	_ =	shalt  }
0x55: {  	_ =	shalt  }
0x56: {  	_ =	shalt  }
0x57: {  	_ =	shalt  }
0x58: {  	_ =	shalt  }
0x59: {  	_ =	shalt  }
0x5a: {  	_ =	shalt  }
0x5b: {  	_ =	shalt  }
0x5c: {  	_ =	shalt  }
0x5d: {  	_ =	shalt  }
0x5e: {  	_ =	shalt  }
0x5f: {  	_ =	shalt  }
0x60: {  	_ =	shalt  }
0x61: {  	_ =	shalt  }
0x62: {  	_ =	shalt  }
0x63: {  	_ =	shalt  }
0x64: {  	_ =	shalt  }
0x65: {  	_ =	shalt  }
0x66: {  	_ =	shalt  }
0x67: {  	_ =	shalt  }
0x68: {  	_ =	shalt  }
0x69: {  	_ =	shalt  }
0x6a: {  	_ =	shalt  }
0x6b: {  	_ =	shalt  }
0x6c: {  	_ =	shalt  }
0x6d: {  	_ =	shalt  }
0x6e: {  	_ =	shalt  }
0x6f: {  	_ =	shalt  }
0x70: {  	_ =	shalt  }
0x71: {  	_ =	shalt  }
0x72: {  	_ =	shalt  }
0x73: {  	_ =	shalt  }
0x74: {  	_ =	shalt  }
0x75: {  	_ =	shalt  }
0x76: {  	_ =	shalt  }
0x77: {  	_ =	shalt  }
0x78: {  	_ =	shalt  }
0x79: {  	_ =	shalt  }
0x7a: {  	_ =	shalt  }
0x7b: {  	_ =	shalt  }
0x7c: {  	_ =	shalt  }
0x7d: {  	_ =	shalt  }
0x7e: {  	_ =	shalt  }
0x7f: {  	_ =	shalt  }
0x80: {  	_ =	shalt  }
0x81: {  	_ =	shalt  }
0x82: {  	_ =	shalt  }
0x83: {  	_ =	shalt  }
0x84: {  	_ =	shalt  }
0x85: {  	_ =	shalt  }
0x86: {  	_ =	shalt  }
0x87: {  	_ =	shalt  }
.Lfunc_end0:
.L_simem_size_0:
called_computation_lowered:
.L_overlay_start_0:
0x88: {  	s2 =	sld [smem:$0x3FD9]  }
0x89: {  	s3 =	sld [smem:$0x3FFE];
	_ =	sdelay $0x1  }
0x8a: {  	s1 =	srdreg.scid  }
0x8b: {  	s0 =	sand.u32 $0x1, s1  }
0x8c: {  	s14 =	sshll.u32 s0, $0xA;
	s2 =	sadd.s32 s3, s2  }
0x8d: {  	s2 =	sadd.s32 s2, s14  }
0x8e: {  	[smem:$0x3FBD] =	sst s2  }
0x8f: {  	_ = 	snop  }
0x90: {  	s2 =	sld [smem:$0x3FD0];
	_ =	sdelay $0x2  }
0x91: {  	s15 =	simm.s32 $0xA;
	s4 =	simm.s32 $0x10  }
0x92: {  	[smem:s4], [sflag:s15] =	dma.local [hbm:s2], $0x1  }
0x93: {  	_ =	swait.eq [sflag:s15], $0x1  }
0x94: {  	[sflag:s15] =	ssyncset.done $0x0  }
0x95: {  	[sflag:s15] =	ssyncadd.s32 $0xFFFFFFFF  }
0x96: {  	s16 =	sld [smem:$0x10];
	(tm) =	ssettm $0x1  }
0x97: {  	s17 =	sld [smem:$0x3FFB];
	_ =	sdelay $0x3  }
0x98: {  	_ =	strace s17  }
0x99: {  	s3 =	sld [smem:$0x3FFC];
	_ =	sdelay $0x3  }
0x9a: {  	_ =	strace s3  }
0x9b: {  	s3 =	sld [smem:$0x3FFD];
	_ =	sdelay $0x3  }
0x9c: {  	_ =	strace s3  }
0x9d: {  	_ =	strace $0x8FFFFFFF  }
0x9e: {  	s18 =	sld [smem:$0x3FDB];
	_ =	sdelay $0x1  }
0x9f: {  	s19 =	simm.s32 $_scs_section_size  }
0xa0: {  	s5 =	simm.s32 $_size__tile_overlayer_lowered;
	s6 =	simm.s32 $_tile_overlayer_lowered  }
0xa1: {  	s22 =	simm.s32 $0x1BFF;
	s21 =	sshll.u32 s6, $0x1;
	s3 =	sadd.s32 s19, s18  }
0xa2: {  	s7 =	simm.s32 $0x0;
	s20 =	sshll.u32 s5, $0x1;
	s5 =	sadd.s32 s21, s3  }
0xa3: {  	[timem:s7], [sflag:s22] =	dma.local [hbm:s5], s20  }
0xa4: {  	_ =	swait.ge [sflag:s22], s20  }
0xa5: {  	s4 =	ssub.s32 $0x0, s20;
	[sflag:s22] =	ssyncset.done $0x0  }
0xa6: {  	[sflag:s22] =	ssyncadd.s32 s4;
	_ =	sdelay $0x1  }
0xa7: {  	s23 =	simm.s32 $0x1B8B  }
0xa8: {  	_ =	swait.ge [sflag:s23], $0x1  }
0xa9: {  	[sflag:s23] =	ssyncset.done $0x0  }
0xaa: {  	s25 =	simm.s32 $0x1B8E;
	s24 =	sld [smem:$0x3FFE];
	[sflag:s23] =	ssyncadd.s32 $0xFFFFFFFF  }
0xab: {  	s26 =	simm.s32 $execute0_lowered;
	[smem:$0x3FD2] =	sst s25  }
0xac: {  	s5 =	sshll.u32 s26, $0x1;
	_ =	strace $0x80000046;
	[dreg:$0x1] =	wrdreg $0xFFFFFFFF  }
0xad: {  	s28 =	simm.s32 $_size_execute0_lowered;
	s3 =	sadd.s32 s3, s5;
	[dreg:$0x0] =	wrdreg $0x0  }
0xae: {  	s5 =	sshll.u32 s28, $0x1;
	[dreg:$0x2] =	wrdreg s3  }
0xaf: {  	[dreg:$0x3] =	wrdreg s5  }
0xb0: {  	[dreg:$0x4] =	wrdreg $0xC0  }
0xb1: {  	_ =	task [dreg:s7], $0x5FFFF  }
0xb2: {  	[dreg:$0x1] =	wrdreg $0xFFFFFFFF  }
0xb3: {  	[dreg:$0x0] =	wrdreg $0x60  }
0xb4: {  	[dreg:$0x2] =	wrdreg s16  }
0xb5: {  	[dreg:$0x3] =	wrdreg s24  }
0xb6: {  	[dreg:$0x4] =	wrdreg $0x1400  }
0xb7: {  	[dreg:$0x5] =	wrdreg $0x3B80  }
0xb8: {  	[dreg:$0x6] =	wrdreg $0x9  }
0xb9: {  	_ =	task.clear_ibuf [dreg:s7], $0x7FFFF;
	_ =	strace $0x90000046  }
0xba: {  	s29 =	simm.s32 $0x9;
	_ =	strace $0x80000048  }
0xbb: {  	_ =	swait.ge [sflag:s29], $0x1  }
0xbc: {  	[sflag:s29] =	ssyncadd.s32 $0xFFFFFFFF  }
0xbd: {  	_ =	strace $0x90000048  }
0xbe: {  	_ =	sfence  }
0xbf: {  	s30 =	sld [smem:$0x0];
	_ =	sdelay $0x2  }
0xc0: {  	s31 =	sshll.u32 s1, $0xD;
	s1 =	sshrl.u32 s1, $0x2  }
0xc1: {  	s3 =	sand.u32 $0x4000, s31;
	s1 =	sadd.s32 s1, s30  }
0xc2: {  	s0 =	sor.u32 s3, s0;
	s1 =	sshll.u32 s1, $0x11  }
0xc3: {  	s0 =	sor.u32 s1, s0  }
0xc4: {  	s0 =	sadd.s32 $0x8F2B, s0  }
0xc5: {  	[sflag:s0] =	ssyncadd.remote.s32 $0x1  }
0xc6: {  	_ =	sfence.sel $0xFFFF  }
0xc7: {  	[dreg:$0x0] =	wrdreg $0xFFFFFFFF;
	(pc) =	sbr.abs _section_cstart, $3  }
0xc8: {  	[dreg:$0x1] =	wrdreg $0xFFFFFFFF  }
0xc9: {  	_ =	task.clear_ibuf [dreg:s7], $0x2FFFF;
	_ =	strace $0x9FFFFFFF  }
0xca: {  	(tm) =	ssettm $0x7FFFFFFF  }
0xcb: {  	_ =	shalt  }
tec
execute0_lowered:
.L_overlay_start_1:
0x0: {  	(tag) =	ssettag $0x1  }
0x1: {  	s16 =	rddreg [dreg:$0x0]  }
0x2: {  	s7 =	rddreg [dreg:$0x1]  }
0x3: {  	s1 =	rddreg [dreg:$0x2]  }
0x4: {  	s2 =	rddreg [dreg:$0x3]  }
0x5: {  	s0 =	rddreg [dreg:$0x4];
	s5 =	srdreg.scid  }
0x6: {  	s3 =	stileid.u32;
	s4 =	simm.s32 $0x0;
	s20 =	simm.s32 $0x80  }
0x7: {  	s21 =	simm.s32 $0x40;
	s22 =	simm.s32 $0xC0;
	s23 =	simm.s32 $0x1  }
0x8: {  	s28 =	simm.s32 $0x0;
	s8 =	sand.u32 $0x1, s5;
	s13 =	smul.u32 $0x278, s3  }
0x9: {  	[smem:$0x7FF] =	sst s4;
	s17 =	sadd.s32 $0x3200, s7;
	s18 =	smul.u32 $0xA0, s3  }
0xa: {  	s5 =	sadd.s32 $0xD800, s7;
	p0 =	sne.s32 s3, $0x0;
	s6 =	smul.u32 $0x2780, s8  }
0xb: {  	_ =	strace $0x80000047;
	s9 =	sshll.u32 s8, $0x4;
	s11 =	ssub.s32 $0x2, s8  }
0xc: {  	s15 =	smul.u32 $0xA00, s8;
	s9 =	sor.u32 s3, s9;
	s26 =	sshrl.u32 s11, $0x1  }
0xd: {  	s24 =	sadd.s32 s13, s1;
	s25 =	sadd.s32 s13, s2;
	s6 =	sadd.s32 s13, s6  }
0xe: {  	s9 =	smul.u32 $0x500, s9;
	s14 =	ssub.s32 s11, s26;
	s15 =	sadd.s32 s18, s15  }
0xf: {  	s18 =	simm.s32 $0x100;
	s24 =	sshrl.u32 s24, $0x3;
	s25 =	sshrl.u32 s25, $0x3  }
0x10: {  	s26 =	simm.s32 $0x2;
	s10 =	sshrl.u32 s6, $0x3;
	s6 =	sadd.s32 $0xD200, s7  }
0x11: {  	s13 =	smax.u32 s14, $0x1;
	s30 =	sshll.u32 s15, $0x3;
	s12 =	sadd.s32 s10, s7  }
0x12: {  	s7 =	sadd.s32 s16, s9;
	s8 =	sadd.s32 s17, s9;
	s29 =	sor.u32 $0x8, s9  }
0x13: {  	s15 =	sadd.s32 s30, s16;
	s31 =	sadd.s32 s30, s17;
	s19 =	sor.u32 $0x10, s30  }
0x14: {  	s9 =	sadd.s32 s16, s29;
	s10 =	sadd.s32 s17, s29;
	s11 =	sadd.s32 $0xDA00, s12  }
0x15: {  	s12 =	sadd.s32 $0xE400, s12;
	s14 =	sadd.s32 $0x18, s15;
	s15 =	sadd.s32 $0x18, s31  }
0x16: {  	s16 =	sadd.s32 s19, s16;
	s17 =	sadd.s32 s19, s17;
	s19 =	simm.s32 $0x3  }
.LBB2_1:
0x17: {  	[tilespmem:s18], [sflag:$0x3] =	stream.linear.gather [hbm4b:s5+s4], $0x40, $0x38;
	[tilespmem:$0x630] =	vst v63  }
0x18: {  	_ =	swait.ge [sflag:s19], $0x40  }
0x19: {  	[sflag:s19] =	ssyncset.done $0x0  }
0x1a: {  	s29 =	sshrl.u32 @!p0 s1, $0x3;
	s30 =	simm.s32 @!p0 $0x1C03;
	[sflag:s19] =	ssyncadd.s32 $0xFFFFFFC0  }
0x1b: {  	[spmem:s29], [sflag:s30] =	dma.local @!p0 [hbm:s6], $0x4F0  }
0x1c: {  	s29 =	simm.s32 @!p0 $0x3  }
0x1d: {  	_ =	swait.ge @!p0 [sflag:s29], $0x4F0  }
0x1e: {  	[sflag:s29] =	ssyncset.done @!p0 $0x0  }
0x1f: {  	s31 =	sshrl.u32 @!p0 s2, $0x3;
	[sflag:s29] =	ssyncadd.s32 @!p0 $0xFFFFFB10  }
0x20: {  	[spmem:s31], [sflag:s30] =	dma.local @!p0 [hbm:s6], $0x4F0  }
0x21: {  	_ =	swait.ge @!p0 [sflag:s29], $0x4F0  }
0x22: {  	[sflag:s29] =	ssyncset.done @!p0 $0x0  }
0x23: {  	[sflag:s29] =	ssyncadd.s32 @!p0 $0xFFFFFB10  }
0x24: {  	[bflag:$0x0] =	sbarrier.arrive $0xFFFF  }
0x25: {  	[tilespmem:s4], [sflag:$0x1] =	stream.linear.gather [hbm4b:s7+s4], $0x40, $0x38;
	[tilespmem:$0x630] =	vst v63  }
0x26: {  	_ = 	snop  }
0x27: {  	[tilespmem:s20], [sflag:$0x1] =	stream.linear.gather [hbm4b:s8+s4], $0x40, $0x38;
	[tilespmem:$0x630] =	vst v63  }
0x28: {  	_ = 	snop  }
0x29: {  	[tilespmem:s21], [sflag:$0x2] =	stream.linear.gather [hbm4b:s9+s4], $0x40, $0x38;
	[tilespmem:$0x630] =	vst v63  }
0x2a: {  	_ = 	snop  }
0x2b: {  	[tilespmem:s22], [sflag:$0x2] =	stream.linear.gather [hbm4b:s10+s4], $0x40, $0x38;
	[tilespmem:$0x630] =	vst v63  }
0x2c: {  	_ =	swait.ge [sflag:s23], $0x40  }
0x2d: {  	[sflag:s23] =	ssyncset.done $0x0  }
0x2e: {  	[sflag:s23] =	ssyncadd.s32 $0xFFFFFFC0  }
0x2f: {  	_ =	swait.ge [sflag:s23], $0x40  }
0x30: {  	[sflag:s23] =	ssyncset.done $0x0  }
0x31: {  	[sflag:s23] =	ssyncadd.s32 $0xFFFFFFC0  }
0x32: {  	[spmem:s1] =	stream.indirect.scatter.add.f32 [tilespmem:s20], [sflag:$0x3], $0x1, s4, s21, $0xb8;
	[tilespmem:$0x630] =	vst v63  }
0x33: {  	_ =	swait.ge [sflag:s19], $0x40  }
0x34: {  	[sflag:s19] =	ssyncset.done $0x0  }
0x35: {  	[sflag:s19] =	ssyncadd.s32 $0xFFFFFFC0  }
0x36: {  	[spmem:s2] =	stream.indirect.scatter.add.f32 [tilespmem:s18], [sflag:$0x3], $0x1, s4, s21, $0xb8;
	[tilespmem:$0x630] =	vst v63  }
0x37: {  	_ =	swait.ge [sflag:s19], $0x40  }
0x38: {  	[sflag:s19] =	ssyncset.done $0x0  }
0x39: {  	s29 =	sadd.s32 $0x0, s16;
	[sflag:s19] =	ssyncadd.s32 $0xFFFFFFC0  }
0x3a: {  	[tilespmem:s4], [sflag:$0x1] =	stream.linear.gather [hbm4b:s29+s4], $0x40, $0x38;
	[tilespmem:$0x630] =	vst v63  }
0x3b: {  	s29 =	sadd.s32 $0x0, s17  }
0x3c: {  	[tilespmem:s20], [sflag:$0x1] =	stream.linear.gather [hbm4b:s29+s4], $0x40, $0x38;
	[tilespmem:$0x630] =	vst v63  }
0x3d: {  	_ =	swait.ge [sflag:s26], $0x40  }
0x3e: {  	[sflag:s26] =	ssyncset.done $0x0  }
0x3f: {  	[sflag:s26] =	ssyncadd.s32 $0xFFFFFFC0  }
0x40: {  	_ =	swait.ge [sflag:s26], $0x40  }
0x41: {  	[sflag:s26] =	ssyncset.done $0x0  }
0x42: {  	[sflag:s26] =	ssyncadd.s32 $0xFFFFFFC0  }
0x43: {  	[spmem:s1] =	stream.indirect.scatter.add.f32 [tilespmem:s22], [sflag:$0x3], $0x1, s21, s21, $0xb8;
	[tilespmem:$0x630] =	vst v63  }
0x44: {  	_ =	swait.ge [sflag:s19], $0x40  }
0x45: {  	[sflag:s19] =	ssyncset.done $0x0  }
0x46: {  	[sflag:s19] =	ssyncadd.s32 $0xFFFFFFC0  }
0x47: {  	[spmem:s2] =	stream.indirect.scatter.add.f32 [tilespmem:s18], [sflag:$0x3], $0x1, s21, s21, $0xb8;
	[tilespmem:$0x630] =	vst v63  }
0x48: {  	_ =	swait.ge [sflag:s19], $0x40  }
0x49: {  	[sflag:s19] =	ssyncset.done $0x0  }
0x4a: {  	s29 =	sadd.s32 $0x0, s14;
	[sflag:s19] =	ssyncadd.s32 $0xFFFFFFC0  }
0x4b: {  	[tilespmem:s21], [sflag:$0x2] =	stream.linear.gather [hbm4b:s29+s4], $0x40, $0x38;
	[tilespmem:$0x630] =	vst v63  }
0x4c: {  	s30 =	sadd.s32 $0x0, s15;
	s29 =	simm.s32 $0x10  }
.LBB2_2:
0x4d: {  	[tilespmem:s22], [sflag:$0x2] =	stream.linear.gather [hbm4b:s30+s4], $0x40, $0x38;
	[tilespmem:$0x630] =	vst v63  }
0x4e: {  	s30 =	smov.u32 s29  }
0x4f: {  	p1 =	sne.s32 s29, $0x4E0;
	s29 =	sadd.s32 $0x10, s29;
	_ =	swait.ge [sflag:s23], $0x40  }
0x50: {  	[sflag:s23] =	ssyncset.done $0x0  }
0x51: {  	[sflag:s23] =	ssyncadd.s32 $0xFFFFFFC0  }
0x52: {  	_ =	swait.ge [sflag:s23], $0x40  }
0x53: {  	[sflag:s23] =	ssyncset.done $0x0  }
0x54: {  	[sflag:s23] =	ssyncadd.s32 $0xFFFFFFC0  }
0x55: {  	[spmem:s1] =	stream.indirect.scatter.add.f32 [tilespmem:s20], [sflag:$0x3], $0x1, s4, s21, $0xb8;
	[tilespmem:$0x630] =	vst v63  }
0x56: {  	_ =	swait.ge [sflag:s19], $0x40  }
0x57: {  	[sflag:s19] =	ssyncset.done $0x0  }
0x58: {  	[sflag:s19] =	ssyncadd.s32 $0xFFFFFFC0  }
0x59: {  	[spmem:s2] =	stream.indirect.scatter.add.f32 [tilespmem:s18], [sflag:$0x3], $0x1, s4, s21, $0xb8;
	[tilespmem:$0x630] =	vst v63  }
0x5a: {  	_ =	swait.ge [sflag:s19], $0x40  }
0x5b: {  	[sflag:s19] =	ssyncset.done $0x0  }
0x5c: {  	s31 =	sadd.s32 s30, s16;
	[sflag:s19] =	ssyncadd.s32 $0xFFFFFFC0  }
0x5d: {  	[tilespmem:s4], [sflag:$0x1] =	stream.linear.gather [hbm4b:s31+s4], $0x40, $0x38;
	[tilespmem:$0x630] =	vst v63  }
0x5e: {  	s31 =	sadd.s32 s30, s17  }
0x5f: {  	[tilespmem:s20], [sflag:$0x1] =	stream.linear.gather [hbm4b:s31+s4], $0x40, $0x38;
	[tilespmem:$0x630] =	vst v63  }
0x60: {  	_ =	swait.ge [sflag:s26], $0x40  }
0x61: {  	[sflag:s26] =	ssyncset.done $0x0  }
0x62: {  	[sflag:s26] =	ssyncadd.s32 $0xFFFFFFC0  }
0x63: {  	_ =	swait.ge [sflag:s26], $0x40  }
0x64: {  	[sflag:s26] =	ssyncset.done $0x0  }
0x65: {  	[sflag:s26] =	ssyncadd.s32 $0xFFFFFFC0  }
0x66: {  	[spmem:s1] =	stream.indirect.scatter.add.f32 [tilespmem:s22], [sflag:$0x3], $0x1, s21, s21, $0xb8;
	[tilespmem:$0x630] =	vst v63  }
0x67: {  	_ =	swait.ge [sflag:s19], $0x40  }
0x68: {  	[sflag:s19] =	ssyncset.done $0x0  }
0x69: {  	[sflag:s19] =	ssyncadd.s32 $0xFFFFFFC0  }
0x6a: {  	[spmem:s2] =	stream.indirect.scatter.add.f32 [tilespmem:s18], [sflag:$0x3], $0x1, s21, s21, $0xb8;
	[tilespmem:$0x630] =	vst v63  }
.Ltmp0:
0x6b: {  	_ =	swait.ge [sflag:s19], $0x40;
	(pc) =	sbr.rel @p1 .LBB2_2-.Ltmp0, $4  }
0x6c: {  	[sflag:s19] =	ssyncset.done $0x0  }
0x6d: {  	s31 =	sadd.s32 s30, s14;
	[sflag:s19] =	ssyncadd.s32 $0xFFFFFFC0  }
0x6e: {  	[tilespmem:s21], [sflag:$0x2] =	stream.linear.gather [hbm4b:s31+s4], $0x40, $0x38;
	[tilespmem:$0x630] =	vst v63  }
0x6f: {  	s30 =	sadd.s32 s30, s15  }
0x70: {  	[tilespmem:s22], [sflag:$0x2] =	stream.linear.gather [hbm4b:s30+s4], $0x40, $0x38;
	[tilespmem:$0x630] =	vst v63  }
0x71: {  	_ =	swait.ge [sflag:s23], $0x40  }
0x72: {  	[sflag:s23] =	ssyncset.done $0x0  }
0x73: {  	[sflag:s23] =	ssyncadd.s32 $0xFFFFFFC0  }
0x74: {  	_ =	swait.ge [sflag:s23], $0x40  }
0x75: {  	[sflag:s23] =	ssyncset.done $0x0  }
0x76: {  	[sflag:s23] =	ssyncadd.s32 $0xFFFFFFC0  }
0x77: {  	[spmem:s1] =	stream.indirect.scatter.add.f32 [tilespmem:s20], [sflag:$0x3], $0x1, s4, s21, $0xb8;
	[tilespmem:$0x630] =	vst v63  }
0x78: {  	_ =	swait.ge [sflag:s19], $0x40  }
0x79: {  	[sflag:s19] =	ssyncset.done $0x0  }
0x7a: {  	[sflag:s19] =	ssyncadd.s32 $0xFFFFFFC0  }
0x7b: {  	[spmem:s2] =	stream.indirect.scatter.add.f32 [tilespmem:s18], [sflag:$0x3], $0x1, s4, s21, $0xb8;
	[tilespmem:$0x630] =	vst v63  }
0x7c: {  	_ =	swait.ge [sflag:s19], $0x40  }
0x7d: {  	[sflag:s19] =	ssyncset.done $0x0  }
0x7e: {  	[sflag:s19] =	ssyncadd.s32 $0xFFFFFFC0  }
0x7f: {  	_ =	swait.ge [sflag:s26], $0x40  }
0x80: {  	[sflag:s26] =	ssyncset.done $0x0  }
0x81: {  	[sflag:s26] =	ssyncadd.s32 $0xFFFFFFC0  }
0x82: {  	_ =	swait.ge [sflag:s26], $0x40  }
0x83: {  	[sflag:s26] =	ssyncset.done $0x0  }
0x84: {  	[sflag:s26] =	ssyncadd.s32 $0xFFFFFFC0  }
0x85: {  	[spmem:s1] =	stream.indirect.scatter.add.f32 [tilespmem:s22], [sflag:$0x3], $0x1, s21, s21, $0xb8;
	[tilespmem:$0x630] =	vst v63  }
0x86: {  	_ =	swait.ge [sflag:s19], $0x40  }
0x87: {  	[sflag:s19] =	ssyncset.done $0x0  }
0x88: {  	[sflag:s19] =	ssyncadd.s32 $0xFFFFFFC0  }
0x89: {  	[spmem:s2] =	stream.indirect.scatter.add.f32 [tilespmem:s18], [sflag:$0x3], $0x1, s21, s21, $0xb8;
	[tilespmem:$0x630] =	vst v63  }
0x8a: {  	_ =	swait.ge [sflag:s19], $0x40  }
0x8b: {  	[sflag:s19] =	ssyncset.done $0x0  }
0x8c: {  	s29 =	sshll.u32 s3, $0x6;
	[sflag:s19] =	ssyncadd.s32 $0xFFFFFFC0  }
0x8d: {  	s29 =	sor.u32 $0x1C03, s29;
	[bflag:$0x0] =	sbarrier.arrive $0xFFFF  }
0x8e: {  	[hbm:s11], [sflag:s29] =	dma.local [spmem:s24], $0x4F  }
0x8f: {  	s28 =	sadd.s32 $0x1, s28;
	_ =	swait.ge [sflag:s19], $0x4F  }
0x90: {  	p1 =	sne.s32 s28, s13;
	[sflag:s19] =	ssyncset.done $0x0  }
.Ltmp1:
0x91: {  	[sflag:s19] =	ssyncadd.s32 $0xFFFFFFB1;
	(pc) =	sbr.rel @p1 .LBB2_1-.Ltmp1, $4  }
0x92: {  	[hbm:s12], [sflag:s29] =	dma.local [spmem:s25], $0x4F  }
0x93: {  	_ =	swait.ge [sflag:s19], $0x4F  }
0x94: {  	[sflag:s19] =	ssyncset.done $0x0  }
0x95: {  	[sflag:s19] =	ssyncadd.s32 $0xFFFFFFB1  }
0x96: {  	_ =	sfence.sel $0x180000  }
0x97: {  	[bflag:$0x0] =	sbarrier.arrive $0xFFFF  }
0x98: {  	_ =	strace $0x90000047  }
0x99: {  	s0 =	sadd.s32 @!p0 $0x100000, s0;
	[bflag:$0x2] =	sbarrier.arrive $0xFFFF  }
0x9a: {  	[sflag:s0] =	ssyncadd.tile.s32 @!p0 $0x1;
	_ =	shalt  }
.Lfunc_end2:
_tile_overlayer_lowered:
.L_overlay_start_2:
0x9b: {  	(tag) =	ssettag $0x2  }
0x9c: {  	s0 =	rddreg [dreg:$0x0];
	s2 =	stileid.u32  }
0x9d: {  	s1 =	rddreg [dreg:$0x1];
	p0 =	sne.s32 s2, $0x0  }
0x9e: {  	s3 =	rddreg [dreg:$0x2];
	[bflag:$0x3] =	sbarrier.arrive $0xFFFF;
	s2 =	simm.s32 @!p0 $0x1C03  }
0x9f: {  	[timem:s3], [sflag:s2] =	dma.local @!p0 [hbm:s0], s1  }
0xa0: {  	s0 =	simm.s32 @!p0 $0x3  }
0xa1: {  	_ =	swait.ge @!p0 [sflag:s0], s1  }
0xa2: {  	s1 =	ssub.s32 @!p0 $0x0, s1;
	[sflag:s0] =	ssyncset.done @!p0 $0x0  }
0xa3: {  	[sflag:s0] =	ssyncadd.s32 @!p0 s1  }
0xa4: {  	[bflag:$0x3] =	sbarrier.arrive $0xFFFF  }
0xa5: {  	_ =	shalt  }

</sc_bundles>
